<compile_context>
chip_gen: v7x
topology: tpu7x:2x2x1
jax: 0.10.2.dev20260603
libtpu: 0.0.44.dev20260713+nightly
codegen_flags: <defaults>
</compile_context>

<pallas_src>
import functools

import jax
import jax.numpy as jnp
from jax import lax
from jax.experimental import pallas as pl
from jax.experimental.pallas import tpu as pltpu
from jax.experimental.pallas import tpu_sc as plsc

N = 10000
D = 128
HD = D // 2
NC = 2
NS = 16
NW = NC * NS
L = 16
CH = 128
NP = 10240
RPT = NP // NS
NBUF = 2
RPC = 2
EPS = 1e-5

_mesh = plsc.VectorSubcoreMesh(core_axis_name="c", subcore_axis_name="s")



@functools.cache
def _deg_kernel(tch):
    cpt = tch // NW

    def body(dst, out, dst_v, ones_v, buf_v, deg):
        c = lax.axis_index("c")
        s = lax.axis_index("s")
        wid = c * NS + s
        pltpu.sync_copy(dst.at[pl.ds(wid * cpt, cpt)], dst_v)
        for j in range(CH // L):
            ones_v[pl.ds(j * L, L)] = jnp.ones((L,), jnp.float32)

        def zbuf(i, carry):
            buf_v[pl.ds(i * L, L)] = jnp.zeros((L,), jnp.float32)
            return carry

        lax.fori_loop(0, RPT // L, zbuf, 0)
        pltpu.sync_copy(buf_v, deg.at[pl.ds(s * RPT, RPT)])
        plsc.subcore_barrier()

        def step(k, carry):
            pltpu.sync_copy(ones_v, deg.at[dst_v.at[k]], add=True)
            return carry

        lax.fori_loop(0, cpt, step, 0)
        plsc.subcore_barrier()
        pltpu.sync_copy(deg.at[pl.ds(s * RPT, RPT)], buf_v)
        pltpu.sync_copy(buf_v, out.at[c, pl.ds(s * RPT, RPT)])

    return pl.kernel(
        body,
        out_type=jax.ShapeDtypeStruct((NC, NP), jnp.float32),
        mesh=_mesh,
        scratch_types=[
            pltpu.VMEM((cpt, CH), jnp.int32),
            pltpu.VMEM((CH,), jnp.float32),
            pltpu.VMEM((RPT,), jnp.float32),
            pltpu.VMEM_SHARED((NP,), jnp.float32),
        ],
    )


@functools.cache
def _prop_kernel(tch):
    cpt = tch // NS
    spt = cpt // RPC
    SC_ = RPC * CH

    def body(hs, srcp, dstp, out, sidx, didx, rows, isems, gsems, ssems,
             table, acc):
        c = lax.axis_index("c")
        s = lax.axis_index("s")

        for r in range(RPT // CH):
            off = s * RPT + r * CH
            pltpu.sync_copy(hs.at[pl.ds(c * NP + off, CH)],
                            rows[0].at[pl.ds(0, CH)])
            pltpu.sync_copy(rows[0].at[pl.ds(0, CH)], table.at[pl.ds(off, CH)])

        zv = jnp.zeros((L,), jnp.float32)

        def zrow(i, carry):
            for j in range(HD // L):
                rows[0][i, pl.ds(j * L, L)] = zv
            return carry

        lax.fori_loop(0, CH, zrow, 0)
        for r in range(RPT // CH):
            pltpu.sync_copy(rows[0].at[pl.ds(0, CH)],
                            acc.at[pl.ds(s * RPT + r * CH, CH)])
        plsc.subcore_barrier()

        def iload(k, m):
            pltpu.async_copy(srcp.at[s * spt + k], sidx[m], isems[m])
            pltpu.async_copy(dstp.at[s * spt + k], didx[m], isems[m])

        def iwait(k, m):
            pltpu.make_async_copy(srcp.at[s * spt + k], sidx[m],
                                  isems[m]).wait()
            pltpu.make_async_copy(dstp.at[s * spt + k], didx[m],
                                  isems[m]).wait()

        def gather(b, m):
            pltpu.async_copy(table.at[sidx[m]], rows[b], gsems[b])

        def gwait(b, m):
            pltpu.make_async_copy(table.at[sidx[m]], rows[b],
                                  gsems[b]).wait()

        def scat(b, m):
            pltpu.async_copy(rows[b], acc.at[didx[m]], ssems[b], add=True)

        def swait(b, m):
            pltpu.make_async_copy(rows[b], acc.at[didx[m]], ssems[b]).wait()

        NSLOT = 2 * NBUF
        for m in range(NBUF):
            iload(m, m)
        for m in range(NBUF):
            iwait(m, m)
            gather(m, m)

        def step(j, carry):
            for m in range(NSLOT):
                k = j * NSLOT + m
                b = m % NBUF
                mn = (m + NBUF) % NSLOT
                gwait(b, m)

                @pl.when(k + NBUF < spt)
                def _():
                    iload(k + NBUF, mn)

                scat(b, m)

                @pl.when(k + NBUF < spt)
                def _():
                    swait(b, m)
                    iwait(k + NBUF, mn)
                    gather(b, mn)

            return carry

        lax.fori_loop(0, spt // NSLOT, step, 0)
        for b in range(NBUF):
            swait(b, NBUF + b)
        plsc.subcore_barrier()

        base = s * RPT
        for r in range(RPT // CH):
            pltpu.sync_copy(acc.at[pl.ds(base + r * CH, CH)],
                            rows[0].at[pl.ds(0, CH)])
            pltpu.sync_copy(rows[0].at[pl.ds(0, CH)],
                            out.at[c, pl.ds(base + r * CH, CH)])

    return pl.kernel(
        body,
        out_type=jax.ShapeDtypeStruct((NC, NP, HD), jnp.float32),
        mesh=_mesh,
        scratch_types=[
            [pltpu.VMEM((SC_,), jnp.int32) for _ in range(2 * NBUF)],
            [pltpu.VMEM((SC_,), jnp.int32) for _ in range(2 * NBUF)],
            [pltpu.VMEM((SC_, HD), jnp.float32) for _ in range(NBUF)],
            [pltpu.SemaphoreType.DMA for _ in range(2 * NBUF)],
            [pltpu.SemaphoreType.DMA for _ in range(NBUF)],
            [pltpu.SemaphoreType.DMA for _ in range(NBUF)],
            pltpu.VMEM_SHARED((NP, HD), jnp.float32),
            pltpu.VMEM_SHARED((NP, HD), jnp.float32),
        ],
        compiler_params=pltpu.CompilerParams(use_tc_tiling_on_sc=False),
    )



def _halved(h):
    return jnp.concatenate([h[:, :HD], h[:, HD:]], axis=0)


def _tc_head(deg2, x, W1, dis_o, dinv_o, h_o, hs_o):
    deg = deg2[:, 0:1] + deg2[:, 1:2] + 1.0
    dis = lax.rsqrt(deg)
    dinv = 1.0 / deg
    dis_o[...] = dis
    dinv_o[...] = dinv
    h = jnp.dot(x[...], W1[...], preferred_element_type=jnp.float32)
    h_o[...] = h
    hsc = h * dis
    hs_o[0:N, :] = hsc[:, 0:HD]
    hs_o[NP:NP + N, :] = hsc[:, HD:D]


def _assemble(acc, h, dis, dinv, b):
    p = jnp.concatenate([acc[0, :N, :], acc[1, :N, :]], axis=1)
    return p * dis[...] + h[...] * dinv[...] + b[...]


def _tc_mid(acc, h, dis, dinv, b, g, be, W, hn_o, hns_o):
    p = _assemble(acc, h, dis, dinv, b)
    mean = jnp.mean(p, axis=0, keepdims=True)
    cent = p - mean
    var = jnp.mean(cent * cent, axis=0, keepdims=True)
    y = jnp.maximum(cent * lax.rsqrt(var + EPS) * g[...] + be[...], 0.0)
    hn = jnp.dot(y, W[...], preferred_element_type=jnp.float32)
    hn_o[...] = hn
    hsc = hn * dis[...]
    hns_o[0:N, :] = hsc[:, 0:HD]
    hns_o[NP:NP + N, :] = hsc[:, HD:D]


def _tc_tail(acc, h, dis, dinv, b, out_o):
    out_o[...] = _assemble(acc, h, dis, dinv, b)


_head_call = pl.pallas_call(
    _tc_head,
    out_shape=(
        jax.ShapeDtypeStruct((N, 1), jnp.float32),
        jax.ShapeDtypeStruct((N, 1), jnp.float32),
        jax.ShapeDtypeStruct((N, D), jnp.float32),
        jax.ShapeDtypeStruct((2 * NP, HD), jnp.float32),
    ),
)

_mid_call = pl.pallas_call(
    _tc_mid,
    out_shape=(
        jax.ShapeDtypeStruct((N, D), jnp.float32),
        jax.ShapeDtypeStruct((2 * NP, HD), jnp.float32),
    ),
)

_tail_call = pl.pallas_call(
    _tc_tail,
    out_shape=jax.ShapeDtypeStruct((N, D), jnp.float32),
)



def kernel(x, edge_index, W1, b1, g1, be1, W2, b2, g2, be2, W3, b3):
    E = edge_index.shape[1]
    tch = -(-E // CH)
    tch += (-tch) % (NS * 8 * RPC)
    EP = tch * CH
    pad = EP - E
    src = jnp.concatenate(
        [edge_index[0], jnp.zeros((pad,), edge_index.dtype)])
    dst = jnp.concatenate(
        [edge_index[1], jnp.full((pad,), N, edge_index.dtype)])
    src_p = src.reshape(-1, RPC * CH)
    dst_p = dst.reshape(-1, RPC * CH)

    deg2 = _deg_kernel(tch)(dst.reshape(-1, CH))
    deg_n = deg2[:, :N].T

    dis, dinv, h1, h1s = _head_call(deg_n, x, W1)
    acc = _prop_kernel(tch)(h1s, src_p, dst_p)
    h2, h2s = _mid_call(acc, h1, dis, dinv,
                        b1.reshape(1, D), g1.reshape(1, D), be1.reshape(1, D),
                        W2)
    acc = _prop_kernel(tch)(h2s, src_p, dst_p)
    h3, h3s = _mid_call(acc, h2, dis, dinv,
                        b2.reshape(1, D), g2.reshape(1, D), be2.reshape(1, D),
                        W3)
    acc = _prop_kernel(tch)(h3s, src_p, dst_p)
    out = _tail_call(acc, h3, dis, dinv, b3.reshape(1, D))
    return out

# --- scband reference (transcript-rebuilt; emitter-appended) ---
"""Pipeline reference for scband-gcn-63015760167230 (READ-ONLY COPY).

The authoritative reference and input builder live on the scoring server;
editing this copy changes nothing except your own understanding.
"""

import jax, jax.numpy as jnp
import numpy as np

N = 10000
E = 320000
D_IN = 128
D_HID = 128
D_OUT = 128


def setup_inputs(seed: int = 0) -> dict:
    key = jax.random.key(seed)
    ks = jax.random.split(key, 12)

    def glorot(k, fan_in, fan_out):
        std = jnp.sqrt(2.0 / (fan_in + fan_out))
        return jax.random.normal(k, (fan_in, fan_out), dtype=jnp.float32) * std

    x = jax.random.normal(ks[0], (N, D_IN), dtype=jnp.float32)
    edge_index = jax.random.randint(ks[1], (2, E), 0, N, dtype=jnp.int32)
    W1 = glorot(ks[2], D_IN, D_HID)
    b1 = jnp.zeros((D_HID,), dtype=jnp.float32)
    g1 = jnp.ones((D_HID,), dtype=jnp.float32)
    be1 = jnp.zeros((D_HID,), dtype=jnp.float32)
    W2 = glorot(ks[3], D_HID, D_HID)
    b2 = jnp.zeros((D_HID,), dtype=jnp.float32)
    g2 = jnp.ones((D_HID,), dtype=jnp.float32)
    be2 = jnp.zeros((D_HID,), dtype=jnp.float32)
    W3 = glorot(ks[4], D_HID, D_OUT)
    b3 = jnp.zeros((D_OUT,), dtype=jnp.float32)
    return {"x": x, "edge_index": edge_index, "W1": W1, "b1": b1, "g1": g1, "be1": be1, "W2": W2, "b2": b2, "g2": g2, "be2": be2, "W3": W3, "b3": b3}


def _gcn_conv(x, edge_index, W, b):
    # GCNConv with add_self_loops=True and symmetric normalization
    src = edge_index[0]
    dst = edge_index[1]
    loop = jnp.arange(N, dtype=edge_index.dtype)
    src = jnp.concatenate([src, loop])
    dst = jnp.concatenate([dst, loop])
    deg = jnp.zeros((N,), dtype=x.dtype).at[dst].add(1.0)
    deg_inv_sqrt = jnp.where(deg > 0, 1.0 / jnp.sqrt(deg), 0.0)
    norm = deg_inv_sqrt[src] * deg_inv_sqrt[dst]
    h = x @ W
    msg = h[src] * norm[:, None]
    out = jnp.zeros((N, W.shape[1]), dtype=x.dtype).at[dst].add(msg)
    return out + b


def _batch_norm(x, gamma, beta, eps=1e-5):
    mean = jnp.mean(x, axis=0)
    var = jnp.var(x, axis=0)
    return (x - mean) / jnp.sqrt(var + eps) * gamma + beta


def reference(x, edge_index, W1, b1, g1, be1, W2, b2, g2, be2, W3, b3):
    h = _gcn_conv(x, edge_index, W1, b1)
    h = _batch_norm(h, g1, be1)
    h = jax.nn.relu(h)
    # dropout is identity in deterministic/eval reference
    h = _gcn_conv(h, edge_index, W2, b2)
    h = _batch_norm(h, g2, be2)
    h = jax.nn.relu(h)
    out = _gcn_conv(h, edge_index, W3, b3)
    return out

if __name__ == "__main__":
    import jax
    _d = setup_inputs()
    print(jax.jit(kernel)(*tuple(_d.values())))

</pallas_src>

<mosaic_0001>
#map = affine_map<(d0, d1) -> (0, 0)>
#map1 = affine_map<(d0, d1) -> (0, 0, 0)>
module attributes {stable_mosaic.version = 14 : i64} {
  func.func @body(%arg0: i32, %arg1: i32, %arg2: memref<20480x64xf32, #tpu.memory_space<hbm>>, %arg3: memref<1280x256xi32, #tpu.memory_space<hbm>>, %arg4: memref<1280x256xi32, #tpu.memory_space<hbm>>, %arg5: memref<2x10240x64xf32, #tpu.memory_space<hbm>>, %arg6: memref<256xi32, #tpu.memory_space<vmem>>, %arg7: memref<256xi32, #tpu.memory_space<vmem>>, %arg8: memref<256xi32, #tpu.memory_space<vmem>>, %arg9: memref<256xi32, #tpu.memory_space<vmem>>, %arg10: memref<256xi32, #tpu.memory_space<vmem>>, %arg11: memref<256xi32, #tpu.memory_space<vmem>>, %arg12: memref<256xi32, #tpu.memory_space<vmem>>, %arg13: memref<256xi32, #tpu.memory_space<vmem>>, %arg14: memref<256x64xf32, #tpu.memory_space<vmem>>, %arg15: memref<256x64xf32, #tpu.memory_space<vmem>>, %arg16: memref<!tpu.dma_semaphore, #tpu.memory_space<semaphore_mem>>, %arg17: memref<!tpu.dma_semaphore, #tpu.memory_space<semaphore_mem>>, %arg18: memref<!tpu.dma_semaphore, #tpu.memory_space<semaphore_mem>>, %arg19: memref<!tpu.dma_semaphore, #tpu.memory_space<semaphore_mem>>, %arg20: memref<!tpu.dma_semaphore, #tpu.memory_space<semaphore_mem>>, %arg21: memref<!tpu.dma_semaphore, #tpu.memory_space<semaphore_mem>>, %arg22: memref<!tpu.dma_semaphore, #tpu.memory_space<semaphore_mem>>, %arg23: memref<!tpu.dma_semaphore, #tpu.memory_space<semaphore_mem>>, %arg24: memref<10240x64xf32, #tpu.memory_space<vmem_shared>>, %arg25: memref<10240x64xf32, #tpu.memory_space<vmem_shared>>) attributes {dimension_semantics = [#tpu.dimension_semantics<core_parallel>, #tpu.dimension_semantics<subcore_parallel>], iteration_bounds = array<i64: 2, 16>, scalar_prefetch = 0 : i64, scratch_operands = 20 : i64, tpu.core_type = #tpu.core_type<sc_vector_subcore>, window_params = [{transform_indices = #map}, {transform_indices = #map}, {transform_indices = #map}, {transform_indices = #map1}]} {
    %mul3A = arith.constant 640 : i32
    %mul3A_0 = arith.muli %arg1, %mul3A : i32
    %add3A = arith.constant 0 : i32
    %add3A_1 = arith.addi %mul3A_0, %add3A : i32
    %mul3A_2 = arith.constant 10240 : i32
    %mul3A_3 = arith.muli %arg0, %mul3A_2 : i32
    %add3A_4 = arith.addi %mul3A_3, %add3A_1 : i32
    "tpu.region"() ({
      %run_scoped3A = tpu.sem_alloc : memref<!tpu.dma_semaphore, #tpu.memory_space<semaphore_mem>>
      %dma_start3A_178 = arith.constant 0 : i32
      %dma_start3A_179 = arith.constant 0 : i32
      %dma_start3A_180 = tpu.memref_slice %arg14[%dma_start3A_178, %dma_start3A_179] : memref<256x64xf32, #tpu.memory_space<vmem>> -> memref<128x64xf32, #tpu.memory_space<vmem>>
      %dma_start3A_181 = arith.constant 0 : i32
      %dma_start3A_182 = tpu.memref_slice %arg2[%add3A_4, %dma_start3A_181] : memref<20480x64xf32, #tpu.memory_space<hbm>> -> memref<128x64xf32, #tpu.memory_space<hbm>>
      %dma_start3A_183 = arith.constant 0 : i32
      %dma_start3A_184 = arith.constant 0 : i32
      %dma_start3A_185 = tpu.memref_slice %arg14[%dma_start3A_183, %dma_start3A_184] : memref<256x64xf32, #tpu.memory_space<vmem>> -> memref<128x64xf32, #tpu.memory_space<vmem>>
      %dma_start3A_186 = arith.constant 0 : i32
      %dma_start3A_187 = tpu.memref_slice %arg2[%add3A_4, %dma_start3A_186] : memref<20480x64xf32, #tpu.memory_space<hbm>> -> memref<128x64xf32, #tpu.memory_space<hbm>>
      tpu.enqueue_dma source(%dma_start3A_187 : memref<128x64xf32, #tpu.memory_space<hbm>>) target(%dma_start3A_185 : memref<128x64xf32, #tpu.memory_space<vmem>>) target_semaphore(%run_scoped3A : memref<!tpu.dma_semaphore, #tpu.memory_space<semaphore_mem>>)
      %dma_wait3A_188 = arith.constant 0 : i32
      %dma_wait3A_189 = arith.constant 0 : i32
      %dma_wait3A_190 = tpu.memref_slice %arg14[%dma_wait3A_188, %dma_wait3A_189] : memref<256x64xf32, #tpu.memory_space<vmem>> -> memref<128x64xf32, #tpu.memory_space<vmem>>
      %dma_wait3A_191 = arith.constant 0 : i32
      %dma_wait3A_192 = tpu.memref_slice %arg2[%add3A_4, %dma_wait3A_191] : memref<20480x64xf32, #tpu.memory_space<hbm>> -> memref<128x64xf32, #tpu.memory_space<hbm>>
      %dma_wait3A_193 = arith.constant 0 : i32
      %dma_wait3A_194 = arith.constant 0 : i32
      %dma_wait3A_195 = tpu.memref_slice %arg14[%dma_wait3A_193, %dma_wait3A_194] : memref<256x64xf32, #tpu.memory_space<vmem>> -> memref<128x64xf32, #tpu.memory_space<vmem>>
      %dma_wait3A_196 = arith.constant 0 : i32
      %dma_wait3A_197 = tpu.memref_slice %arg2[%add3A_4, %dma_wait3A_196] : memref<20480x64xf32, #tpu.memory_space<hbm>> -> memref<128x64xf32, #tpu.memory_space<hbm>>
      tpu.wait_dma2 semaphore(%run_scoped3A : memref<!tpu.dma_semaphore, #tpu.memory_space<semaphore_mem>>) src(%dma_wait3A_197 : memref<128x64xf32, #tpu.memory_space<hbm>>) dst(%dma_wait3A_195 : memref<128x64xf32, #tpu.memory_space<vmem>>)
      tpu.yield
    }) : () -> ()
    "tpu.region"() ({
      %run_scoped3A = tpu.sem_alloc : memref<!tpu.dma_semaphore, #tpu.memory_space<semaphore_mem>>
      %dma_start3A_178 = arith.constant 0 : i32
      %dma_start3A_179 = arith.constant 0 : i32
      %dma_start3A_180 = tpu.memref_slice %arg14[%dma_start3A_178, %dma_start3A_179] : memref<256x64xf32, #tpu.memory_space<vmem>> -> memref<128x64xf32, #tpu.memory_space<vmem>>
      %dma_start3A_181 = arith.constant 0 : i32
      %dma_start3A_182 = tpu.memref_slice %arg24[%add3A_1, %dma_start3A_181] : memref<10240x64xf32, #tpu.memory_space<vmem_shared>> -> memref<128x64xf32, #tpu.memory_space<vmem_shared>>
      %dma_start3A_183 = arith.constant 0 : i32
      %dma_start3A_184 = tpu.memref_slice %arg24[%add3A_1, %dma_start3A_183] : memref<10240x64xf32, #tpu.memory_space<vmem_shared>> -> memref<128x64xf32, #tpu.memory_space<vmem_shared>>
      %dma_start3A_185 = arith.constant 0 : i32
      %dma_start3A_186 = arith.constant 0 : i32
      %dma_start3A_187 = tpu.memref_slice %arg14[%dma_start3A_185, %dma_start3A_186] : memref<256x64xf32, #tpu.memory_space<vmem>> -> memref<128x64xf32, #tpu.memory_space<vmem>>
      tpu.enqueue_dma source(%dma_start3A_187 : memref<128x64xf32, #tpu.memory_space<vmem>>) target(%dma_start3A_184 : memref<128x64xf32, #tpu.memory_space<vmem_shared>>) target_semaphore(%run_scoped3A : memref<!tpu.dma_semaphore, #tpu.memory_space<semaphore_mem>>)
      %dma_wait3A_188 = arith.constant 0 : i32
      %dma_wait3A_189 = arith.constant 0 : i32
      %dma_wait3A_190 = tpu.memref_slice %arg14[%dma_wait3A_188, %dma_wait3A_189] : memref<256x64xf32, #tpu.memory_space<vmem>> -> memref<128x64xf32, #tpu.memory_space<vmem>>
      %dma_wait3A_191 = arith.constant 0 : i32
      %dma_wait3A_192 = tpu.memref_slice %arg24[%add3A_1, %dma_wait3A_191] : memref<10240x64xf32, #tpu.memory_space<vmem_shared>> -> memref<128x64xf32, #tpu.memory_space<vmem_shared>>
      %dma_wait3A_193 = arith.constant 0 : i32
      %dma_wait3A_194 = tpu.memref_slice %arg24[%add3A_1, %dma_wait3A_193] : memref<10240x64xf32, #tpu.memory_space<vmem_shared>> -> memref<128x64xf32, #tpu.memory_space<vmem_shared>>
      %dma_wait3A_195 = arith.constant 0 : i32
      %dma_wait3A_196 = arith.constant 0 : i32
      %dma_wait3A_197 = tpu.memref_slice %arg14[%dma_wait3A_195, %dma_wait3A_196] : memref<256x64xf32, #tpu.memory_space<vmem>> -> memref<128x64xf32, #tpu.memory_space<vmem>>
      tpu.wait_dma2 semaphore(%run_scoped3A : memref<!tpu.dma_semaphore, #tpu.memory_space<semaphore_mem>>) src(%dma_wait3A_197 : memref<128x64xf32, #tpu.memory_space<vmem>>) dst(%dma_wait3A_194 : memref<128x64xf32, #tpu.memory_space<vmem_shared>>)
      tpu.yield
    }) : () -> ()
    %mul3A_5 = arith.constant 640 : i32
    %mul3A_6 = arith.muli %arg1, %mul3A_5 : i32
    %add3A_7 = arith.constant 128 : i32
    %add3A_8 = arith.addi %mul3A_6, %add3A_7 : i32
    %mul3A_9 = arith.constant 10240 : i32
    %mul3A_10 = arith.muli %arg0, %mul3A_9 : i32
    %add3A_11 = arith.addi %mul3A_10, %add3A_8 : i32
    "tpu.region"() ({
      %run_scoped3A = tpu.sem_alloc : memref<!tpu.dma_semaphore, #tpu.memory_space<semaphore_mem>>
      %dma_start3A_178 = arith.constant 0 : i32
      %dma_start3A_179 = arith.constant 0 : i32
      %dma_start3A_180 = tpu.memref_slice %arg14[%dma_start3A_178, %dma_start3A_179] : memref<256x64xf32, #tpu.memory_space<vmem>> -> memref<128x64xf32, #tpu.memory_space<vmem>>
      %dma_start3A_181 = arith.constant 0 : i32
      %dma_start3A_182 = tpu.memref_slice %arg2[%add3A_11, %dma_start3A_181] : memref<20480x64xf32, #tpu.memory_space<hbm>> -> memref<128x64xf32, #tpu.memory_space<hbm>>
      %dma_start3A_183 = arith.constant 0 : i32
      %dma_start3A_184 = arith.constant 0 : i32
      %dma_start3A_185 = tpu.memref_slice %arg14[%dma_start3A_183, %dma_start3A_184] : memref<256x64xf32, #tpu.memory_space<vmem>> -> memref<128x64xf32, #tpu.memory_space<vmem>>
      %dma_start3A_186 = arith.constant 0 : i32
      %dma_start3A_187 = tpu.memref_slice %arg2[%add3A_11, %dma_start3A_186] : memref<20480x64xf32, #tpu.memory_space<hbm>> -> memref<128x64xf32, #tpu.memory_space<hbm>>
      tpu.enqueue_dma source(%dma_start3A_187 : memref<128x64xf32, #tpu.memory_space<hbm>>) target(%dma_start3A_185 : memref<128x64xf32, #tpu.memory_space<vmem>>) target_semaphore(%run_scoped3A : memref<!tpu.dma_semaphore, #tpu.memory_space<semaphore_mem>>)
      %dma_wait3A_188 = arith.constant 0 : i32
      %dma_wait3A_189 = arith.constant 0 : i32
      %dma_wait3A_190 = tpu.memref_slice %arg14[%dma_wait3A_188, %dma_wait3A_189] : memref<256x64xf32, #tpu.memory_space<vmem>> -> memref<128x64xf32, #tpu.memory_space<vmem>>
      %dma_wait3A_191 = arith.constant 0 : i32
      %dma_wait3A_192 = tpu.memref_slice %arg2[%add3A_11, %dma_wait3A_191] : memref<20480x64xf32, #tpu.memory_space<hbm>> -> memref<128x64xf32, #tpu.memory_space<hbm>>
      %dma_wait3A_193 = arith.constant 0 : i32
      %dma_wait3A_194 = arith.constant 0 : i32
      %dma_wait3A_195 = tpu.memref_slice %arg14[%dma_wait3A_193, %dma_wait3A_194] : memref<256x64xf32, #tpu.memory_space<vmem>> -> memref<128x64xf32, #tpu.memory_space<vmem>>
      %dma_wait3A_196 = arith.constant 0 : i32
      %dma_wait3A_197 = tpu.memref_slice %arg2[%add3A_11, %dma_wait3A_196] : memref<20480x64xf32, #tpu.memory_space<hbm>> -> memref<128x64xf32, #tpu.memory_space<hbm>>
      tpu.wait_dma2 semaphore(%run_scoped3A : memref<!tpu.dma_semaphore, #tpu.memory_space<semaphore_mem>>) src(%dma_wait3A_197 : memref<128x64xf32, #tpu.memory_space<hbm>>) dst(%dma_wait3A_195 : memref<128x64xf32, #tpu.memory_space<vmem>>)
      tpu.yield
    }) : () -> ()
    "tpu.region"() ({
      %run_scoped3A = tpu.sem_alloc : memref<!tpu.dma_semaphore, #tpu.memory_space<semaphore_mem>>
      %dma_start3A_178 = arith.constant 0 : i32
      %dma_start3A_179 = arith.constant 0 : i32
      %dma_start3A_180 = tpu.memref_slice %arg14[%dma_start3A_178, %dma_start3A_179] : memref<256x64xf32, #tpu.memory_space<vmem>> -> memref<128x64xf32, #tpu.memory_space<vmem>>
      %dma_start3A_181 = arith.constant 0 : i32
      %dma_start3A_182 = tpu.memref_slice %arg24[%add3A_8, %dma_start3A_181] : memref<10240x64xf32, #tpu.memory_space<vmem_shared>> -> memref<128x64xf32, #tpu.memory_space<vmem_shared>>
      %dma_start3A_183 = arith.constant 0 : i32
      %dma_start3A_184 = tpu.memref_slice %arg24[%add3A_8, %dma_start3A_183] : memref<10240x64xf32, #tpu.memory_space<vmem_shared>> -> memref<128x64xf32, #tpu.memory_space<vmem_shared>>
      %dma_start3A_185 = arith.constant 0 : i32
      %dma_start3A_186 = arith.constant 0 : i32
      %dma_start3A_187 = tpu.memref_slice %arg14[%dma_start3A_185, %dma_start3A_186] : memref<256x64xf32, #tpu.memory_space<vmem>> -> memref<128x64xf32, #tpu.memory_space<vmem>>
      tpu.enqueue_dma source(%dma_start3A_187 : memref<128x64xf32, #tpu.memory_space<vmem>>) target(%dma_start3A_184 : memref<128x64xf32, #tpu.memory_space<vmem_shared>>) target_semaphore(%run_scoped3A : memref<!tpu.dma_semaphore, #tpu.memory_space<semaphore_mem>>)
      %dma_wait3A_188 = arith.constant 0 : i32
      %dma_wait3A_189 = arith.constant 0 : i32
      %dma_wait3A_190 = tpu.memref_slice %arg14[%dma_wait3A_188, %dma_wait3A_189] : memref<256x64xf32, #tpu.memory_space<vmem>> -> memref<128x64xf32, #tpu.memory_space<vmem>>
      %dma_wait3A_191 = arith.constant 0 : i32
      %dma_wait3A_192 = tpu.memref_slice %arg24[%add3A_8, %dma_wait3A_191] : memref<10240x64xf32, #tpu.memory_space<vmem_shared>> -> memref<128x64xf32, #tpu.memory_space<vmem_shared>>
      %dma_wait3A_193 = arith.constant 0 : i32
      %dma_wait3A_194 = tpu.memref_slice %arg24[%add3A_8, %dma_wait3A_193] : memref<10240x64xf32, #tpu.memory_space<vmem_shared>> -> memref<128x64xf32, #tpu.memory_space<vmem_shared>>
      %dma_wait3A_195 = arith.constant 0 : i32
      %dma_wait3A_196 = arith.constant 0 : i32
      %dma_wait3A_197 = tpu.memref_slice %arg14[%dma_wait3A_195, %dma_wait3A_196] : memref<256x64xf32, #tpu.memory_space<vmem>> -> memref<128x64xf32, #tpu.memory_space<vmem>>
      tpu.wait_dma2 semaphore(%run_scoped3A : memref<!tpu.dma_semaphore, #tpu.memory_space<semaphore_mem>>) src(%dma_wait3A_197 : memref<128x64xf32, #tpu.memory_space<vmem>>) dst(%dma_wait3A_194 : memref<128x64xf32, #tpu.memory_space<vmem_shared>>)
      tpu.yield
    }) : () -> ()
    %mul3A_12 = arith.constant 640 : i32
    %mul3A_13 = arith.muli %arg1, %mul3A_12 : i32
    %add3A_14 = arith.constant 256 : i32
    %add3A_15 = arith.addi %mul3A_13, %add3A_14 : i32
    %mul3A_16 = arith.constant 10240 : i32
    %mul3A_17 = arith.muli %arg0, %mul3A_16 : i32
    %add3A_18 = arith.addi %mul3A_17, %add3A_15 : i32
    "tpu.region"() ({
      %run_scoped3A = tpu.sem_alloc : memref<!tpu.dma_semaphore, #tpu.memory_space<semaphore_mem>>
      %dma_start3A_178 = arith.constant 0 : i32
      %dma_start3A_179 = arith.constant 0 : i32
      %dma_start3A_180 = tpu.memref_slice %arg14[%dma_start3A_178, %dma_start3A_179] : memref<256x64xf32, #tpu.memory_space<vmem>> -> memref<128x64xf32, #tpu.memory_space<vmem>>
      %dma_start3A_181 = arith.constant 0 : i32
      %dma_start3A_182 = tpu.memref_slice %arg2[%add3A_18, %dma_start3A_181] : memref<20480x64xf32, #tpu.memory_space<hbm>> -> memref<128x64xf32, #tpu.memory_space<hbm>>
      %dma_start3A_183 = arith.constant 0 : i32
      %dma_start3A_184 = arith.constant 0 : i32
      %dma_start3A_185 = tpu.memref_slice %arg14[%dma_start3A_183, %dma_start3A_184] : memref<256x64xf32, #tpu.memory_space<vmem>> -> memref<128x64xf32, #tpu.memory_space<vmem>>
      %dma_start3A_186 = arith.constant 0 : i32
      %dma_start3A_187 = tpu.memref_slice %arg2[%add3A_18, %dma_start3A_186] : memref<20480x64xf32, #tpu.memory_space<hbm>> -> memref<128x64xf32, #tpu.memory_space<hbm>>
      tpu.enqueue_dma source(%dma_start3A_187 : memref<128x64xf32, #tpu.memory_space<hbm>>) target(%dma_start3A_185 : memref<128x64xf32, #tpu.memory_space<vmem>>) target_semaphore(%run_scoped3A : memref<!tpu.dma_semaphore, #tpu.memory_space<semaphore_mem>>)
      %dma_wait3A_188 = arith.constant 0 : i32
      %dma_wait3A_189 = arith.constant 0 : i32
      %dma_wait3A_190 = tpu.memref_slice %arg14[%dma_wait3A_188, %dma_wait3A_189] : memref<256x64xf32, #tpu.memory_space<vmem>> -> memref<128x64xf32, #tpu.memory_space<vmem>>
      %dma_wait3A_191 = arith.constant 0 : i32
      %dma_wait3A_192 = tpu.memref_slice %arg2[%add3A_18, %dma_wait3A_191] : memref<20480x64xf32, #tpu.memory_space<hbm>> -> memref<128x64xf32, #tpu.memory_space<hbm>>
      %dma_wait3A_193 = arith.constant 0 : i32
      %dma_wait3A_194 = arith.constant 0 : i32
      %dma_wait3A_195 = tpu.memref_slice %arg14[%dma_wait3A_193, %dma_wait3A_194] : memref<256x64xf32, #tpu.memory_space<vmem>> -> memref<128x64xf32, #tpu.memory_space<vmem>>
      %dma_wait3A_196 = arith.constant 0 : i32
      %dma_wait3A_197 = tpu.memref_slice %arg2[%add3A_18, %dma_wait3A_196] : memref<20480x64xf32, #tpu.memory_space<hbm>> -> memref<128x64xf32, #tpu.memory_space<hbm>>
      tpu.wait_dma2 semaphore(%run_scoped3A : memref<!tpu.dma_semaphore, #tpu.memory_space<semaphore_mem>>) src(%dma_wait3A_197 : memref<128x64xf32, #tpu.memory_space<hbm>>) dst(%dma_wait3A_195 : memref<128x64xf32, #tpu.memory_space<vmem>>)
      tpu.yield
    }) : () -> ()
    "tpu.region"() ({
      %run_scoped3A = tpu.sem_alloc : memref<!tpu.dma_semaphore, #tpu.memory_space<semaphore_mem>>
      %dma_start3A_178 = arith.constant 0 : i32
      %dma_start3A_179 = arith.constant 0 : i32
      %dma_start3A_180 = tpu.memref_slice %arg14[%dma_start3A_178, %dma_start3A_179] : memref<256x64xf32, #tpu.memory_space<vmem>> -> memref<128x64xf32, #tpu.memory_space<vmem>>
      %dma_start3A_181 = arith.constant 0 : i32
      %dma_start3A_182 = tpu.memref_slice %arg24[%add3A_15, %dma_start3A_181] : memref<10240x64xf32, #tpu.memory_space<vmem_shared>> -> memref<128x64xf32, #tpu.memory_space<vmem_shared>>
      %dma_start3A_183 = arith.constant 0 : i32
      %dma_start3A_184 = tpu.memref_slice %arg24[%add3A_15, %dma_start3A_183] : memref<10240x64xf32, #tpu.memory_space<vmem_shared>> -> memref<128x64xf32, #tpu.memory_space<vmem_shared>>
      %dma_start3A_185 = arith.constant 0 : i32
      %dma_start3A_186 = arith.constant 0 : i32
      %dma_start3A_187 = tpu.memref_slice %arg14[%dma_start3A_185, %dma_start3A_186] : memref<256x64xf32, #tpu.memory_space<vmem>> -> memref<128x64xf32, #tpu.memory_space<vmem>>
      tpu.enqueue_dma source(%dma_start3A_187 : memref<128x64xf32, #tpu.memory_space<vmem>>) target(%dma_start3A_184 : memref<128x64xf32, #tpu.memory_space<vmem_shared>>) target_semaphore(%run_scoped3A : memref<!tpu.dma_semaphore, #tpu.memory_space<semaphore_mem>>)
      %dma_wait3A_188 = arith.constant 0 : i32
      %dma_wait3A_189 = arith.constant 0 : i32
      %dma_wait3A_190 = tpu.memref_slice %arg14[%dma_wait3A_188, %dma_wait3A_189] : memref<256x64xf32, #tpu.memory_space<vmem>> -> memref<128x64xf32, #tpu.memory_space<vmem>>
      %dma_wait3A_191 = arith.constant 0 : i32
      %dma_wait3A_192 = tpu.memref_slice %arg24[%add3A_15, %dma_wait3A_191] : memref<10240x64xf32, #tpu.memory_space<vmem_shared>> -> memref<128x64xf32, #tpu.memory_space<vmem_shared>>
      %dma_wait3A_193 = arith.constant 0 : i32
      %dma_wait3A_194 = tpu.memref_slice %arg24[%add3A_15, %dma_wait3A_193] : memref<10240x64xf32, #tpu.memory_space<vmem_shared>> -> memref<128x64xf32, #tpu.memory_space<vmem_shared>>
      %dma_wait3A_195 = arith.constant 0 : i32
      %dma_wait3A_196 = arith.constant 0 : i32
      %dma_wait3A_197 = tpu.memref_slice %arg14[%dma_wait3A_195, %dma_wait3A_196] : memref<256x64xf32, #tpu.memory_space<vmem>> -> memref<128x64xf32, #tpu.memory_space<vmem>>
      tpu.wait_dma2 semaphore(%run_scoped3A : memref<!tpu.dma_semaphore, #tpu.memory_space<semaphore_mem>>) src(%dma_wait3A_197 : memref<128x64xf32, #tpu.memory_space<vmem>>) dst(%dma_wait3A_194 : memref<128x64xf32, #tpu.memory_space<vmem_shared>>)
      tpu.yield
    }) : () -> ()
    %mul3A_19 = arith.constant 640 : i32
    %mul3A_20 = arith.muli %arg1, %mul3A_19 : i32
    %add3A_21 = arith.constant 384 : i32
    %add3A_22 = arith.addi %mul3A_20, %add3A_21 : i32
    %mul3A_23 = arith.constant 10240 : i32
    %mul3A_24 = arith.muli %arg0, %mul3A_23 : i32
    %add3A_25 = arith.addi %mul3A_24, %add3A_22 : i32
    "tpu.region"() ({
      %run_scoped3A = tpu.sem_alloc : memref<!tpu.dma_semaphore, #tpu.memory_space<semaphore_mem>>
      %dma_start3A_178 = arith.constant 0 : i32
      %dma_start3A_179 = arith.constant 0 : i32
      %dma_start3A_180 = tpu.memref_slice %arg14[%dma_start3A_178, %dma_start3A_179] : memref<256x64xf32, #tpu.memory_space<vmem>> -> memref<128x64xf32, #tpu.memory_space<vmem>>
      %dma_start3A_181 = arith.constant 0 : i32
      %dma_start3A_182 = tpu.memref_slice %arg2[%add3A_25, %dma_start3A_181] : memref<20480x64xf32, #tpu.memory_space<hbm>> -> memref<128x64xf32, #tpu.memory_space<hbm>>
      %dma_start3A_183 = arith.constant 0 : i32
      %dma_start3A_184 = arith.constant 0 : i32
      %dma_start3A_185 = tpu.memref_slice %arg14[%dma_start3A_183, %dma_start3A_184] : memref<256x64xf32, #tpu.memory_space<vmem>> -> memref<128x64xf32, #tpu.memory_space<vmem>>
      %dma_start3A_186 = arith.constant 0 : i32
      %dma_start3A_187 = tpu.memref_slice %arg2[%add3A_25, %dma_start3A_186] : memref<20480x64xf32, #tpu.memory_space<hbm>> -> memref<128x64xf32, #tpu.memory_space<hbm>>
      tpu.enqueue_dma source(%dma_start3A_187 : memref<128x64xf32, #tpu.memory_space<hbm>>) target(%dma_start3A_185 : memref<128x64xf32, #tpu.memory_space<vmem>>) target_semaphore(%run_scoped3A : memref<!tpu.dma_semaphore, #tpu.memory_space<semaphore_mem>>)
      %dma_wait3A_188 = arith.constant 0 : i32
      %dma_wait3A_189 = arith.constant 0 : i32
      %dma_wait3A_190 = tpu.memref_slice %arg14[%dma_wait3A_188, %dma_wait3A_189] : memref<256x64xf32, #tpu.memory_space<vmem>> -> memref<128x64xf32, #tpu.memory_space<vmem>>
      %dma_wait3A_191 = arith.constant 0 : i32
      %dma_wait3A_192 = tpu.memref_slice %arg2[%add3A_25, %dma_wait3A_191] : memref<20480x64xf32, #tpu.memory_space<hbm>> -> memref<128x64xf32, #tpu.memory_space<hbm>>
      %dma_wait3A_193 = arith.constant 0 : i32
      %dma_wait3A_194 = arith.constant 0 : i32
      %dma_wait3A_195 = tpu.memref_slice %arg14[%dma_wait3A_193, %dma_wait3A_194] : memref<256x64xf32, #tpu.memory_space<vmem>> -> memref<128x64xf32, #tpu.memory_space<vmem>>
      %dma_wait3A_196 = arith.constant 0 : i32
      %dma_wait3A_197 = tpu.memref_slice %arg2[%add3A_25, %dma_wait3A_196] : memref<20480x64xf32, #tpu.memory_space<hbm>> -> memref<128x64xf32, #tpu.memory_space<hbm>>
      tpu.wait_dma2 semaphore(%run_scoped3A : memref<!tpu.dma_semaphore, #tpu.memory_space<semaphore_mem>>) src(%dma_wait3A_197 : memref<128x64xf32, #tpu.memory_space<hbm>>) dst(%dma_wait3A_195 : memref<128x64xf32, #tpu.memory_space<vmem>>)
      tpu.yield
    }) : () -> ()
    "tpu.region"() ({
      %run_scoped3A = tpu.sem_alloc : memref<!tpu.dma_semaphore, #tpu.memory_space<semaphore_mem>>
      %dma_start3A_178 = arith.constant 0 : i32
      %dma_start3A_179 = arith.constant 0 : i32
      %dma_start3A_180 = tpu.memref_slice %arg14[%dma_start3A_178, %dma_start3A_179] : memref<256x64xf32, #tpu.memory_space<vmem>> -> memref<128x64xf32, #tpu.memory_space<vmem>>
      %dma_start3A_181 = arith.constant 0 : i32
      %dma_start3A_182 = tpu.memref_slice %arg24[%add3A_22, %dma_start3A_181] : memref<10240x64xf32, #tpu.memory_space<vmem_shared>> -> memref<128x64xf32, #tpu.memory_space<vmem_shared>>
      %dma_start3A_183 = arith.constant 0 : i32
      %dma_start3A_184 = tpu.memref_slice %arg24[%add3A_22, %dma_start3A_183] : memref<10240x64xf32, #tpu.memory_space<vmem_shared>> -> memref<128x64xf32, #tpu.memory_space<vmem_shared>>
      %dma_start3A_185 = arith.constant 0 : i32
      %dma_start3A_186 = arith.constant 0 : i32
      %dma_start3A_187 = tpu.memref_slice %arg14[%dma_start3A_185, %dma_start3A_186] : memref<256x64xf32, #tpu.memory_space<vmem>> -> memref<128x64xf32, #tpu.memory_space<vmem>>
      tpu.enqueue_dma source(%dma_start3A_187 : memref<128x64xf32, #tpu.memory_space<vmem>>) target(%dma_start3A_184 : memref<128x64xf32, #tpu.memory_space<vmem_shared>>) target_semaphore(%run_scoped3A : memref<!tpu.dma_semaphore, #tpu.memory_space<semaphore_mem>>)
      %dma_wait3A_188 = arith.constant 0 : i32
      %dma_wait3A_189 = arith.constant 0 : i32
      %dma_wait3A_190 = tpu.memref_slice %arg14[%dma_wait3A_188, %dma_wait3A_189] : memref<256x64xf32, #tpu.memory_space<vmem>> -> memref<128x64xf32, #tpu.memory_space<vmem>>
      %dma_wait3A_191 = arith.constant 0 : i32
      %dma_wait3A_192 = tpu.memref_slice %arg24[%add3A_22, %dma_wait3A_191] : memref<10240x64xf32, #tpu.memory_space<vmem_shared>> -> memref<128x64xf32, #tpu.memory_space<vmem_shared>>
      %dma_wait3A_193 = arith.constant 0 : i32
      %dma_wait3A_194 = tpu.memref_slice %arg24[%add3A_22, %dma_wait3A_193] : memref<10240x64xf32, #tpu.memory_space<vmem_shared>> -> memref<128x64xf32, #tpu.memory_space<vmem_shared>>
      %dma_wait3A_195 = arith.constant 0 : i32
      %dma_wait3A_196 = arith.constant 0 : i32
      %dma_wait3A_197 = tpu.memref_slice %arg14[%dma_wait3A_195, %dma_wait3A_196] : memref<256x64xf32, #tpu.memory_space<vmem>> -> memref<128x64xf32, #tpu.memory_space<vmem>>
      tpu.wait_dma2 semaphore(%run_scoped3A : memref<!tpu.dma_semaphore, #tpu.memory_space<semaphore_mem>>) src(%dma_wait3A_197 : memref<128x64xf32, #tpu.memory_space<vmem>>) dst(%dma_wait3A_194 : memref<128x64xf32, #tpu.memory_space<vmem_shared>>)
      tpu.yield
    }) : () -> ()
    %mul3A_26 = arith.constant 640 : i32
    %mul3A_27 = arith.muli %arg1, %mul3A_26 : i32
    %add3A_28 = arith.constant 512 : i32
    %add3A_29 = arith.addi %mul3A_27, %add3A_28 : i32
    %mul3A_30 = arith.constant 10240 : i32
    %mul3A_31 = arith.muli %arg0, %mul3A_30 : i32
    %add3A_32 = arith.addi %mul3A_31, %add3A_29 : i32
    "tpu.region"() ({
      %run_scoped3A = tpu.sem_alloc : memref<!tpu.dma_semaphore, #tpu.memory_space<semaphore_mem>>
      %dma_start3A_178 = arith.constant 0 : i32
      %dma_start3A_179 = arith.constant 0 : i32
      %dma_start3A_180 = tpu.memref_slice %arg14[%dma_start3A_178, %dma_start3A_179] : memref<256x64xf32, #tpu.memory_space<vmem>> -> memref<128x64xf32, #tpu.memory_space<vmem>>
      %dma_start3A_181 = arith.constant 0 : i32
      %dma_start3A_182 = tpu.memref_slice %arg2[%add3A_32, %dma_start3A_181] : memref<20480x64xf32, #tpu.memory_space<hbm>> -> memref<128x64xf32, #tpu.memory_space<hbm>>
      %dma_start3A_183 = arith.constant 0 : i32
      %dma_start3A_184 = arith.constant 0 : i32
      %dma_start3A_185 = tpu.memref_slice %arg14[%dma_start3A_183, %dma_start3A_184] : memref<256x64xf32, #tpu.memory_space<vmem>> -> memref<128x64xf32, #tpu.memory_space<vmem>>
      %dma_start3A_186 = arith.constant 0 : i32
      %dma_start3A_187 = tpu.memref_slice %arg2[%add3A_32, %dma_start3A_186] : memref<20480x64xf32, #tpu.memory_space<hbm>> -> memref<128x64xf32, #tpu.memory_space<hbm>>
      tpu.enqueue_dma source(%dma_start3A_187 : memref<128x64xf32, #tpu.memory_space<hbm>>) target(%dma_start3A_185 : memref<128x64xf32, #tpu.memory_space<vmem>>) target_semaphore(%run_scoped3A : memref<!tpu.dma_semaphore, #tpu.memory_space<semaphore_mem>>)
      %dma_wait3A_188 = arith.constant 0 : i32
      %dma_wait3A_189 = arith.constant 0 : i32
      %dma_wait3A_190 = tpu.memref_slice %arg14[%dma_wait3A_188, %dma_wait3A_189] : memref<256x64xf32, #tpu.memory_space<vmem>> -> memref<128x64xf32, #tpu.memory_space<vmem>>
      %dma_wait3A_191 = arith.constant 0 : i32
      %dma_wait3A_192 = tpu.memref_slice %arg2[%add3A_32, %dma_wait3A_191] : memref<20480x64xf32, #tpu.memory_space<hbm>> -> memref<128x64xf32, #tpu.memory_space<hbm>>
      %dma_wait3A_193 = arith.constant 0 : i32
      %dma_wait3A_194 = arith.constant 0 : i32
      %dma_wait3A_195 = tpu.memref_slice %arg14[%dma_wait3A_193, %dma_wait3A_194] : memref<256x64xf32, #tpu.memory_space<vmem>> -> memref<128x64xf32, #tpu.memory_space<vmem>>
      %dma_wait3A_196 = arith.constant 0 : i32
      %dma_wait3A_197 = tpu.memref_slice %arg2[%add3A_32, %dma_wait3A_196] : memref<20480x64xf32, #tpu.memory_space<hbm>> -> memref<128x64xf32, #tpu.memory_space<hbm>>
      tpu.wait_dma2 semaphore(%run_scoped3A : memref<!tpu.dma_semaphore, #tpu.memory_space<semaphore_mem>>) src(%dma_wait3A_197 : memref<128x64xf32, #tpu.memory_space<hbm>>) dst(%dma_wait3A_195 : memref<128x64xf32, #tpu.memory_space<vmem>>)
      tpu.yield
    }) : () -> ()
    "tpu.region"() ({
      %run_scoped3A = tpu.sem_alloc : memref<!tpu.dma_semaphore, #tpu.memory_space<semaphore_mem>>
      %dma_start3A_178 = arith.constant 0 : i32
      %dma_start3A_179 = arith.constant 0 : i32
      %dma_start3A_180 = tpu.memref_slice %arg14[%dma_start3A_178, %dma_start3A_179] : memref<256x64xf32, #tpu.memory_space<vmem>> -> memref<128x64xf32, #tpu.memory_space<vmem>>
      %dma_start3A_181 = arith.constant 0 : i32
      %dma_start3A_182 = tpu.memref_slice %arg24[%add3A_29, %dma_start3A_181] : memref<10240x64xf32, #tpu.memory_space<vmem_shared>> -> memref<128x64xf32, #tpu.memory_space<vmem_shared>>
      %dma_start3A_183 = arith.constant 0 : i32
      %dma_start3A_184 = tpu.memref_slice %arg24[%add3A_29, %dma_start3A_183] : memref<10240x64xf32, #tpu.memory_space<vmem_shared>> -> memref<128x64xf32, #tpu.memory_space<vmem_shared>>
      %dma_start3A_185 = arith.constant 0 : i32
      %dma_start3A_186 = arith.constant 0 : i32
      %dma_start3A_187 = tpu.memref_slice %arg14[%dma_start3A_185, %dma_start3A_186] : memref<256x64xf32, #tpu.memory_space<vmem>> -> memref<128x64xf32, #tpu.memory_space<vmem>>
      tpu.enqueue_dma source(%dma_start3A_187 : memref<128x64xf32, #tpu.memory_space<vmem>>) target(%dma_start3A_184 : memref<128x64xf32, #tpu.memory_space<vmem_shared>>) target_semaphore(%run_scoped3A : memref<!tpu.dma_semaphore, #tpu.memory_space<semaphore_mem>>)
      %dma_wait3A_188 = arith.constant 0 : i32
      %dma_wait3A_189 = arith.constant 0 : i32
      %dma_wait3A_190 = tpu.memref_slice %arg14[%dma_wait3A_188, %dma_wait3A_189] : memref<256x64xf32, #tpu.memory_space<vmem>> -> memref<128x64xf32, #tpu.memory_space<vmem>>
      %dma_wait3A_191 = arith.constant 0 : i32
      %dma_wait3A_192 = tpu.memref_slice %arg24[%add3A_29, %dma_wait3A_191] : memref<10240x64xf32, #tpu.memory_space<vmem_shared>> -> memref<128x64xf32, #tpu.memory_space<vmem_shared>>
      %dma_wait3A_193 = arith.constant 0 : i32
      %dma_wait3A_194 = tpu.memref_slice %arg24[%add3A_29, %dma_wait3A_193] : memref<10240x64xf32, #tpu.memory_space<vmem_shared>> -> memref<128x64xf32, #tpu.memory_space<vmem_shared>>
      %dma_wait3A_195 = arith.constant 0 : i32
      %dma_wait3A_196 = arith.constant 0 : i32
      %dma_wait3A_197 = tpu.memref_slice %arg14[%dma_wait3A_195, %dma_wait3A_196] : memref<256x64xf32, #tpu.memory_space<vmem>> -> memref<128x64xf32, #tpu.memory_space<vmem>>
      tpu.wait_dma2 semaphore(%run_scoped3A : memref<!tpu.dma_semaphore, #tpu.memory_space<semaphore_mem>>) src(%dma_wait3A_197 : memref<128x64xf32, #tpu.memory_space<vmem>>) dst(%dma_wait3A_194 : memref<128x64xf32, #tpu.memory_space<vmem_shared>>)
      tpu.yield
    }) : () -> ()
    %broadcast_in_dim3A = arith.constant 0.000000e+00 : f32
    %broadcast_in_dim3A_33 = vector.broadcast %broadcast_in_dim3A : f32 to vector<16xf32>
    %scan3A = arith.constant 0 : i32
    %scan3A_34 = arith.constant 0 : i32
    %scan3A_35 = arith.constant 128 : i32
    %scan3A_36 = arith.addi %scan3A_34, %scan3A_35 : i32
    %scan3A_37 = arith.constant 1 : i32
    scf.for %scan3A_178 = %scan3A_34 to %scan3A_36 step %scan3A_37  : i32 {
      %swap3A = arith.index_cast %scan3A_178 : i32 to index
      %swap3A_179 = arith.constant 0 : index
      %swap3A_180 = tpu.vector_load %arg14[%swap3A, %swap3A_179] {strides = array<i32>} : memref<256x64xf32, #tpu.memory_space<vmem>>, vector<1x16xf32>,
      %swap3A_181 = vector.shape_cast %swap3A_180 : vector<1x16xf32> to vector<16xf32>
      %swap3A_182 = vector.shape_cast %broadcast_in_dim3A_33 : vector<16xf32> to vector<1x16xf32>
      tpu.vector_store %arg14[%swap3A, %swap3A_179], %swap3A_182 {strides = array<i32>} : memref<256x64xf32, #tpu.memory_space<vmem>>, vector<1x16xf32>,
      %swap3A_183 = arith.index_cast %scan3A_178 : i32 to index
      %swap3A_184 = arith.constant 16 : index
      %swap3A_185 = tpu.vector_load %arg14[%swap3A_183, %swap3A_184] {strides = array<i32>} : memref<256x64xf32, #tpu.memory_space<vmem>>, vector<1x16xf32>,
      %swap3A_186 = vector.shape_cast %swap3A_185 : vector<1x16xf32> to vector<16xf32>
      %swap3A_187 = vector.shape_cast %broadcast_in_dim3A_33 : vector<16xf32> to vector<1x16xf32>
      tpu.vector_store %arg14[%swap3A_183, %swap3A_184], %swap3A_187 {strides = array<i32>} : memref<256x64xf32, #tpu.memory_space<vmem>>, vector<1x16xf32>,
      %swap3A_188 = arith.index_cast %scan3A_178 : i32 to index
      %swap3A_189 = arith.constant 32 : index
      %swap3A_190 = tpu.vector_load %arg14[%swap3A_188, %swap3A_189] {strides = array<i32>} : memref<256x64xf32, #tpu.memory_space<vmem>>, vector<1x16xf32>,
      %swap3A_191 = vector.shape_cast %swap3A_190 : vector<1x16xf32> to vector<16xf32>
      %swap3A_192 = vector.shape_cast %broadcast_in_dim3A_33 : vector<16xf32> to vector<1x16xf32>
      tpu.vector_store %arg14[%swap3A_188, %swap3A_189], %swap3A_192 {strides = array<i32>} : memref<256x64xf32, #tpu.memory_space<vmem>>, vector<1x16xf32>,
      %swap3A_193 = arith.index_cast %scan3A_178 : i32 to index
      %swap3A_194 = arith.constant 48 : index
      %swap3A_195 = tpu.vector_load %arg14[%swap3A_193, %swap3A_194] {strides = array<i32>} : memref<256x64xf32, #tpu.memory_space<vmem>>, vector<1x16xf32>,
      %swap3A_196 = vector.shape_cast %swap3A_195 : vector<1x16xf32> to vector<16xf32>
      %swap3A_197 = vector.shape_cast %broadcast_in_dim3A_33 : vector<16xf32> to vector<1x16xf32>
      tpu.vector_store %arg14[%swap3A_193, %swap3A_194], %swap3A_197 {strides = array<i32>} : memref<256x64xf32, #tpu.memory_space<vmem>>, vector<1x16xf32>,
    }
    %scan3A_38 = arith.constant 128 : i32
    %mul3A_39 = arith.constant 640 : i32
    %mul3A_40 = arith.muli %arg1, %mul3A_39 : i32
    %add3A_41 = arith.constant 0 : i32
    %add3A_42 = arith.addi %mul3A_40, %add3A_41 : i32
    "tpu.region"() ({
      %run_scoped3A = tpu.sem_alloc : memref<!tpu.dma_semaphore, #tpu.memory_space<semaphore_mem>>
      %dma_start3A_178 = arith.constant 0 : i32
      %dma_start3A_179 = arith.constant 0 : i32
      %dma_start3A_180 = tpu.memref_slice %arg14[%dma_start3A_178, %dma_start3A_179] : memref<256x64xf32, #tpu.memory_space<vmem>> -> memref<128x64xf32, #tpu.memory_space<vmem>>
      %dma_start3A_181 = arith.constant 0 : i32
      %dma_start3A_182 = tpu.memref_slice %arg25[%add3A_42, %dma_start3A_181] : memref<10240x64xf32, #tpu.memory_space<vmem_shared>> -> memref<128x64xf32, #tpu.memory_space<vmem_shared>>
      %dma_start3A_183 = arith.constant 0 : i32
      %dma_start3A_184 = tpu.memref_slice %arg25[%add3A_42, %dma_start3A_183] : memref<10240x64xf32, #tpu.memory_space<vmem_shared>> -> memref<128x64xf32, #tpu.memory_space<vmem_shared>>
      %dma_start3A_185 = arith.constant 0 : i32
      %dma_start3A_186 = arith.constant 0 : i32
      %dma_start3A_187 = tpu.memref_slice %arg14[%dma_start3A_185, %dma_start3A_186] : memref<256x64xf32, #tpu.memory_space<vmem>> -> memref<128x64xf32, #tpu.memory_space<vmem>>
      tpu.enqueue_dma source(%dma_start3A_187 : memref<128x64xf32, #tpu.memory_space<vmem>>) target(%dma_start3A_184 : memref<128x64xf32, #tpu.memory_space<vmem_shared>>) target_semaphore(%run_scoped3A : memref<!tpu.dma_semaphore, #tpu.memory_space<semaphore_mem>>)
      %dma_wait3A_188 = arith.constant 0 : i32
      %dma_wait3A_189 = arith.constant 0 : i32
      %dma_wait3A_190 = tpu.memref_slice %arg14[%dma_wait3A_188, %dma_wait3A_189] : memref<256x64xf32, #tpu.memory_space<vmem>> -> memref<128x64xf32, #tpu.memory_space<vmem>>
      %dma_wait3A_191 = arith.constant 0 : i32
      %dma_wait3A_192 = tpu.memref_slice %arg25[%add3A_42, %dma_wait3A_191] : memref<10240x64xf32, #tpu.memory_space<vmem_shared>> -> memref<128x64xf32, #tpu.memory_space<vmem_shared>>
      %dma_wait3A_193 = arith.constant 0 : i32
      %dma_wait3A_194 = tpu.memref_slice %arg25[%add3A_42, %dma_wait3A_193] : memref<10240x64xf32, #tpu.memory_space<vmem_shared>> -> memref<128x64xf32, #tpu.memory_space<vmem_shared>>
      %dma_wait3A_195 = arith.constant 0 : i32
      %dma_wait3A_196 = arith.constant 0 : i32
      %dma_wait3A_197 = tpu.memref_slice %arg14[%dma_wait3A_195, %dma_wait3A_196] : memref<256x64xf32, #tpu.memory_space<vmem>> -> memref<128x64xf32, #tpu.memory_space<vmem>>
      tpu.wait_dma2 semaphore(%run_scoped3A : memref<!tpu.dma_semaphore, #tpu.memory_space<semaphore_mem>>) src(%dma_wait3A_197 : memref<128x64xf32, #tpu.memory_space<vmem>>) dst(%dma_wait3A_194 : memref<128x64xf32, #tpu.memory_space<vmem_shared>>)
      tpu.yield
    }) : () -> ()
    %mul3A_43 = arith.constant 640 : i32
    %mul3A_44 = arith.muli %arg1, %mul3A_43 : i32
    %add3A_45 = arith.constant 128 : i32
    %add3A_46 = arith.addi %mul3A_44, %add3A_45 : i32
    "tpu.region"() ({
      %run_scoped3A = tpu.sem_alloc : memref<!tpu.dma_semaphore, #tpu.memory_space<semaphore_mem>>
      %dma_start3A_178 = arith.constant 0 : i32
      %dma_start3A_179 = arith.constant 0 : i32
      %dma_start3A_180 = tpu.memref_slice %arg14[%dma_start3A_178, %dma_start3A_179] : memref<256x64xf32, #tpu.memory_space<vmem>> -> memref<128x64xf32, #tpu.memory_space<vmem>>
      %dma_start3A_181 = arith.constant 0 : i32
      %dma_start3A_182 = tpu.memref_slice %arg25[%add3A_46, %dma_start3A_181] : memref<10240x64xf32, #tpu.memory_space<vmem_shared>> -> memref<128x64xf32, #tpu.memory_space<vmem_shared>>
      %dma_start3A_183 = arith.constant 0 : i32
      %dma_start3A_184 = tpu.memref_slice %arg25[%add3A_46, %dma_start3A_183] : memref<10240x64xf32, #tpu.memory_space<vmem_shared>> -> memref<128x64xf32, #tpu.memory_space<vmem_shared>>
      %dma_start3A_185 = arith.constant 0 : i32
      %dma_start3A_186 = arith.constant 0 : i32
      %dma_start3A_187 = tpu.memref_slice %arg14[%dma_start3A_185, %dma_start3A_186] : memref<256x64xf32, #tpu.memory_space<vmem>> -> memref<128x64xf32, #tpu.memory_space<vmem>>
      tpu.enqueue_dma source(%dma_start3A_187 : memref<128x64xf32, #tpu.memory_space<vmem>>) target(%dma_start3A_184 : memref<128x64xf32, #tpu.memory_space<vmem_shared>>) target_semaphore(%run_scoped3A : memref<!tpu.dma_semaphore, #tpu.memory_space<semaphore_mem>>)
      %dma_wait3A_188 = arith.constant 0 : i32
      %dma_wait3A_189 = arith.constant 0 : i32
      %dma_wait3A_190 = tpu.memref_slice %arg14[%dma_wait3A_188, %dma_wait3A_189] : memref<256x64xf32, #tpu.memory_space<vmem>> -> memref<128x64xf32, #tpu.memory_space<vmem>>
      %dma_wait3A_191 = arith.constant 0 : i32
      %dma_wait3A_192 = tpu.memref_slice %arg25[%add3A_46, %dma_wait3A_191] : memref<10240x64xf32, #tpu.memory_space<vmem_shared>> -> memref<128x64xf32, #tpu.memory_space<vmem_shared>>
      %dma_wait3A_193 = arith.constant 0 : i32
      %dma_wait3A_194 = tpu.memref_slice %arg25[%add3A_46, %dma_wait3A_193] : memref<10240x64xf32, #tpu.memory_space<vmem_shared>> -> memref<128x64xf32, #tpu.memory_space<vmem_shared>>
      %dma_wait3A_195 = arith.constant 0 : i32
      %dma_wait3A_196 = arith.constant 0 : i32
      %dma_wait3A_197 = tpu.memref_slice %arg14[%dma_wait3A_195, %dma_wait3A_196] : memref<256x64xf32, #tpu.memory_space<vmem>> -> memref<128x64xf32, #tpu.memory_space<vmem>>
      tpu.wait_dma2 semaphore(%run_scoped3A : memref<!tpu.dma_semaphore, #tpu.memory_space<semaphore_mem>>) src(%dma_wait3A_197 : memref<128x64xf32, #tpu.memory_space<vmem>>) dst(%dma_wait3A_194 : memref<128x64xf32, #tpu.memory_space<vmem_shared>>)
      tpu.yield
    }) : () -> ()
    %mul3A_47 = arith.constant 640 : i32
    %mul3A_48 = arith.muli %arg1, %mul3A_47 : i32
    %add3A_49 = arith.constant 256 : i32
    %add3A_50 = arith.addi %mul3A_48, %add3A_49 : i32
    "tpu.region"() ({
      %run_scoped3A = tpu.sem_alloc : memref<!tpu.dma_semaphore, #tpu.memory_space<semaphore_mem>>
      %dma_start3A_178 = arith.constant 0 : i32
      %dma_start3A_179 = arith.constant 0 : i32
      %dma_start3A_180 = tpu.memref_slice %arg14[%dma_start3A_178, %dma_start3A_179] : memref<256x64xf32, #tpu.memory_space<vmem>> -> memref<128x64xf32, #tpu.memory_space<vmem>>
      %dma_start3A_181 = arith.constant 0 : i32
      %dma_start3A_182 = tpu.memref_slice %arg25[%add3A_50, %dma_start3A_181] : memref<10240x64xf32, #tpu.memory_space<vmem_shared>> -> memref<128x64xf32, #tpu.memory_space<vmem_shared>>
      %dma_start3A_183 = arith.constant 0 : i32
      %dma_start3A_184 = tpu.memref_slice %arg25[%add3A_50, %dma_start3A_183] : memref<10240x64xf32, #tpu.memory_space<vmem_shared>> -> memref<128x64xf32, #tpu.memory_space<vmem_shared>>
      %dma_start3A_185 = arith.constant 0 : i32
      %dma_start3A_186 = arith.constant 0 : i32
      %dma_start3A_187 = tpu.memref_slice %arg14[%dma_start3A_185, %dma_start3A_186] : memref<256x64xf32, #tpu.memory_space<vmem>> -> memref<128x64xf32, #tpu.memory_space<vmem>>
      tpu.enqueue_dma source(%dma_start3A_187 : memref<128x64xf32, #tpu.memory_space<vmem>>) target(%dma_start3A_184 : memref<128x64xf32, #tpu.memory_space<vmem_shared>>) target_semaphore(%run_scoped3A : memref<!tpu.dma_semaphore, #tpu.memory_space<semaphore_mem>>)
      %dma_wait3A_188 = arith.constant 0 : i32
      %dma_wait3A_189 = arith.constant 0 : i32
      %dma_wait3A_190 = tpu.memref_slice %arg14[%dma_wait3A_188, %dma_wait3A_189] : memref<256x64xf32, #tpu.memory_space<vmem>> -> memref<128x64xf32, #tpu.memory_space<vmem>>
      %dma_wait3A_191 = arith.constant 0 : i32
      %dma_wait3A_192 = tpu.memref_slice %arg25[%add3A_50, %dma_wait3A_191] : memref<10240x64xf32, #tpu.memory_space<vmem_shared>> -> memref<128x64xf32, #tpu.memory_space<vmem_shared>>
      %dma_wait3A_193 = arith.constant 0 : i32
      %dma_wait3A_194 = tpu.memref_slice %arg25[%add3A_50, %dma_wait3A_193] : memref<10240x64xf32, #tpu.memory_space<vmem_shared>> -> memref<128x64xf32, #tpu.memory_space<vmem_shared>>
      %dma_wait3A_195 = arith.constant 0 : i32
      %dma_wait3A_196 = arith.constant 0 : i32
      %dma_wait3A_197 = tpu.memref_slice %arg14[%dma_wait3A_195, %dma_wait3A_196] : memref<256x64xf32, #tpu.memory_space<vmem>> -> memref<128x64xf32, #tpu.memory_space<vmem>>
      tpu.wait_dma2 semaphore(%run_scoped3A : memref<!tpu.dma_semaphore, #tpu.memory_space<semaphore_mem>>) src(%dma_wait3A_197 : memref<128x64xf32, #tpu.memory_space<vmem>>) dst(%dma_wait3A_194 : memref<128x64xf32, #tpu.memory_space<vmem_shared>>)
      tpu.yield
    }) : () -> ()
    %mul3A_51 = arith.constant 640 : i32
    %mul3A_52 = arith.muli %arg1, %mul3A_51 : i32
    %add3A_53 = arith.constant 384 : i32
    %add3A_54 = arith.addi %mul3A_52, %add3A_53 : i32
    "tpu.region"() ({
      %run_scoped3A = tpu.sem_alloc : memref<!tpu.dma_semaphore, #tpu.memory_space<semaphore_mem>>
      %dma_start3A_178 = arith.constant 0 : i32
      %dma_start3A_179 = arith.constant 0 : i32
      %dma_start3A_180 = tpu.memref_slice %arg14[%dma_start3A_178, %dma_start3A_179] : memref<256x64xf32, #tpu.memory_space<vmem>> -> memref<128x64xf32, #tpu.memory_space<vmem>>
      %dma_start3A_181 = arith.constant 0 : i32
      %dma_start3A_182 = tpu.memref_slice %arg25[%add3A_54, %dma_start3A_181] : memref<10240x64xf32, #tpu.memory_space<vmem_shared>> -> memref<128x64xf32, #tpu.memory_space<vmem_shared>>
      %dma_start3A_183 = arith.constant 0 : i32
      %dma_start3A_184 = tpu.memref_slice %arg25[%add3A_54, %dma_start3A_183] : memref<10240x64xf32, #tpu.memory_space<vmem_shared>> -> memref<128x64xf32, #tpu.memory_space<vmem_shared>>
      %dma_start3A_185 = arith.constant 0 : i32
      %dma_start3A_186 = arith.constant 0 : i32
      %dma_start3A_187 = tpu.memref_slice %arg14[%dma_start3A_185, %dma_start3A_186] : memref<256x64xf32, #tpu.memory_space<vmem>> -> memref<128x64xf32, #tpu.memory_space<vmem>>
      tpu.enqueue_dma source(%dma_start3A_187 : memref<128x64xf32, #tpu.memory_space<vmem>>) target(%dma_start3A_184 : memref<128x64xf32, #tpu.memory_space<vmem_shared>>) target_semaphore(%run_scoped3A : memref<!tpu.dma_semaphore, #tpu.memory_space<semaphore_mem>>)
      %dma_wait3A_188 = arith.constant 0 : i32
      %dma_wait3A_189 = arith.constant 0 : i32
      %dma_wait3A_190 = tpu.memref_slice %arg14[%dma_wait3A_188, %dma_wait3A_189] : memref<256x64xf32, #tpu.memory_space<vmem>> -> memref<128x64xf32, #tpu.memory_space<vmem>>
      %dma_wait3A_191 = arith.constant 0 : i32
      %dma_wait3A_192 = tpu.memref_slice %arg25[%add3A_54, %dma_wait3A_191] : memref<10240x64xf32, #tpu.memory_space<vmem_shared>> -> memref<128x64xf32, #tpu.memory_space<vmem_shared>>
      %dma_wait3A_193 = arith.constant 0 : i32
      %dma_wait3A_194 = tpu.memref_slice %arg25[%add3A_54, %dma_wait3A_193] : memref<10240x64xf32, #tpu.memory_space<vmem_shared>> -> memref<128x64xf32, #tpu.memory_space<vmem_shared>>
      %dma_wait3A_195 = arith.constant 0 : i32
      %dma_wait3A_196 = arith.constant 0 : i32
      %dma_wait3A_197 = tpu.memref_slice %arg14[%dma_wait3A_195, %dma_wait3A_196] : memref<256x64xf32, #tpu.memory_space<vmem>> -> memref<128x64xf32, #tpu.memory_space<vmem>>
      tpu.wait_dma2 semaphore(%run_scoped3A : memref<!tpu.dma_semaphore, #tpu.memory_space<semaphore_mem>>) src(%dma_wait3A_197 : memref<128x64xf32, #tpu.memory_space<vmem>>) dst(%dma_wait3A_194 : memref<128x64xf32, #tpu.memory_space<vmem_shared>>)
      tpu.yield
    }) : () -> ()
    %mul3A_55 = arith.constant 640 : i32
    %mul3A_56 = arith.muli %arg1, %mul3A_55 : i32
    %add3A_57 = arith.constant 512 : i32
    %add3A_58 = arith.addi %mul3A_56, %add3A_57 : i32
    "tpu.region"() ({
      %run_scoped3A = tpu.sem_alloc : memref<!tpu.dma_semaphore, #tpu.memory_space<semaphore_mem>>
      %dma_start3A_178 = arith.constant 0 : i32
      %dma_start3A_179 = arith.constant 0 : i32
      %dma_start3A_180 = tpu.memref_slice %arg14[%dma_start3A_178, %dma_start3A_179] : memref<256x64xf32, #tpu.memory_space<vmem>> -> memref<128x64xf32, #tpu.memory_space<vmem>>
      %dma_start3A_181 = arith.constant 0 : i32
      %dma_start3A_182 = tpu.memref_slice %arg25[%add3A_58, %dma_start3A_181] : memref<10240x64xf32, #tpu.memory_space<vmem_shared>> -> memref<128x64xf32, #tpu.memory_space<vmem_shared>>
      %dma_start3A_183 = arith.constant 0 : i32
      %dma_start3A_184 = tpu.memref_slice %arg25[%add3A_58, %dma_start3A_183] : memref<10240x64xf32, #tpu.memory_space<vmem_shared>> -> memref<128x64xf32, #tpu.memory_space<vmem_shared>>
      %dma_start3A_185 = arith.constant 0 : i32
      %dma_start3A_186 = arith.constant 0 : i32
      %dma_start3A_187 = tpu.memref_slice %arg14[%dma_start3A_185, %dma_start3A_186] : memref<256x64xf32, #tpu.memory_space<vmem>> -> memref<128x64xf32, #tpu.memory_space<vmem>>
      tpu.enqueue_dma source(%dma_start3A_187 : memref<128x64xf32, #tpu.memory_space<vmem>>) target(%dma_start3A_184 : memref<128x64xf32, #tpu.memory_space<vmem_shared>>) target_semaphore(%run_scoped3A : memref<!tpu.dma_semaphore, #tpu.memory_space<semaphore_mem>>)
      %dma_wait3A_188 = arith.constant 0 : i32
      %dma_wait3A_189 = arith.constant 0 : i32
      %dma_wait3A_190 = tpu.memref_slice %arg14[%dma_wait3A_188, %dma_wait3A_189] : memref<256x64xf32, #tpu.memory_space<vmem>> -> memref<128x64xf32, #tpu.memory_space<vmem>>
      %dma_wait3A_191 = arith.constant 0 : i32
      %dma_wait3A_192 = tpu.memref_slice %arg25[%add3A_58, %dma_wait3A_191] : memref<10240x64xf32, #tpu.memory_space<vmem_shared>> -> memref<128x64xf32, #tpu.memory_space<vmem_shared>>
      %dma_wait3A_193 = arith.constant 0 : i32
      %dma_wait3A_194 = tpu.memref_slice %arg25[%add3A_58, %dma_wait3A_193] : memref<10240x64xf32, #tpu.memory_space<vmem_shared>> -> memref<128x64xf32, #tpu.memory_space<vmem_shared>>
      %dma_wait3A_195 = arith.constant 0 : i32
      %dma_wait3A_196 = arith.constant 0 : i32
      %dma_wait3A_197 = tpu.memref_slice %arg14[%dma_wait3A_195, %dma_wait3A_196] : memref<256x64xf32, #tpu.memory_space<vmem>> -> memref<128x64xf32, #tpu.memory_space<vmem>>
      tpu.wait_dma2 semaphore(%run_scoped3A : memref<!tpu.dma_semaphore, #tpu.memory_space<semaphore_mem>>) src(%dma_wait3A_197 : memref<128x64xf32, #tpu.memory_space<vmem>>) dst(%dma_wait3A_194 : memref<128x64xf32, #tpu.memory_space<vmem_shared>>)
      tpu.yield
    }) : () -> ()
    %barrier3A = arith.constant 0 : index
    tpu.barrier barrier_id(%barrier3A)
    %mul3A_59 = arith.constant 80 : i32
    %mul3A_60 = arith.muli %arg1, %mul3A_59 : i32
    %add3A_61 = arith.constant 0 : i32
    %add3A_62 = arith.addi %mul3A_60, %add3A_61 : i32
    %dma_start3A = arith.constant 0 : i32
    %dma_start3A_63 = tpu.memref_slice %arg3[%add3A_62, %dma_start3A] : memref<1280x256xi32, #tpu.memory_space<hbm>> -> memref<1x256xi32, #tpu.memory_space<hbm>>
    %dma_start3A_64 = tpu.memref_squeeze %dma_start3A_63 : memref<1x256xi32, #tpu.memory_space<hbm>> -> memref<256xi32, #tpu.memory_space<hbm>>
    %dma_start3A_65 = arith.constant 0 : i32
    %dma_start3A_66 = tpu.memref_slice %arg3[%add3A_62, %dma_start3A_65] : memref<1280x256xi32, #tpu.memory_space<hbm>> -> memref<1x256xi32, #tpu.memory_space<hbm>>
    %dma_start3A_67 = tpu.memref_squeeze %dma_start3A_66 : memref<1x256xi32, #tpu.memory_space<hbm>> -> memref<256xi32, #tpu.memory_space<hbm>>
    tpu.enqueue_dma source(%dma_start3A_67 : memref<256xi32, #tpu.memory_space<hbm>>) target(%arg6 : memref<256xi32, #tpu.memory_space<vmem>>) target_semaphore(%arg16 : memref<!tpu.dma_semaphore, #tpu.memory_space<semaphore_mem>>)
    %mul3A_68 = arith.constant 80 : i32
    %mul3A_69 = arith.muli %arg1, %mul3A_68 : i32
    %add3A_70 = arith.constant 0 : i32
    %add3A_71 = arith.addi %mul3A_69, %add3A_70 : i32
    %dma_start3A_72 = arith.constant 0 : i32
    %dma_start3A_73 = tpu.memref_slice %arg4[%add3A_71, %dma_start3A_72] : memref<1280x256xi32, #tpu.memory_space<hbm>> -> memref<1x256xi32, #tpu.memory_space<hbm>>
    %dma_start3A_74 = tpu.memref_squeeze %dma_start3A_73 : memref<1x256xi32, #tpu.memory_space<hbm>> -> memref<256xi32, #tpu.memory_space<hbm>>
    %dma_start3A_75 = arith.constant 0 : i32
    %dma_start3A_76 = tpu.memref_slice %arg4[%add3A_71, %dma_start3A_75] : memref<1280x256xi32, #tpu.memory_space<hbm>> -> memref<1x256xi32, #tpu.memory_space<hbm>>
    %dma_start3A_77 = tpu.memref_squeeze %dma_start3A_76 : memref<1x256xi32, #tpu.memory_space<hbm>> -> memref<256xi32, #tpu.memory_space<hbm>>
    tpu.enqueue_dma source(%dma_start3A_77 : memref<256xi32, #tpu.memory_space<hbm>>) target(%arg10 : memref<256xi32, #tpu.memory_space<vmem>>) target_semaphore(%arg16 : memref<!tpu.dma_semaphore, #tpu.memory_space<semaphore_mem>>)
    %mul3A_78 = arith.constant 80 : i32
    %mul3A_79 = arith.muli %arg1, %mul3A_78 : i32
    %add3A_80 = arith.constant 1 : i32
    %add3A_81 = arith.addi %mul3A_79, %add3A_80 : i32
    %dma_start3A_82 = arith.constant 0 : i32
    %dma_start3A_83 = tpu.memref_slice %arg3[%add3A_81, %dma_start3A_82] : memref<1280x256xi32, #tpu.memory_space<hbm>> -> memref<1x256xi32, #tpu.memory_space<hbm>>
    %dma_start3A_84 = tpu.memref_squeeze %dma_start3A_83 : memref<1x256xi32, #tpu.memory_space<hbm>> -> memref<256xi32, #tpu.memory_space<hbm>>
    %dma_start3A_85 = arith.constant 0 : i32
    %dma_start3A_86 = tpu.memref_slice %arg3[%add3A_81, %dma_start3A_85] : memref<1280x256xi32, #tpu.memory_space<hbm>> -> memref<1x256xi32, #tpu.memory_space<hbm>>
    %dma_start3A_87 = tpu.memref_squeeze %dma_start3A_86 : memref<1x256xi32, #tpu.memory_space<hbm>> -> memref<256xi32, #tpu.memory_space<hbm>>
    tpu.enqueue_dma source(%dma_start3A_87 : memref<256xi32, #tpu.memory_space<hbm>>) target(%arg7 : memref<256xi32, #tpu.memory_space<vmem>>) target_semaphore(%arg17 : memref<!tpu.dma_semaphore, #tpu.memory_space<semaphore_mem>>)
    %mul3A_88 = arith.constant 80 : i32
    %mul3A_89 = arith.muli %arg1, %mul3A_88 : i32
    %add3A_90 = arith.constant 1 : i32
    %add3A_91 = arith.addi %mul3A_89, %add3A_90 : i32
    %dma_start3A_92 = arith.constant 0 : i32
    %dma_start3A_93 = tpu.memref_slice %arg4[%add3A_91, %dma_start3A_92] : memref<1280x256xi32, #tpu.memory_space<hbm>> -> memref<1x256xi32, #tpu.memory_space<hbm>>
    %dma_start3A_94 = tpu.memref_squeeze %dma_start3A_93 : memref<1x256xi32, #tpu.memory_space<hbm>> -> memref<256xi32, #tpu.memory_space<hbm>>
    %dma_start3A_95 = arith.constant 0 : i32
    %dma_start3A_96 = tpu.memref_slice %arg4[%add3A_91, %dma_start3A_95] : memref<1280x256xi32, #tpu.memory_space<hbm>> -> memref<1x256xi32, #tpu.memory_space<hbm>>
    %dma_start3A_97 = tpu.memref_squeeze %dma_start3A_96 : memref<1x256xi32, #tpu.memory_space<hbm>> -> memref<256xi32, #tpu.memory_space<hbm>>
    tpu.enqueue_dma source(%dma_start3A_97 : memref<256xi32, #tpu.memory_space<hbm>>) target(%arg11 : memref<256xi32, #tpu.memory_space<vmem>>) target_semaphore(%arg17 : memref<!tpu.dma_semaphore, #tpu.memory_space<semaphore_mem>>)
    %mul3A_98 = arith.constant 80 : i32
    %mul3A_99 = arith.muli %arg1, %mul3A_98 : i32
    %add3A_100 = arith.constant 0 : i32
    %add3A_101 = arith.addi %mul3A_99, %add3A_100 : i32
    %dma_wait3A = arith.constant 0 : i32
    %dma_wait3A_102 = tpu.memref_slice %arg3[%add3A_101, %dma_wait3A] : memref<1280x256xi32, #tpu.memory_space<hbm>> -> memref<1x256xi32, #tpu.memory_space<hbm>>
    %dma_wait3A_103 = tpu.memref_squeeze %dma_wait3A_102 : memref<1x256xi32, #tpu.memory_space<hbm>> -> memref<256xi32, #tpu.memory_space<hbm>>
    %dma_wait3A_104 = arith.constant 0 : i32
    %dma_wait3A_105 = tpu.memref_slice %arg3[%add3A_101, %dma_wait3A_104] : memref<1280x256xi32, #tpu.memory_space<hbm>> -> memref<1x256xi32, #tpu.memory_space<hbm>>
    %dma_wait3A_106 = tpu.memref_squeeze %dma_wait3A_105 : memref<1x256xi32, #tpu.memory_space<hbm>> -> memref<256xi32, #tpu.memory_space<hbm>>
    tpu.wait_dma2 semaphore(%arg16 : memref<!tpu.dma_semaphore, #tpu.memory_space<semaphore_mem>>) src(%dma_wait3A_106 : memref<256xi32, #tpu.memory_space<hbm>>) dst(%arg6 : memref<256xi32, #tpu.memory_space<vmem>>)
    %mul3A_107 = arith.constant 80 : i32
    %mul3A_108 = arith.muli %arg1, %mul3A_107 : i32
    %add3A_109 = arith.constant 0 : i32
    %add3A_110 = arith.addi %mul3A_108, %add3A_109 : i32
    %dma_wait3A_111 = arith.constant 0 : i32
    %dma_wait3A_112 = tpu.memref_slice %arg4[%add3A_110, %dma_wait3A_111] : memref<1280x256xi32, #tpu.memory_space<hbm>> -> memref<1x256xi32, #tpu.memory_space<hbm>>
    %dma_wait3A_113 = tpu.memref_squeeze %dma_wait3A_112 : memref<1x256xi32, #tpu.memory_space<hbm>> -> memref<256xi32, #tpu.memory_space<hbm>>
    %dma_wait3A_114 = arith.constant 0 : i32
    %dma_wait3A_115 = tpu.memref_slice %arg4[%add3A_110, %dma_wait3A_114] : memref<1280x256xi32, #tpu.memory_space<hbm>> -> memref<1x256xi32, #tpu.memory_space<hbm>>
    %dma_wait3A_116 = tpu.memref_squeeze %dma_wait3A_115 : memref<1x256xi32, #tpu.memory_space<hbm>> -> memref<256xi32, #tpu.memory_space<hbm>>
    tpu.wait_dma2 semaphore(%arg16 : memref<!tpu.dma_semaphore, #tpu.memory_space<semaphore_mem>>) src(%dma_wait3A_116 : memref<256xi32, #tpu.memory_space<hbm>>) dst(%arg10 : memref<256xi32, #tpu.memory_space<vmem>>)
    %dma_start3A_117 = arith.constant 0 : i32
    %dma_start3A_118 = arith.constant 0 : i32
    %dma_start3A_119 = tpu.memref_slice %arg24[%dma_start3A_117, %dma_start3A_118] : memref<10240x64xf32, #tpu.memory_space<vmem_shared>> -> memref<10240x64xf32, #tpu.memory_space<vmem_shared>>
    tpu.enqueue_indirect_dma source(%dma_start3A_119 : memref<10240x64xf32, #tpu.memory_space<vmem_shared>>) target(%arg14 : memref<256x64xf32, #tpu.memory_space<vmem>>) offsets(%arg6 : memref<256xi32, #tpu.memory_space<vmem>>) semaphore(%arg20 : memref<!tpu.dma_semaphore, #tpu.memory_space<semaphore_mem>>)
    %mul3A_120 = arith.constant 80 : i32
    %mul3A_121 = arith.muli %arg1, %mul3A_120 : i32
    %add3A_122 = arith.constant 1 : i32
    %add3A_123 = arith.addi %mul3A_121, %add3A_122 : i32
    %dma_wait3A_124 = arith.constant 0 : i32
    %dma_wait3A_125 = tpu.memref_slice %arg3[%add3A_123, %dma_wait3A_124] : memref<1280x256xi32, #tpu.memory_space<hbm>> -> memref<1x256xi32, #tpu.memory_space<hbm>>
    %dma_wait3A_126 = tpu.memref_squeeze %dma_wait3A_125 : memref<1x256xi32, #tpu.memory_space<hbm>> -> memref<256xi32, #tpu.memory_space<hbm>>
    %dma_wait3A_127 = arith.constant 0 : i32
    %dma_wait3A_128 = tpu.memref_slice %arg3[%add3A_123, %dma_wait3A_127] : memref<1280x256xi32, #tpu.memory_space<hbm>> -> memref<1x256xi32, #tpu.memory_space<hbm>>
    %dma_wait3A_129 = tpu.memref_squeeze %dma_wait3A_128 : memref<1x256xi32, #tpu.memory_space<hbm>> -> memref<256xi32, #tpu.memory_space<hbm>>
    tpu.wait_dma2 semaphore(%arg17 : memref<!tpu.dma_semaphore, #tpu.memory_space<semaphore_mem>>) src(%dma_wait3A_129 : memref<256xi32, #tpu.memory_space<hbm>>) dst(%arg7 : memref<256xi32, #tpu.memory_space<vmem>>)
    %mul3A_130 = arith.constant 80 : i32
    %mul3A_131 = arith.muli %arg1, %mul3A_130 : i32
    %add3A_132 = arith.constant 1 : i32
    %add3A_133 = arith.addi %mul3A_131, %add3A_132 : i32
    %dma_wait3A_134 = arith.constant 0 : i32
    %dma_wait3A_135 = tpu.memref_slice %arg4[%add3A_133, %dma_wait3A_134] : memref<1280x256xi32, #tpu.memory_space<hbm>> -> memref<1x256xi32, #tpu.memory_space<hbm>>
    %dma_wait3A_136 = tpu.memref_squeeze %dma_wait3A_135 : memref<1x256xi32, #tpu.memory_space<hbm>> -> memref<256xi32, #tpu.memory_space<hbm>>
    %dma_wait3A_137 = arith.constant 0 : i32
    %dma_wait3A_138 = tpu.memref_slice %arg4[%add3A_133, %dma_wait3A_137] : memref<1280x256xi32, #tpu.memory_space<hbm>> -> memref<1x256xi32, #tpu.memory_space<hbm>>
    %dma_wait3A_139 = tpu.memref_squeeze %dma_wait3A_138 : memref<1x256xi32, #tpu.memory_space<hbm>> -> memref<256xi32, #tpu.memory_space<hbm>>
    tpu.wait_dma2 semaphore(%arg17 : memref<!tpu.dma_semaphore, #tpu.memory_space<semaphore_mem>>) src(%dma_wait3A_139 : memref<256xi32, #tpu.memory_space<hbm>>) dst(%arg11 : memref<256xi32, #tpu.memory_space<vmem>>)
    %dma_start3A_140 = arith.constant 0 : i32
    %dma_start3A_141 = arith.constant 0 : i32
    %dma_start3A_142 = tpu.memref_slice %arg24[%dma_start3A_140, %dma_start3A_141] : memref<10240x64xf32, #tpu.memory_space<vmem_shared>> -> memref<10240x64xf32, #tpu.memory_space<vmem_shared>>
    tpu.enqueue_indirect_dma source(%dma_start3A_142 : memref<10240x64xf32, #tpu.memory_space<vmem_shared>>) target(%arg15 : memref<256x64xf32, #tpu.memory_space<vmem>>) offsets(%arg7 : memref<256xi32, #tpu.memory_space<vmem>>) semaphore(%arg21 : memref<!tpu.dma_semaphore, #tpu.memory_space<semaphore_mem>>)
    %scan3A_143 = arith.constant 0 : i32
    %scan3A_144 = arith.constant 0 : i32
    %scan3A_145 = arith.constant 20 : i32
    %scan3A_146 = arith.addi %scan3A_144, %scan3A_145 : i32
    %scan3A_147 = arith.constant 1 : i32
    scf.for %scan3A_178 = %scan3A_144 to %scan3A_146 step %scan3A_147  : i32 {
      %mul3A_179 = arith.constant 4 : i32
      %mul3A_180 = arith.muli %scan3A_178, %mul3A_179 : i32
      %add3A_181 = arith.constant 0 : i32
      %add3A_182 = arith.addi %mul3A_180, %add3A_181 : i32
      %dma_wait3A_183 = arith.constant 0 : i32
      %dma_wait3A_184 = arith.constant 0 : i32
      %dma_wait3A_185 = tpu.memref_slice %arg24[%dma_wait3A_183, %dma_wait3A_184] : memref<10240x64xf32, #tpu.memory_space<vmem_shared>> -> memref<10240x64xf32, #tpu.memory_space<vmem_shared>>
      tpu.wait_indirect_dma semaphore(%arg20 : memref<!tpu.dma_semaphore, #tpu.memory_space<semaphore_mem>>) src(%dma_wait3A_185 : memref<10240x64xf32, #tpu.memory_space<vmem_shared>>) dst(%arg14 : memref<256x64xf32, #tpu.memory_space<vmem>>)
      %add3A_186 = arith.constant 2 : i32
      %add3A_187 = arith.addi %add3A_182, %add3A_186 : i32
      %lt3A = arith.constant 80 : i32
      %lt3A_188 = arith.cmpi slt, %add3A_187, %lt3A : i32
      %convert_element_type3A = arith.extui %lt3A_188 : i1 to i32
      %cond3A = arith.constant 0 : i32
      %cond3A_189 = arith.cmpi ne, %convert_element_type3A, %cond3A : i32
      scf.if %cond3A_189 {
        %add3A_272 = arith.constant 2 : i32
        %add3A_273 = arith.addi %add3A_182, %add3A_272 : i32
        %mul3A_274 = arith.constant 80 : i32
        %mul3A_275 = arith.muli %arg1, %mul3A_274 : i32
        %add3A_276 = arith.addi %mul3A_275, %add3A_273 : i32
        %dma_start3A_277 = arith.constant 0 : i32
        %dma_start3A_278 = tpu.memref_slice %arg3[%add3A_276, %dma_start3A_277] : memref<1280x256xi32, #tpu.memory_space<hbm>> -> memref<1x256xi32, #tpu.memory_space<hbm>>
        %dma_start3A_279 = tpu.memref_squeeze %dma_start3A_278 : memref<1x256xi32, #tpu.memory_space<hbm>> -> memref<256xi32, #tpu.memory_space<hbm>>
        %dma_start3A_280 = arith.constant 0 : i32
        %dma_start3A_281 = tpu.memref_slice %arg3[%add3A_276, %dma_start3A_280] : memref<1280x256xi32, #tpu.memory_space<hbm>> -> memref<1x256xi32, #tpu.memory_space<hbm>>
        %dma_start3A_282 = tpu.memref_squeeze %dma_start3A_281 : memref<1x256xi32, #tpu.memory_space<hbm>> -> memref<256xi32, #tpu.memory_space<hbm>>
        tpu.enqueue_dma source(%dma_start3A_282 : memref<256xi32, #tpu.memory_space<hbm>>) target(%arg8 : memref<256xi32, #tpu.memory_space<vmem>>) target_semaphore(%arg18 : memref<!tpu.dma_semaphore, #tpu.memory_space<semaphore_mem>>)
        %mul3A_283 = arith.constant 80 : i32
        %mul3A_284 = arith.muli %arg1, %mul3A_283 : i32
        %add3A_285 = arith.addi %mul3A_284, %add3A_273 : i32
        %dma_start3A_286 = arith.constant 0 : i32
        %dma_start3A_287 = tpu.memref_slice %arg4[%add3A_285, %dma_start3A_286] : memref<1280x256xi32, #tpu.memory_space<hbm>> -> memref<1x256xi32, #tpu.memory_space<hbm>>
        %dma_start3A_288 = tpu.memref_squeeze %dma_start3A_287 : memref<1x256xi32, #tpu.memory_space<hbm>> -> memref<256xi32, #tpu.memory_space<hbm>>
        %dma_start3A_289 = arith.constant 0 : i32
        %dma_start3A_290 = tpu.memref_slice %arg4[%add3A_285, %dma_start3A_289] : memref<1280x256xi32, #tpu.memory_space<hbm>> -> memref<1x256xi32, #tpu.memory_space<hbm>>
        %dma_start3A_291 = tpu.memref_squeeze %dma_start3A_290 : memref<1x256xi32, #tpu.memory_space<hbm>> -> memref<256xi32, #tpu.memory_space<hbm>>
        tpu.enqueue_dma source(%dma_start3A_291 : memref<256xi32, #tpu.memory_space<hbm>>) target(%arg12 : memref<256xi32, #tpu.memory_space<vmem>>) target_semaphore(%arg18 : memref<!tpu.dma_semaphore, #tpu.memory_space<semaphore_mem>>)
      } else {
      }
      %dma_start3A_190 = arith.constant 0 : i32
      %dma_start3A_191 = arith.constant 0 : i32
      %dma_start3A_192 = tpu.memref_slice %arg25[%dma_start3A_190, %dma_start3A_191] : memref<10240x64xf32, #tpu.memory_space<vmem_shared>> -> memref<10240x64xf32, #tpu.memory_space<vmem_shared>>
      tpu.enqueue_indirect_dma source(%arg14 : memref<256x64xf32, #tpu.memory_space<vmem>>) target(%dma_start3A_192 : memref<10240x64xf32, #tpu.memory_space<vmem_shared>>) offsets(%arg10 : memref<256xi32, #tpu.memory_space<vmem>>) semaphore(%arg22 : memref<!tpu.dma_semaphore, #tpu.memory_space<semaphore_mem>>) {add = true}
      %add3A_193 = arith.constant 2 : i32
      %add3A_194 = arith.addi %add3A_182, %add3A_193 : i32
      %lt3A_195 = arith.constant 80 : i32
      %lt3A_196 = arith.cmpi slt, %add3A_194, %lt3A_195 : i32
      %convert_element_type3A_197 = arith.extui %lt3A_196 : i1 to i32
      %cond3A_198 = arith.constant 0 : i32
      %cond3A_199 = arith.cmpi ne, %convert_element_type3A_197, %cond3A_198 : i32
      scf.if %cond3A_199 {
        %dma_wait3A_272 = arith.constant 0 : i32
        %dma_wait3A_273 = arith.constant 0 : i32
        %dma_wait3A_274 = tpu.memref_slice %arg25[%dma_wait3A_272, %dma_wait3A_273] : memref<10240x64xf32, #tpu.memory_space<vmem_shared>> -> memref<10240x64xf32, #tpu.memory_space<vmem_shared>>
        tpu.wait_indirect_dma semaphore(%arg22 : memref<!tpu.dma_semaphore, #tpu.memory_space<semaphore_mem>>) src(%arg14 : memref<256x64xf32, #tpu.memory_space<vmem>>) dst(%dma_wait3A_274 : memref<10240x64xf32, #tpu.memory_space<vmem_shared>>)
        %add3A_275 = arith.constant 2 : i32
        %add3A_276 = arith.addi %add3A_182, %add3A_275 : i32
        %mul3A_277 = arith.constant 80 : i32
        %mul3A_278 = arith.muli %arg1, %mul3A_277 : i32
        %add3A_279 = arith.addi %mul3A_278, %add3A_276 : i32
        %dma_wait3A_280 = arith.constant 0 : i32
        %dma_wait3A_281 = tpu.memref_slice %arg3[%add3A_279, %dma_wait3A_280] : memref<1280x256xi32, #tpu.memory_space<hbm>> -> memref<1x256xi32, #tpu.memory_space<hbm>>
        %dma_wait3A_282 = tpu.memref_squeeze %dma_wait3A_281 : memref<1x256xi32, #tpu.memory_space<hbm>> -> memref<256xi32, #tpu.memory_space<hbm>>
        %dma_wait3A_283 = arith.constant 0 : i32
        %dma_wait3A_284 = tpu.memref_slice %arg3[%add3A_279, %dma_wait3A_283] : memref<1280x256xi32, #tpu.memory_space<hbm>> -> memref<1x256xi32, #tpu.memory_space<hbm>>
        %dma_wait3A_285 = tpu.memref_squeeze %dma_wait3A_284 : memref<1x256xi32, #tpu.memory_space<hbm>> -> memref<256xi32, #tpu.memory_space<hbm>>
        tpu.wait_dma2 semaphore(%arg18 : memref<!tpu.dma_semaphore, #tpu.memory_space<semaphore_mem>>) src(%dma_wait3A_285 : memref<256xi32, #tpu.memory_space<hbm>>) dst(%arg8 : memref<256xi32, #tpu.memory_space<vmem>>)
        %mul3A_286 = arith.constant 80 : i32
        %mul3A_287 = arith.muli %arg1, %mul3A_286 : i32
        %add3A_288 = arith.addi %mul3A_287, %add3A_276 : i32
        %dma_wait3A_289 = arith.constant 0 : i32
        %dma_wait3A_290 = tpu.memref_slice %arg4[%add3A_288, %dma_wait3A_289] : memref<1280x256xi32, #tpu.memory_space<hbm>> -> memref<1x256xi32, #tpu.memory_space<hbm>>
        %dma_wait3A_291 = tpu.memref_squeeze %dma_wait3A_290 : memref<1x256xi32, #tpu.memory_space<hbm>> -> memref<256xi32, #tpu.memory_space<hbm>>
        %dma_wait3A_292 = arith.constant 0 : i32
        %dma_wait3A_293 = tpu.memref_slice %arg4[%add3A_288, %dma_wait3A_292] : memref<1280x256xi32, #tpu.memory_space<hbm>> -> memref<1x256xi32, #tpu.memory_space<hbm>>
        %dma_wait3A_294 = tpu.memref_squeeze %dma_wait3A_293 : memref<1x256xi32, #tpu.memory_space<hbm>> -> memref<256xi32, #tpu.memory_space<hbm>>
        tpu.wait_dma2 semaphore(%arg18 : memref<!tpu.dma_semaphore, #tpu.memory_space<semaphore_mem>>) src(%dma_wait3A_294 : memref<256xi32, #tpu.memory_space<hbm>>) dst(%arg12 : memref<256xi32, #tpu.memory_space<vmem>>)
        %dma_start3A_295 = arith.constant 0 : i32
        %dma_start3A_296 = arith.constant 0 : i32
        %dma_start3A_297 = tpu.memref_slice %arg24[%dma_start3A_295, %dma_start3A_296] : memref<10240x64xf32, #tpu.memory_space<vmem_shared>> -> memref<10240x64xf32, #tpu.memory_space<vmem_shared>>
        tpu.enqueue_indirect_dma source(%dma_start3A_297 : memref<10240x64xf32, #tpu.memory_space<vmem_shared>>) target(%arg14 : memref<256x64xf32, #tpu.memory_space<vmem>>) offsets(%arg8 : memref<256xi32, #tpu.memory_space<vmem>>) semaphore(%arg20 : memref<!tpu.dma_semaphore, #tpu.memory_space<semaphore_mem>>)
      } else {
      }
      %mul3A_200 = arith.constant 4 : i32
      %mul3A_201 = arith.muli %scan3A_178, %mul3A_200 : i32
      %add3A_202 = arith.constant 1 : i32
      %add3A_203 = arith.addi %mul3A_201, %add3A_202 : i32
      %dma_wait3A_204 = arith.constant 0 : i32
      %dma_wait3A_205 = arith.constant 0 : i32
      %dma_wait3A_206 = tpu.memref_slice %arg24[%dma_wait3A_204, %dma_wait3A_205] : memref<10240x64xf32, #tpu.memory_space<vmem_shared>> -> memref<10240x64xf32, #tpu.memory_space<vmem_shared>>
      tpu.wait_indirect_dma semaphore(%arg21 : memref<!tpu.dma_semaphore, #tpu.memory_space<semaphore_mem>>) src(%dma_wait3A_206 : memref<10240x64xf32, #tpu.memory_space<vmem_shared>>) dst(%arg15 : memref<256x64xf32, #tpu.memory_space<vmem>>)
      %add3A_207 = arith.constant 2 : i32
      %add3A_208 = arith.addi %add3A_203, %add3A_207 : i32
      %lt3A_209 = arith.constant 80 : i32
      %lt3A_210 = arith.cmpi slt, %add3A_208, %lt3A_209 : i32
      %convert_element_type3A_211 = arith.extui %lt3A_210 : i1 to i32
      %cond3A_212 = arith.constant 0 : i32
      %cond3A_213 = arith.cmpi ne, %convert_element_type3A_211, %cond3A_212 : i32
      scf.if %cond3A_213 {
        %add3A_272 = arith.constant 2 : i32
        %add3A_273 = arith.addi %add3A_203, %add3A_272 : i32
        %mul3A_274 = arith.constant 80 : i32
        %mul3A_275 = arith.muli %arg1, %mul3A_274 : i32
        %add3A_276 = arith.addi %mul3A_275, %add3A_273 : i32
        %dma_start3A_277 = arith.constant 0 : i32
        %dma_start3A_278 = tpu.memref_slice %arg3[%add3A_276, %dma_start3A_277] : memref<1280x256xi32, #tpu.memory_space<hbm>> -> memref<1x256xi32, #tpu.memory_space<hbm>>
        %dma_start3A_279 = tpu.memref_squeeze %dma_start3A_278 : memref<1x256xi32, #tpu.memory_space<hbm>> -> memref<256xi32, #tpu.memory_space<hbm>>
        %dma_start3A_280 = arith.constant 0 : i32
        %dma_start3A_281 = tpu.memref_slice %arg3[%add3A_276, %dma_start3A_280] : memref<1280x256xi32, #tpu.memory_space<hbm>> -> memref<1x256xi32, #tpu.memory_space<hbm>>
        %dma_start3A_282 = tpu.memref_squeeze %dma_start3A_281 : memref<1x256xi32, #tpu.memory_space<hbm>> -> memref<256xi32, #tpu.memory_space<hbm>>
        tpu.enqueue_dma source(%dma_start3A_282 : memref<256xi32, #tpu.memory_space<hbm>>) target(%arg9 : memref<256xi32, #tpu.memory_space<vmem>>) target_semaphore(%arg19 : memref<!tpu.dma_semaphore, #tpu.memory_space<semaphore_mem>>)
        %mul3A_283 = arith.constant 80 : i32
        %mul3A_284 = arith.muli %arg1, %mul3A_283 : i32
        %add3A_285 = arith.addi %mul3A_284, %add3A_273 : i32
        %dma_start3A_286 = arith.constant 0 : i32
        %dma_start3A_287 = tpu.memref_slice %arg4[%add3A_285, %dma_start3A_286] : memref<1280x256xi32, #tpu.memory_space<hbm>> -> memref<1x256xi32, #tpu.memory_space<hbm>>
        %dma_start3A_288 = tpu.memref_squeeze %dma_start3A_287 : memref<1x256xi32, #tpu.memory_space<hbm>> -> memref<256xi32, #tpu.memory_space<hbm>>
        %dma_start3A_289 = arith.constant 0 : i32
        %dma_start3A_290 = tpu.memref_slice %arg4[%add3A_285, %dma_start3A_289] : memref<1280x256xi32, #tpu.memory_space<hbm>> -> memref<1x256xi32, #tpu.memory_space<hbm>>
        %dma_start3A_291 = tpu.memref_squeeze %dma_start3A_290 : memref<1x256xi32, #tpu.memory_space<hbm>> -> memref<256xi32, #tpu.memory_space<hbm>>
        tpu.enqueue_dma source(%dma_start3A_291 : memref<256xi32, #tpu.memory_space<hbm>>) target(%arg13 : memref<256xi32, #tpu.memory_space<vmem>>) target_semaphore(%arg19 : memref<!tpu.dma_semaphore, #tpu.memory_space<semaphore_mem>>)
      } else {
      }
      %dma_start3A_214 = arith.constant 0 : i32
      %dma_start3A_215 = arith.constant 0 : i32
      %dma_start3A_216 = tpu.memref_slice %arg25[%dma_start3A_214, %dma_start3A_215] : memref<10240x64xf32, #tpu.memory_space<vmem_shared>> -> memref<10240x64xf32, #tpu.memory_space<vmem_shared>>
      tpu.enqueue_indirect_dma source(%arg15 : memref<256x64xf32, #tpu.memory_space<vmem>>) target(%dma_start3A_216 : memref<10240x64xf32, #tpu.memory_space<vmem_shared>>) offsets(%arg11 : memref<256xi32, #tpu.memory_space<vmem>>) semaphore(%arg23 : memref<!tpu.dma_semaphore, #tpu.memory_space<semaphore_mem>>) {add = true}
      %add3A_217 = arith.constant 2 : i32
      %add3A_218 = arith.addi %add3A_203, %add3A_217 : i32
      %lt3A_219 = arith.constant 80 : i32
      %lt3A_220 = arith.cmpi slt, %add3A_218, %lt3A_219 : i32
      %convert_element_type3A_221 = arith.extui %lt3A_220 : i1 to i32
      %cond3A_222 = arith.constant 0 : i32
      %cond3A_223 = arith.cmpi ne, %convert_element_type3A_221, %cond3A_222 : i32
      scf.if %cond3A_223 {
        %dma_wait3A_272 = arith.constant 0 : i32
        %dma_wait3A_273 = arith.constant 0 : i32
        %dma_wait3A_274 = tpu.memref_slice %arg25[%dma_wait3A_272, %dma_wait3A_273] : memref<10240x64xf32, #tpu.memory_space<vmem_shared>> -> memref<10240x64xf32, #tpu.memory_space<vmem_shared>>
        tpu.wait_indirect_dma semaphore(%arg23 : memref<!tpu.dma_semaphore, #tpu.memory_space<semaphore_mem>>) src(%arg15 : memref<256x64xf32, #tpu.memory_space<vmem>>) dst(%dma_wait3A_274 : memref<10240x64xf32, #tpu.memory_space<vmem_shared>>)
        %add3A_275 = arith.constant 2 : i32
        %add3A_276 = arith.addi %add3A_203, %add3A_275 : i32
        %mul3A_277 = arith.constant 80 : i32
        %mul3A_278 = arith.muli %arg1, %mul3A_277 : i32
        %add3A_279 = arith.addi %mul3A_278, %add3A_276 : i32
        %dma_wait3A_280 = arith.constant 0 : i32
        %dma_wait3A_281 = tpu.memref_slice %arg3[%add3A_279, %dma_wait3A_280] : memref<1280x256xi32, #tpu.memory_space<hbm>> -> memref<1x256xi32, #tpu.memory_space<hbm>>
        %dma_wait3A_282 = tpu.memref_squeeze %dma_wait3A_281 : memref<1x256xi32, #tpu.memory_space<hbm>> -> memref<256xi32, #tpu.memory_space<hbm>>
        %dma_wait3A_283 = arith.constant 0 : i32
        %dma_wait3A_284 = tpu.memref_slice %arg3[%add3A_279, %dma_wait3A_283] : memref<1280x256xi32, #tpu.memory_space<hbm>> -> memref<1x256xi32, #tpu.memory_space<hbm>>
        %dma_wait3A_285 = tpu.memref_squeeze %dma_wait3A_284 : memref<1x256xi32, #tpu.memory_space<hbm>> -> memref<256xi32, #tpu.memory_space<hbm>>
        tpu.wait_dma2 semaphore(%arg19 : memref<!tpu.dma_semaphore, #tpu.memory_space<semaphore_mem>>) src(%dma_wait3A_285 : memref<256xi32, #tpu.memory_space<hbm>>) dst(%arg9 : memref<256xi32, #tpu.memory_space<vmem>>)
        %mul3A_286 = arith.constant 80 : i32
        %mul3A_287 = arith.muli %arg1, %mul3A_286 : i32
        %add3A_288 = arith.addi %mul3A_287, %add3A_276 : i32
        %dma_wait3A_289 = arith.constant 0 : i32
        %dma_wait3A_290 = tpu.memref_slice %arg4[%add3A_288, %dma_wait3A_289] : memref<1280x256xi32, #tpu.memory_space<hbm>> -> memref<1x256xi32, #tpu.memory_space<hbm>>
        %dma_wait3A_291 = tpu.memref_squeeze %dma_wait3A_290 : memref<1x256xi32, #tpu.memory_space<hbm>> -> memref<256xi32, #tpu.memory_space<hbm>>
        %dma_wait3A_292 = arith.constant 0 : i32
        %dma_wait3A_293 = tpu.memref_slice %arg4[%add3A_288, %dma_wait3A_292] : memref<1280x256xi32, #tpu.memory_space<hbm>> -> memref<1x256xi32, #tpu.memory_space<hbm>>
        %dma_wait3A_294 = tpu.memref_squeeze %dma_wait3A_293 : memref<1x256xi32, #tpu.memory_space<hbm>> -> memref<256xi32, #tpu.memory_space<hbm>>
        tpu.wait_dma2 semaphore(%arg19 : memref<!tpu.dma_semaphore, #tpu.memory_space<semaphore_mem>>) src(%dma_wait3A_294 : memref<256xi32, #tpu.memory_space<hbm>>) dst(%arg13 : memref<256xi32, #tpu.memory_space<vmem>>)
        %dma_start3A_295 = arith.constant 0 : i32
        %dma_start3A_296 = arith.constant 0 : i32
        %dma_start3A_297 = tpu.memref_slice %arg24[%dma_start3A_295, %dma_start3A_296] : memref<10240x64xf32, #tpu.memory_space<vmem_shared>> -> memref<10240x64xf32, #tpu.memory_space<vmem_shared>>
        tpu.enqueue_indirect_dma source(%dma_start3A_297 : memref<10240x64xf32, #tpu.memory_space<vmem_shared>>) target(%arg15 : memref<256x64xf32, #tpu.memory_space<vmem>>) offsets(%arg9 : memref<256xi32, #tpu.memory_space<vmem>>) semaphore(%arg21 : memref<!tpu.dma_semaphore, #tpu.memory_space<semaphore_mem>>)
      } else {
      }
      %mul3A_224 = arith.constant 4 : i32
      %mul3A_225 = arith.muli %scan3A_178, %mul3A_224 : i32
      %add3A_226 = arith.constant 2 : i32
      %add3A_227 = arith.addi %mul3A_225, %add3A_226 : i32
      %dma_wait3A_228 = arith.constant 0 : i32
      %dma_wait3A_229 = arith.constant 0 : i32
      %dma_wait3A_230 = tpu.memref_slice %arg24[%dma_wait3A_228, %dma_wait3A_229] : memref<10240x64xf32, #tpu.memory_space<vmem_shared>> -> memref<10240x64xf32, #tpu.memory_space<vmem_shared>>
      tpu.wait_indirect_dma semaphore(%arg20 : memref<!tpu.dma_semaphore, #tpu.memory_space<semaphore_mem>>) src(%dma_wait3A_230 : memref<10240x64xf32, #tpu.memory_space<vmem_shared>>) dst(%arg14 : memref<256x64xf32, #tpu.memory_space<vmem>>)
      %add3A_231 = arith.constant 2 : i32
      %add3A_232 = arith.addi %add3A_227, %add3A_231 : i32
      %lt3A_233 = arith.constant 80 : i32
      %lt3A_234 = arith.cmpi slt, %add3A_232, %lt3A_233 : i32
      %convert_element_type3A_235 = arith.extui %lt3A_234 : i1 to i32
      %cond3A_236 = arith.constant 0 : i32
      %cond3A_237 = arith.cmpi ne, %convert_element_type3A_235, %cond3A_236 : i32
      scf.if %cond3A_237 {
        %add3A_272 = arith.constant 2 : i32
        %add3A_273 = arith.addi %add3A_227, %add3A_272 : i32
        %mul3A_274 = arith.constant 80 : i32
        %mul3A_275 = arith.muli %arg1, %mul3A_274 : i32
        %add3A_276 = arith.addi %mul3A_275, %add3A_273 : i32
        %dma_start3A_277 = arith.constant 0 : i32
        %dma_start3A_278 = tpu.memref_slice %arg3[%add3A_276, %dma_start3A_277] : memref<1280x256xi32, #tpu.memory_space<hbm>> -> memref<1x256xi32, #tpu.memory_space<hbm>>
        %dma_start3A_279 = tpu.memref_squeeze %dma_start3A_278 : memref<1x256xi32, #tpu.memory_space<hbm>> -> memref<256xi32, #tpu.memory_space<hbm>>
        %dma_start3A_280 = arith.constant 0 : i32
        %dma_start3A_281 = tpu.memref_slice %arg3[%add3A_276, %dma_start3A_280] : memref<1280x256xi32, #tpu.memory_space<hbm>> -> memref<1x256xi32, #tpu.memory_space<hbm>>
        %dma_start3A_282 = tpu.memref_squeeze %dma_start3A_281 : memref<1x256xi32, #tpu.memory_space<hbm>> -> memref<256xi32, #tpu.memory_space<hbm>>
        tpu.enqueue_dma source(%dma_start3A_282 : memref<256xi32, #tpu.memory_space<hbm>>) target(%arg6 : memref<256xi32, #tpu.memory_space<vmem>>) target_semaphore(%arg16 : memref<!tpu.dma_semaphore, #tpu.memory_space<semaphore_mem>>)
        %mul3A_283 = arith.constant 80 : i32
        %mul3A_284 = arith.muli %arg1, %mul3A_283 : i32
        %add3A_285 = arith.addi %mul3A_284, %add3A_273 : i32
        %dma_start3A_286 = arith.constant 0 : i32
        %dma_start3A_287 = tpu.memref_slice %arg4[%add3A_285, %dma_start3A_286] : memref<1280x256xi32, #tpu.memory_space<hbm>> -> memref<1x256xi32, #tpu.memory_space<hbm>>
        %dma_start3A_288 = tpu.memref_squeeze %dma_start3A_287 : memref<1x256xi32, #tpu.memory_space<hbm>> -> memref<256xi32, #tpu.memory_space<hbm>>
        %dma_start3A_289 = arith.constant 0 : i32
        %dma_start3A_290 = tpu.memref_slice %arg4[%add3A_285, %dma_start3A_289] : memref<1280x256xi32, #tpu.memory_space<hbm>> -> memref<1x256xi32, #tpu.memory_space<hbm>>
        %dma_start3A_291 = tpu.memref_squeeze %dma_start3A_290 : memref<1x256xi32, #tpu.memory_space<hbm>> -> memref<256xi32, #tpu.memory_space<hbm>>
        tpu.enqueue_dma source(%dma_start3A_291 : memref<256xi32, #tpu.memory_space<hbm>>) target(%arg10 : memref<256xi32, #tpu.memory_space<vmem>>) target_semaphore(%arg16 : memref<!tpu.dma_semaphore, #tpu.memory_space<semaphore_mem>>)
      } else {
      }
      %dma_start3A_238 = arith.constant 0 : i32
      %dma_start3A_239 = arith.constant 0 : i32
      %dma_start3A_240 = tpu.memref_slice %arg25[%dma_start3A_238, %dma_start3A_239] : memref<10240x64xf32, #tpu.memory_space<vmem_shared>> -> memref<10240x64xf32, #tpu.memory_space<vmem_shared>>
      tpu.enqueue_indirect_dma source(%arg14 : memref<256x64xf32, #tpu.memory_space<vmem>>) target(%dma_start3A_240 : memref<10240x64xf32, #tpu.memory_space<vmem_shared>>) offsets(%arg12 : memref<256xi32, #tpu.memory_space<vmem>>) semaphore(%arg22 : memref<!tpu.dma_semaphore, #tpu.memory_space<semaphore_mem>>) {add = true}
      %add3A_241 = arith.constant 2 : i32
      %add3A_242 = arith.addi %add3A_227, %add3A_241 : i32
      %lt3A_243 = arith.constant 80 : i32
      %lt3A_244 = arith.cmpi slt, %add3A_242, %lt3A_243 : i32
      %convert_element_type3A_245 = arith.extui %lt3A_244 : i1 to i32
      %cond3A_246 = arith.constant 0 : i32
      %cond3A_247 = arith.cmpi ne, %convert_element_type3A_245, %cond3A_246 : i32
      scf.if %cond3A_247 {
        %dma_wait3A_272 = arith.constant 0 : i32
        %dma_wait3A_273 = arith.constant 0 : i32
        %dma_wait3A_274 = tpu.memref_slice %arg25[%dma_wait3A_272, %dma_wait3A_273] : memref<10240x64xf32, #tpu.memory_space<vmem_shared>> -> memref<10240x64xf32, #tpu.memory_space<vmem_shared>>
        tpu.wait_indirect_dma semaphore(%arg22 : memref<!tpu.dma_semaphore, #tpu.memory_space<semaphore_mem>>) src(%arg14 : memref<256x64xf32, #tpu.memory_space<vmem>>) dst(%dma_wait3A_274 : memref<10240x64xf32, #tpu.memory_space<vmem_shared>>)
        %add3A_275 = arith.constant 2 : i32
        %add3A_276 = arith.addi %add3A_227, %add3A_275 : i32
        %mul3A_277 = arith.constant 80 : i32
        %mul3A_278 = arith.muli %arg1, %mul3A_277 : i32
        %add3A_279 = arith.addi %mul3A_278, %add3A_276 : i32
        %dma_wait3A_280 = arith.constant 0 : i32
        %dma_wait3A_281 = tpu.memref_slice %arg3[%add3A_279, %dma_wait3A_280] : memref<1280x256xi32, #tpu.memory_space<hbm>> -> memref<1x256xi32, #tpu.memory_space<hbm>>
        %dma_wait3A_282 = tpu.memref_squeeze %dma_wait3A_281 : memref<1x256xi32, #tpu.memory_space<hbm>> -> memref<256xi32, #tpu.memory_space<hbm>>
        %dma_wait3A_283 = arith.constant 0 : i32
        %dma_wait3A_284 = tpu.memref_slice %arg3[%add3A_279, %dma_wait3A_283] : memref<1280x256xi32, #tpu.memory_space<hbm>> -> memref<1x256xi32, #tpu.memory_space<hbm>>
        %dma_wait3A_285 = tpu.memref_squeeze %dma_wait3A_284 : memref<1x256xi32, #tpu.memory_space<hbm>> -> memref<256xi32, #tpu.memory_space<hbm>>
        tpu.wait_dma2 semaphore(%arg16 : memref<!tpu.dma_semaphore, #tpu.memory_space<semaphore_mem>>) src(%dma_wait3A_285 : memref<256xi32, #tpu.memory_space<hbm>>) dst(%arg6 : memref<256xi32, #tpu.memory_space<vmem>>)
        %mul3A_286 = arith.constant 80 : i32
        %mul3A_287 = arith.muli %arg1, %mul3A_286 : i32
        %add3A_288 = arith.addi %mul3A_287, %add3A_276 : i32
        %dma_wait3A_289 = arith.constant 0 : i32
        %dma_wait3A_290 = tpu.memref_slice %arg4[%add3A_288, %dma_wait3A_289] : memref<1280x256xi32, #tpu.memory_space<hbm>> -> memref<1x256xi32, #tpu.memory_space<hbm>>
        %dma_wait3A_291 = tpu.memref_squeeze %dma_wait3A_290 : memref<1x256xi32, #tpu.memory_space<hbm>> -> memref<256xi32, #tpu.memory_space<hbm>>
        %dma_wait3A_292 = arith.constant 0 : i32
        %dma_wait3A_293 = tpu.memref_slice %arg4[%add3A_288, %dma_wait3A_292] : memref<1280x256xi32, #tpu.memory_space<hbm>> -> memref<1x256xi32, #tpu.memory_space<hbm>>
        %dma_wait3A_294 = tpu.memref_squeeze %dma_wait3A_293 : memref<1x256xi32, #tpu.memory_space<hbm>> -> memref<256xi32, #tpu.memory_space<hbm>>
        tpu.wait_dma2 semaphore(%arg16 : memref<!tpu.dma_semaphore, #tpu.memory_space<semaphore_mem>>) src(%dma_wait3A_294 : memref<256xi32, #tpu.memory_space<hbm>>) dst(%arg10 : memref<256xi32, #tpu.memory_space<vmem>>)
        %dma_start3A_295 = arith.constant 0 : i32
        %dma_start3A_296 = arith.constant 0 : i32
        %dma_start3A_297 = tpu.memref_slice %arg24[%dma_start3A_295, %dma_start3A_296] : memref<10240x64xf32, #tpu.memory_space<vmem_shared>> -> memref<10240x64xf32, #tpu.memory_space<vmem_shared>>
        tpu.enqueue_indirect_dma source(%dma_start3A_297 : memref<10240x64xf32, #tpu.memory_space<vmem_shared>>) target(%arg14 : memref<256x64xf32, #tpu.memory_space<vmem>>) offsets(%arg6 : memref<256xi32, #tpu.memory_space<vmem>>) semaphore(%arg20 : memref<!tpu.dma_semaphore, #tpu.memory_space<semaphore_mem>>)
      } else {
      }
      %mul3A_248 = arith.constant 4 : i32
      %mul3A_249 = arith.muli %scan3A_178, %mul3A_248 : i32
      %add3A_250 = arith.constant 3 : i32
      %add3A_251 = arith.addi %mul3A_249, %add3A_250 : i32
      %dma_wait3A_252 = arith.constant 0 : i32
      %dma_wait3A_253 = arith.constant 0 : i32
      %dma_wait3A_254 = tpu.memref_slice %arg24[%dma_wait3A_252, %dma_wait3A_253] : memref<10240x64xf32, #tpu.memory_space<vmem_shared>> -> memref<10240x64xf32, #tpu.memory_space<vmem_shared>>
      tpu.wait_indirect_dma semaphore(%arg21 : memref<!tpu.dma_semaphore, #tpu.memory_space<semaphore_mem>>) src(%dma_wait3A_254 : memref<10240x64xf32, #tpu.memory_space<vmem_shared>>) dst(%arg15 : memref<256x64xf32, #tpu.memory_space<vmem>>)
      %add3A_255 = arith.constant 2 : i32
      %add3A_256 = arith.addi %add3A_251, %add3A_255 : i32
      %lt3A_257 = arith.constant 80 : i32
      %lt3A_258 = arith.cmpi slt, %add3A_256, %lt3A_257 : i32
      %convert_element_type3A_259 = arith.extui %lt3A_258 : i1 to i32
      %cond3A_260 = arith.constant 0 : i32
      %cond3A_261 = arith.cmpi ne, %convert_element_type3A_259, %cond3A_260 : i32
      scf.if %cond3A_261 {
        %add3A_272 = arith.constant 2 : i32
        %add3A_273 = arith.addi %add3A_251, %add3A_272 : i32
        %mul3A_274 = arith.constant 80 : i32
        %mul3A_275 = arith.muli %arg1, %mul3A_274 : i32
        %add3A_276 = arith.addi %mul3A_275, %add3A_273 : i32
        %dma_start3A_277 = arith.constant 0 : i32
        %dma_start3A_278 = tpu.memref_slice %arg3[%add3A_276, %dma_start3A_277] : memref<1280x256xi32, #tpu.memory_space<hbm>> -> memref<1x256xi32, #tpu.memory_space<hbm>>
        %dma_start3A_279 = tpu.memref_squeeze %dma_start3A_278 : memref<1x256xi32, #tpu.memory_space<hbm>> -> memref<256xi32, #tpu.memory_space<hbm>>
        %dma_start3A_280 = arith.constant 0 : i32
        %dma_start3A_281 = tpu.memref_slice %arg3[%add3A_276, %dma_start3A_280] : memref<1280x256xi32, #tpu.memory_space<hbm>> -> memref<1x256xi32, #tpu.memory_space<hbm>>
        %dma_start3A_282 = tpu.memref_squeeze %dma_start3A_281 : memref<1x256xi32, #tpu.memory_space<hbm>> -> memref<256xi32, #tpu.memory_space<hbm>>
        tpu.enqueue_dma source(%dma_start3A_282 : memref<256xi32, #tpu.memory_space<hbm>>) target(%arg7 : memref<256xi32, #tpu.memory_space<vmem>>) target_semaphore(%arg17 : memref<!tpu.dma_semaphore, #tpu.memory_space<semaphore_mem>>)
        %mul3A_283 = arith.constant 80 : i32
        %mul3A_284 = arith.muli %arg1, %mul3A_283 : i32
        %add3A_285 = arith.addi %mul3A_284, %add3A_273 : i32
        %dma_start3A_286 = arith.constant 0 : i32
        %dma_start3A_287 = tpu.memref_slice %arg4[%add3A_285, %dma_start3A_286] : memref<1280x256xi32, #tpu.memory_space<hbm>> -> memref<1x256xi32, #tpu.memory_space<hbm>>
        %dma_start3A_288 = tpu.memref_squeeze %dma_start3A_287 : memref<1x256xi32, #tpu.memory_space<hbm>> -> memref<256xi32, #tpu.memory_space<hbm>>
        %dma_start3A_289 = arith.constant 0 : i32
        %dma_start3A_290 = tpu.memref_slice %arg4[%add3A_285, %dma_start3A_289] : memref<1280x256xi32, #tpu.memory_space<hbm>> -> memref<1x256xi32, #tpu.memory_space<hbm>>
        %dma_start3A_291 = tpu.memref_squeeze %dma_start3A_290 : memref<1x256xi32, #tpu.memory_space<hbm>> -> memref<256xi32, #tpu.memory_space<hbm>>
        tpu.enqueue_dma source(%dma_start3A_291 : memref<256xi32, #tpu.memory_space<hbm>>) target(%arg11 : memref<256xi32, #tpu.memory_space<vmem>>) target_semaphore(%arg17 : memref<!tpu.dma_semaphore, #tpu.memory_space<semaphore_mem>>)
      } else {
      }
      %dma_start3A_262 = arith.constant 0 : i32
      %dma_start3A_263 = arith.constant 0 : i32
      %dma_start3A_264 = tpu.memref_slice %arg25[%dma_start3A_262, %dma_start3A_263] : memref<10240x64xf32, #tpu.memory_space<vmem_shared>> -> memref<10240x64xf32, #tpu.memory_space<vmem_shared>>
      tpu.enqueue_indirect_dma source(%arg15 : memref<256x64xf32, #tpu.memory_space<vmem>>) target(%dma_start3A_264 : memref<10240x64xf32, #tpu.memory_space<vmem_shared>>) offsets(%arg13 : memref<256xi32, #tpu.memory_space<vmem>>) semaphore(%arg23 : memref<!tpu.dma_semaphore, #tpu.memory_space<semaphore_mem>>) {add = true}
      %add3A_265 = arith.constant 2 : i32
      %add3A_266 = arith.addi %add3A_251, %add3A_265 : i32
      %lt3A_267 = arith.constant 80 : i32
      %lt3A_268 = arith.cmpi slt, %add3A_266, %lt3A_267 : i32
      %convert_element_type3A_269 = arith.extui %lt3A_268 : i1 to i32
      %cond3A_270 = arith.constant 0 : i32
      %cond3A_271 = arith.cmpi ne, %convert_element_type3A_269, %cond3A_270 : i32
      scf.if %cond3A_271 {
        %dma_wait3A_272 = arith.constant 0 : i32
        %dma_wait3A_273 = arith.constant 0 : i32
        %dma_wait3A_274 = tpu.memref_slice %arg25[%dma_wait3A_272, %dma_wait3A_273] : memref<10240x64xf32, #tpu.memory_space<vmem_shared>> -> memref<10240x64xf32, #tpu.memory_space<vmem_shared>>
        tpu.wait_indirect_dma semaphore(%arg23 : memref<!tpu.dma_semaphore, #tpu.memory_space<semaphore_mem>>) src(%arg15 : memref<256x64xf32, #tpu.memory_space<vmem>>) dst(%dma_wait3A_274 : memref<10240x64xf32, #tpu.memory_space<vmem_shared>>)
        %add3A_275 = arith.constant 2 : i32
        %add3A_276 = arith.addi %add3A_251, %add3A_275 : i32
        %mul3A_277 = arith.constant 80 : i32
        %mul3A_278 = arith.muli %arg1, %mul3A_277 : i32
        %add3A_279 = arith.addi %mul3A_278, %add3A_276 : i32
        %dma_wait3A_280 = arith.constant 0 : i32
        %dma_wait3A_281 = tpu.memref_slice %arg3[%add3A_279, %dma_wait3A_280] : memref<1280x256xi32, #tpu.memory_space<hbm>> -> memref<1x256xi32, #tpu.memory_space<hbm>>
        %dma_wait3A_282 = tpu.memref_squeeze %dma_wait3A_281 : memref<1x256xi32, #tpu.memory_space<hbm>> -> memref<256xi32, #tpu.memory_space<hbm>>
        %dma_wait3A_283 = arith.constant 0 : i32
        %dma_wait3A_284 = tpu.memref_slice %arg3[%add3A_279, %dma_wait3A_283] : memref<1280x256xi32, #tpu.memory_space<hbm>> -> memref<1x256xi32, #tpu.memory_space<hbm>>
        %dma_wait3A_285 = tpu.memref_squeeze %dma_wait3A_284 : memref<1x256xi32, #tpu.memory_space<hbm>> -> memref<256xi32, #tpu.memory_space<hbm>>
        tpu.wait_dma2 semaphore(%arg17 : memref<!tpu.dma_semaphore, #tpu.memory_space<semaphore_mem>>) src(%dma_wait3A_285 : memref<256xi32, #tpu.memory_space<hbm>>) dst(%arg7 : memref<256xi32, #tpu.memory_space<vmem>>)
        %mul3A_286 = arith.constant 80 : i32
        %mul3A_287 = arith.muli %arg1, %mul3A_286 : i32
        %add3A_288 = arith.addi %mul3A_287, %add3A_276 : i32
        %dma_wait3A_289 = arith.constant 0 : i32
        %dma_wait3A_290 = tpu.memref_slice %arg4[%add3A_288, %dma_wait3A_289] : memref<1280x256xi32, #tpu.memory_space<hbm>> -> memref<1x256xi32, #tpu.memory_space<hbm>>
        %dma_wait3A_291 = tpu.memref_squeeze %dma_wait3A_290 : memref<1x256xi32, #tpu.memory_space<hbm>> -> memref<256xi32, #tpu.memory_space<hbm>>
        %dma_wait3A_292 = arith.constant 0 : i32
        %dma_wait3A_293 = tpu.memref_slice %arg4[%add3A_288, %dma_wait3A_292] : memref<1280x256xi32, #tpu.memory_space<hbm>> -> memref<1x256xi32, #tpu.memory_space<hbm>>
        %dma_wait3A_294 = tpu.memref_squeeze %dma_wait3A_293 : memref<1x256xi32, #tpu.memory_space<hbm>> -> memref<256xi32, #tpu.memory_space<hbm>>
        tpu.wait_dma2 semaphore(%arg17 : memref<!tpu.dma_semaphore, #tpu.memory_space<semaphore_mem>>) src(%dma_wait3A_294 : memref<256xi32, #tpu.memory_space<hbm>>) dst(%arg11 : memref<256xi32, #tpu.memory_space<vmem>>)
        %dma_start3A_295 = arith.constant 0 : i32
        %dma_start3A_296 = arith.constant 0 : i32
        %dma_start3A_297 = tpu.memref_slice %arg24[%dma_start3A_295, %dma_start3A_296] : memref<10240x64xf32, #tpu.memory_space<vmem_shared>> -> memref<10240x64xf32, #tpu.memory_space<vmem_shared>>
        tpu.enqueue_indirect_dma source(%dma_start3A_297 : memref<10240x64xf32, #tpu.memory_space<vmem_shared>>) target(%arg15 : memref<256x64xf32, #tpu.memory_space<vmem>>) offsets(%arg7 : memref<256xi32, #tpu.memory_space<vmem>>) semaphore(%arg21 : memref<!tpu.dma_semaphore, #tpu.memory_space<semaphore_mem>>)
      } else {
      }
    }
    %scan3A_148 = arith.constant 20 : i32
    %dma_wait3A_149 = arith.constant 0 : i32
    %dma_wait3A_150 = arith.constant 0 : i32
    %dma_wait3A_151 = tpu.memref_slice %arg25[%dma_wait3A_149, %dma_wait3A_150] : memref<10240x64xf32, #tpu.memory_space<vmem_shared>> -> memref<10240x64xf32, #tpu.memory_space<vmem_shared>>
    tpu.wait_indirect_dma semaphore(%arg22 : memref<!tpu.dma_semaphore, #tpu.memory_space<semaphore_mem>>) src(%arg14 : memref<256x64xf32, #tpu.memory_space<vmem>>) dst(%dma_wait3A_151 : memref<10240x64xf32, #tpu.memory_space<vmem_shared>>)
    %dma_wait3A_152 = arith.constant 0 : i32
    %dma_wait3A_153 = arith.constant 0 : i32
    %dma_wait3A_154 = tpu.memref_slice %arg25[%dma_wait3A_152, %dma_wait3A_153] : memref<10240x64xf32, #tpu.memory_space<vmem_shared>> -> memref<10240x64xf32, #tpu.memory_space<vmem_shared>>
    tpu.wait_indirect_dma semaphore(%arg23 : memref<!tpu.dma_semaphore, #tpu.memory_space<semaphore_mem>>) src(%arg15 : memref<256x64xf32, #tpu.memory_space<vmem>>) dst(%dma_wait3A_154 : memref<10240x64xf32, #tpu.memory_space<vmem_shared>>)
    %barrier3A_155 = arith.constant 0 : index
    tpu.barrier barrier_id(%barrier3A_155)
    %mul3A_156 = arith.constant 640 : i32
    %mul3A_157 = arith.muli %arg1, %mul3A_156 : i32
    %add3A_158 = arith.constant 0 : i32
    %add3A_159 = arith.addi %mul3A_157, %add3A_158 : i32
    "tpu.region"() ({
      %run_scoped3A = tpu.sem_alloc : memref<!tpu.dma_semaphore, #tpu.memory_space<semaphore_mem>>
      %dma_start3A_178 = arith.constant 0 : i32
      %dma_start3A_179 = arith.constant 0 : i32
      %dma_start3A_180 = tpu.memref_slice %arg14[%dma_start3A_178, %dma_start3A_179] : memref<256x64xf32, #tpu.memory_space<vmem>> -> memref<128x64xf32, #tpu.memory_space<vmem>>
      %dma_start3A_181 = arith.constant 0 : i32
      %dma_start3A_182 = tpu.memref_slice %arg25[%add3A_159, %dma_start3A_181] : memref<10240x64xf32, #tpu.memory_space<vmem_shared>> -> memref<128x64xf32, #tpu.memory_space<vmem_shared>>
      %dma_start3A_183 = arith.constant 0 : i32
      %dma_start3A_184 = arith.constant 0 : i32
      %dma_start3A_185 = tpu.memref_slice %arg14[%dma_start3A_183, %dma_start3A_184] : memref<256x64xf32, #tpu.memory_space<vmem>> -> memref<128x64xf32, #tpu.memory_space<vmem>>
      %dma_start3A_186 = arith.constant 0 : i32
      %dma_start3A_187 = tpu.memref_slice %arg25[%add3A_159, %dma_start3A_186] : memref<10240x64xf32, #tpu.memory_space<vmem_shared>> -> memref<128x64xf32, #tpu.memory_space<vmem_shared>>
      tpu.enqueue_dma source(%dma_start3A_187 : memref<128x64xf32, #tpu.memory_space<vmem_shared>>) target(%dma_start3A_185 : memref<128x64xf32, #tpu.memory_space<vmem>>) target_semaphore(%run_scoped3A : memref<!tpu.dma_semaphore, #tpu.memory_space<semaphore_mem>>)
      %dma_wait3A_188 = arith.constant 0 : i32
      %dma_wait3A_189 = arith.constant 0 : i32
      %dma_wait3A_190 = tpu.memref_slice %arg14[%dma_wait3A_188, %dma_wait3A_189] : memref<256x64xf32, #tpu.memory_space<vmem>> -> memref<128x64xf32, #tpu.memory_space<vmem>>
      %dma_wait3A_191 = arith.constant 0 : i32
      %dma_wait3A_192 = tpu.memref_slice %arg25[%add3A_159, %dma_wait3A_191] : memref<10240x64xf32, #tpu.memory_space<vmem_shared>> -> memref<128x64xf32, #tpu.memory_space<vmem_shared>>
      %dma_wait3A_193 = arith.constant 0 : i32
      %dma_wait3A_194 = arith.constant 0 : i32
      %dma_wait3A_195 = tpu.memref_slice %arg14[%dma_wait3A_193, %dma_wait3A_194] : memref<256x64xf32, #tpu.memory_space<vmem>> -> memref<128x64xf32, #tpu.memory_space<vmem>>
      %dma_wait3A_196 = arith.constant 0 : i32
      %dma_wait3A_197 = tpu.memref_slice %arg25[%add3A_159, %dma_wait3A_196] : memref<10240x64xf32, #tpu.memory_space<vmem_shared>> -> memref<128x64xf32, #tpu.memory_space<vmem_shared>>
      tpu.wait_dma2 semaphore(%run_scoped3A : memref<!tpu.dma_semaphore, #tpu.memory_space<semaphore_mem>>) src(%dma_wait3A_197 : memref<128x64xf32, #tpu.memory_space<vmem_shared>>) dst(%dma_wait3A_195 : memref<128x64xf32, #tpu.memory_space<vmem>>)
      tpu.yield
    }) : () -> ()
    %add3A_160 = arith.constant 0 : i32
    %add3A_161 = arith.addi %mul3A_157, %add3A_160 : i32
    "tpu.region"() ({
      %run_scoped3A = tpu.sem_alloc : memref<!tpu.dma_semaphore, #tpu.memory_space<semaphore_mem>>
      %dma_start3A_178 = arith.constant 0 : i32
      %dma_start3A_179 = arith.constant 0 : i32
      %dma_start3A_180 = tpu.memref_slice %arg14[%dma_start3A_178, %dma_start3A_179] : memref<256x64xf32, #tpu.memory_space<vmem>> -> memref<128x64xf32, #tpu.memory_space<vmem>>
      %dma_start3A_181 = arith.constant 0 : i32
      %dma_start3A_182 = tpu.memref_slice %arg5[%arg0, %add3A_161, %dma_start3A_181] : memref<2x10240x64xf32, #tpu.memory_space<hbm>> -> memref<1x128x64xf32, #tpu.memory_space<hbm>>
      %dma_start3A_183 = tpu.memref_squeeze %dma_start3A_182 : memref<1x128x64xf32, #tpu.memory_space<hbm>> -> memref<128x64xf32, #tpu.memory_space<hbm>>
      %dma_start3A_184 = arith.constant 0 : i32
      %dma_start3A_185 = tpu.memref_slice %arg5[%arg0, %add3A_161, %dma_start3A_184] : memref<2x10240x64xf32, #tpu.memory_space<hbm>> -> memref<1x128x64xf32, #tpu.memory_space<hbm>>
      %dma_start3A_186 = tpu.memref_squeeze %dma_start3A_185 : memref<1x128x64xf32, #tpu.memory_space<hbm>> -> memref<128x64xf32, #tpu.memory_space<hbm>>
      %dma_start3A_187 = arith.constant 0 : i32
      %dma_start3A_188 = arith.constant 0 : i32
      %dma_start3A_189 = tpu.memref_slice %arg14[%dma_start3A_187, %dma_start3A_188] : memref<256x64xf32, #tpu.memory_space<vmem>> -> memref<128x64xf32, #tpu.memory_space<vmem>>
      tpu.enqueue_dma source(%dma_start3A_189 : memref<128x64xf32, #tpu.memory_space<vmem>>) target(%dma_start3A_186 : memref<128x64xf32, #tpu.memory_space<hbm>>) target_semaphore(%run_scoped3A : memref<!tpu.dma_semaphore, #tpu.memory_space<semaphore_mem>>)
      %dma_wait3A_190 = arith.constant 0 : i32
      %dma_wait3A_191 = arith.constant 0 : i32
      %dma_wait3A_192 = tpu.memref_slice %arg14[%dma_wait3A_190, %dma_wait3A_191] : memref<256x64xf32, #tpu.memory_space<vmem>> -> memref<128x64xf32, #tpu.memory_space<vmem>>
      %dma_wait3A_193 = arith.constant 0 : i32
      %dma_wait3A_194 = tpu.memref_slice %arg5[%arg0, %add3A_161, %dma_wait3A_193] : memref<2x10240x64xf32, #tpu.memory_space<hbm>> -> memref<1x128x64xf32, #tpu.memory_space<hbm>>
      %dma_wait3A_195 = tpu.memref_squeeze %dma_wait3A_194 : memref<1x128x64xf32, #tpu.memory_space<hbm>> -> memref<128x64xf32, #tpu.memory_space<hbm>>
      %dma_wait3A_196 = arith.constant 0 : i32
      %dma_wait3A_197 = tpu.memref_slice %arg5[%arg0, %add3A_161, %dma_wait3A_196] : memref<2x10240x64xf32, #tpu.memory_space<hbm>> -> memref<1x128x64xf32, #tpu.memory_space<hbm>>
      %dma_wait3A_198 = tpu.memref_squeeze %dma_wait3A_197 : memref<1x128x64xf32, #tpu.memory_space<hbm>> -> memref<128x64xf32, #tpu.memory_space<hbm>>
      %dma_wait3A_199 = arith.constant 0 : i32
      %dma_wait3A_200 = arith.constant 0 : i32
      %dma_wait3A_201 = tpu.memref_slice %arg14[%dma_wait3A_199, %dma_wait3A_200] : memref<256x64xf32, #tpu.memory_space<vmem>> -> memref<128x64xf32, #tpu.memory_space<vmem>>
      tpu.wait_dma2 semaphore(%run_scoped3A : memref<!tpu.dma_semaphore, #tpu.memory_space<semaphore_mem>>) src(%dma_wait3A_201 : memref<128x64xf32, #tpu.memory_space<vmem>>) dst(%dma_wait3A_198 : memref<128x64xf32, #tpu.memory_space<hbm>>)
      tpu.yield
    }) : () -> ()
    %add3A_162 = arith.constant 128 : i32
    %add3A_163 = arith.addi %mul3A_157, %add3A_162 : i32
    "tpu.region"() ({
      %run_scoped3A = tpu.sem_alloc : memref<!tpu.dma_semaphore, #tpu.memory_space<semaphore_mem>>
      %dma_start3A_178 = arith.constant 0 : i32
      %dma_start3A_179 = arith.constant 0 : i32
      %dma_start3A_180 = tpu.memref_slice %arg14[%dma_start3A_178, %dma_start3A_179] : memref<256x64xf32, #tpu.memory_space<vmem>> -> memref<128x64xf32, #tpu.memory_space<vmem>>
      %dma_start3A_181 = arith.constant 0 : i32
      %dma_start3A_182 = tpu.memref_slice %arg25[%add3A_163, %dma_start3A_181] : memref<10240x64xf32, #tpu.memory_space<vmem_shared>> -> memref<128x64xf32, #tpu.memory_space<vmem_shared>>
      %dma_start3A_183 = arith.constant 0 : i32
      %dma_start3A_184 = arith.constant 0 : i32
      %dma_start3A_185 = tpu.memref_slice %arg14[%dma_start3A_183, %dma_start3A_184] : memref<256x64xf32, #tpu.memory_space<vmem>> -> memref<128x64xf32, #tpu.memory_space<vmem>>
      %dma_start3A_186 = arith.constant 0 : i32
      %dma_start3A_187 = tpu.memref_slice %arg25[%add3A_163, %dma_start3A_186] : memref<10240x64xf32, #tpu.memory_space<vmem_shared>> -> memref<128x64xf32, #tpu.memory_space<vmem_shared>>
      tpu.enqueue_dma source(%dma_start3A_187 : memref<128x64xf32, #tpu.memory_space<vmem_shared>>) target(%dma_start3A_185 : memref<128x64xf32, #tpu.memory_space<vmem>>) target_semaphore(%run_scoped3A : memref<!tpu.dma_semaphore, #tpu.memory_space<semaphore_mem>>)
      %dma_wait3A_188 = arith.constant 0 : i32
      %dma_wait3A_189 = arith.constant 0 : i32
      %dma_wait3A_190 = tpu.memref_slice %arg14[%dma_wait3A_188, %dma_wait3A_189] : memref<256x64xf32, #tpu.memory_space<vmem>> -> memref<128x64xf32, #tpu.memory_space<vmem>>
      %dma_wait3A_191 = arith.constant 0 : i32
      %dma_wait3A_192 = tpu.memref_slice %arg25[%add3A_163, %dma_wait3A_191] : memref<10240x64xf32, #tpu.memory_space<vmem_shared>> -> memref<128x64xf32, #tpu.memory_space<vmem_shared>>
      %dma_wait3A_193 = arith.constant 0 : i32
      %dma_wait3A_194 = arith.constant 0 : i32
      %dma_wait3A_195 = tpu.memref_slice %arg14[%dma_wait3A_193, %dma_wait3A_194] : memref<256x64xf32, #tpu.memory_space<vmem>> -> memref<128x64xf32, #tpu.memory_space<vmem>>
      %dma_wait3A_196 = arith.constant 0 : i32
      %dma_wait3A_197 = tpu.memref_slice %arg25[%add3A_163, %dma_wait3A_196] : memref<10240x64xf32, #tpu.memory_space<vmem_shared>> -> memref<128x64xf32, #tpu.memory_space<vmem_shared>>
      tpu.wait_dma2 semaphore(%run_scoped3A : memref<!tpu.dma_semaphore, #tpu.memory_space<semaphore_mem>>) src(%dma_wait3A_197 : memref<128x64xf32, #tpu.memory_space<vmem_shared>>) dst(%dma_wait3A_195 : memref<128x64xf32, #tpu.memory_space<vmem>>)
      tpu.yield
    }) : () -> ()
    %add3A_164 = arith.constant 128 : i32
    %add3A_165 = arith.addi %mul3A_157, %add3A_164 : i32
    "tpu.region"() ({
      %run_scoped3A = tpu.sem_alloc : memref<!tpu.dma_semaphore, #tpu.memory_space<semaphore_mem>>
      %dma_start3A_178 = arith.constant 0 : i32
      %dma_start3A_179 = arith.constant 0 : i32
      %dma_start3A_180 = tpu.memref_slice %arg14[%dma_start3A_178, %dma_start3A_179] : memref<256x64xf32, #tpu.memory_space<vmem>> -> memref<128x64xf32, #tpu.memory_space<vmem>>
      %dma_start3A_181 = arith.constant 0 : i32
      %dma_start3A_182 = tpu.memref_slice %arg5[%arg0, %add3A_165, %dma_start3A_181] : memref<2x10240x64xf32, #tpu.memory_space<hbm>> -> memref<1x128x64xf32, #tpu.memory_space<hbm>>
      %dma_start3A_183 = tpu.memref_squeeze %dma_start3A_182 : memref<1x128x64xf32, #tpu.memory_space<hbm>> -> memref<128x64xf32, #tpu.memory_space<hbm>>
      %dma_start3A_184 = arith.constant 0 : i32
      %dma_start3A_185 = tpu.memref_slice %arg5[%arg0, %add3A_165, %dma_start3A_184] : memref<2x10240x64xf32, #tpu.memory_space<hbm>> -> memref<1x128x64xf32, #tpu.memory_space<hbm>>
      %dma_start3A_186 = tpu.memref_squeeze %dma_start3A_185 : memref<1x128x64xf32, #tpu.memory_space<hbm>> -> memref<128x64xf32, #tpu.memory_space<hbm>>
      %dma_start3A_187 = arith.constant 0 : i32
      %dma_start3A_188 = arith.constant 0 : i32
      %dma_start3A_189 = tpu.memref_slice %arg14[%dma_start3A_187, %dma_start3A_188] : memref<256x64xf32, #tpu.memory_space<vmem>> -> memref<128x64xf32, #tpu.memory_space<vmem>>
      tpu.enqueue_dma source(%dma_start3A_189 : memref<128x64xf32, #tpu.memory_space<vmem>>) target(%dma_start3A_186 : memref<128x64xf32, #tpu.memory_space<hbm>>) target_semaphore(%run_scoped3A : memref<!tpu.dma_semaphore, #tpu.memory_space<semaphore_mem>>)
      %dma_wait3A_190 = arith.constant 0 : i32
      %dma_wait3A_191 = arith.constant 0 : i32
      %dma_wait3A_192 = tpu.memref_slice %arg14[%dma_wait3A_190, %dma_wait3A_191] : memref<256x64xf32, #tpu.memory_space<vmem>> -> memref<128x64xf32, #tpu.memory_space<vmem>>
      %dma_wait3A_193 = arith.constant 0 : i32
      %dma_wait3A_194 = tpu.memref_slice %arg5[%arg0, %add3A_165, %dma_wait3A_193] : memref<2x10240x64xf32, #tpu.memory_space<hbm>> -> memref<1x128x64xf32, #tpu.memory_space<hbm>>
      %dma_wait3A_195 = tpu.memref_squeeze %dma_wait3A_194 : memref<1x128x64xf32, #tpu.memory_space<hbm>> -> memref<128x64xf32, #tpu.memory_space<hbm>>
      %dma_wait3A_196 = arith.constant 0 : i32
      %dma_wait3A_197 = tpu.memref_slice %arg5[%arg0, %add3A_165, %dma_wait3A_196] : memref<2x10240x64xf32, #tpu.memory_space<hbm>> -> memref<1x128x64xf32, #tpu.memory_space<hbm>>
      %dma_wait3A_198 = tpu.memref_squeeze %dma_wait3A_197 : memref<1x128x64xf32, #tpu.memory_space<hbm>> -> memref<128x64xf32, #tpu.memory_space<hbm>>
      %dma_wait3A_199 = arith.constant 0 : i32
      %dma_wait3A_200 = arith.constant 0 : i32
      %dma_wait3A_201 = tpu.memref_slice %arg14[%dma_wait3A_199, %dma_wait3A_200] : memref<256x64xf32, #tpu.memory_space<vmem>> -> memref<128x64xf32, #tpu.memory_space<vmem>>
      tpu.wait_dma2 semaphore(%run_scoped3A : memref<!tpu.dma_semaphore, #tpu.memory_space<semaphore_mem>>) src(%dma_wait3A_201 : memref<128x64xf32, #tpu.memory_space<vmem>>) dst(%dma_wait3A_198 : memref<128x64xf32, #tpu.memory_space<hbm>>)
      tpu.yield
    }) : () -> ()
    %add3A_166 = arith.constant 256 : i32
    %add3A_167 = arith.addi %mul3A_157, %add3A_166 : i32
    "tpu.region"() ({
      %run_scoped3A = tpu.sem_alloc : memref<!tpu.dma_semaphore, #tpu.memory_space<semaphore_mem>>
      %dma_start3A_178 = arith.constant 0 : i32
      %dma_start3A_179 = arith.constant 0 : i32
      %dma_start3A_180 = tpu.memref_slice %arg14[%dma_start3A_178, %dma_start3A_179] : memref<256x64xf32, #tpu.memory_space<vmem>> -> memref<128x64xf32, #tpu.memory_space<vmem>>
      %dma_start3A_181 = arith.constant 0 : i32
      %dma_start3A_182 = tpu.memref_slice %arg25[%add3A_167, %dma_start3A_181] : memref<10240x64xf32, #tpu.memory_space<vmem_shared>> -> memref<128x64xf32, #tpu.memory_space<vmem_shared>>
      %dma_start3A_183 = arith.constant 0 : i32
      %dma_start3A_184 = arith.constant 0 : i32
      %dma_start3A_185 = tpu.memref_slice %arg14[%dma_start3A_183, %dma_start3A_184] : memref<256x64xf32, #tpu.memory_space<vmem>> -> memref<128x64xf32, #tpu.memory_space<vmem>>
      %dma_start3A_186 = arith.constant 0 : i32
      %dma_start3A_187 = tpu.memref_slice %arg25[%add3A_167, %dma_start3A_186] : memref<10240x64xf32, #tpu.memory_space<vmem_shared>> -> memref<128x64xf32, #tpu.memory_space<vmem_shared>>
      tpu.enqueue_dma source(%dma_start3A_187 : memref<128x64xf32, #tpu.memory_space<vmem_shared>>) target(%dma_start3A_185 : memref<128x64xf32, #tpu.memory_space<vmem>>) target_semaphore(%run_scoped3A : memref<!tpu.dma_semaphore, #tpu.memory_space<semaphore_mem>>)
      %dma_wait3A_188 = arith.constant 0 : i32
      %dma_wait3A_189 = arith.constant 0 : i32
      %dma_wait3A_190 = tpu.memref_slice %arg14[%dma_wait3A_188, %dma_wait3A_189] : memref<256x64xf32, #tpu.memory_space<vmem>> -> memref<128x64xf32, #tpu.memory_space<vmem>>
      %dma_wait3A_191 = arith.constant 0 : i32
      %dma_wait3A_192 = tpu.memref_slice %arg25[%add3A_167, %dma_wait3A_191] : memref<10240x64xf32, #tpu.memory_space<vmem_shared>> -> memref<128x64xf32, #tpu.memory_space<vmem_shared>>
      %dma_wait3A_193 = arith.constant 0 : i32
      %dma_wait3A_194 = arith.constant 0 : i32
      %dma_wait3A_195 = tpu.memref_slice %arg14[%dma_wait3A_193, %dma_wait3A_194] : memref<256x64xf32, #tpu.memory_space<vmem>> -> memref<128x64xf32, #tpu.memory_space<vmem>>
      %dma_wait3A_196 = arith.constant 0 : i32
      %dma_wait3A_197 = tpu.memref_slice %arg25[%add3A_167, %dma_wait3A_196] : memref<10240x64xf32, #tpu.memory_space<vmem_shared>> -> memref<128x64xf32, #tpu.memory_space<vmem_shared>>
      tpu.wait_dma2 semaphore(%run_scoped3A : memref<!tpu.dma_semaphore, #tpu.memory_space<semaphore_mem>>) src(%dma_wait3A_197 : memref<128x64xf32, #tpu.memory_space<vmem_shared>>) dst(%dma_wait3A_195 : memref<128x64xf32, #tpu.memory_space<vmem>>)
      tpu.yield
    }) : () -> ()
    %add3A_168 = arith.constant 256 : i32
    %add3A_169 = arith.addi %mul3A_157, %add3A_168 : i32
    "tpu.region"() ({
      %run_scoped3A = tpu.sem_alloc : memref<!tpu.dma_semaphore, #tpu.memory_space<semaphore_mem>>
      %dma_start3A_178 = arith.constant 0 : i32
      %dma_start3A_179 = arith.constant 0 : i32
      %dma_start3A_180 = tpu.memref_slice %arg14[%dma_start3A_178, %dma_start3A_179] : memref<256x64xf32, #tpu.memory_space<vmem>> -> memref<128x64xf32, #tpu.memory_space<vmem>>
      %dma_start3A_181 = arith.constant 0 : i32
      %dma_start3A_182 = tpu.memref_slice %arg5[%arg0, %add3A_169, %dma_start3A_181] : memref<2x10240x64xf32, #tpu.memory_space<hbm>> -> memref<1x128x64xf32, #tpu.memory_space<hbm>>
      %dma_start3A_183 = tpu.memref_squeeze %dma_start3A_182 : memref<1x128x64xf32, #tpu.memory_space<hbm>> -> memref<128x64xf32, #tpu.memory_space<hbm>>
      %dma_start3A_184 = arith.constant 0 : i32
      %dma_start3A_185 = tpu.memref_slice %arg5[%arg0, %add3A_169, %dma_start3A_184] : memref<2x10240x64xf32, #tpu.memory_space<hbm>> -> memref<1x128x64xf32, #tpu.memory_space<hbm>>
      %dma_start3A_186 = tpu.memref_squeeze %dma_start3A_185 : memref<1x128x64xf32, #tpu.memory_space<hbm>> -> memref<128x64xf32, #tpu.memory_space<hbm>>
      %dma_start3A_187 = arith.constant 0 : i32
      %dma_start3A_188 = arith.constant 0 : i32
      %dma_start3A_189 = tpu.memref_slice %arg14[%dma_start3A_187, %dma_start3A_188] : memref<256x64xf32, #tpu.memory_space<vmem>> -> memref<128x64xf32, #tpu.memory_space<vmem>>
      tpu.enqueue_dma source(%dma_start3A_189 : memref<128x64xf32, #tpu.memory_space<vmem>>) target(%dma_start3A_186 : memref<128x64xf32, #tpu.memory_space<hbm>>) target_semaphore(%run_scoped3A : memref<!tpu.dma_semaphore, #tpu.memory_space<semaphore_mem>>)
      %dma_wait3A_190 = arith.constant 0 : i32
      %dma_wait3A_191 = arith.constant 0 : i32
      %dma_wait3A_192 = tpu.memref_slice %arg14[%dma_wait3A_190, %dma_wait3A_191] : memref<256x64xf32, #tpu.memory_space<vmem>> -> memref<128x64xf32, #tpu.memory_space<vmem>>
      %dma_wait3A_193 = arith.constant 0 : i32
      %dma_wait3A_194 = tpu.memref_slice %arg5[%arg0, %add3A_169, %dma_wait3A_193] : memref<2x10240x64xf32, #tpu.memory_space<hbm>> -> memref<1x128x64xf32, #tpu.memory_space<hbm>>
      %dma_wait3A_195 = tpu.memref_squeeze %dma_wait3A_194 : memref<1x128x64xf32, #tpu.memory_space<hbm>> -> memref<128x64xf32, #tpu.memory_space<hbm>>
      %dma_wait3A_196 = arith.constant 0 : i32
      %dma_wait3A_197 = tpu.memref_slice %arg5[%arg0, %add3A_169, %dma_wait3A_196] : memref<2x10240x64xf32, #tpu.memory_space<hbm>> -> memref<1x128x64xf32, #tpu.memory_space<hbm>>
      %dma_wait3A_198 = tpu.memref_squeeze %dma_wait3A_197 : memref<1x128x64xf32, #tpu.memory_space<hbm>> -> memref<128x64xf32, #tpu.memory_space<hbm>>
      %dma_wait3A_199 = arith.constant 0 : i32
      %dma_wait3A_200 = arith.constant 0 : i32
      %dma_wait3A_201 = tpu.memref_slice %arg14[%dma_wait3A_199, %dma_wait3A_200] : memref<256x64xf32, #tpu.memory_space<vmem>> -> memref<128x64xf32, #tpu.memory_space<vmem>>
      tpu.wait_dma2 semaphore(%run_scoped3A : memref<!tpu.dma_semaphore, #tpu.memory_space<semaphore_mem>>) src(%dma_wait3A_201 : memref<128x64xf32, #tpu.memory_space<vmem>>) dst(%dma_wait3A_198 : memref<128x64xf32, #tpu.memory_space<hbm>>)
      tpu.yield
    }) : () -> ()
    %add3A_170 = arith.constant 384 : i32
    %add3A_171 = arith.addi %mul3A_157, %add3A_170 : i32
    "tpu.region"() ({
      %run_scoped3A = tpu.sem_alloc : memref<!tpu.dma_semaphore, #tpu.memory_space<semaphore_mem>>
      %dma_start3A_178 = arith.constant 0 : i32
      %dma_start3A_179 = arith.constant 0 : i32
      %dma_start3A_180 = tpu.memref_slice %arg14[%dma_start3A_178, %dma_start3A_179] : memref<256x64xf32, #tpu.memory_space<vmem>> -> memref<128x64xf32, #tpu.memory_space<vmem>>
      %dma_start3A_181 = arith.constant 0 : i32
      %dma_start3A_182 = tpu.memref_slice %arg25[%add3A_171, %dma_start3A_181] : memref<10240x64xf32, #tpu.memory_space<vmem_shared>> -> memref<128x64xf32, #tpu.memory_space<vmem_shared>>
      %dma_start3A_183 = arith.constant 0 : i32
      %dma_start3A_184 = arith.constant 0 : i32
      %dma_start3A_185 = tpu.memref_slice %arg14[%dma_start3A_183, %dma_start3A_184] : memref<256x64xf32, #tpu.memory_space<vmem>> -> memref<128x64xf32, #tpu.memory_space<vmem>>
      %dma_start3A_186 = arith.constant 0 : i32
      %dma_start3A_187 = tpu.memref_slice %arg25[%add3A_171, %dma_start3A_186] : memref<10240x64xf32, #tpu.memory_space<vmem_shared>> -> memref<128x64xf32, #tpu.memory_space<vmem_shared>>
      tpu.enqueue_dma source(%dma_start3A_187 : memref<128x64xf32, #tpu.memory_space<vmem_shared>>) target(%dma_start3A_185 : memref<128x64xf32, #tpu.memory_space<vmem>>) target_semaphore(%run_scoped3A : memref<!tpu.dma_semaphore, #tpu.memory_space<semaphore_mem>>)
      %dma_wait3A_188 = arith.constant 0 : i32
      %dma_wait3A_189 = arith.constant 0 : i32
      %dma_wait3A_190 = tpu.memref_slice %arg14[%dma_wait3A_188, %dma_wait3A_189] : memref<256x64xf32, #tpu.memory_space<vmem>> -> memref<128x64xf32, #tpu.memory_space<vmem>>
      %dma_wait3A_191 = arith.constant 0 : i32
      %dma_wait3A_192 = tpu.memref_slice %arg25[%add3A_171, %dma_wait3A_191] : memref<10240x64xf32, #tpu.memory_space<vmem_shared>> -> memref<128x64xf32, #tpu.memory_space<vmem_shared>>
      %dma_wait3A_193 = arith.constant 0 : i32
      %dma_wait3A_194 = arith.constant 0 : i32
      %dma_wait3A_195 = tpu.memref_slice %arg14[%dma_wait3A_193, %dma_wait3A_194] : memref<256x64xf32, #tpu.memory_space<vmem>> -> memref<128x64xf32, #tpu.memory_space<vmem>>
      %dma_wait3A_196 = arith.constant 0 : i32
      %dma_wait3A_197 = tpu.memref_slice %arg25[%add3A_171, %dma_wait3A_196] : memref<10240x64xf32, #tpu.memory_space<vmem_shared>> -> memref<128x64xf32, #tpu.memory_space<vmem_shared>>
      tpu.wait_dma2 semaphore(%run_scoped3A : memref<!tpu.dma_semaphore, #tpu.memory_space<semaphore_mem>>) src(%dma_wait3A_197 : memref<128x64xf32, #tpu.memory_space<vmem_shared>>) dst(%dma_wait3A_195 : memref<128x64xf32, #tpu.memory_space<vmem>>)
      tpu.yield
    }) : () -> ()
    %add3A_172 = arith.constant 384 : i32
    %add3A_173 = arith.addi %mul3A_157, %add3A_172 : i32
    "tpu.region"() ({
      %run_scoped3A = tpu.sem_alloc : memref<!tpu.dma_semaphore, #tpu.memory_space<semaphore_mem>>
      %dma_start3A_178 = arith.constant 0 : i32
      %dma_start3A_179 = arith.constant 0 : i32
      %dma_start3A_180 = tpu.memref_slice %arg14[%dma_start3A_178, %dma_start3A_179] : memref<256x64xf32, #tpu.memory_space<vmem>> -> memref<128x64xf32, #tpu.memory_space<vmem>>
      %dma_start3A_181 = arith.constant 0 : i32
      %dma_start3A_182 = tpu.memref_slice %arg5[%arg0, %add3A_173, %dma_start3A_181] : memref<2x10240x64xf32, #tpu.memory_space<hbm>> -> memref<1x128x64xf32, #tpu.memory_space<hbm>>
      %dma_start3A_183 = tpu.memref_squeeze %dma_start3A_182 : memref<1x128x64xf32, #tpu.memory_space<hbm>> -> memref<128x64xf32, #tpu.memory_space<hbm>>
      %dma_start3A_184 = arith.constant 0 : i32
      %dma_start3A_185 = tpu.memref_slice %arg5[%arg0, %add3A_173, %dma_start3A_184] : memref<2x10240x64xf32, #tpu.memory_space<hbm>> -> memref<1x128x64xf32, #tpu.memory_space<hbm>>
      %dma_start3A_186 = tpu.memref_squeeze %dma_start3A_185 : memref<1x128x64xf32, #tpu.memory_space<hbm>> -> memref<128x64xf32, #tpu.memory_space<hbm>>
      %dma_start3A_187 = arith.constant 0 : i32
      %dma_start3A_188 = arith.constant 0 : i32
      %dma_start3A_189 = tpu.memref_slice %arg14[%dma_start3A_187, %dma_start3A_188] : memref<256x64xf32, #tpu.memory_space<vmem>> -> memref<128x64xf32, #tpu.memory_space<vmem>>
      tpu.enqueue_dma source(%dma_start3A_189 : memref<128x64xf32, #tpu.memory_space<vmem>>) target(%dma_start3A_186 : memref<128x64xf32, #tpu.memory_space<hbm>>) target_semaphore(%run_scoped3A : memref<!tpu.dma_semaphore, #tpu.memory_space<semaphore_mem>>)
      %dma_wait3A_190 = arith.constant 0 : i32
      %dma_wait3A_191 = arith.constant 0 : i32
      %dma_wait3A_192 = tpu.memref_slice %arg14[%dma_wait3A_190, %dma_wait3A_191] : memref<256x64xf32, #tpu.memory_space<vmem>> -> memref<128x64xf32, #tpu.memory_space<vmem>>
      %dma_wait3A_193 = arith.constant 0 : i32
      %dma_wait3A_194 = tpu.memref_slice %arg5[%arg0, %add3A_173, %dma_wait3A_193] : memref<2x10240x64xf32, #tpu.memory_space<hbm>> -> memref<1x128x64xf32, #tpu.memory_space<hbm>>
      %dma_wait3A_195 = tpu.memref_squeeze %dma_wait3A_194 : memref<1x128x64xf32, #tpu.memory_space<hbm>> -> memref<128x64xf32, #tpu.memory_space<hbm>>
      %dma_wait3A_196 = arith.constant 0 : i32
      %dma_wait3A_197 = tpu.memref_slice %arg5[%arg0, %add3A_173, %dma_wait3A_196] : memref<2x10240x64xf32, #tpu.memory_space<hbm>> -> memref<1x128x64xf32, #tpu.memory_space<hbm>>
      %dma_wait3A_198 = tpu.memref_squeeze %dma_wait3A_197 : memref<1x128x64xf32, #tpu.memory_space<hbm>> -> memref<128x64xf32, #tpu.memory_space<hbm>>
      %dma_wait3A_199 = arith.constant 0 : i32
      %dma_wait3A_200 = arith.constant 0 : i32
      %dma_wait3A_201 = tpu.memref_slice %arg14[%dma_wait3A_199, %dma_wait3A_200] : memref<256x64xf32, #tpu.memory_space<vmem>> -> memref<128x64xf32, #tpu.memory_space<vmem>>
      tpu.wait_dma2 semaphore(%run_scoped3A : memref<!tpu.dma_semaphore, #tpu.memory_space<semaphore_mem>>) src(%dma_wait3A_201 : memref<128x64xf32, #tpu.memory_space<vmem>>) dst(%dma_wait3A_198 : memref<128x64xf32, #tpu.memory_space<hbm>>)
      tpu.yield
    }) : () -> ()
    %add3A_174 = arith.constant 512 : i32
    %add3A_175 = arith.addi %mul3A_157, %add3A_174 : i32
    "tpu.region"() ({
      %run_scoped3A = tpu.sem_alloc : memref<!tpu.dma_semaphore, #tpu.memory_space<semaphore_mem>>
      %dma_start3A_178 = arith.constant 0 : i32
      %dma_start3A_179 = arith.constant 0 : i32
      %dma_start3A_180 = tpu.memref_slice %arg14[%dma_start3A_178, %dma_start3A_179] : memref<256x64xf32, #tpu.memory_space<vmem>> -> memref<128x64xf32, #tpu.memory_space<vmem>>
      %dma_start3A_181 = arith.constant 0 : i32
      %dma_start3A_182 = tpu.memref_slice %arg25[%add3A_175, %dma_start3A_181] : memref<10240x64xf32, #tpu.memory_space<vmem_shared>> -> memref<128x64xf32, #tpu.memory_space<vmem_shared>>
      %dma_start3A_183 = arith.constant 0 : i32
      %dma_start3A_184 = arith.constant 0 : i32
      %dma_start3A_185 = tpu.memref_slice %arg14[%dma_start3A_183, %dma_start3A_184] : memref<256x64xf32, #tpu.memory_space<vmem>> -> memref<128x64xf32, #tpu.memory_space<vmem>>
      %dma_start3A_186 = arith.constant 0 : i32
      %dma_start3A_187 = tpu.memref_slice %arg25[%add3A_175, %dma_start3A_186] : memref<10240x64xf32, #tpu.memory_space<vmem_shared>> -> memref<128x64xf32, #tpu.memory_space<vmem_shared>>
      tpu.enqueue_dma source(%dma_start3A_187 : memref<128x64xf32, #tpu.memory_space<vmem_shared>>) target(%dma_start3A_185 : memref<128x64xf32, #tpu.memory_space<vmem>>) target_semaphore(%run_scoped3A : memref<!tpu.dma_semaphore, #tpu.memory_space<semaphore_mem>>)
      %dma_wait3A_188 = arith.constant 0 : i32
      %dma_wait3A_189 = arith.constant 0 : i32
      %dma_wait3A_190 = tpu.memref_slice %arg14[%dma_wait3A_188, %dma_wait3A_189] : memref<256x64xf32, #tpu.memory_space<vmem>> -> memref<128x64xf32, #tpu.memory_space<vmem>>
      %dma_wait3A_191 = arith.constant 0 : i32
      %dma_wait3A_192 = tpu.memref_slice %arg25[%add3A_175, %dma_wait3A_191] : memref<10240x64xf32, #tpu.memory_space<vmem_shared>> -> memref<128x64xf32, #tpu.memory_space<vmem_shared>>
      %dma_wait3A_193 = arith.constant 0 : i32
      %dma_wait3A_194 = arith.constant 0 : i32
      %dma_wait3A_195 = tpu.memref_slice %arg14[%dma_wait3A_193, %dma_wait3A_194] : memref<256x64xf32, #tpu.memory_space<vmem>> -> memref<128x64xf32, #tpu.memory_space<vmem>>
      %dma_wait3A_196 = arith.constant 0 : i32
      %dma_wait3A_197 = tpu.memref_slice %arg25[%add3A_175, %dma_wait3A_196] : memref<10240x64xf32, #tpu.memory_space<vmem_shared>> -> memref<128x64xf32, #tpu.memory_space<vmem_shared>>
      tpu.wait_dma2 semaphore(%run_scoped3A : memref<!tpu.dma_semaphore, #tpu.memory_space<semaphore_mem>>) src(%dma_wait3A_197 : memref<128x64xf32, #tpu.memory_space<vmem_shared>>) dst(%dma_wait3A_195 : memref<128x64xf32, #tpu.memory_space<vmem>>)
      tpu.yield
    }) : () -> ()
    %add3A_176 = arith.constant 512 : i32
    %add3A_177 = arith.addi %mul3A_157, %add3A_176 : i32
    "tpu.region"() ({
      %run_scoped3A = tpu.sem_alloc : memref<!tpu.dma_semaphore, #tpu.memory_space<semaphore_mem>>
      %dma_start3A_178 = arith.constant 0 : i32
      %dma_start3A_179 = arith.constant 0 : i32
      %dma_start3A_180 = tpu.memref_slice %arg14[%dma_start3A_178, %dma_start3A_179] : memref<256x64xf32, #tpu.memory_space<vmem>> -> memref<128x64xf32, #tpu.memory_space<vmem>>
      %dma_start3A_181 = arith.constant 0 : i32
      %dma_start3A_182 = tpu.memref_slice %arg5[%arg0, %add3A_177, %dma_start3A_181] : memref<2x10240x64xf32, #tpu.memory_space<hbm>> -> memref<1x128x64xf32, #tpu.memory_space<hbm>>
      %dma_start3A_183 = tpu.memref_squeeze %dma_start3A_182 : memref<1x128x64xf32, #tpu.memory_space<hbm>> -> memref<128x64xf32, #tpu.memory_space<hbm>>
      %dma_start3A_184 = arith.constant 0 : i32
      %dma_start3A_185 = tpu.memref_slice %arg5[%arg0, %add3A_177, %dma_start3A_184] : memref<2x10240x64xf32, #tpu.memory_space<hbm>> -> memref<1x128x64xf32, #tpu.memory_space<hbm>>
      %dma_start3A_186 = tpu.memref_squeeze %dma_start3A_185 : memref<1x128x64xf32, #tpu.memory_space<hbm>> -> memref<128x64xf32, #tpu.memory_space<hbm>>
      %dma_start3A_187 = arith.constant 0 : i32
      %dma_start3A_188 = arith.constant 0 : i32
      %dma_start3A_189 = tpu.memref_slice %arg14[%dma_start3A_187, %dma_start3A_188] : memref<256x64xf32, #tpu.memory_space<vmem>> -> memref<128x64xf32, #tpu.memory_space<vmem>>
      tpu.enqueue_dma source(%dma_start3A_189 : memref<128x64xf32, #tpu.memory_space<vmem>>) target(%dma_start3A_186 : memref<128x64xf32, #tpu.memory_space<hbm>>) target_semaphore(%run_scoped3A : memref<!tpu.dma_semaphore, #tpu.memory_space<semaphore_mem>>)
      %dma_wait3A_190 = arith.constant 0 : i32
      %dma_wait3A_191 = arith.constant 0 : i32
      %dma_wait3A_192 = tpu.memref_slice %arg14[%dma_wait3A_190, %dma_wait3A_191] : memref<256x64xf32, #tpu.memory_space<vmem>> -> memref<128x64xf32, #tpu.memory_space<vmem>>
      %dma_wait3A_193 = arith.constant 0 : i32
      %dma_wait3A_194 = tpu.memref_slice %arg5[%arg0, %add3A_177, %dma_wait3A_193] : memref<2x10240x64xf32, #tpu.memory_space<hbm>> -> memref<1x128x64xf32, #tpu.memory_space<hbm>>
      %dma_wait3A_195 = tpu.memref_squeeze %dma_wait3A_194 : memref<1x128x64xf32, #tpu.memory_space<hbm>> -> memref<128x64xf32, #tpu.memory_space<hbm>>
      %dma_wait3A_196 = arith.constant 0 : i32
      %dma_wait3A_197 = tpu.memref_slice %arg5[%arg0, %add3A_177, %dma_wait3A_196] : memref<2x10240x64xf32, #tpu.memory_space<hbm>> -> memref<1x128x64xf32, #tpu.memory_space<hbm>>
      %dma_wait3A_198 = tpu.memref_squeeze %dma_wait3A_197 : memref<1x128x64xf32, #tpu.memory_space<hbm>> -> memref<128x64xf32, #tpu.memory_space<hbm>>
      %dma_wait3A_199 = arith.constant 0 : i32
      %dma_wait3A_200 = arith.constant 0 : i32
      %dma_wait3A_201 = tpu.memref_slice %arg14[%dma_wait3A_199, %dma_wait3A_200] : memref<256x64xf32, #tpu.memory_space<vmem>> -> memref<128x64xf32, #tpu.memory_space<vmem>>
      tpu.wait_dma2 semaphore(%run_scoped3A : memref<!tpu.dma_semaphore, #tpu.memory_space<semaphore_mem>>) src(%dma_wait3A_201 : memref<128x64xf32, #tpu.memory_space<vmem>>) dst(%dma_wait3A_198 : memref<128x64xf32, #tpu.memory_space<hbm>>)
      tpu.yield
    }) : () -> ()
    return
  }
}

#map = affine_map<(d0, d1) -> (0, 0)>
module attributes {stable_mosaic.version = 14 : i64} {
  func.func @body(%arg0: i32, %arg1: i32, %arg2: memref<2560x128xi32, #tpu.memory_space<hbm>>, %arg3: memref<2x10240xf32, #tpu.memory_space<hbm>>, %arg4: memref<80x128xi32, #tpu.memory_space<vmem>>, %arg5: memref<128xf32, #tpu.memory_space<vmem>>, %arg6: memref<640xf32, #tpu.memory_space<vmem>>, %arg7: memref<10240xf32, #tpu.memory_space<vmem_shared>>) attributes {dimension_semantics = [#tpu.dimension_semantics<core_parallel>, #tpu.dimension_semantics<subcore_parallel>], iteration_bounds = array<i64: 2, 16>, scalar_prefetch = 0 : i64, scratch_operands = 4 : i64, tpu.core_type = #tpu.core_type<sc_vector_subcore>, window_params = [{transform_indices = #map}, {transform_indices = #map}]} {
    %mul3A = arith.constant 16 : i32
    %mul3A_0 = arith.muli %arg0, %mul3A : i32
    %add3A = arith.addi %mul3A_0, %arg1 : i32
    %mul3A_1 = arith.constant 80 : i32
    %mul3A_2 = arith.muli %add3A, %mul3A_1 : i32
    "tpu.region"() ({
      %run_scoped3A = tpu.sem_alloc : memref<!tpu.dma_semaphore, #tpu.memory_space<semaphore_mem>>
      %dma_start3A = arith.constant 0 : i32
      %dma_start3A_67 = tpu.memref_slice %arg2[%mul3A_2, %dma_start3A] : memref<2560x128xi32, #tpu.memory_space<hbm>> -> memref<80x128xi32, #tpu.memory_space<hbm>>
      %dma_start3A_68 = arith.constant 0 : i32
      %dma_start3A_69 = tpu.memref_slice %arg2[%mul3A_2, %dma_start3A_68] : memref<2560x128xi32, #tpu.memory_space<hbm>> -> memref<80x128xi32, #tpu.memory_space<hbm>>
      tpu.enqueue_dma source(%dma_start3A_69 : memref<80x128xi32, #tpu.memory_space<hbm>>) target(%arg4 : memref<80x128xi32, #tpu.memory_space<vmem>>) target_semaphore(%run_scoped3A : memref<!tpu.dma_semaphore, #tpu.memory_space<semaphore_mem>>)
      %dma_wait3A = arith.constant 0 : i32
      %dma_wait3A_70 = tpu.memref_slice %arg2[%mul3A_2, %dma_wait3A] : memref<2560x128xi32, #tpu.memory_space<hbm>> -> memref<80x128xi32, #tpu.memory_space<hbm>>
      %dma_wait3A_71 = arith.constant 0 : i32
      %dma_wait3A_72 = tpu.memref_slice %arg2[%mul3A_2, %dma_wait3A_71] : memref<2560x128xi32, #tpu.memory_space<hbm>> -> memref<80x128xi32, #tpu.memory_space<hbm>>
      tpu.wait_dma2 semaphore(%run_scoped3A : memref<!tpu.dma_semaphore, #tpu.memory_space<semaphore_mem>>) src(%dma_wait3A_72 : memref<80x128xi32, #tpu.memory_space<hbm>>) dst(%arg4 : memref<80x128xi32, #tpu.memory_space<vmem>>)
      tpu.yield
    }) : () -> ()
    %broadcast_in_dim3A = arith.constant 1.000000e+00 : f32
    %broadcast_in_dim3A_3 = vector.broadcast %broadcast_in_dim3A : f32 to vector<16xf32>
    %swap3A = arith.constant 0 : index
    %swap3A_4 = tpu.vector_load %arg5[%swap3A] {strides = array<i32>} : memref<128xf32, #tpu.memory_space<vmem>>, vector<16xf32>,
    %swap3A_5 = vector.shape_cast %swap3A_4 : vector<16xf32> to vector<16xf32>
    %swap3A_6 = vector.shape_cast %broadcast_in_dim3A_3 : vector<16xf32> to vector<16xf32>
    tpu.vector_store %arg5[%swap3A], %swap3A_6 {strides = array<i32>} : memref<128xf32, #tpu.memory_space<vmem>>, vector<16xf32>,
    %broadcast_in_dim3A_7 = arith.constant 1.000000e+00 : f32
    %broadcast_in_dim3A_8 = vector.broadcast %broadcast_in_dim3A_7 : f32 to vector<16xf32>
    %swap3A_9 = arith.constant 16 : index
    %swap3A_10 = tpu.vector_load %arg5[%swap3A_9] {strides = array<i32>} : memref<128xf32, #tpu.memory_space<vmem>>, vector<16xf32>,
    %swap3A_11 = vector.shape_cast %swap3A_10 : vector<16xf32> to vector<16xf32>
    %swap3A_12 = vector.shape_cast %broadcast_in_dim3A_8 : vector<16xf32> to vector<16xf32>
    tpu.vector_store %arg5[%swap3A_9], %swap3A_12 {strides = array<i32>} : memref<128xf32, #tpu.memory_space<vmem>>, vector<16xf32>,
    %broadcast_in_dim3A_13 = arith.constant 1.000000e+00 : f32
    %broadcast_in_dim3A_14 = vector.broadcast %broadcast_in_dim3A_13 : f32 to vector<16xf32>
    %swap3A_15 = arith.constant 32 : index
    %swap3A_16 = tpu.vector_load %arg5[%swap3A_15] {strides = array<i32>} : memref<128xf32, #tpu.memory_space<vmem>>, vector<16xf32>,
    %swap3A_17 = vector.shape_cast %swap3A_16 : vector<16xf32> to vector<16xf32>
    %swap3A_18 = vector.shape_cast %broadcast_in_dim3A_14 : vector<16xf32> to vector<16xf32>
    tpu.vector_store %arg5[%swap3A_15], %swap3A_18 {strides = array<i32>} : memref<128xf32, #tpu.memory_space<vmem>>, vector<16xf32>,
    %broadcast_in_dim3A_19 = arith.constant 1.000000e+00 : f32
    %broadcast_in_dim3A_20 = vector.broadcast %broadcast_in_dim3A_19 : f32 to vector<16xf32>
    %swap3A_21 = arith.constant 48 : index
    %swap3A_22 = tpu.vector_load %arg5[%swap3A_21] {strides = array<i32>} : memref<128xf32, #tpu.memory_space<vmem>>, vector<16xf32>,
    %swap3A_23 = vector.shape_cast %swap3A_22 : vector<16xf32> to vector<16xf32>
    %swap3A_24 = vector.shape_cast %broadcast_in_dim3A_20 : vector<16xf32> to vector<16xf32>
    tpu.vector_store %arg5[%swap3A_21], %swap3A_24 {strides = array<i32>} : memref<128xf32, #tpu.memory_space<vmem>>, vector<16xf32>,
    %broadcast_in_dim3A_25 = arith.constant 1.000000e+00 : f32
    %broadcast_in_dim3A_26 = vector.broadcast %broadcast_in_dim3A_25 : f32 to vector<16xf32>
    %swap3A_27 = arith.constant 64 : index
    %swap3A_28 = tpu.vector_load %arg5[%swap3A_27] {strides = array<i32>} : memref<128xf32, #tpu.memory_space<vmem>>, vector<16xf32>,
    %swap3A_29 = vector.shape_cast %swap3A_28 : vector<16xf32> to vector<16xf32>
    %swap3A_30 = vector.shape_cast %broadcast_in_dim3A_26 : vector<16xf32> to vector<16xf32>
    tpu.vector_store %arg5[%swap3A_27], %swap3A_30 {strides = array<i32>} : memref<128xf32, #tpu.memory_space<vmem>>, vector<16xf32>,
    %broadcast_in_dim3A_31 = arith.constant 1.000000e+00 : f32
    %broadcast_in_dim3A_32 = vector.broadcast %broadcast_in_dim3A_31 : f32 to vector<16xf32>
    %swap3A_33 = arith.constant 80 : index
    %swap3A_34 = tpu.vector_load %arg5[%swap3A_33] {strides = array<i32>} : memref<128xf32, #tpu.memory_space<vmem>>, vector<16xf32>,
    %swap3A_35 = vector.shape_cast %swap3A_34 : vector<16xf32> to vector<16xf32>
    %swap3A_36 = vector.shape_cast %broadcast_in_dim3A_32 : vector<16xf32> to vector<16xf32>
    tpu.vector_store %arg5[%swap3A_33], %swap3A_36 {strides = array<i32>} : memref<128xf32, #tpu.memory_space<vmem>>, vector<16xf32>,
    %broadcast_in_dim3A_37 = arith.constant 1.000000e+00 : f32
    %broadcast_in_dim3A_38 = vector.broadcast %broadcast_in_dim3A_37 : f32 to vector<16xf32>
    %swap3A_39 = arith.constant 96 : index
    %swap3A_40 = tpu.vector_load %arg5[%swap3A_39] {strides = array<i32>} : memref<128xf32, #tpu.memory_space<vmem>>, vector<16xf32>,
    %swap3A_41 = vector.shape_cast %swap3A_40 : vector<16xf32> to vector<16xf32>
    %swap3A_42 = vector.shape_cast %broadcast_in_dim3A_38 : vector<16xf32> to vector<16xf32>
    tpu.vector_store %arg5[%swap3A_39], %swap3A_42 {strides = array<i32>} : memref<128xf32, #tpu.memory_space<vmem>>, vector<16xf32>,
    %broadcast_in_dim3A_43 = arith.constant 1.000000e+00 : f32
    %broadcast_in_dim3A_44 = vector.broadcast %broadcast_in_dim3A_43 : f32 to vector<16xf32>
    %swap3A_45 = arith.constant 112 : index
    %swap3A_46 = tpu.vector_load %arg5[%swap3A_45] {strides = array<i32>} : memref<128xf32, #tpu.memory_space<vmem>>, vector<16xf32>,
    %swap3A_47 = vector.shape_cast %swap3A_46 : vector<16xf32> to vector<16xf32>
    %swap3A_48 = vector.shape_cast %broadcast_in_dim3A_44 : vector<16xf32> to vector<16xf32>
    tpu.vector_store %arg5[%swap3A_45], %swap3A_48 {strides = array<i32>} : memref<128xf32, #tpu.memory_space<vmem>>, vector<16xf32>,
    %scan3A = arith.constant 0 : i32
    %scan3A_49 = arith.constant 0 : i32
    %scan3A_50 = arith.constant 40 : i32
    %scan3A_51 = arith.addi %scan3A_49, %scan3A_50 : i32
    %scan3A_52 = arith.constant 1 : i32
    scf.for %scan3A_67 = %scan3A_49 to %scan3A_51 step %scan3A_52  : i32 {
      %broadcast_in_dim3A_68 = arith.constant 0.000000e+00 : f32
      %broadcast_in_dim3A_69 = vector.broadcast %broadcast_in_dim3A_68 : f32 to vector<16xf32>
      %mul3A_70 = arith.constant 16 : i32
      %mul3A_71 = arith.muli %scan3A_67, %mul3A_70 : i32
      %swap3A_72 = arith.index_cast %mul3A_71 : i32 to index
      %swap3A_73 = tpu.vector_load %arg6[%swap3A_72] {strides = array<i32>} : memref<640xf32, #tpu.memory_space<vmem>>, vector<16xf32>,
      %swap3A_74 = vector.shape_cast %swap3A_73 : vector<16xf32> to vector<16xf32>
      %swap3A_75 = vector.shape_cast %broadcast_in_dim3A_69 : vector<16xf32> to vector<16xf32>
      tpu.vector_store %arg6[%swap3A_72], %swap3A_75 {strides = array<i32>} : memref<640xf32, #tpu.memory_space<vmem>>, vector<16xf32>,
    }
    %scan3A_53 = arith.constant 40 : i32
    %mul3A_54 = arith.constant 640 : i32
    %mul3A_55 = arith.muli %arg1, %mul3A_54 : i32
    "tpu.region"() ({
      %run_scoped3A = tpu.sem_alloc : memref<!tpu.dma_semaphore, #tpu.memory_space<semaphore_mem>>
      %dma_start3A = tpu.memref_slice %arg7[%mul3A_55] : memref<10240xf32, #tpu.memory_space<vmem_shared>> -> memref<640xf32, #tpu.memory_space<vmem_shared>>
      %dma_start3A_67 = tpu.memref_slice %arg7[%mul3A_55] : memref<10240xf32, #tpu.memory_space<vmem_shared>> -> memref<640xf32, #tpu.memory_space<vmem_shared>>
      tpu.enqueue_dma source(%arg6 : memref<640xf32, #tpu.memory_space<vmem>>) target(%dma_start3A_67 : memref<640xf32, #tpu.memory_space<vmem_shared>>) target_semaphore(%run_scoped3A : memref<!tpu.dma_semaphore, #tpu.memory_space<semaphore_mem>>)
      %dma_wait3A = tpu.memref_slice %arg7[%mul3A_55] : memref<10240xf32, #tpu.memory_space<vmem_shared>> -> memref<640xf32, #tpu.memory_space<vmem_shared>>
      %dma_wait3A_68 = tpu.memref_slice %arg7[%mul3A_55] : memref<10240xf32, #tpu.memory_space<vmem_shared>> -> memref<640xf32, #tpu.memory_space<vmem_shared>>
      tpu.wait_dma2 semaphore(%run_scoped3A : memref<!tpu.dma_semaphore, #tpu.memory_space<semaphore_mem>>) src(%arg6 : memref<640xf32, #tpu.memory_space<vmem>>) dst(%dma_wait3A_68 : memref<640xf32, #tpu.memory_space<vmem_shared>>)
      tpu.yield
    }) : () -> ()
    %barrier3A = arith.constant 0 : index
    tpu.barrier barrier_id(%barrier3A)
    %scan3A_56 = arith.constant 0 : i32
    %scan3A_57 = arith.constant 0 : i32
    %scan3A_58 = arith.constant 80 : i32
    %scan3A_59 = arith.addi %scan3A_57, %scan3A_58 : i32
    %scan3A_60 = arith.constant 1 : i32
    scf.for %scan3A_67 = %scan3A_57 to %scan3A_59 step %scan3A_60  : i32 {
      "tpu.region"() ({
        %run_scoped3A = tpu.sem_alloc : memref<!tpu.dma_semaphore, #tpu.memory_space<semaphore_mem>>
        %dma_start3A = arith.constant 0 : i32
        %dma_start3A_68 = tpu.memref_slice %arg4[%scan3A_67, %dma_start3A] : memref<80x128xi32, #tpu.memory_space<vmem>> -> memref<1x128xi32, #tpu.memory_space<vmem>>
        %dma_start3A_69 = tpu.memref_squeeze %dma_start3A_68 : memref<1x128xi32, #tpu.memory_space<vmem>> -> memref<128xi32, #tpu.memory_space<vmem>>
        %dma_start3A_70 = arith.constant 0 : i32
        %dma_start3A_71 = tpu.memref_slice %arg7[%dma_start3A_70] : memref<10240xf32, #tpu.memory_space<vmem_shared>> -> memref<10240xf32, #tpu.memory_space<vmem_shared>>
        tpu.enqueue_indirect_dma source(%arg5 : memref<128xf32, #tpu.memory_space<vmem>>) target(%dma_start3A_71 : memref<10240xf32, #tpu.memory_space<vmem_shared>>) offsets(%dma_start3A_69 : memref<128xi32, #tpu.memory_space<vmem>>) semaphore(%run_scoped3A : memref<!tpu.dma_semaphore, #tpu.memory_space<semaphore_mem>>) {add = true}
        %dma_wait3A = arith.constant 0 : i32
        %dma_wait3A_72 = tpu.memref_slice %arg4[%scan3A_67, %dma_wait3A] : memref<80x128xi32, #tpu.memory_space<vmem>> -> memref<1x128xi32, #tpu.memory_space<vmem>>
        %dma_wait3A_73 = tpu.memref_squeeze %dma_wait3A_72 : memref<1x128xi32, #tpu.memory_space<vmem>> -> memref<128xi32, #tpu.memory_space<vmem>>
        %dma_wait3A_74 = arith.constant 0 : i32
        %dma_wait3A_75 = tpu.memref_slice %arg7[%dma_wait3A_74] : memref<10240xf32, #tpu.memory_space<vmem_shared>> -> memref<10240xf32, #tpu.memory_space<vmem_shared>>
        tpu.wait_indirect_dma semaphore(%run_scoped3A : memref<!tpu.dma_semaphore, #tpu.memory_space<semaphore_mem>>) src(%arg5 : memref<128xf32, #tpu.memory_space<vmem>>) dst(%dma_wait3A_75 : memref<10240xf32, #tpu.memory_space<vmem_shared>>)
        tpu.yield
      }) : () -> ()
    }
    %scan3A_61 = arith.constant 80 : i32
    %barrier3A_62 = arith.constant 0 : index
    tpu.barrier barrier_id(%barrier3A_62)
    %mul3A_63 = arith.constant 640 : i32
    %mul3A_64 = arith.muli %arg1, %mul3A_63 : i32
    "tpu.region"() ({
      %run_scoped3A = tpu.sem_alloc : memref<!tpu.dma_semaphore, #tpu.memory_space<semaphore_mem>>
      %dma_start3A = tpu.memref_slice %arg7[%mul3A_64] : memref<10240xf32, #tpu.memory_space<vmem_shared>> -> memref<640xf32, #tpu.memory_space<vmem_shared>>
      %dma_start3A_67 = tpu.memref_slice %arg7[%mul3A_64] : memref<10240xf32, #tpu.memory_space<vmem_shared>> -> memref<640xf32, #tpu.memory_space<vmem_shared>>
      tpu.enqueue_dma source(%dma_start3A_67 : memref<640xf32, #tpu.memory_space<vmem_shared>>) target(%arg6 : memref<640xf32, #tpu.memory_space<vmem>>) target_semaphore(%run_scoped3A : memref<!tpu.dma_semaphore, #tpu.memory_space<semaphore_mem>>)
      %dma_wait3A = tpu.memref_slice %arg7[%mul3A_64] : memref<10240xf32, #tpu.memory_space<vmem_shared>> -> memref<640xf32, #tpu.memory_space<vmem_shared>>
      %dma_wait3A_68 = tpu.memref_slice %arg7[%mul3A_64] : memref<10240xf32, #tpu.memory_space<vmem_shared>> -> memref<640xf32, #tpu.memory_space<vmem_shared>>
      tpu.wait_dma2 semaphore(%run_scoped3A : memref<!tpu.dma_semaphore, #tpu.memory_space<semaphore_mem>>) src(%dma_wait3A_68 : memref<640xf32, #tpu.memory_space<vmem_shared>>) dst(%arg6 : memref<640xf32, #tpu.memory_space<vmem>>)
      tpu.yield
    }) : () -> ()
    %mul3A_65 = arith.constant 640 : i32
    %mul3A_66 = arith.muli %arg1, %mul3A_65 : i32
    "tpu.region"() ({
      %run_scoped3A = tpu.sem_alloc : memref<!tpu.dma_semaphore, #tpu.memory_space<semaphore_mem>>
      %dma_start3A = tpu.memref_slice %arg3[%arg0, %mul3A_66] : memref<2x10240xf32, #tpu.memory_space<hbm>> -> memref<1x640xf32, #tpu.memory_space<hbm>>
      %dma_start3A_67 = tpu.memref_squeeze %dma_start3A : memref<1x640xf32, #tpu.memory_space<hbm>> -> memref<640xf32, #tpu.memory_space<hbm>>
      %dma_start3A_68 = tpu.memref_slice %arg3[%arg0, %mul3A_66] : memref<2x10240xf32, #tpu.memory_space<hbm>> -> memref<1x640xf32, #tpu.memory_space<hbm>>
      %dma_start3A_69 = tpu.memref_squeeze %dma_start3A_68 : memref<1x640xf32, #tpu.memory_space<hbm>> -> memref<640xf32, #tpu.memory_space<hbm>>
      tpu.enqueue_dma source(%arg6 : memref<640xf32, #tpu.memory_space<vmem>>) target(%dma_start3A_69 : memref<640xf32, #tpu.memory_space<hbm>>) target_semaphore(%run_scoped3A : memref<!tpu.dma_semaphore, #tpu.memory_space<semaphore_mem>>)
      %dma_wait3A = tpu.memref_slice %arg3[%arg0, %mul3A_66] : memref<2x10240xf32, #tpu.memory_space<hbm>> -> memref<1x640xf32, #tpu.memory_space<hbm>>
      %dma_wait3A_70 = tpu.memref_squeeze %dma_wait3A : memref<1x640xf32, #tpu.memory_space<hbm>> -> memref<640xf32, #tpu.memory_space<hbm>>
      %dma_wait3A_71 = tpu.memref_slice %arg3[%arg0, %mul3A_66] : memref<2x10240xf32, #tpu.memory_space<hbm>> -> memref<1x640xf32, #tpu.memory_space<hbm>>
      %dma_wait3A_72 = tpu.memref_squeeze %dma_wait3A_71 : memref<1x640xf32, #tpu.memory_space<hbm>> -> memref<640xf32, #tpu.memory_space<hbm>>
      tpu.wait_dma2 semaphore(%run_scoped3A : memref<!tpu.dma_semaphore, #tpu.memory_space<semaphore_mem>>) src(%arg6 : memref<640xf32, #tpu.memory_space<vmem>>) dst(%dma_wait3A_72 : memref<640xf32, #tpu.memory_space<hbm>>)
      tpu.yield
    }) : () -> ()
    return
  }
}

#map = affine_map<(d0, d1) -> (0, 0)>
#map1 = affine_map<(d0, d1) -> (0, 0, 0)>
module attributes {stable_mosaic.version = 14 : i64} {
  func.func @body(%arg0: i32, %arg1: i32, %arg2: memref<20480x64xf32, #tpu.memory_space<hbm>>, %arg3: memref<1280x256xi32, #tpu.memory_space<hbm>>, %arg4: memref<1280x256xi32, #tpu.memory_space<hbm>>, %arg5: memref<2x10240x64xf32, #tpu.memory_space<hbm>>, %arg6: memref<256xi32, #tpu.memory_space<vmem>>, %arg7: memref<256xi32, #tpu.memory_space<vmem>>, %arg8: memref<256xi32, #tpu.memory_space<vmem>>, %arg9: memref<256xi32, #tpu.memory_space<vmem>>, %arg10: memref<256xi32, #tpu.memory_space<vmem>>, %arg11: memref<256xi32, #tpu.memory_space<vmem>>, %arg12: memref<256xi32, #tpu.memory_space<vmem>>, %arg13: memref<256xi32, #tpu.memory_space<vmem>>, %arg14: memref<256x64xf32, #tpu.memory_space<vmem>>, %arg15: memref<256x64xf32, #tpu.memory_space<vmem>>, %arg16: memref<!tpu.dma_semaphore, #tpu.memory_space<semaphore_mem>>, %arg17: memref<!tpu.dma_semaphore, #tpu.memory_space<semaphore_mem>>, %arg18: memref<!tpu.dma_semaphore, #tpu.memory_space<semaphore_mem>>, %arg19: memref<!tpu.dma_semaphore, #tpu.memory_space<semaphore_mem>>, %arg20: memref<!tpu.dma_semaphore, #tpu.memory_space<semaphore_mem>>, %arg21: memref<!tpu.dma_semaphore, #tpu.memory_space<semaphore_mem>>, %arg22: memref<!tpu.dma_semaphore, #tpu.memory_space<semaphore_mem>>, %arg23: memref<!tpu.dma_semaphore, #tpu.memory_space<semaphore_mem>>, %arg24: memref<10240x64xf32, #tpu.memory_space<vmem_shared>>, %arg25: memref<10240x64xf32, #tpu.memory_space<vmem_shared>>) attributes {dimension_semantics = [#tpu.dimension_semantics<core_parallel>, #tpu.dimension_semantics<subcore_parallel>], iteration_bounds = array<i64: 2, 16>, scalar_prefetch = 0 : i64, scratch_operands = 20 : i64, tpu.core_type = #tpu.core_type<sc_vector_subcore>, window_params = [{transform_indices = #map}, {transform_indices = #map}, {transform_indices = #map}, {transform_indices = #map1}]} {
    %mul3A = arith.constant 640 : i32
    %mul3A_0 = arith.muli %arg1, %mul3A : i32
    %add3A = arith.constant 0 : i32
    %add3A_1 = arith.addi %mul3A_0, %add3A : i32
    %mul3A_2 = arith.constant 10240 : i32
    %mul3A_3 = arith.muli %arg0, %mul3A_2 : i32
    %add3A_4 = arith.addi %mul3A_3, %add3A_1 : i32
    "tpu.region"() ({
      %run_scoped3A = tpu.sem_alloc : memref<!tpu.dma_semaphore, #tpu.memory_space<semaphore_mem>>
      %dma_start3A_178 = arith.constant 0 : i32
      %dma_start3A_179 = arith.constant 0 : i32
      %dma_start3A_180 = tpu.memref_slice %arg14[%dma_start3A_178, %dma_start3A_179] : memref<256x64xf32, #tpu.memory_space<vmem>> -> memref<128x64xf32, #tpu.memory_space<vmem>>
      %dma_start3A_181 = arith.constant 0 : i32
      %dma_start3A_182 = tpu.memref_slice %arg2[%add3A_4, %dma_start3A_181] : memref<20480x64xf32, #tpu.memory_space<hbm>> -> memref<128x64xf32, #tpu.memory_space<hbm>>
      %dma_start3A_183 = arith.constant 0 : i32
      %dma_start3A_184 = arith.constant 0 : i32
      %dma_start3A_185 = tpu.memref_slice %arg14[%dma_start3A_183, %dma_start3A_184] : memref<256x64xf32, #tpu.memory_space<vmem>> -> memref<128x64xf32, #tpu.memory_space<vmem>>
      %dma_start3A_186 = arith.constant 0 : i32
      %dma_start3A_187 = tpu.memref_slice %arg2[%add3A_4, %dma_start3A_186] : memref<20480x64xf32, #tpu.memory_space<hbm>> -> memref<128x64xf32, #tpu.memory_space<hbm>>
      tpu.enqueue_dma source(%dma_start3A_187 : memref<128x64xf32, #tpu.memory_space<hbm>>) target(%dma_start3A_185 : memref<128x64xf32, #tpu.memory_space<vmem>>) target_semaphore(%run_scoped3A : memref<!tpu.dma_semaphore, #tpu.memory_space<semaphore_mem>>)
      %dma_wait3A_188 = arith.constant 0 : i32
      %dma_wait3A_189 = arith.constant 0 : i32
      %dma_wait3A_190 = tpu.memref_slice %arg14[%dma_wait3A_188, %dma_wait3A_189] : memref<256x64xf32, #tpu.memory_space<vmem>> -> memref<128x64xf32, #tpu.memory_space<vmem>>
      %dma_wait3A_191 = arith.constant 0 : i32
      %dma_wait3A_192 = tpu.memref_slice %arg2[%add3A_4, %dma_wait3A_191] : memref<20480x64xf32, #tpu.memory_space<hbm>> -> memref<128x64xf32, #tpu.memory_space<hbm>>
      %dma_wait3A_193 = arith.constant 0 : i32
      %dma_wait3A_194 = arith.constant 0 : i32
      %dma_wait3A_195 = tpu.memref_slice %arg14[%dma_wait3A_193, %dma_wait3A_194] : memref<256x64xf32, #tpu.memory_space<vmem>> -> memref<128x64xf32, #tpu.memory_space<vmem>>
      %dma_wait3A_196 = arith.constant 0 : i32
      %dma_wait3A_197 = tpu.memref_slice %arg2[%add3A_4, %dma_wait3A_196] : memref<20480x64xf32, #tpu.memory_space<hbm>> -> memref<128x64xf32, #tpu.memory_space<hbm>>
      tpu.wait_dma2 semaphore(%run_scoped3A : memref<!tpu.dma_semaphore, #tpu.memory_space<semaphore_mem>>) src(%dma_wait3A_197 : memref<128x64xf32, #tpu.memory_space<hbm>>) dst(%dma_wait3A_195 : memref<128x64xf32, #tpu.memory_space<vmem>>)
      tpu.yield
    }) : () -> ()
    "tpu.region"() ({
      %run_scoped3A = tpu.sem_alloc : memref<!tpu.dma_semaphore, #tpu.memory_space<semaphore_mem>>
      %dma_start3A_178 = arith.constant 0 : i32
      %dma_start3A_179 = arith.constant 0 : i32
      %dma_start3A_180 = tpu.memref_slice %arg14[%dma_start3A_178, %dma_start3A_179] : memref<256x64xf32, #tpu.memory_space<vmem>> -> memref<128x64xf32, #tpu.memory_space<vmem>>
      %dma_start3A_181 = arith.constant 0 : i32
      %dma_start3A_182 = tpu.memref_slice %arg24[%add3A_1, %dma_start3A_181] : memref<10240x64xf32, #tpu.memory_space<vmem_shared>> -> memref<128x64xf32, #tpu.memory_space<vmem_shared>>
      %dma_start3A_183 = arith.constant 0 : i32
      %dma_start3A_184 = tpu.memref_slice %arg24[%add3A_1, %dma_start3A_183] : memref<10240x64xf32, #tpu.memory_space<vmem_shared>> -> memref<128x64xf32, #tpu.memory_space<vmem_shared>>
      %dma_start3A_185 = arith.constant 0 : i32
      %dma_start3A_186 = arith.constant 0 : i32
      %dma_start3A_187 = tpu.memref_slice %arg14[%dma_start3A_185, %dma_start3A_186] : memref<256x64xf32, #tpu.memory_space<vmem>> -> memref<128x64xf32, #tpu.memory_space<vmem>>
      tpu.enqueue_dma source(%dma_start3A_187 : memref<128x64xf32, #tpu.memory_space<vmem>>) target(%dma_start3A_184 : memref<128x64xf32, #tpu.memory_space<vmem_shared>>) target_semaphore(%run_scoped3A : memref<!tpu.dma_semaphore, #tpu.memory_space<semaphore_mem>>)
      %dma_wait3A_188 = arith.constant 0 : i32
      %dma_wait3A_189 = arith.constant 0 : i32
      %dma_wait3A_190 = tpu.memref_slice %arg14[%dma_wait3A_188, %dma_wait3A_189] : memref<256x64xf32, #tpu.memory_space<vmem>> -> memref<128x64xf32, #tpu.memory_space<vmem>>
      %dma_wait3A_191 = arith.constant 0 : i32
      %dma_wait3A_192 = tpu.memref_slice %arg24[%add3A_1, %dma_wait3A_191] : memref<10240x64xf32, #tpu.memory_space<vmem_shared>> -> memref<128x64xf32, #tpu.memory_space<vmem_shared>>
      %dma_wait3A_193 = arith.constant 0 : i32
      %dma_wait3A_194 = tpu.memref_slice %arg24[%add3A_1, %dma_wait3A_193] : memref<10240x64xf32, #tpu.memory_space<vmem_shared>> -> memref<128x64xf32, #tpu.memory_space<vmem_shared>>
      %dma_wait3A_195 = arith.constant 0 : i32
      %dma_wait3A_196 = arith.constant 0 : i32
      %dma_wait3A_197 = tpu.memref_slice %arg14[%dma_wait3A_195, %dma_wait3A_196] : memref<256x64xf32, #tpu.memory_space<vmem>> -> memref<128x64xf32, #tpu.memory_space<vmem>>
      tpu.wait_dma2 semaphore(%run_scoped3A : memref<!tpu.dma_semaphore, #tpu.memory_space<semaphore_mem>>) src(%dma_wait3A_197 : memref<128x64xf32, #tpu.memory_space<vmem>>) dst(%dma_wait3A_194 : memref<128x64xf32, #tpu.memory_space<vmem_shared>>)
      tpu.yield
    }) : () -> ()
    %mul3A_5 = arith.constant 640 : i32
    %mul3A_6 = arith.muli %arg1, %mul3A_5 : i32
    %add3A_7 = arith.constant 128 : i32
    %add3A_8 = arith.addi %mul3A_6, %add3A_7 : i32
    %mul3A_9 = arith.constant 10240 : i32
    %mul3A_10 = arith.muli %arg0, %mul3A_9 : i32
    %add3A_11 = arith.addi %mul3A_10, %add3A_8 : i32
    "tpu.region"() ({
      %run_scoped3A = tpu.sem_alloc : memref<!tpu.dma_semaphore, #tpu.memory_space<semaphore_mem>>
      %dma_start3A_178 = arith.constant 0 : i32
      %dma_start3A_179 = arith.constant 0 : i32
      %dma_start3A_180 = tpu.memref_slice %arg14[%dma_start3A_178, %dma_start3A_179] : memref<256x64xf32, #tpu.memory_space<vmem>> -> memref<128x64xf32, #tpu.memory_space<vmem>>
      %dma_start3A_181 = arith.constant 0 : i32
      %dma_start3A_182 = tpu.memref_slice %arg2[%add3A_11, %dma_start3A_181] : memref<20480x64xf32, #tpu.memory_space<hbm>> -> memref<128x64xf32, #tpu.memory_space<hbm>>
      %dma_start3A_183 = arith.constant 0 : i32
      %dma_start3A_184 = arith.constant 0 : i32
      %dma_start3A_185 = tpu.memref_slice %arg14[%dma_start3A_183, %dma_start3A_184] : memref<256x64xf32, #tpu.memory_space<vmem>> -> memref<128x64xf32, #tpu.memory_space<vmem>>
      %dma_start3A_186 = arith.constant 0 : i32
      %dma_start3A_187 = tpu.memref_slice %arg2[%add3A_11, %dma_start3A_186] : memref<20480x64xf32, #tpu.memory_space<hbm>> -> memref<128x64xf32, #tpu.memory_space<hbm>>
      tpu.enqueue_dma source(%dma_start3A_187 : memref<128x64xf32, #tpu.memory_space<hbm>>) target(%dma_start3A_185 : memref<128x64xf32, #tpu.memory_space<vmem>>) target_semaphore(%run_scoped3A : memref<!tpu.dma_semaphore, #tpu.memory_space<semaphore_mem>>)
      %dma_wait3A_188 = arith.constant 0 : i32
      %dma_wait3A_189 = arith.constant 0 : i32
      %dma_wait3A_190 = tpu.memref_slice %arg14[%dma_wait3A_188, %dma_wait3A_189] : memref<256x64xf32, #tpu.memory_space<vmem>> -> memref<128x64xf32, #tpu.memory_space<vmem>>
      %dma_wait3A_191 = arith.constant 0 : i32
      %dma_wait3A_192 = tpu.memref_slice %arg2[%add3A_11, %dma_wait3A_191] : memref<20480x64xf32, #tpu.memory_space<hbm>> -> memref<128x64xf32, #tpu.memory_space<hbm>>
      %dma_wait3A_193 = arith.constant 0 : i32
      %dma_wait3A_194 = arith.constant 0 : i32
      %dma_wait3A_195 = tpu.memref_slice %arg14[%dma_wait3A_193, %dma_wait3A_194] : memref<256x64xf32, #tpu.memory_space<vmem>> -> memref<128x64xf32, #tpu.memory_space<vmem>>
      %dma_wait3A_196 = arith.constant 0 : i32
      %dma_wait3A_197 = tpu.memref_slice %arg2[%add3A_11, %dma_wait3A_196] : memref<20480x64xf32, #tpu.memory_space<hbm>> -> memref<128x64xf32, #tpu.memory_space<hbm>>
      tpu.wait_dma2 semaphore(%run_scoped3A : memref<!tpu.dma_semaphore, #tpu.memory_space<semaphore_mem>>) src(%dma_wait3A_197 : memref<128x64xf32, #tpu.memory_space<hbm>>) dst(%dma_wait3A_195 : memref<128x64xf32, #tpu.memory_space<vmem>>)
      tpu.yield
    }) : () -> ()
    "tpu.region"() ({
      %run_scoped3A = tpu.sem_alloc : memref<!tpu.dma_semaphore, #tpu.memory_space<semaphore_mem>>
      %dma_start3A_178 = arith.constant 0 : i32
      %dma_start3A_179 = arith.constant 0 : i32
      %dma_start3A_180 = tpu.memref_slice %arg14[%dma_start3A_178, %dma_start3A_179] : memref<256x64xf32, #tpu.memory_space<vmem>> -> memref<128x64xf32, #tpu.memory_space<vmem>>
      %dma_start3A_181 = arith.constant 0 : i32
      %dma_start3A_182 = tpu.memref_slice %arg24[%add3A_8, %dma_start3A_181] : memref<10240x64xf32, #tpu.memory_space<vmem_shared>> -> memref<128x64xf32, #tpu.memory_space<vmem_shared>>
      %dma_start3A_183 = arith.constant 0 : i32
      %dma_start3A_184 = tpu.memref_slice %arg24[%add3A_8, %dma_start3A_183] : memref<10240x64xf32, #tpu.memory_space<vmem_shared>> -> memref<128x64xf32, #tpu.memory_space<vmem_shared>>
      %dma_start3A_185 = arith.constant 0 : i32
      %dma_start3A_186 = arith.constant 0 : i32
      %dma_start3A_187 = tpu.memref_slice %arg14[%dma_start3A_185, %dma_start3A_186] : memref<256x64xf32, #tpu.memory_space<vmem>> -> memref<128x64xf32, #tpu.memory_space<vmem>>
      tpu.enqueue_dma source(%dma_start3A_187 : memref<128x64xf32, #tpu.memory_space<vmem>>) target(%dma_start3A_184 : memref<128x64xf32, #tpu.memory_space<vmem_shared>>) target_semaphore(%run_scoped3A : memref<!tpu.dma_semaphore, #tpu.memory_space<semaphore_mem>>)
      %dma_wait3A_188 = arith.constant 0 : i32
      %dma_wait3A_189 = arith.constant 0 : i32
      %dma_wait3A_190 = tpu.memref_slice %arg14[%dma_wait3A_188, %dma_wait3A_189] : memref<256x64xf32, #tpu.memory_space<vmem>> -> memref<128x64xf32, #tpu.memory_space<vmem>>
      %dma_wait3A_191 = arith.constant 0 : i32
      %dma_wait3A_192 = tpu.memref_slice %arg24[%add3A_8, %dma_wait3A_191] : memref<10240x64xf32, #tpu.memory_space<vmem_shared>> -> memref<128x64xf32, #tpu.memory_space<vmem_shared>>
      %dma_wait3A_193 = arith.constant 0 : i32
      %dma_wait3A_194 = tpu.memref_slice %arg24[%add3A_8, %dma_wait3A_193] : memref<10240x64xf32, #tpu.memory_space<vmem_shared>> -> memref<128x64xf32, #tpu.memory_space<vmem_shared>>
      %dma_wait3A_195 = arith.constant 0 : i32
      %dma_wait3A_196 = arith.constant 0 : i32
      %dma_wait3A_197 = tpu.memref_slice %arg14[%dma_wait3A_195, %dma_wait3A_196] : memref<256x64xf32, #tpu.memory_space<vmem>> -> memref<128x64xf32, #tpu.memory_space<vmem>>
      tpu.wait_dma2 semaphore(%run_scoped3A : memref<!tpu.dma_semaphore, #tpu.memory_space<semaphore_mem>>) src(%dma_wait3A_197 : memref<128x64xf32, #tpu.memory_space<vmem>>) dst(%dma_wait3A_194 : memref<128x64xf32, #tpu.memory_space<vmem_shared>>)
      tpu.yield
    }) : () -> ()
    %mul3A_12 = arith.constant 640 : i32
    %mul3A_13 = arith.muli %arg1, %mul3A_12 : i32
    %add3A_14 = arith.constant 256 : i32
    %add3A_15 = arith.addi %mul3A_13, %add3A_14 : i32
    %mul3A_16 = arith.constant 10240 : i32
    %mul3A_17 = arith.muli %arg0, %mul3A_16 : i32
    %add3A_18 = arith.addi %mul3A_17, %add3A_15 : i32
    "tpu.region"() ({
      %run_scoped3A = tpu.sem_alloc : memref<!tpu.dma_semaphore, #tpu.memory_space<semaphore_mem>>
      %dma_start3A_178 = arith.constant 0 : i32
      %dma_start3A_179 = arith.constant 0 : i32
      %dma_start3A_180 = tpu.memref_slice %arg14[%dma_start3A_178, %dma_start3A_179] : memref<256x64xf32, #tpu.memory_space<vmem>> -> memref<128x64xf32, #tpu.memory_space<vmem>>
      %dma_start3A_181 = arith.constant 0 : i32
      %dma_start3A_182 = tpu.memref_slice %arg2[%add3A_18, %dma_start3A_181] : memref<20480x64xf32, #tpu.memory_space<hbm>> -> memref<128x64xf32, #tpu.memory_space<hbm>>
      %dma_start3A_183 = arith.constant 0 : i32
      %dma_start3A_184 = arith.constant 0 : i32
      %dma_start3A_185 = tpu.memref_slice %arg14[%dma_start3A_183, %dma_start3A_184] : memref<256x64xf32, #tpu.memory_space<vmem>> -> memref<128x64xf32, #tpu.memory_space<vmem>>
      %dma_start3A_186 = arith.constant 0 : i32
      %dma_start3A_187 = tpu.memref_slice %arg2[%add3A_18, %dma_start3A_186] : memref<20480x64xf32, #tpu.memory_space<hbm>> -> memref<128x64xf32, #tpu.memory_space<hbm>>
      tpu.enqueue_dma source(%dma_start3A_187 : memref<128x64xf32, #tpu.memory_space<hbm>>) target(%dma_start3A_185 : memref<128x64xf32, #tpu.memory_space<vmem>>) target_semaphore(%run_scoped3A : memref<!tpu.dma_semaphore, #tpu.memory_space<semaphore_mem>>)
      %dma_wait3A_188 = arith.constant 0 : i32
      %dma_wait3A_189 = arith.constant 0 : i32
      %dma_wait3A_190 = tpu.memref_slice %arg14[%dma_wait3A_188, %dma_wait3A_189] : memref<256x64xf32, #tpu.memory_space<vmem>> -> memref<128x64xf32, #tpu.memory_space<vmem>>
      %dma_wait3A_191 = arith.constant 0 : i32
      %dma_wait3A_192 = tpu.memref_slice %arg2[%add3A_18, %dma_wait3A_191] : memref<20480x64xf32, #tpu.memory_space<hbm>> -> memref<128x64xf32, #tpu.memory_space<hbm>>
      %dma_wait3A_193 = arith.constant 0 : i32
      %dma_wait3A_194 = arith.constant 0 : i32
      %dma_wait3A_195 = tpu.memref_slice %arg14[%dma_wait3A_193, %dma_wait3A_194] : memref<256x64xf32, #tpu.memory_space<vmem>> -> memref<128x64xf32, #tpu.memory_space<vmem>>
      %dma_wait3A_196 = arith.constant 0 : i32
      %dma_wait3A_197 = tpu.memref_slice %arg2[%add3A_18, %dma_wait3A_196] : memref<20480x64xf32, #tpu.memory_space<hbm>> -> memref<128x64xf32, #tpu.memory_space<hbm>>
      tpu.wait_dma2 semaphore(%run_scoped3A : memref<!tpu.dma_semaphore, #tpu.memory_space<semaphore_mem>>) src(%dma_wait3A_197 : memref<128x64xf32, #tpu.memory_space<hbm>>) dst(%dma_wait3A_195 : memref<128x64xf32, #tpu.memory_space<vmem>>)
      tpu.yield
    }) : () -> ()
    "tpu.region"() ({
      %run_scoped3A = tpu.sem_alloc : memref<!tpu.dma_semaphore, #tpu.memory_space<semaphore_mem>>
      %dma_start3A_178 = arith.constant 0 : i32
      %dma_start3A_179 = arith.constant 0 : i32
      %dma_start3A_180 = tpu.memref_slice %arg14[%dma_start3A_178, %dma_start3A_179] : memref<256x64xf32, #tpu.memory_space<vmem>> -> memref<128x64xf32, #tpu.memory_space<vmem>>
      %dma_start3A_181 = arith.constant 0 : i32
      %dma_start3A_182 = tpu.memref_slice %arg24[%add3A_15, %dma_start3A_181] : memref<10240x64xf32, #tpu.memory_space<vmem_shared>> -> memref<128x64xf32, #tpu.memory_space<vmem_shared>>
      %dma_start3A_183 = arith.constant 0 : i32
      %dma_start3A_184 = tpu.memref_slice %arg24[%add3A_15, %dma_start3A_183] : memref<10240x64xf32, #tpu.memory_space<vmem_shared>> -> memref<128x64xf32, #tpu.memory_space<vmem_shared>>
      %dma_start3A_185 = arith.constant 0 : i32
      %dma_start3A_186 = arith.constant 0 : i32
      %dma_start3A_187 = tpu.memref_slice %arg14[%dma_start3A_185, %dma_start3A_186] : memref<256x64xf32, #tpu.memory_space<vmem>> -> memref<128x64xf32, #tpu.memory_space<vmem>>
      tpu.enqueue_dma source(%dma_start3A_187 : memref<128x64xf32, #tpu.memory_space<vmem>>) target(%dma_start3A_184 : memref<128x64xf32, #tpu.memory_space<vmem_shared>>) target_semaphore(%run_scoped3A : memref<!tpu.dma_semaphore, #tpu.memory_space<semaphore_mem>>)
      %dma_wait3A_188 = arith.constant 0 : i32
      %dma_wait3A_189 = arith.constant 0 : i32
      %dma_wait3A_190 = tpu.memref_slice %arg14[%dma_wait3A_188, %dma_wait3A_189] : memref<256x64xf32, #tpu.memory_space<vmem>> -> memref<128x64xf32, #tpu.memory_space<vmem>>
      %dma_wait3A_191 = arith.constant 0 : i32
      %dma_wait3A_192 = tpu.memref_slice %arg24[%add3A_15, %dma_wait3A_191] : memref<10240x64xf32, #tpu.memory_space<vmem_shared>> -> memref<128x64xf32, #tpu.memory_space<vmem_shared>>
      %dma_wait3A_193 = arith.constant 0 : i32
      %dma_wait3A_194 = tpu.memref_slice %arg24[%add3A_15, %dma_wait3A_193] : memref<10240x64xf32, #tpu.memory_space<vmem_shared>> -> memref<128x64xf32, #tpu.memory_space<vmem_shared>>
      %dma_wait3A_195 = arith.constant 0 : i32
      %dma_wait3A_196 = arith.constant 0 : i32
      %dma_wait3A_197 = tpu.memref_slice %arg14[%dma_wait3A_195, %dma_wait3A_196] : memref<256x64xf32, #tpu.memory_space<vmem>> -> memref<128x64xf32, #tpu.memory_space<vmem>>
      tpu.wait_dma2 semaphore(%run_scoped3A : memref<!tpu.dma_semaphore, #tpu.memory_space<semaphore_mem>>) src(%dma_wait3A_197 : memref<128x64xf32, #tpu.memory_space<vmem>>) dst(%dma_wait3A_194 : memref<128x64xf32, #tpu.memory_space<vmem_shared>>)
      tpu.yield
    }) : () -> ()
    %mul3A_19 = arith.constant 640 : i32
    %mul3A_20 = arith.muli %arg1, %mul3A_19 : i32
    %add3A_21 = arith.constant 384 : i32
    %add3A_22 = arith.addi %mul3A_20, %add3A_21 : i32
    %mul3A_23 = arith.constant 10240 : i32
    %mul3A_24 = arith.muli %arg0, %mul3A_23 : i32
    %add3A_25 = arith.addi %mul3A_24, %add3A_22 : i32
    "tpu.region"() ({
      %run_scoped3A = tpu.sem_alloc : memref<!tpu.dma_semaphore, #tpu.memory_space<semaphore_mem>>
      %dma_start3A_178 = arith.constant 0 : i32
      %dma_start3A_179 = arith.constant 0 : i32
      %dma_start3A_180 = tpu.memref_slice %arg14[%dma_start3A_178, %dma_start3A_179] : memref<256x64xf32, #tpu.memory_space<vmem>> -> memref<128x64xf32, #tpu.memory_space<vmem>>
      %dma_start3A_181 = arith.constant 0 : i32
      %dma_start3A_182 = tpu.memref_slice %arg2[%add3A_25, %dma_start3A_181] : memref<20480x64xf32, #tpu.memory_space<hbm>> -> memref<128x64xf32, #tpu.memory_space<hbm>>
      %dma_start3A_183 = arith.constant 0 : i32
      %dma_start3A_184 = arith.constant 0 : i32
      %dma_start3A_185 = tpu.memref_slice %arg14[%dma_start3A_183, %dma_start3A_184] : memref<256x64xf32, #tpu.memory_space<vmem>> -> memref<128x64xf32, #tpu.memory_space<vmem>>
      %dma_start3A_186 = arith.constant 0 : i32
      %dma_start3A_187 = tpu.memref_slice %arg2[%add3A_25, %dma_start3A_186] : memref<20480x64xf32, #tpu.memory_space<hbm>> -> memref<128x64xf32, #tpu.memory_space<hbm>>
      tpu.enqueue_dma source(%dma_start3A_187 : memref<128x64xf32, #tpu.memory_space<hbm>>) target(%dma_start3A_185 : memref<128x64xf32, #tpu.memory_space<vmem>>) target_semaphore(%run_scoped3A : memref<!tpu.dma_semaphore, #tpu.memory_space<semaphore_mem>>)
      %dma_wait3A_188 = arith.constant 0 : i32
      %dma_wait3A_189 = arith.constant 0 : i32
      %dma_wait3A_190 = tpu.memref_slice %arg14[%dma_wait3A_188, %dma_wait3A_189] : memref<256x64xf32, #tpu.memory_space<vmem>> -> memref<128x64xf32, #tpu.memory_space<vmem>>
      %dma_wait3A_191 = arith.constant 0 : i32
      %dma_wait3A_192 = tpu.memref_slice %arg2[%add3A_25, %dma_wait3A_191] : memref<20480x64xf32, #tpu.memory_space<hbm>> -> memref<128x64xf32, #tpu.memory_space<hbm>>
      %dma_wait3A_193 = arith.constant 0 : i32
      %dma_wait3A_194 = arith.constant 0 : i32
      %dma_wait3A_195 = tpu.memref_slice %arg14[%dma_wait3A_193, %dma_wait3A_194] : memref<256x64xf32, #tpu.memory_space<vmem>> -> memref<128x64xf32, #tpu.memory_space<vmem>>
      %dma_wait3A_196 = arith.constant 0 : i32
      %dma_wait3A_197 = tpu.memref_slice %arg2[%add3A_25, %dma_wait3A_196] : memref<20480x64xf32, #tpu.memory_space<hbm>> -> memref<128x64xf32, #tpu.memory_space<hbm>>
      tpu.wait_dma2 semaphore(%run_scoped3A : memref<!tpu.dma_semaphore, #tpu.memory_space<semaphore_mem>>) src(%dma_wait3A_197 : memref<128x64xf32, #tpu.memory_space<hbm>>) dst(%dma_wait3A_195 : memref<128x64xf32, #tpu.memory_space<vmem>>)
      tpu.yield
    }) : () -> ()
    "tpu.region"() ({
      %run_scoped3A = tpu.sem_alloc : memref<!tpu.dma_semaphore, #tpu.memory_space<semaphore_mem>>
      %dma_start3A_178 = arith.constant 0 : i32
      %dma_start3A_179 = arith.constant 0 : i32
      %dma_start3A_180 = tpu.memref_slice %arg14[%dma_start3A_178, %dma_start3A_179] : memref<256x64xf32, #tpu.memory_space<vmem>> -> memref<128x64xf32, #tpu.memory_space<vmem>>
      %dma_start3A_181 = arith.constant 0 : i32
      %dma_start3A_182 = tpu.memref_slice %arg24[%add3A_22, %dma_start3A_181] : memref<10240x64xf32, #tpu.memory_space<vmem_shared>> -> memref<128x64xf32, #tpu.memory_space<vmem_shared>>
      %dma_start3A_183 = arith.constant 0 : i32
      %dma_start3A_184 = tpu.memref_slice %arg24[%add3A_22, %dma_start3A_183] : memref<10240x64xf32, #tpu.memory_space<vmem_shared>> -> memref<128x64xf32, #tpu.memory_space<vmem_shared>>
      %dma_start3A_185 = arith.constant 0 : i32
      %dma_start3A_186 = arith.constant 0 : i32
      %dma_start3A_187 = tpu.memref_slice %arg14[%dma_start3A_185, %dma_start3A_186] : memref<256x64xf32, #tpu.memory_space<vmem>> -> memref<128x64xf32, #tpu.memory_space<vmem>>
      tpu.enqueue_dma source(%dma_start3A_187 : memref<128x64xf32, #tpu.memory_space<vmem>>) target(%dma_start3A_184 : memref<128x64xf32, #tpu.memory_space<vmem_shared>>) target_semaphore(%run_scoped3A : memref<!tpu.dma_semaphore, #tpu.memory_space<semaphore_mem>>)
      %dma_wait3A_188 = arith.constant 0 : i32
      %dma_wait3A_189 = arith.constant 0 : i32
      %dma_wait3A_190 = tpu.memref_slice %arg14[%dma_wait3A_188, %dma_wait3A_189] : memref<256x64xf32, #tpu.memory_space<vmem>> -> memref<128x64xf32, #tpu.memory_space<vmem>>
      %dma_wait3A_191 = arith.constant 0 : i32
      %dma_wait3A_192 = tpu.memref_slice %arg24[%add3A_22, %dma_wait3A_191] : memref<10240x64xf32, #tpu.memory_space<vmem_shared>> -> memref<128x64xf32, #tpu.memory_space<vmem_shared>>
      %dma_wait3A_193 = arith.constant 0 : i32
      %dma_wait3A_194 = tpu.memref_slice %arg24[%add3A_22, %dma_wait3A_193] : memref<10240x64xf32, #tpu.memory_space<vmem_shared>> -> memref<128x64xf32, #tpu.memory_space<vmem_shared>>
      %dma_wait3A_195 = arith.constant 0 : i32
      %dma_wait3A_196 = arith.constant 0 : i32
      %dma_wait3A_197 = tpu.memref_slice %arg14[%dma_wait3A_195, %dma_wait3A_196] : memref<256x64xf32, #tpu.memory_space<vmem>> -> memref<128x64xf32, #tpu.memory_space<vmem>>
      tpu.wait_dma2 semaphore(%run_scoped3A : memref<!tpu.dma_semaphore, #tpu.memory_space<semaphore_mem>>) src(%dma_wait3A_197 : memref<128x64xf32, #tpu.memory_space<vmem>>) dst(%dma_wait3A_194 : memref<128x64xf32, #tpu.memory_space<vmem_shared>>)
      tpu.yield
    }) : () -> ()
    %mul3A_26 = arith.constant 640 : i32
    %mul3A_27 = arith.muli %arg1, %mul3A_26 : i32
    %add3A_28 = arith.constant 512 : i32
    %add3A_29 = arith.addi %mul3A_27, %add3A_28 : i32
    %mul3A_30 = arith.constant 10240 : i32
    %mul3A_31 = arith.muli %arg0, %mul3A_30 : i32
    %add3A_32 = arith.addi %mul3A_31, %add3A_29 : i32
    "tpu.region"() ({
      %run_scoped3A = tpu.sem_alloc : memref<!tpu.dma_semaphore, #tpu.memory_space<semaphore_mem>>
      %dma_start3A_178 = arith.constant 0 : i32
      %dma_start3A_179 = arith.constant 0 : i32
      %dma_start3A_180 = tpu.memref_slice %arg14[%dma_start3A_178, %dma_start3A_179] : memref<256x64xf32, #tpu.memory_space<vmem>> -> memref<128x64xf32, #tpu.memory_space<vmem>>
      %dma_start3A_181 = arith.constant 0 : i32
      %dma_start3A_182 = tpu.memref_slice %arg2[%add3A_32, %dma_start3A_181] : memref<20480x64xf32, #tpu.memory_space<hbm>> -> memref<128x64xf32, #tpu.memory_space<hbm>>
      %dma_start3A_183 = arith.constant 0 : i32
      %dma_start3A_184 = arith.constant 0 : i32
      %dma_start3A_185 = tpu.memref_slice %arg14[%dma_start3A_183, %dma_start3A_184] : memref<256x64xf32, #tpu.memory_space<vmem>> -> memref<128x64xf32, #tpu.memory_space<vmem>>
      %dma_start3A_186 = arith.constant 0 : i32
      %dma_start3A_187 = tpu.memref_slice %arg2[%add3A_32, %dma_start3A_186] : memref<20480x64xf32, #tpu.memory_space<hbm>> -> memref<128x64xf32, #tpu.memory_space<hbm>>
      tpu.enqueue_dma source(%dma_start3A_187 : memref<128x64xf32, #tpu.memory_space<hbm>>) target(%dma_start3A_185 : memref<128x64xf32, #tpu.memory_space<vmem>>) target_semaphore(%run_scoped3A : memref<!tpu.dma_semaphore, #tpu.memory_space<semaphore_mem>>)
      %dma_wait3A_188 = arith.constant 0 : i32
      %dma_wait3A_189 = arith.constant 0 : i32
      %dma_wait3A_190 = tpu.memref_slice %arg14[%dma_wait3A_188, %dma_wait3A_189] : memref<256x64xf32, #tpu.memory_space<vmem>> -> memref<128x64xf32, #tpu.memory_space<vmem>>
      %dma_wait3A_191 = arith.constant 0 : i32
      %dma_wait3A_192 = tpu.memref_slice %arg2[%add3A_32, %dma_wait3A_191] : memref<20480x64xf32, #tpu.memory_space<hbm>> -> memref<128x64xf32, #tpu.memory_space<hbm>>
      %dma_wait3A_193 = arith.constant 0 : i32
      %dma_wait3A_194 = arith.constant 0 : i32
      %dma_wait3A_195 = tpu.memref_slice %arg14[%dma_wait3A_193, %dma_wait3A_194] : memref<256x64xf32, #tpu.memory_space<vmem>> -> memref<128x64xf32, #tpu.memory_space<vmem>>
      %dma_wait3A_196 = arith.constant 0 : i32
      %dma_wait3A_197 = tpu.memref_slice %arg2[%add3A_32, %dma_wait3A_196] : memref<20480x64xf32, #tpu.memory_space<hbm>> -> memref<128x64xf32, #tpu.memory_space<hbm>>
      tpu.wait_dma2 semaphore(%run_scoped3A : memref<!tpu.dma_semaphore, #tpu.memory_space<semaphore_mem>>) src(%dma_wait3A_197 : memref<128x64xf32, #tpu.memory_space<hbm>>) dst(%dma_wait3A_195 : memref<128x64xf32, #tpu.memory_space<vmem>>)
      tpu.yield
    }) : () -> ()
    "tpu.region"() ({
      %run_scoped3A = tpu.sem_alloc : memref<!tpu.dma_semaphore, #tpu.memory_space<semaphore_mem>>
      %dma_start3A_178 = arith.constant 0 : i32
      %dma_start3A_179 = arith.constant 0 : i32
      %dma_start3A_180 = tpu.memref_slice %arg14[%dma_start3A_178, %dma_start3A_179] : memref<256x64xf32, #tpu.memory_space<vmem>> -> memref<128x64xf32, #tpu.memory_space<vmem>>
      %dma_start3A_181 = arith.constant 0 : i32
      %dma_start3A_182 = tpu.memref_slice %arg24[%add3A_29, %dma_start3A_181] : memref<10240x64xf32, #tpu.memory_space<vmem_shared>> -> memref<128x64xf32, #tpu.memory_space<vmem_shared>>
      %dma_start3A_183 = arith.constant 0 : i32
      %dma_start3A_184 = tpu.memref_slice %arg24[%add3A_29, %dma_start3A_183] : memref<10240x64xf32, #tpu.memory_space<vmem_shared>> -> memref<128x64xf32, #tpu.memory_space<vmem_shared>>
      %dma_start3A_185 = arith.constant 0 : i32
      %dma_start3A_186 = arith.constant 0 : i32
      %dma_start3A_187 = tpu.memref_slice %arg14[%dma_start3A_185, %dma_start3A_186] : memref<256x64xf32, #tpu.memory_space<vmem>> -> memref<128x64xf32, #tpu.memory_space<vmem>>
      tpu.enqueue_dma source(%dma_start3A_187 : memref<128x64xf32, #tpu.memory_space<vmem>>) target(%dma_start3A_184 : memref<128x64xf32, #tpu.memory_space<vmem_shared>>) target_semaphore(%run_scoped3A : memref<!tpu.dma_semaphore, #tpu.memory_space<semaphore_mem>>)
      %dma_wait3A_188 = arith.constant 0 : i32
      %dma_wait3A_189 = arith.constant 0 : i32
      %dma_wait3A_190 = tpu.memref_slice %arg14[%dma_wait3A_188, %dma_wait3A_189] : memref<256x64xf32, #tpu.memory_space<vmem>> -> memref<128x64xf32, #tpu.memory_space<vmem>>
      %dma_wait3A_191 = arith.constant 0 : i32
      %dma_wait3A_192 = tpu.memref_slice %arg24[%add3A_29, %dma_wait3A_191] : memref<10240x64xf32, #tpu.memory_space<vmem_shared>> -> memref<128x64xf32, #tpu.memory_space<vmem_shared>>
      %dma_wait3A_193 = arith.constant 0 : i32
      %dma_wait3A_194 = tpu.memref_slice %arg24[%add3A_29, %dma_wait3A_193] : memref<10240x64xf32, #tpu.memory_space<vmem_shared>> -> memref<128x64xf32, #tpu.memory_space<vmem_shared>>
      %dma_wait3A_195 = arith.constant 0 : i32
      %dma_wait3A_196 = arith.constant 0 : i32
      %dma_wait3A_197 = tpu.memref_slice %arg14[%dma_wait3A_195, %dma_wait3A_196] : memref<256x64xf32, #tpu.memory_space<vmem>> -> memref<128x64xf32, #tpu.memory_space<vmem>>
      tpu.wait_dma2 semaphore(%run_scoped3A : memref<!tpu.dma_semaphore, #tpu.memory_space<semaphore_mem>>) src(%dma_wait3A_197 : memref<128x64xf32, #tpu.memory_space<vmem>>) dst(%dma_wait3A_194 : memref<128x64xf32, #tpu.memory_space<vmem_shared>>)
      tpu.yield
    }) : () -> ()
    %broadcast_in_dim3A = arith.constant 0.000000e+00 : f32
    %broadcast_in_dim3A_33 = vector.broadcast %broadcast_in_dim3A : f32 to vector<16xf32>
    %scan3A = arith.constant 0 : i32
    %scan3A_34 = arith.constant 0 : i32
    %scan3A_35 = arith.constant 128 : i32
    %scan3A_36 = arith.addi %scan3A_34, %scan3A_35 : i32
    %scan3A_37 = arith.constant 1 : i32
    scf.for %scan3A_178 = %scan3A_34 to %scan3A_36 step %scan3A_37  : i32 {
      %swap3A = arith.index_cast %scan3A_178 : i32 to index
      %swap3A_179 = arith.constant 0 : index
      %swap3A_180 = tpu.vector_load %arg14[%swap3A, %swap3A_179] {strides = array<i32>} : memref<256x64xf32, #tpu.memory_space<vmem>>, vector<1x16xf32>,
      %swap3A_181 = vector.shape_cast %swap3A_180 : vector<1x16xf32> to vector<16xf32>
      %swap3A_182 = vector.shape_cast %broadcast_in_dim3A_33 : vector<16xf32> to vector<1x16xf32>
      tpu.vector_store %arg14[%swap3A, %swap3A_179], %swap3A_182 {strides = array<i32>} : memref<256x64xf32, #tpu.memory_space<vmem>>, vector<1x16xf32>,
      %swap3A_183 = arith.index_cast %scan3A_178 : i32 to index
      %swap3A_184 = arith.constant 16 : index
      %swap3A_185 = tpu.vector_load %arg14[%swap3A_183, %swap3A_184] {strides = array<i32>} : memref<256x64xf32, #tpu.memory_space<vmem>>, vector<1x16xf32>,
      %swap3A_186 = vector.shape_cast %swap3A_185 : vector<1x16xf32> to vector<16xf32>
      %swap3A_187 = vector.shape_cast %broadcast_in_dim3A_33 : vector<16xf32> to vector<1x16xf32>
      tpu.vector_store %arg14[%swap3A_183, %swap3A_184], %swap3A_187 {strides = array<i32>} : memref<256x64xf32, #tpu.memory_space<vmem>>, vector<1x16xf32>,
      %swap3A_188 = arith.index_cast %scan3A_178 : i32 to index
      %swap3A_189 = arith.constant 32 : index
      %swap3A_190 = tpu.vector_load %arg14[%swap3A_188, %swap3A_189] {strides = array<i32>} : memref<256x64xf32, #tpu.memory_space<vmem>>, vector<1x16xf32>,
      %swap3A_191 = vector.shape_cast %swap3A_190 : vector<1x16xf32> to vector<16xf32>
      %swap3A_192 = vector.shape_cast %broadcast_in_dim3A_33 : vector<16xf32> to vector<1x16xf32>
      tpu.vector_store %arg14[%swap3A_188, %swap3A_189], %swap3A_192 {strides = array<i32>} : memref<256x64xf32, #tpu.memory_space<vmem>>, vector<1x16xf32>,
      %swap3A_193 = arith.index_cast %scan3A_178 : i32 to index
      %swap3A_194 = arith.constant 48 : index
      %swap3A_195 = tpu.vector_load %arg14[%swap3A_193, %swap3A_194] {strides = array<i32>} : memref<256x64xf32, #tpu.memory_space<vmem>>, vector<1x16xf32>,
      %swap3A_196 = vector.shape_cast %swap3A_195 : vector<1x16xf32> to vector<16xf32>
      %swap3A_197 = vector.shape_cast %broadcast_in_dim3A_33 : vector<16xf32> to vector<1x16xf32>
      tpu.vector_store %arg14[%swap3A_193, %swap3A_194], %swap3A_197 {strides = array<i32>} : memref<256x64xf32, #tpu.memory_space<vmem>>, vector<1x16xf32>,
    }
    %scan3A_38 = arith.constant 128 : i32
    %mul3A_39 = arith.constant 640 : i32
    %mul3A_40 = arith.muli %arg1, %mul3A_39 : i32
    %add3A_41 = arith.constant 0 : i32
    %add3A_42 = arith.addi %mul3A_40, %add3A_41 : i32
    "tpu.region"() ({
      %run_scoped3A = tpu.sem_alloc : memref<!tpu.dma_semaphore, #tpu.memory_space<semaphore_mem>>
      %dma_start3A_178 = arith.constant 0 : i32
      %dma_start3A_179 = arith.constant 0 : i32
      %dma_start3A_180 = tpu.memref_slice %arg14[%dma_start3A_178, %dma_start3A_179] : memref<256x64xf32, #tpu.memory_space<vmem>> -> memref<128x64xf32, #tpu.memory_space<vmem>>
      %dma_start3A_181 = arith.constant 0 : i32
      %dma_start3A_182 = tpu.memref_slice %arg25[%add3A_42, %dma_start3A_181] : memref<10240x64xf32, #tpu.memory_space<vmem_shared>> -> memref<128x64xf32, #tpu.memory_space<vmem_shared>>
      %dma_start3A_183 = arith.constant 0 : i32
      %dma_start3A_184 = tpu.memref_slice %arg25[%add3A_42, %dma_start3A_183] : memref<10240x64xf32, #tpu.memory_space<vmem_shared>> -> memref<128x64xf32, #tpu.memory_space<vmem_shared>>
      %dma_start3A_185 = arith.constant 0 : i32
      %dma_start3A_186 = arith.constant 0 : i32
      %dma_start3A_187 = tpu.memref_slice %arg14[%dma_start3A_185, %dma_start3A_186] : memref<256x64xf32, #tpu.memory_space<vmem>> -> memref<128x64xf32, #tpu.memory_space<vmem>>
      tpu.enqueue_dma source(%dma_start3A_187 : memref<128x64xf32, #tpu.memory_space<vmem>>) target(%dma_start3A_184 : memref<128x64xf32, #tpu.memory_space<vmem_shared>>) target_semaphore(%run_scoped3A : memref<!tpu.dma_semaphore, #tpu.memory_space<semaphore_mem>>)
      %dma_wait3A_188 = arith.constant 0 : i32
      %dma_wait3A_189 = arith.constant 0 : i32
      %dma_wait3A_190 = tpu.memref_slice %arg14[%dma_wait3A_188, %dma_wait3A_189] : memref<256x64xf32, #tpu.memory_space<vmem>> -> memref<128x64xf32, #tpu.memory_space<vmem>>
      %dma_wait3A_191 = arith.constant 0 : i32
      %dma_wait3A_192 = tpu.memref_slice %arg25[%add3A_42, %dma_wait3A_191] : memref<10240x64xf32, #tpu.memory_space<vmem_shared>> -> memref<128x64xf32, #tpu.memory_space<vmem_shared>>
      %dma_wait3A_193 = arith.constant 0 : i32
      %dma_wait3A_194 = tpu.memref_slice %arg25[%add3A_42, %dma_wait3A_193] : memref<10240x64xf32, #tpu.memory_space<vmem_shared>> -> memref<128x64xf32, #tpu.memory_space<vmem_shared>>
      %dma_wait3A_195 = arith.constant 0 : i32
      %dma_wait3A_196 = arith.constant 0 : i32
      %dma_wait3A_197 = tpu.memref_slice %arg14[%dma_wait3A_195, %dma_wait3A_196] : memref<256x64xf32, #tpu.memory_space<vmem>> -> memref<128x64xf32, #tpu.memory_space<vmem>>
      tpu.wait_dma2 semaphore(%run_scoped3A : memref<!tpu.dma_semaphore, #tpu.memory_space<semaphore_mem>>) src(%dma_wait3A_197 : memref<128x64xf32, #tpu.memory_space<vmem>>) dst(%dma_wait3A_194 : memref<128x64xf32, #tpu.memory_space<vmem_shared>>)
      tpu.yield
    }) : () -> ()
    %mul3A_43 = arith.constant 640 : i32
    %mul3A_44 = arith.muli %arg1, %mul3A_43 : i32
    %add3A_45 = arith.constant 128 : i32
    %add3A_46 = arith.addi %mul3A_44, %add3A_45 : i32
    "tpu.region"() ({
      %run_scoped3A = tpu.sem_alloc : memref<!tpu.dma_semaphore, #tpu.memory_space<semaphore_mem>>
      %dma_start3A_178 = arith.constant 0 : i32
      %dma_start3A_179 = arith.constant 0 : i32
      %dma_start3A_180 = tpu.memref_slice %arg14[%dma_start3A_178, %dma_start3A_179] : memref<256x64xf32, #tpu.memory_space<vmem>> -> memref<128x64xf32, #tpu.memory_space<vmem>>
      %dma_start3A_181 = arith.constant 0 : i32
      %dma_start3A_182 = tpu.memref_slice %arg25[%add3A_46, %dma_start3A_181] : memref<10240x64xf32, #tpu.memory_space<vmem_shared>> -> memref<128x64xf32, #tpu.memory_space<vmem_shared>>
      %dma_start3A_183 = arith.constant 0 : i32
      %dma_start3A_184 = tpu.memref_slice %arg25[%add3A_46, %dma_start3A_183] : memref<10240x64xf32, #tpu.memory_space<vmem_shared>> -> memref<128x64xf32, #tpu.memory_space<vmem_shared>>
      %dma_start3A_185 = arith.constant 0 : i32
      %dma_start3A_186 = arith.constant 0 : i32
      %dma_start3A_187 = tpu.memref_slice %arg14[%dma_start3A_185, %dma_start3A_186] : memref<256x64xf32, #tpu.memory_space<vmem>> -> memref<128x64xf32, #tpu.memory_space<vmem>>
      tpu.enqueue_dma source(%dma_start3A_187 : memref<128x64xf32, #tpu.memory_space<vmem>>) target(%dma_start3A_184 : memref<128x64xf32, #tpu.memory_space<vmem_shared>>) target_semaphore(%run_scoped3A : memref<!tpu.dma_semaphore, #tpu.memory_space<semaphore_mem>>)
      %dma_wait3A_188 = arith.constant 0 : i32
      %dma_wait3A_189 = arith.constant 0 : i32
      %dma_wait3A_190 = tpu.memref_slice %arg14[%dma_wait3A_188, %dma_wait3A_189] : memref<256x64xf32, #tpu.memory_space<vmem>> -> memref<128x64xf32, #tpu.memory_space<vmem>>
      %dma_wait3A_191 = arith.constant 0 : i32
      %dma_wait3A_192 = tpu.memref_slice %arg25[%add3A_46, %dma_wait3A_191] : memref<10240x64xf32, #tpu.memory_space<vmem_shared>> -> memref<128x64xf32, #tpu.memory_space<vmem_shared>>
      %dma_wait3A_193 = arith.constant 0 : i32
      %dma_wait3A_194 = tpu.memref_slice %arg25[%add3A_46, %dma_wait3A_193] : memref<10240x64xf32, #tpu.memory_space<vmem_shared>> -> memref<128x64xf32, #tpu.memory_space<vmem_shared>>
      %dma_wait3A_195 = arith.constant 0 : i32
      %dma_wait3A_196 = arith.constant 0 : i32
      %dma_wait3A_197 = tpu.memref_slice %arg14[%dma_wait3A_195, %dma_wait3A_196] : memref<256x64xf32, #tpu.memory_space<vmem>> -> memref<128x64xf32, #tpu.memory_space<vmem>>
      tpu.wait_dma2 semaphore(%run_scoped3A : memref<!tpu.dma_semaphore, #tpu.memory_space<semaphore_mem>>) src(%dma_wait3A_197 : memref<128x64xf32, #tpu.memory_space<vmem>>) dst(%dma_wait3A_194 : memref<128x64xf32, #tpu.memory_space<vmem_shared>>)
      tpu.yield
    }) : () -> ()
    %mul3A_47 = arith.constant 640 : i32
    %mul3A_48 = arith.muli %arg1, %mul3A_47 : i32
    %add3A_49 = arith.constant 256 : i32
    %add3A_50 = arith.addi %mul3A_48, %add3A_49 : i32
    "tpu.region"() ({
      %run_scoped3A = tpu.sem_alloc : memref<!tpu.dma_semaphore, #tpu.memory_space<semaphore_mem>>
      %dma_start3A_178 = arith.constant 0 : i32
      %dma_start3A_179 = arith.constant 0 : i32
      %dma_start3A_180 = tpu.memref_slice %arg14[%dma_start3A_178, %dma_start3A_179] : memref<256x64xf32, #tpu.memory_space<vmem>> -> memref<128x64xf32, #tpu.memory_space<vmem>>
      %dma_start3A_181 = arith.constant 0 : i32
      %dma_start3A_182 = tpu.memref_slice %arg25[%add3A_50, %dma_start3A_181] : memref<10240x64xf32, #tpu.memory_space<vmem_shared>> -> memref<128x64xf32, #tpu.memory_space<vmem_shared>>
      %dma_start3A_183 = arith.constant 0 : i32
      %dma_start3A_184 = tpu.memref_slice %arg25[%add3A_50, %dma_start3A_183] : memref<10240x64xf32, #tpu.memory_space<vmem_shared>> -> memref<128x64xf32, #tpu.memory_space<vmem_shared>>
      %dma_start3A_185 = arith.constant 0 : i32
      %dma_start3A_186 = arith.constant 0 : i32
      %dma_start3A_187 = tpu.memref_slice %arg14[%dma_start3A_185, %dma_start3A_186] : memref<256x64xf32, #tpu.memory_space<vmem>> -> memref<128x64xf32, #tpu.memory_space<vmem>>
      tpu.enqueue_dma source(%dma_start3A_187 : memref<128x64xf32, #tpu.memory_space<vmem>>) target(%dma_start3A_184 : memref<128x64xf32, #tpu.memory_space<vmem_shared>>) target_semaphore(%run_scoped3A : memref<!tpu.dma_semaphore, #tpu.memory_space<semaphore_mem>>)
      %dma_wait3A_188 = arith.constant 0 : i32
      %dma_wait3A_189 = arith.constant 0 : i32
      %dma_wait3A_190 = tpu.memref_slice %arg14[%dma_wait3A_188, %dma_wait3A_189] : memref<256x64xf32, #tpu.memory_space<vmem>> -> memref<128x64xf32, #tpu.memory_space<vmem>>
      %dma_wait3A_191 = arith.constant 0 : i32
      %dma_wait3A_192 = tpu.memref_slice %arg25[%add3A_50, %dma_wait3A_191] : memref<10240x64xf32, #tpu.memory_space<vmem_shared>> -> memref<128x64xf32, #tpu.memory_space<vmem_shared>>
      %dma_wait3A_193 = arith.constant 0 : i32
      %dma_wait3A_194 = tpu.memref_slice %arg25[%add3A_50, %dma_wait3A_193] : memref<10240x64xf32, #tpu.memory_space<vmem_shared>> -> memref<128x64xf32, #tpu.memory_space<vmem_shared>>
      %dma_wait3A_195 = arith.constant 0 : i32
      %dma_wait3A_196 = arith.constant 0 : i32
      %dma_wait3A_197 = tpu.memref_slice %arg14[%dma_wait3A_195, %dma_wait3A_196] : memref<256x64xf32, #tpu.memory_space<vmem>> -> memref<128x64xf32, #tpu.memory_space<vmem>>
      tpu.wait_dma2 semaphore(%run_scoped3A : memref<!tpu.dma_semaphore, #tpu.memory_space<semaphore_mem>>) src(%dma_wait3A_197 : memref<128x64xf32, #tpu.memory_space<vmem>>) dst(%dma_wait3A_194 : memref<128x64xf32, #tpu.memory_space<vmem_shared>>)
      tpu.yield
    }) : () -> ()
    %mul3A_51 = arith.constant 640 : i32
    %mul3A_52 = arith.muli %arg1, %mul3A_51 : i32
    %add3A_53 = arith.constant 384 : i32
    %add3A_54 = arith.addi %mul3A_52, %add3A_53 : i32
    "tpu.region"() ({
      %run_scoped3A = tpu.sem_alloc : memref<!tpu.dma_semaphore, #tpu.memory_space<semaphore_mem>>
      %dma_start3A_178 = arith.constant 0 : i32
      %dma_start3A_179 = arith.constant 0 : i32
      %dma_start3A_180 = tpu.memref_slice %arg14[%dma_start3A_178, %dma_start3A_179] : memref<256x64xf32, #tpu.memory_space<vmem>> -> memref<128x64xf32, #tpu.memory_space<vmem>>
      %dma_start3A_181 = arith.constant 0 : i32
      %dma_start3A_182 = tpu.memref_slice %arg25[%add3A_54, %dma_start3A_181] : memref<10240x64xf32, #tpu.memory_space<vmem_shared>> -> memref<128x64xf32, #tpu.memory_space<vmem_shared>>
      %dma_start3A_183 = arith.constant 0 : i32
      %dma_start3A_184 = tpu.memref_slice %arg25[%add3A_54, %dma_start3A_183] : memref<10240x64xf32, #tpu.memory_space<vmem_shared>> -> memref<128x64xf32, #tpu.memory_space<vmem_shared>>
      %dma_start3A_185 = arith.constant 0 : i32
      %dma_start3A_186 = arith.constant 0 : i32
      %dma_start3A_187 = tpu.memref_slice %arg14[%dma_start3A_185, %dma_start3A_186] : memref<256x64xf32, #tpu.memory_space<vmem>> -> memref<128x64xf32, #tpu.memory_space<vmem>>
      tpu.enqueue_dma source(%dma_start3A_187 : memref<128x64xf32, #tpu.memory_space<vmem>>) target(%dma_start3A_184 : memref<128x64xf32, #tpu.memory_space<vmem_shared>>) target_semaphore(%run_scoped3A : memref<!tpu.dma_semaphore, #tpu.memory_space<semaphore_mem>>)
      %dma_wait3A_188 = arith.constant 0 : i32
      %dma_wait3A_189 = arith.constant 0 : i32
      %dma_wait3A_190 = tpu.memref_slice %arg14[%dma_wait3A_188, %dma_wait3A_189] : memref<256x64xf32, #tpu.memory_space<vmem>> -> memref<128x64xf32, #tpu.memory_space<vmem>>
      %dma_wait3A_191 = arith.constant 0 : i32
      %dma_wait3A_192 = tpu.memref_slice %arg25[%add3A_54, %dma_wait3A_191] : memref<10240x64xf32, #tpu.memory_space<vmem_shared>> -> memref<128x64xf32, #tpu.memory_space<vmem_shared>>
      %dma_wait3A_193 = arith.constant 0 : i32
      %dma_wait3A_194 = tpu.memref_slice %arg25[%add3A_54, %dma_wait3A_193] : memref<10240x64xf32, #tpu.memory_space<vmem_shared>> -> memref<128x64xf32, #tpu.memory_space<vmem_shared>>
      %dma_wait3A_195 = arith.constant 0 : i32
      %dma_wait3A_196 = arith.constant 0 : i32
      %dma_wait3A_197 = tpu.memref_slice %arg14[%dma_wait3A_195, %dma_wait3A_196] : memref<256x64xf32, #tpu.memory_space<vmem>> -> memref<128x64xf32, #tpu.memory_space<vmem>>
      tpu.wait_dma2 semaphore(%run_scoped3A : memref<!tpu.dma_semaphore, #tpu.memory_space<semaphore_mem>>) src(%dma_wait3A_197 : memref<128x64xf32, #tpu.memory_space<vmem>>) dst(%dma_wait3A_194 : memref<128x64xf32, #tpu.memory_space<vmem_shared>>)
      tpu.yield
    }) : () -> ()
    %mul3A_55 = arith.constant 640 : i32
    %mul3A_56 = arith.muli %arg1, %mul3A_55 : i32
    %add3A_57 = arith.constant 512 : i32
    %add3A_58 = arith.addi %mul3A_56, %add3A_57 : i32
    "tpu.region"() ({
      %run_scoped3A = tpu.sem_alloc : memref<!tpu.dma_semaphore, #tpu.memory_space<semaphore_mem>>
      %dma_start3A_178 = arith.constant 0 : i32
      %dma_start3A_179 = arith.constant 0 : i32
      %dma_start3A_180 = tpu.memref_slice %arg14[%dma_start3A_178, %dma_start3A_179] : memref<256x64xf32, #tpu.memory_space<vmem>> -> memref<128x64xf32, #tpu.memory_space<vmem>>
      %dma_start3A_181 = arith.constant 0 : i32
      %dma_start3A_182 = tpu.memref_slice %arg25[%add3A_58, %dma_start3A_181] : memref<10240x64xf32, #tpu.memory_space<vmem_shared>> -> memref<128x64xf32, #tpu.memory_space<vmem_shared>>
      %dma_start3A_183 = arith.constant 0 : i32
      %dma_start3A_184 = tpu.memref_slice %arg25[%add3A_58, %dma_start3A_183] : memref<10240x64xf32, #tpu.memory_space<vmem_shared>> -> memref<128x64xf32, #tpu.memory_space<vmem_shared>>
      %dma_start3A_185 = arith.constant 0 : i32
      %dma_start3A_186 = arith.constant 0 : i32
      %dma_start3A_187 = tpu.memref_slice %arg14[%dma_start3A_185, %dma_start3A_186] : memref<256x64xf32, #tpu.memory_space<vmem>> -> memref<128x64xf32, #tpu.memory_space<vmem>>
      tpu.enqueue_dma source(%dma_start3A_187 : memref<128x64xf32, #tpu.memory_space<vmem>>) target(%dma_start3A_184 : memref<128x64xf32, #tpu.memory_space<vmem_shared>>) target_semaphore(%run_scoped3A : memref<!tpu.dma_semaphore, #tpu.memory_space<semaphore_mem>>)
      %dma_wait3A_188 = arith.constant 0 : i32
      %dma_wait3A_189 = arith.constant 0 : i32
      %dma_wait3A_190 = tpu.memref_slice %arg14[%dma_wait3A_188, %dma_wait3A_189] : memref<256x64xf32, #tpu.memory_space<vmem>> -> memref<128x64xf32, #tpu.memory_space<vmem>>
      %dma_wait3A_191 = arith.constant 0 : i32
      %dma_wait3A_192 = tpu.memref_slice %arg25[%add3A_58, %dma_wait3A_191] : memref<10240x64xf32, #tpu.memory_space<vmem_shared>> -> memref<128x64xf32, #tpu.memory_space<vmem_shared>>
      %dma_wait3A_193 = arith.constant 0 : i32
      %dma_wait3A_194 = tpu.memref_slice %arg25[%add3A_58, %dma_wait3A_193] : memref<10240x64xf32, #tpu.memory_space<vmem_shared>> -> memref<128x64xf32, #tpu.memory_space<vmem_shared>>
      %dma_wait3A_195 = arith.constant 0 : i32
      %dma_wait3A_196 = arith.constant 0 : i32
      %dma_wait3A_197 = tpu.memref_slice %arg14[%dma_wait3A_195, %dma_wait3A_196] : memref<256x64xf32, #tpu.memory_space<vmem>> -> memref<128x64xf32, #tpu.memory_space<vmem>>
      tpu.wait_dma2 semaphore(%run_scoped3A : memref<!tpu.dma_semaphore, #tpu.memory_space<semaphore_mem>>) src(%dma_wait3A_197 : memref<128x64xf32, #tpu.memory_space<vmem>>) dst(%dma_wait3A_194 : memref<128x64xf32, #tpu.memory_space<vmem_shared>>)
      tpu.yield
    }) : () -> ()
    %barrier3A = arith.constant 0 : index
    tpu.barrier barrier_id(%barrier3A)
    %mul3A_59 = arith.constant 80 : i32
    %mul3A_60 = arith.muli %arg1, %mul3A_59 : i32
    %add3A_61 = arith.constant 0 : i32
    %add3A_62 = arith.addi %mul3A_60, %add3A_61 : i32
    %dma_start3A = arith.constant 0 : i32
    %dma_start3A_63 = tpu.memref_slice %arg3[%add3A_62, %dma_start3A] : memref<1280x256xi32, #tpu.memory_space<hbm>> -> memref<1x256xi32, #tpu.memory_space<hbm>>
    %dma_start3A_64 = tpu.memref_squeeze %dma_start3A_63 : memref<1x256xi32, #tpu.memory_space<hbm>> -> memref<256xi32, #tpu.memory_space<hbm>>
    %dma_start3A_65 = arith.constant 0 : i32
    %dma_start3A_66 = tpu.memref_slice %arg3[%add3A_62, %dma_start3A_65] : memref<1280x256xi32, #tpu.memory_space<hbm>> -> memref<1x256xi32, #tpu.memory_space<hbm>>
    %dma_start3A_67 = tpu.memref_squeeze %dma_start3A_66 : memref<1x256xi32, #tpu.memory_space<hbm>> -> memref<256xi32, #tpu.memory_space<hbm>>
    tpu.enqueue_dma source(%dma_start3A_67 : memref<256xi32, #tpu.memory_space<hbm>>) target(%arg6 : memref<256xi32, #tpu.memory_space<vmem>>) target_semaphore(%arg16 : memref<!tpu.dma_semaphore, #tpu.memory_space<semaphore_mem>>)
    %mul3A_68 = arith.constant 80 : i32
    %mul3A_69 = arith.muli %arg1, %mul3A_68 : i32
    %add3A_70 = arith.constant 0 : i32
    %add3A_71 = arith.addi %mul3A_69, %add3A_70 : i32
    %dma_start3A_72 = arith.constant 0 : i32
    %dma_start3A_73 = tpu.memref_slice %arg4[%add3A_71, %dma_start3A_72] : memref<1280x256xi32, #tpu.memory_space<hbm>> -> memref<1x256xi32, #tpu.memory_space<hbm>>
    %dma_start3A_74 = tpu.memref_squeeze %dma_start3A_73 : memref<1x256xi32, #tpu.memory_space<hbm>> -> memref<256xi32, #tpu.memory_space<hbm>>
    %dma_start3A_75 = arith.constant 0 : i32
    %dma_start3A_76 = tpu.memref_slice %arg4[%add3A_71, %dma_start3A_75] : memref<1280x256xi32, #tpu.memory_space<hbm>> -> memref<1x256xi32, #tpu.memory_space<hbm>>
    %dma_start3A_77 = tpu.memref_squeeze %dma_start3A_76 : memref<1x256xi32, #tpu.memory_space<hbm>> -> memref<256xi32, #tpu.memory_space<hbm>>
    tpu.enqueue_dma source(%dma_start3A_77 : memref<256xi32, #tpu.memory_space<hbm>>) target(%arg10 : memref<256xi32, #tpu.memory_space<vmem>>) target_semaphore(%arg16 : memref<!tpu.dma_semaphore, #tpu.memory_space<semaphore_mem>>)
    %mul3A_78 = arith.constant 80 : i32
    %mul3A_79 = arith.muli %arg1, %mul3A_78 : i32
    %add3A_80 = arith.constant 1 : i32
    %add3A_81 = arith.addi %mul3A_79, %add3A_80 : i32
    %dma_start3A_82 = arith.constant 0 : i32
    %dma_start3A_83 = tpu.memref_slice %arg3[%add3A_81, %dma_start3A_82] : memref<1280x256xi32, #tpu.memory_space<hbm>> -> memref<1x256xi32, #tpu.memory_space<hbm>>
    %dma_start3A_84 = tpu.memref_squeeze %dma_start3A_83 : memref<1x256xi32, #tpu.memory_space<hbm>> -> memref<256xi32, #tpu.memory_space<hbm>>
    %dma_start3A_85 = arith.constant 0 : i32
    %dma_start3A_86 = tpu.memref_slice %arg3[%add3A_81, %dma_start3A_85] : memref<1280x256xi32, #tpu.memory_space<hbm>> -> memref<1x256xi32, #tpu.memory_space<hbm>>
    %dma_start3A_87 = tpu.memref_squeeze %dma_start3A_86 : memref<1x256xi32, #tpu.memory_space<hbm>> -> memref<256xi32, #tpu.memory_space<hbm>>
    tpu.enqueue_dma source(%dma_start3A_87 : memref<256xi32, #tpu.memory_space<hbm>>) target(%arg7 : memref<256xi32, #tpu.memory_space<vmem>>) target_semaphore(%arg17 : memref<!tpu.dma_semaphore, #tpu.memory_space<semaphore_mem>>)
    %mul3A_88 = arith.constant 80 : i32
    %mul3A_89 = arith.muli %arg1, %mul3A_88 : i32
    %add3A_90 = arith.constant 1 : i32
    %add3A_91 = arith.addi %mul3A_89, %add3A_90 : i32
    %dma_start3A_92 = arith.constant 0 : i32
    %dma_start3A_93 = tpu.memref_slice %arg4[%add3A_91, %dma_start3A_92] : memref<1280x256xi32, #tpu.memory_space<hbm>> -> memref<1x256xi32, #tpu.memory_space<hbm>>
    %dma_start3A_94 = tpu.memref_squeeze %dma_start3A_93 : memref<1x256xi32, #tpu.memory_space<hbm>> -> memref<256xi32, #tpu.memory_space<hbm>>
    %dma_start3A_95 = arith.constant 0 : i32
    %dma_start3A_96 = tpu.memref_slice %arg4[%add3A_91, %dma_start3A_95] : memref<1280x256xi32, #tpu.memory_space<hbm>> -> memref<1x256xi32, #tpu.memory_space<hbm>>
    %dma_start3A_97 = tpu.memref_squeeze %dma_start3A_96 : memref<1x256xi32, #tpu.memory_space<hbm>> -> memref<256xi32, #tpu.memory_space<hbm>>
    tpu.enqueue_dma source(%dma_start3A_97 : memref<256xi32, #tpu.memory_space<hbm>>) target(%arg11 : memref<256xi32, #tpu.memory_space<vmem>>) target_semaphore(%arg17 : memref<!tpu.dma_semaphore, #tpu.memory_space<semaphore_mem>>)
    %mul3A_98 = arith.constant 80 : i32
    %mul3A_99 = arith.muli %arg1, %mul3A_98 : i32
    %add3A_100 = arith.constant 0 : i32
    %add3A_101 = arith.addi %mul3A_99, %add3A_100 : i32
    %dma_wait3A = arith.constant 0 : i32
    %dma_wait3A_102 = tpu.memref_slice %arg3[%add3A_101, %dma_wait3A] : memref<1280x256xi32, #tpu.memory_space<hbm>> -> memref<1x256xi32, #tpu.memory_space<hbm>>
    %dma_wait3A_103 = tpu.memref_squeeze %dma_wait3A_102 : memref<1x256xi32, #tpu.memory_space<hbm>> -> memref<256xi32, #tpu.memory_space<hbm>>
    %dma_wait3A_104 = arith.constant 0 : i32
    %dma_wait3A_105 = tpu.memref_slice %arg3[%add3A_101, %dma_wait3A_104] : memref<1280x256xi32, #tpu.memory_space<hbm>> -> memref<1x256xi32, #tpu.memory_space<hbm>>
    %dma_wait3A_106 = tpu.memref_squeeze %dma_wait3A_105 : memref<1x256xi32, #tpu.memory_space<hbm>> -> memref<256xi32, #tpu.memory_space<hbm>>
    tpu.wait_dma2 semaphore(%arg16 : memref<!tpu.dma_semaphore, #tpu.memory_space<semaphore_mem>>) src(%dma_wait3A_106 : memref<256xi32, #tpu.memory_space<hbm>>) dst(%arg6 : memref<256xi32, #tpu.memory_space<vmem>>)
    %mul3A_107 = arith.constant 80 : i32
    %mul3A_108 = arith.muli %arg1, %mul3A_107 : i32
    %add3A_109 = arith.constant 0 : i32
    %add3A_110 = arith.addi %mul3A_108, %add3A_109 : i32
    %dma_wait3A_111 = arith.constant 0 : i32
    %dma_wait3A_112 = tpu.memref_slice %arg4[%add3A_110, %dma_wait3A_111] : memref<1280x256xi32, #tpu.memory_space<hbm>> -> memref<1x256xi32, #tpu.memory_space<hbm>>
    %dma_wait3A_113 = tpu.memref_squeeze %dma_wait3A_112 : memref<1x256xi32, #tpu.memory_space<hbm>> -> memref<256xi32, #tpu.memory_space<hbm>>
    %dma_wait3A_114 = arith.constant 0 : i32
    %dma_wait3A_115 = tpu.memref_slice %arg4[%add3A_110, %dma_wait3A_114] : memref<1280x256xi32, #tpu.memory_space<hbm>> -> memref<1x256xi32, #tpu.memory_space<hbm>>
    %dma_wait3A_116 = tpu.memref_squeeze %dma_wait3A_115 : memref<1x256xi32, #tpu.memory_space<hbm>> -> memref<256xi32, #tpu.memory_space<hbm>>
    tpu.wait_dma2 semaphore(%arg16 : memref<!tpu.dma_semaphore, #tpu.memory_space<semaphore_mem>>) src(%dma_wait3A_116 : memref<256xi32, #tpu.memory_space<hbm>>) dst(%arg10 : memref<256xi32, #tpu.memory_space<vmem>>)
    %dma_start3A_117 = arith.constant 0 : i32
    %dma_start3A_118 = arith.constant 0 : i32
    %dma_start3A_119 = tpu.memref_slice %arg24[%dma_start3A_117, %dma_start3A_118] : memref<10240x64xf32, #tpu.memory_space<vmem_shared>> -> memref<10240x64xf32, #tpu.memory_space<vmem_shared>>
    tpu.enqueue_indirect_dma source(%dma_start3A_119 : memref<10240x64xf32, #tpu.memory_space<vmem_shared>>) target(%arg14 : memref<256x64xf32, #tpu.memory_space<vmem>>) offsets(%arg6 : memref<256xi32, #tpu.memory_space<vmem>>) semaphore(%arg20 : memref<!tpu.dma_semaphore, #tpu.memory_space<semaphore_mem>>)
    %mul3A_120 = arith.constant 80 : i32
    %mul3A_121 = arith.muli %arg1, %mul3A_120 : i32
    %add3A_122 = arith.constant 1 : i32
    %add3A_123 = arith.addi %mul3A_121, %add3A_122 : i32
    %dma_wait3A_124 = arith.constant 0 : i32
    %dma_wait3A_125 = tpu.memref_slice %arg3[%add3A_123, %dma_wait3A_124] : memref<1280x256xi32, #tpu.memory_space<hbm>> -> memref<1x256xi32, #tpu.memory_space<hbm>>
    %dma_wait3A_126 = tpu.memref_squeeze %dma_wait3A_125 : memref<1x256xi32, #tpu.memory_space<hbm>> -> memref<256xi32, #tpu.memory_space<hbm>>
    %dma_wait3A_127 = arith.constant 0 : i32
    %dma_wait3A_128 = tpu.memref_slice %arg3[%add3A_123, %dma_wait3A_127] : memref<1280x256xi32, #tpu.memory_space<hbm>> -> memref<1x256xi32, #tpu.memory_space<hbm>>
    %dma_wait3A_129 = tpu.memref_squeeze %dma_wait3A_128 : memref<1x256xi32, #tpu.memory_space<hbm>> -> memref<256xi32, #tpu.memory_space<hbm>>
    tpu.wait_dma2 semaphore(%arg17 : memref<!tpu.dma_semaphore, #tpu.memory_space<semaphore_mem>>) src(%dma_wait3A_129 : memref<256xi32, #tpu.memory_space<hbm>>) dst(%arg7 : memref<256xi32, #tpu.memory_space<vmem>>)
    %mul3A_130 = arith.constant 80 : i32
    %mul3A_131 = arith.muli %arg1, %mul3A_130 : i32
    %add3A_132 = arith.constant 1 : i32
    %add3A_133 = arith.addi %mul3A_131, %add3A_132 : i32
    %dma_wait3A_134 = arith.constant 0 : i32
    %dma_wait3A_135 = tpu.memref_slice %arg4[%add3A_133, %dma_wait3A_134] : memref<1280x256xi32, #tpu.memory_space<hbm>> -> memref<1x256xi32, #tpu.memory_space<hbm>>
    %dma_wait3A_136 = tpu.memref_squeeze %dma_wait3A_135 : memref<1x256xi32, #tpu.memory_space<hbm>> -> memref<256xi32, #tpu.memory_space<hbm>>
    %dma_wait3A_137 = arith.constant 0 : i32
    %dma_wait3A_138 = tpu.memref_slice %arg4[%add3A_133, %dma_wait3A_137] : memref<1280x256xi32, #tpu.memory_space<hbm>> -> memref<1x256xi32, #tpu.memory_space<hbm>>
    %dma_wait3A_139 = tpu.memref_squeeze %dma_wait3A_138 : memref<1x256xi32, #tpu.memory_space<hbm>> -> memref<256xi32, #tpu.memory_space<hbm>>
    tpu.wait_dma2 semaphore(%arg17 : memref<!tpu.dma_semaphore, #tpu.memory_space<semaphore_mem>>) src(%dma_wait3A_139 : memref<256xi32, #tpu.memory_space<hbm>>) dst(%arg11 : memref<256xi32, #tpu.memory_space<vmem>>)
    %dma_start3A_140 = arith.constant 0 : i32
    %dma_start3A_141 = arith.constant 0 : i32
    %dma_start3A_142 = tpu.memref_slice %arg24[%dma_start3A_140, %dma_start3A_141] : memref<10240x64xf32, #tpu.memory_space<vmem_shared>> -> memref<10240x64xf32, #tpu.memory_space<vmem_shared>>
    tpu.enqueue_indirect_dma source(%dma_start3A_142 : memref<10240x64xf32, #tpu.memory_space<vmem_shared>>) target(%arg15 : memref<256x64xf32, #tpu.memory_space<vmem>>) offsets(%arg7 : memref<256xi32, #tpu.memory_space<vmem>>) semaphore(%arg21 : memref<!tpu.dma_semaphore, #tpu.memory_space<semaphore_mem>>)
    %scan3A_143 = arith.constant 0 : i32
    %scan3A_144 = arith.constant 0 : i32
    %scan3A_145 = arith.constant 20 : i32
    %scan3A_146 = arith.addi %scan3A_144, %scan3A_145 : i32
    %scan3A_147 = arith.constant 1 : i32
    scf.for %scan3A_178 = %scan3A_144 to %scan3A_146 step %scan3A_147  : i32 {
      %mul3A_179 = arith.constant 4 : i32
      %mul3A_180 = arith.muli %scan3A_178, %mul3A_179 : i32
      %add3A_181 = arith.constant 0 : i32
      %add3A_182 = arith.addi %mul3A_180, %add3A_181 : i32
      %dma_wait3A_183 = arith.constant 0 : i32
      %dma_wait3A_184 = arith.constant 0 : i32
      %dma_wait3A_185 = tpu.memref_slice %arg24[%dma_wait3A_183, %dma_wait3A_184] : memref<10240x64xf32, #tpu.memory_space<vmem_shared>> -> memref<10240x64xf32, #tpu.memory_space<vmem_shared>>
      tpu.wait_indirect_dma semaphore(%arg20 : memref<!tpu.dma_semaphore, #tpu.memory_space<semaphore_mem>>) src(%dma_wait3A_185 : memref<10240x64xf32, #tpu.memory_space<vmem_shared>>) dst(%arg14 : memref<256x64xf32, #tpu.memory_space<vmem>>)
      %add3A_186 = arith.constant 2 : i32
      %add3A_187 = arith.addi %add3A_182, %add3A_186 : i32
      %lt3A = arith.constant 80 : i32
      %lt3A_188 = arith.cmpi slt, %add3A_187, %lt3A : i32
      %convert_element_type3A = arith.extui %lt3A_188 : i1 to i32
      %cond3A = arith.constant 0 : i32
      %cond3A_189 = arith.cmpi ne, %convert_element_type3A, %cond3A : i32
      scf.if %cond3A_189 {
        %add3A_272 = arith.constant 2 : i32
        %add3A_273 = arith.addi %add3A_182, %add3A_272 : i32
        %mul3A_274 = arith.constant 80 : i32
        %mul3A_275 = arith.muli %arg1, %mul3A_274 : i32
        %add3A_276 = arith.addi %mul3A_275, %add3A_273 : i32
        %dma_start3A_277 = arith.constant 0 : i32
        %dma_start3A_278 = tpu.memref_slice %arg3[%add3A_276, %dma_start3A_277] : memref<1280x256xi32, #tpu.memory_space<hbm>> -> memref<1x256xi32, #tpu.memory_space<hbm>>
        %dma_start3A_279 = tpu.memref_squeeze %dma_start3A_278 : memref<1x256xi32, #tpu.memory_space<hbm>> -> memref<256xi32, #tpu.memory_space<hbm>>
        %dma_start3A_280 = arith.constant 0 : i32
        %dma_start3A_281 = tpu.memref_slice %arg3[%add3A_276, %dma_start3A_280] : memref<1280x256xi32, #tpu.memory_space<hbm>> -> memref<1x256xi32, #tpu.memory_space<hbm>>
        %dma_start3A_282 = tpu.memref_squeeze %dma_start3A_281 : memref<1x256xi32, #tpu.memory_space<hbm>> -> memref<256xi32, #tpu.memory_space<hbm>>
        tpu.enqueue_dma source(%dma_start3A_282 : memref<256xi32, #tpu.memory_space<hbm>>) target(%arg8 : memref<256xi32, #tpu.memory_space<vmem>>) target_semaphore(%arg18 : memref<!tpu.dma_semaphore, #tpu.memory_space<semaphore_mem>>)
        %mul3A_283 = arith.constant 80 : i32
        %mul3A_284 = arith.muli %arg1, %mul3A_283 : i32
        %add3A_285 = arith.addi %mul3A_284, %add3A_273 : i32
        %dma_start3A_286 = arith.constant 0 : i32
        %dma_start3A_287 = tpu.memref_slice %arg4[%add3A_285, %dma_start3A_286] : memref<1280x256xi32, #tpu.memory_space<hbm>> -> memref<1x256xi32, #tpu.memory_space<hbm>>
        %dma_start3A_288 = tpu.memref_squeeze %dma_start3A_287 : memref<1x256xi32, #tpu.memory_space<hbm>> -> memref<256xi32, #tpu.memory_space<hbm>>
        %dma_start3A_289 = arith.constant 0 : i32
        %dma_start3A_290 = tpu.memref_slice %arg4[%add3A_285, %dma_start3A_289] : memref<1280x256xi32, #tpu.memory_space<hbm>> -> memref<1x256xi32, #tpu.memory_space<hbm>>
        %dma_start3A_291 = tpu.memref_squeeze %dma_start3A_290 : memref<1x256xi32, #tpu.memory_space<hbm>> -> memref<256xi32, #tpu.memory_space<hbm>>
        tpu.enqueue_dma source(%dma_start3A_291 : memref<256xi32, #tpu.memory_space<hbm>>) target(%arg12 : memref<256xi32, #tpu.memory_space<vmem>>) target_semaphore(%arg18 : memref<!tpu.dma_semaphore, #tpu.memory_space<semaphore_mem>>)
      } else {
      }
      %dma_start3A_190 = arith.constant 0 : i32
      %dma_start3A_191 = arith.constant 0 : i32
      %dma_start3A_192 = tpu.memref_slice %arg25[%dma_start3A_190, %dma_start3A_191] : memref<10240x64xf32, #tpu.memory_space<vmem_shared>> -> memref<10240x64xf32, #tpu.memory_space<vmem_shared>>
      tpu.enqueue_indirect_dma source(%arg14 : memref<256x64xf32, #tpu.memory_space<vmem>>) target(%dma_start3A_192 : memref<10240x64xf32, #tpu.memory_space<vmem_shared>>) offsets(%arg10 : memref<256xi32, #tpu.memory_space<vmem>>) semaphore(%arg22 : memref<!tpu.dma_semaphore, #tpu.memory_space<semaphore_mem>>) {add = true}
      %add3A_193 = arith.constant 2 : i32
      %add3A_194 = arith.addi %add3A_182, %add3A_193 : i32
      %lt3A_195 = arith.constant 80 : i32
      %lt3A_196 = arith.cmpi slt, %add3A_194, %lt3A_195 : i32
      %convert_element_type3A_197 = arith.extui %lt3A_196 : i1 to i32
      %cond3A_198 = arith.constant 0 : i32
      %cond3A_199 = arith.cmpi ne, %convert_element_type3A_197, %cond3A_198 : i32
      scf.if %cond3A_199 {
        %dma_wait3A_272 = arith.constant 0 : i32
        %dma_wait3A_273 = arith.constant 0 : i32
        %dma_wait3A_274 = tpu.memref_slice %arg25[%dma_wait3A_272, %dma_wait3A_273] : memref<10240x64xf32, #tpu.memory_space<vmem_shared>> -> memref<10240x64xf32, #tpu.memory_space<vmem_shared>>
        tpu.wait_indirect_dma semaphore(%arg22 : memref<!tpu.dma_semaphore, #tpu.memory_space<semaphore_mem>>) src(%arg14 : memref<256x64xf32, #tpu.memory_space<vmem>>) dst(%dma_wait3A_274 : memref<10240x64xf32, #tpu.memory_space<vmem_shared>>)
        %add3A_275 = arith.constant 2 : i32
        %add3A_276 = arith.addi %add3A_182, %add3A_275 : i32
        %mul3A_277 = arith.constant 80 : i32
        %mul3A_278 = arith.muli %arg1, %mul3A_277 : i32
        %add3A_279 = arith.addi %mul3A_278, %add3A_276 : i32
        %dma_wait3A_280 = arith.constant 0 : i32
        %dma_wait3A_281 = tpu.memref_slice %arg3[%add3A_279, %dma_wait3A_280] : memref<1280x256xi32, #tpu.memory_space<hbm>> -> memref<1x256xi32, #tpu.memory_space<hbm>>
        %dma_wait3A_282 = tpu.memref_squeeze %dma_wait3A_281 : memref<1x256xi32, #tpu.memory_space<hbm>> -> memref<256xi32, #tpu.memory_space<hbm>>
        %dma_wait3A_283 = arith.constant 0 : i32
        %dma_wait3A_284 = tpu.memref_slice %arg3[%add3A_279, %dma_wait3A_283] : memref<1280x256xi32, #tpu.memory_space<hbm>> -> memref<1x256xi32, #tpu.memory_space<hbm>>
        %dma_wait3A_285 = tpu.memref_squeeze %dma_wait3A_284 : memref<1x256xi32, #tpu.memory_space<hbm>> -> memref<256xi32, #tpu.memory_space<hbm>>
        tpu.wait_dma2 semaphore(%arg18 : memref<!tpu.dma_semaphore, #tpu.memory_space<semaphore_mem>>) src(%dma_wait3A_285 : memref<256xi32, #tpu.memory_space<hbm>>) dst(%arg8 : memref<256xi32, #tpu.memory_space<vmem>>)
        %mul3A_286 = arith.constant 80 : i32
        %mul3A_287 = arith.muli %arg1, %mul3A_286 : i32
        %add3A_288 = arith.addi %mul3A_287, %add3A_276 : i32
        %dma_wait3A_289 = arith.constant 0 : i32
        %dma_wait3A_290 = tpu.memref_slice %arg4[%add3A_288, %dma_wait3A_289] : memref<1280x256xi32, #tpu.memory_space<hbm>> -> memref<1x256xi32, #tpu.memory_space<hbm>>
        %dma_wait3A_291 = tpu.memref_squeeze %dma_wait3A_290 : memref<1x256xi32, #tpu.memory_space<hbm>> -> memref<256xi32, #tpu.memory_space<hbm>>
        %dma_wait3A_292 = arith.constant 0 : i32
        %dma_wait3A_293 = tpu.memref_slice %arg4[%add3A_288, %dma_wait3A_292] : memref<1280x256xi32, #tpu.memory_space<hbm>> -> memref<1x256xi32, #tpu.memory_space<hbm>>
        %dma_wait3A_294 = tpu.memref_squeeze %dma_wait3A_293 : memref<1x256xi32, #tpu.memory_space<hbm>> -> memref<256xi32, #tpu.memory_space<hbm>>
        tpu.wait_dma2 semaphore(%arg18 : memref<!tpu.dma_semaphore, #tpu.memory_space<semaphore_mem>>) src(%dma_wait3A_294 : memref<256xi32, #tpu.memory_space<hbm>>) dst(%arg12 : memref<256xi32, #tpu.memory_space<vmem>>)
        %dma_start3A_295 = arith.constant 0 : i32
        %dma_start3A_296 = arith.constant 0 : i32
        %dma_start3A_297 = tpu.memref_slice %arg24[%dma_start3A_295, %dma_start3A_296] : memref<10240x64xf32, #tpu.memory_space<vmem_shared>> -> memref<10240x64xf32, #tpu.memory_space<vmem_shared>>
        tpu.enqueue_indirect_dma source(%dma_start3A_297 : memref<10240x64xf32, #tpu.memory_space<vmem_shared>>) target(%arg14 : memref<256x64xf32, #tpu.memory_space<vmem>>) offsets(%arg8 : memref<256xi32, #tpu.memory_space<vmem>>) semaphore(%arg20 : memref<!tpu.dma_semaphore, #tpu.memory_space<semaphore_mem>>)
      } else {
      }
      %mul3A_200 = arith.constant 4 : i32
      %mul3A_201 = arith.muli %scan3A_178, %mul3A_200 : i32
      %add3A_202 = arith.constant 1 : i32
      %add3A_203 = arith.addi %mul3A_201, %add3A_202 : i32
      %dma_wait3A_204 = arith.constant 0 : i32
      %dma_wait3A_205 = arith.constant 0 : i32
      %dma_wait3A_206 = tpu.memref_slice %arg24[%dma_wait3A_204, %dma_wait3A_205] : memref<10240x64xf32, #tpu.memory_space<vmem_shared>> -> memref<10240x64xf32, #tpu.memory_space<vmem_shared>>
      tpu.wait_indirect_dma semaphore(%arg21 : memref<!tpu.dma_semaphore, #tpu.memory_space<semaphore_mem>>) src(%dma_wait3A_206 : memref<10240x64xf32, #tpu.memory_space<vmem_shared>>) dst(%arg15 : memref<256x64xf32, #tpu.memory_space<vmem>>)
      %add3A_207 = arith.constant 2 : i32
      %add3A_208 = arith.addi %add3A_203, %add3A_207 : i32
      %lt3A_209 = arith.constant 80 : i32
      %lt3A_210 = arith.cmpi slt, %add3A_208, %lt3A_209 : i32
      %convert_element_type3A_211 = arith.extui %lt3A_210 : i1 to i32
      %cond3A_212 = arith.constant 0 : i32
      %cond3A_213 = arith.cmpi ne, %convert_element_type3A_211, %cond3A_212 : i32
      scf.if %cond3A_213 {
        %add3A_272 = arith.constant 2 : i32
        %add3A_273 = arith.addi %add3A_203, %add3A_272 : i32
        %mul3A_274 = arith.constant 80 : i32
        %mul3A_275 = arith.muli %arg1, %mul3A_274 : i32
        %add3A_276 = arith.addi %mul3A_275, %add3A_273 : i32
        %dma_start3A_277 = arith.constant 0 : i32
        %dma_start3A_278 = tpu.memref_slice %arg3[%add3A_276, %dma_start3A_277] : memref<1280x256xi32, #tpu.memory_space<hbm>> -> memref<1x256xi32, #tpu.memory_space<hbm>>
        %dma_start3A_279 = tpu.memref_squeeze %dma_start3A_278 : memref<1x256xi32, #tpu.memory_space<hbm>> -> memref<256xi32, #tpu.memory_space<hbm>>
        %dma_start3A_280 = arith.constant 0 : i32
        %dma_start3A_281 = tpu.memref_slice %arg3[%add3A_276, %dma_start3A_280] : memref<1280x256xi32, #tpu.memory_space<hbm>> -> memref<1x256xi32, #tpu.memory_space<hbm>>
        %dma_start3A_282 = tpu.memref_squeeze %dma_start3A_281 : memref<1x256xi32, #tpu.memory_space<hbm>> -> memref<256xi32, #tpu.memory_space<hbm>>
        tpu.enqueue_dma source(%dma_start3A_282 : memref<256xi32, #tpu.memory_space<hbm>>) target(%arg9 : memref<256xi32, #tpu.memory_space<vmem>>) target_semaphore(%arg19 : memref<!tpu.dma_semaphore, #tpu.memory_space<semaphore_mem>>)
        %mul3A_283 = arith.constant 80 : i32
        %mul3A_284 = arith.muli %arg1, %mul3A_283 : i32
        %add3A_285 = arith.addi %mul3A_284, %add3A_273 : i32
        %dma_start3A_286 = arith.constant 0 : i32
        %dma_start3A_287 = tpu.memref_slice %arg4[%add3A_285, %dma_start3A_286] : memref<1280x256xi32, #tpu.memory_space<hbm>> -> memref<1x256xi32, #tpu.memory_space<hbm>>
        %dma_start3A_288 = tpu.memref_squeeze %dma_start3A_287 : memref<1x256xi32, #tpu.memory_space<hbm>> -> memref<256xi32, #tpu.memory_space<hbm>>
        %dma_start3A_289 = arith.constant 0 : i32
        %dma_start3A_290 = tpu.memref_slice %arg4[%add3A_285, %dma_start3A_289] : memref<1280x256xi32, #tpu.memory_space<hbm>> -> memref<1x256xi32, #tpu.memory_space<hbm>>
        %dma_start3A_291 = tpu.memref_squeeze %dma_start3A_290 : memref<1x256xi32, #tpu.memory_space<hbm>> -> memref<256xi32, #tpu.memory_space<hbm>>
        tpu.enqueue_dma source(%dma_start3A_291 : memref<256xi32, #tpu.memory_space<hbm>>) target(%arg13 : memref<256xi32, #tpu.memory_space<vmem>>) target_semaphore(%arg19 : memref<!tpu.dma_semaphore, #tpu.memory_space<semaphore_mem>>)
      } else {
      }
      %dma_start3A_214 = arith.constant 0 : i32
      %dma_start3A_215 = arith.constant 0 : i32
      %dma_start3A_216 = tpu.memref_slice %arg25[%dma_start3A_214, %dma_start3A_215] : memref<10240x64xf32, #tpu.memory_space<vmem_shared>> -> memref<10240x64xf32, #tpu.memory_space<vmem_shared>>
      tpu.enqueue_indirect_dma source(%arg15 : memref<256x64xf32, #tpu.memory_space<vmem>>) target(%dma_start3A_216 : memref<10240x64xf32, #tpu.memory_space<vmem_shared>>) offsets(%arg11 : memref<256xi32, #tpu.memory_space<vmem>>) semaphore(%arg23 : memref<!tpu.dma_semaphore, #tpu.memory_space<semaphore_mem>>) {add = true}
      %add3A_217 = arith.constant 2 : i32
      %add3A_218 = arith.addi %add3A_203, %add3A_217 : i32
      %lt3A_219 = arith.constant 80 : i32
      %lt3A_220 = arith.cmpi slt, %add3A_218, %lt3A_219 : i32
      %convert_element_type3A_221 = arith.extui %lt3A_220 : i1 to i32
      %cond3A_222 = arith.constant 0 : i32
      %cond3A_223 = arith.cmpi ne, %convert_element_type3A_221, %cond3A_222 : i32
      scf.if %cond3A_223 {
        %dma_wait3A_272 = arith.constant 0 : i32
        %dma_wait3A_273 = arith.constant 0 : i32
        %dma_wait3A_274 = tpu.memref_slice %arg25[%dma_wait3A_272, %dma_wait3A_273] : memref<10240x64xf32, #tpu.memory_space<vmem_shared>> -> memref<10240x64xf32, #tpu.memory_space<vmem_shared>>
        tpu.wait_indirect_dma semaphore(%arg23 : memref<!tpu.dma_semaphore, #tpu.memory_space<semaphore_mem>>) src(%arg15 : memref<256x64xf32, #tpu.memory_space<vmem>>) dst(%dma_wait3A_274 : memref<10240x64xf32, #tpu.memory_space<vmem_shared>>)
        %add3A_275 = arith.constant 2 : i32
        %add3A_276 = arith.addi %add3A_203, %add3A_275 : i32
        %mul3A_277 = arith.constant 80 : i32
        %mul3A_278 = arith.muli %arg1, %mul3A_277 : i32
        %add3A_279 = arith.addi %mul3A_278, %add3A_276 : i32
        %dma_wait3A_280 = arith.constant 0 : i32
        %dma_wait3A_281 = tpu.memref_slice %arg3[%add3A_279, %dma_wait3A_280] : memref<1280x256xi32, #tpu.memory_space<hbm>> -> memref<1x256xi32, #tpu.memory_space<hbm>>
        %dma_wait3A_282 = tpu.memref_squeeze %dma_wait3A_281 : memref<1x256xi32, #tpu.memory_space<hbm>> -> memref<256xi32, #tpu.memory_space<hbm>>
        %dma_wait3A_283 = arith.constant 0 : i32
        %dma_wait3A_284 = tpu.memref_slice %arg3[%add3A_279, %dma_wait3A_283] : memref<1280x256xi32, #tpu.memory_space<hbm>> -> memref<1x256xi32, #tpu.memory_space<hbm>>
        %dma_wait3A_285 = tpu.memref_squeeze %dma_wait3A_284 : memref<1x256xi32, #tpu.memory_space<hbm>> -> memref<256xi32, #tpu.memory_space<hbm>>
        tpu.wait_dma2 semaphore(%arg19 : memref<!tpu.dma_semaphore, #tpu.memory_space<semaphore_mem>>) src(%dma_wait3A_285 : memref<256xi32, #tpu.memory_space<hbm>>) dst(%arg9 : memref<256xi32, #tpu.memory_space<vmem>>)
        %mul3A_286 = arith.constant 80 : i32
        %mul3A_287 = arith.muli %arg1, %mul3A_286 : i32
        %add3A_288 = arith.addi %mul3A_287, %add3A_276 : i32
        %dma_wait3A_289 = arith.constant 0 : i32
        %dma_wait3A_290 = tpu.memref_slice %arg4[%add3A_288, %dma_wait3A_289] : memref<1280x256xi32, #tpu.memory_space<hbm>> -> memref<1x256xi32, #tpu.memory_space<hbm>>
        %dma_wait3A_291 = tpu.memref_squeeze %dma_wait3A_290 : memref<1x256xi32, #tpu.memory_space<hbm>> -> memref<256xi32, #tpu.memory_space<hbm>>
        %dma_wait3A_292 = arith.constant 0 : i32
        %dma_wait3A_293 = tpu.memref_slice %arg4[%add3A_288, %dma_wait3A_292] : memref<1280x256xi32, #tpu.memory_space<hbm>> -> memref<1x256xi32, #tpu.memory_space<hbm>>
        %dma_wait3A_294 = tpu.memref_squeeze %dma_wait3A_293 : memref<1x256xi32, #tpu.memory_space<hbm>> -> memref<256xi32, #tpu.memory_space<hbm>>
        tpu.wait_dma2 semaphore(%arg19 : memref<!tpu.dma_semaphore, #tpu.memory_space<semaphore_mem>>) src(%dma_wait3A_294 : memref<256xi32, #tpu.memory_space<hbm>>) dst(%arg13 : memref<256xi32, #tpu.memory_space<vmem>>)
        %dma_start3A_295 = arith.constant 0 : i32
        %dma_start3A_296 = arith.constant 0 : i32
        %dma_start3A_297 = tpu.memref_slice %arg24[%dma_start3A_295, %dma_start3A_296] : memref<10240x64xf32, #tpu.memory_space<vmem_shared>> -> memref<10240x64xf32, #tpu.memory_space<vmem_shared>>
        tpu.enqueue_indirect_dma source(%dma_start3A_297 : memref<10240x64xf32, #tpu.memory_space<vmem_shared>>) target(%arg15 : memref<256x64xf32, #tpu.memory_space<vmem>>) offsets(%arg9 : memref<256xi32, #tpu.memory_space<vmem>>) semaphore(%arg21 : memref<!tpu.dma_semaphore, #tpu.memory_space<semaphore_mem>>)
      } else {
      }
      %mul3A_224 = arith.constant 4 : i32
      %mul3A_225 = arith.muli %scan3A_178, %mul3A_224 : i32
      %add3A_226 = arith.constant 2 : i32
      %add3A_227 = arith.addi %mul3A_225, %add3A_226 : i32
      %dma_wait3A_228 = arith.constant 0 : i32
      %dma_wait3A_229 = arith.constant 0 : i32
      %dma_wait3A_230 = tpu.memref_slice %arg24[%dma_wait3A_228, %dma_wait3A_229] : memref<10240x64xf32, #tpu.memory_space<vmem_shared>> -> memref<10240x64xf32, #tpu.memory_space<vmem_shared>>
      tpu.wait_indirect_dma semaphore(%arg20 : memref<!tpu.dma_semaphore, #tpu.memory_space<semaphore_mem>>) src(%dma_wait3A_230 : memref<10240x64xf32, #tpu.memory_space<vmem_shared>>) dst(%arg14 : memref<256x64xf32, #tpu.memory_space<vmem>>)
      %add3A_231 = arith.constant 2 : i32
      %add3A_232 = arith.addi %add3A_227, %add3A_231 : i32
      %lt3A_233 = arith.constant 80 : i32
      %lt3A_234 = arith.cmpi slt, %add3A_232, %lt3A_233 : i32
      %convert_element_type3A_235 = arith.extui %lt3A_234 : i1 to i32
      %cond3A_236 = arith.constant 0 : i32
      %cond3A_237 = arith.cmpi ne, %convert_element_type3A_235, %cond3A_236 : i32
      scf.if %cond3A_237 {
        %add3A_272 = arith.constant 2 : i32
        %add3A_273 = arith.addi %add3A_227, %add3A_272 : i32
        %mul3A_274 = arith.constant 80 : i32
        %mul3A_275 = arith.muli %arg1, %mul3A_274 : i32
        %add3A_276 = arith.addi %mul3A_275, %add3A_273 : i32
        %dma_start3A_277 = arith.constant 0 : i32
        %dma_start3A_278 = tpu.memref_slice %arg3[%add3A_276, %dma_start3A_277] : memref<1280x256xi32, #tpu.memory_space<hbm>> -> memref<1x256xi32, #tpu.memory_space<hbm>>
        %dma_start3A_279 = tpu.memref_squeeze %dma_start3A_278 : memref<1x256xi32, #tpu.memory_space<hbm>> -> memref<256xi32, #tpu.memory_space<hbm>>
        %dma_start3A_280 = arith.constant 0 : i32
        %dma_start3A_281 = tpu.memref_slice %arg3[%add3A_276, %dma_start3A_280] : memref<1280x256xi32, #tpu.memory_space<hbm>> -> memref<1x256xi32, #tpu.memory_space<hbm>>
        %dma_start3A_282 = tpu.memref_squeeze %dma_start3A_281 : memref<1x256xi32, #tpu.memory_space<hbm>> -> memref<256xi32, #tpu.memory_space<hbm>>
        tpu.enqueue_dma source(%dma_start3A_282 : memref<256xi32, #tpu.memory_space<hbm>>) target(%arg6 : memref<256xi32, #tpu.memory_space<vmem>>) target_semaphore(%arg16 : memref<!tpu.dma_semaphore, #tpu.memory_space<semaphore_mem>>)
        %mul3A_283 = arith.constant 80 : i32
        %mul3A_284 = arith.muli %arg1, %mul3A_283 : i32
        %add3A_285 = arith.addi %mul3A_284, %add3A_273 : i32
        %dma_start3A_286 = arith.constant 0 : i32
        %dma_start3A_287 = tpu.memref_slice %arg4[%add3A_285, %dma_start3A_286] : memref<1280x256xi32, #tpu.memory_space<hbm>> -> memref<1x256xi32, #tpu.memory_space<hbm>>
        %dma_start3A_288 = tpu.memref_squeeze %dma_start3A_287 : memref<1x256xi32, #tpu.memory_space<hbm>> -> memref<256xi32, #tpu.memory_space<hbm>>
        %dma_start3A_289 = arith.constant 0 : i32
        %dma_start3A_290 = tpu.memref_slice %arg4[%add3A_285, %dma_start3A_289] : memref<1280x256xi32, #tpu.memory_space<hbm>> -> memref<1x256xi32, #tpu.memory_space<hbm>>
        %dma_start3A_291 = tpu.memref_squeeze %dma_start3A_290 : memref<1x256xi32, #tpu.memory_space<hbm>> -> memref<256xi32, #tpu.memory_space<hbm>>
        tpu.enqueue_dma source(%dma_start3A_291 : memref<256xi32, #tpu.memory_space<hbm>>) target(%arg10 : memref<256xi32, #tpu.memory_space<vmem>>) target_semaphore(%arg16 : memref<!tpu.dma_semaphore, #tpu.memory_space<semaphore_mem>>)
      } else {
      }
      %dma_start3A_238 = arith.constant 0 : i32
      %dma_start3A_239 = arith.constant 0 : i32
      %dma_start3A_240 = tpu.memref_slice %arg25[%dma_start3A_238, %dma_start3A_239] : memref<10240x64xf32, #tpu.memory_space<vmem_shared>> -> memref<10240x64xf32, #tpu.memory_space<vmem_shared>>
      tpu.enqueue_indirect_dma source(%arg14 : memref<256x64xf32, #tpu.memory_space<vmem>>) target(%dma_start3A_240 : memref<10240x64xf32, #tpu.memory_space<vmem_shared>>) offsets(%arg12 : memref<256xi32, #tpu.memory_space<vmem>>) semaphore(%arg22 : memref<!tpu.dma_semaphore, #tpu.memory_space<semaphore_mem>>) {add = true}
      %add3A_241 = arith.constant 2 : i32
      %add3A_242 = arith.addi %add3A_227, %add3A_241 : i32
      %lt3A_243 = arith.constant 80 : i32
      %lt3A_244 = arith.cmpi slt, %add3A_242, %lt3A_243 : i32
      %convert_element_type3A_245 = arith.extui %lt3A_244 : i1 to i32
      %cond3A_246 = arith.constant 0 : i32
      %cond3A_247 = arith.cmpi ne, %convert_element_type3A_245, %cond3A_246 : i32
      scf.if %cond3A_247 {
        %dma_wait3A_272 = arith.constant 0 : i32
        %dma_wait3A_273 = arith.constant 0 : i32
        %dma_wait3A_274 = tpu.memref_slice %arg25[%dma_wait3A_272, %dma_wait3A_273] : memref<10240x64xf32, #tpu.memory_space<vmem_shared>> -> memref<10240x64xf32, #tpu.memory_space<vmem_shared>>
        tpu.wait_indirect_dma semaphore(%arg22 : memref<!tpu.dma_semaphore, #tpu.memory_space<semaphore_mem>>) src(%arg14 : memref<256x64xf32, #tpu.memory_space<vmem>>) dst(%dma_wait3A_274 : memref<10240x64xf32, #tpu.memory_space<vmem_shared>>)
        %add3A_275 = arith.constant 2 : i32
        %add3A_276 = arith.addi %add3A_227, %add3A_275 : i32
        %mul3A_277 = arith.constant 80 : i32
        %mul3A_278 = arith.muli %arg1, %mul3A_277 : i32
        %add3A_279 = arith.addi %mul3A_278, %add3A_276 : i32
        %dma_wait3A_280 = arith.constant 0 : i32
        %dma_wait3A_281 = tpu.memref_slice %arg3[%add3A_279, %dma_wait3A_280] : memref<1280x256xi32, #tpu.memory_space<hbm>> -> memref<1x256xi32, #tpu.memory_space<hbm>>
        %dma_wait3A_282 = tpu.memref_squeeze %dma_wait3A_281 : memref<1x256xi32, #tpu.memory_space<hbm>> -> memref<256xi32, #tpu.memory_space<hbm>>
        %dma_wait3A_283 = arith.constant 0 : i32
        %dma_wait3A_284 = tpu.memref_slice %arg3[%add3A_279, %dma_wait3A_283] : memref<1280x256xi32, #tpu.memory_space<hbm>> -> memref<1x256xi32, #tpu.memory_space<hbm>>
        %dma_wait3A_285 = tpu.memref_squeeze %dma_wait3A_284 : memref<1x256xi32, #tpu.memory_space<hbm>> -> memref<256xi32, #tpu.memory_space<hbm>>
        tpu.wait_dma2 semaphore(%arg16 : memref<!tpu.dma_semaphore, #tpu.memory_space<semaphore_mem>>) src(%dma_wait3A_285 : memref<256xi32, #tpu.memory_space<hbm>>) dst(%arg6 : memref<256xi32, #tpu.memory_space<vmem>>)
        %mul3A_286 = arith.constant 80 : i32
        %mul3A_287 = arith.muli %arg1, %mul3A_286 : i32
        %add3A_288 = arith.addi %mul3A_287, %add3A_276 : i32
        %dma_wait3A_289 = arith.constant 0 : i32
        %dma_wait3A_290 = tpu.memref_slice %arg4[%add3A_288, %dma_wait3A_289] : memref<1280x256xi32, #tpu.memory_space<hbm>> -> memref<1x256xi32, #tpu.memory_space<hbm>>
        %dma_wait3A_291 = tpu.memref_squeeze %dma_wait3A_290 : memref<1x256xi32, #tpu.memory_space<hbm>> -> memref<256xi32, #tpu.memory_space<hbm>>
        %dma_wait3A_292 = arith.constant 0 : i32
        %dma_wait3A_293 = tpu.memref_slice %arg4[%add3A_288, %dma_wait3A_292] : memref<1280x256xi32, #tpu.memory_space<hbm>> -> memref<1x256xi32, #tpu.memory_space<hbm>>
        %dma_wait3A_294 = tpu.memref_squeeze %dma_wait3A_293 : memref<1x256xi32, #tpu.memory_space<hbm>> -> memref<256xi32, #tpu.memory_space<hbm>>
        tpu.wait_dma2 semaphore(%arg16 : memref<!tpu.dma_semaphore, #tpu.memory_space<semaphore_mem>>) src(%dma_wait3A_294 : memref<256xi32, #tpu.memory_space<hbm>>) dst(%arg10 : memref<256xi32, #tpu.memory_space<vmem>>)
        %dma_start3A_295 = arith.constant 0 : i32
        %dma_start3A_296 = arith.constant 0 : i32
        %dma_start3A_297 = tpu.memref_slice %arg24[%dma_start3A_295, %dma_start3A_296] : memref<10240x64xf32, #tpu.memory_space<vmem_shared>> -> memref<10240x64xf32, #tpu.memory_space<vmem_shared>>
        tpu.enqueue_indirect_dma source(%dma_start3A_297 : memref<10240x64xf32, #tpu.memory_space<vmem_shared>>) target(%arg14 : memref<256x64xf32, #tpu.memory_space<vmem>>) offsets(%arg6 : memref<256xi32, #tpu.memory_space<vmem>>) semaphore(%arg20 : memref<!tpu.dma_semaphore, #tpu.memory_space<semaphore_mem>>)
      } else {
      }
      %mul3A_248 = arith.constant 4 : i32
      %mul3A_249 = arith.muli %scan3A_178, %mul3A_248 : i32
      %add3A_250 = arith.constant 3 : i32
      %add3A_251 = arith.addi %mul3A_249, %add3A_250 : i32
      %dma_wait3A_252 = arith.constant 0 : i32
      %dma_wait3A_253 = arith.constant 0 : i32
      %dma_wait3A_254 = tpu.memref_slice %arg24[%dma_wait3A_252, %dma_wait3A_253] : memref<10240x64xf32, #tpu.memory_space<vmem_shared>> -> memref<10240x64xf32, #tpu.memory_space<vmem_shared>>
      tpu.wait_indirect_dma semaphore(%arg21 : memref<!tpu.dma_semaphore, #tpu.memory_space<semaphore_mem>>) src(%dma_wait3A_254 : memref<10240x64xf32, #tpu.memory_space<vmem_shared>>) dst(%arg15 : memref<256x64xf32, #tpu.memory_space<vmem>>)
      %add3A_255 = arith.constant 2 : i32
      %add3A_256 = arith.addi %add3A_251, %add3A_255 : i32
      %lt3A_257 = arith.constant 80 : i32
      %lt3A_258 = arith.cmpi slt, %add3A_256, %lt3A_257 : i32
      %convert_element_type3A_259 = arith.extui %lt3A_258 : i1 to i32
      %cond3A_260 = arith.constant 0 : i32
      %cond3A_261 = arith.cmpi ne, %convert_element_type3A_259, %cond3A_260 : i32
      scf.if %cond3A_261 {
        %add3A_272 = arith.constant 2 : i32
        %add3A_273 = arith.addi %add3A_251, %add3A_272 : i32
        %mul3A_274 = arith.constant 80 : i32
        %mul3A_275 = arith.muli %arg1, %mul3A_274 : i32
        %add3A_276 = arith.addi %mul3A_275, %add3A_273 : i32
        %dma_start3A_277 = arith.constant 0 : i32
        %dma_start3A_278 = tpu.memref_slice %arg3[%add3A_276, %dma_start3A_277] : memref<1280x256xi32, #tpu.memory_space<hbm>> -> memref<1x256xi32, #tpu.memory_space<hbm>>
        %dma_start3A_279 = tpu.memref_squeeze %dma_start3A_278 : memref<1x256xi32, #tpu.memory_space<hbm>> -> memref<256xi32, #tpu.memory_space<hbm>>
        %dma_start3A_280 = arith.constant 0 : i32
        %dma_start3A_281 = tpu.memref_slice %arg3[%add3A_276, %dma_start3A_280] : memref<1280x256xi32, #tpu.memory_space<hbm>> -> memref<1x256xi32, #tpu.memory_space<hbm>>
        %dma_start3A_282 = tpu.memref_squeeze %dma_start3A_281 : memref<1x256xi32, #tpu.memory_space<hbm>> -> memref<256xi32, #tpu.memory_space<hbm>>
        tpu.enqueue_dma source(%dma_start3A_282 : memref<256xi32, #tpu.memory_space<hbm>>) target(%arg7 : memref<256xi32, #tpu.memory_space<vmem>>) target_semaphore(%arg17 : memref<!tpu.dma_semaphore, #tpu.memory_space<semaphore_mem>>)
        %mul3A_283 = arith.constant 80 : i32
        %mul3A_284 = arith.muli %arg1, %mul3A_283 : i32
        %add3A_285 = arith.addi %mul3A_284, %add3A_273 : i32
        %dma_start3A_286 = arith.constant 0 : i32
        %dma_start3A_287 = tpu.memref_slice %arg4[%add3A_285, %dma_start3A_286] : memref<1280x256xi32, #tpu.memory_space<hbm>> -> memref<1x256xi32, #tpu.memory_space<hbm>>
        %dma_start3A_288 = tpu.memref_squeeze %dma_start3A_287 : memref<1x256xi32, #tpu.memory_space<hbm>> -> memref<256xi32, #tpu.memory_space<hbm>>
        %dma_start3A_289 = arith.constant 0 : i32
        %dma_start3A_290 = tpu.memref_slice %arg4[%add3A_285, %dma_start3A_289] : memref<1280x256xi32, #tpu.memory_space<hbm>> -> memref<1x256xi32, #tpu.memory_space<hbm>>
        %dma_start3A_291 = tpu.memref_squeeze %dma_start3A_290 : memref<1x256xi32, #tpu.memory_space<hbm>> -> memref<256xi32, #tpu.memory_space<hbm>>
        tpu.enqueue_dma source(%dma_start3A_291 : memref<256xi32, #tpu.memory_space<hbm>>) target(%arg11 : memref<256xi32, #tpu.memory_space<vmem>>) target_semaphore(%arg17 : memref<!tpu.dma_semaphore, #tpu.memory_space<semaphore_mem>>)
      } else {
      }
      %dma_start3A_262 = arith.constant 0 : i32
      %dma_start3A_263 = arith.constant 0 : i32
      %dma_start3A_264 = tpu.memref_slice %arg25[%dma_start3A_262, %dma_start3A_263] : memref<10240x64xf32, #tpu.memory_space<vmem_shared>> -> memref<10240x64xf32, #tpu.memory_space<vmem_shared>>
      tpu.enqueue_indirect_dma source(%arg15 : memref<256x64xf32, #tpu.memory_space<vmem>>) target(%dma_start3A_264 : memref<10240x64xf32, #tpu.memory_space<vmem_shared>>) offsets(%arg13 : memref<256xi32, #tpu.memory_space<vmem>>) semaphore(%arg23 : memref<!tpu.dma_semaphore, #tpu.memory_space<semaphore_mem>>) {add = true}
      %add3A_265 = arith.constant 2 : i32
      %add3A_266 = arith.addi %add3A_251, %add3A_265 : i32
      %lt3A_267 = arith.constant 80 : i32
      %lt3A_268 = arith.cmpi slt, %add3A_266, %lt3A_267 : i32
      %convert_element_type3A_269 = arith.extui %lt3A_268 : i1 to i32
      %cond3A_270 = arith.constant 0 : i32
      %cond3A_271 = arith.cmpi ne, %convert_element_type3A_269, %cond3A_270 : i32
      scf.if %cond3A_271 {
        %dma_wait3A_272 = arith.constant 0 : i32
        %dma_wait3A_273 = arith.constant 0 : i32
        %dma_wait3A_274 = tpu.memref_slice %arg25[%dma_wait3A_272, %dma_wait3A_273] : memref<10240x64xf32, #tpu.memory_space<vmem_shared>> -> memref<10240x64xf32, #tpu.memory_space<vmem_shared>>
        tpu.wait_indirect_dma semaphore(%arg23 : memref<!tpu.dma_semaphore, #tpu.memory_space<semaphore_mem>>) src(%arg15 : memref<256x64xf32, #tpu.memory_space<vmem>>) dst(%dma_wait3A_274 : memref<10240x64xf32, #tpu.memory_space<vmem_shared>>)
        %add3A_275 = arith.constant 2 : i32
        %add3A_276 = arith.addi %add3A_251, %add3A_275 : i32
        %mul3A_277 = arith.constant 80 : i32
        %mul3A_278 = arith.muli %arg1, %mul3A_277 : i32
        %add3A_279 = arith.addi %mul3A_278, %add3A_276 : i32
        %dma_wait3A_280 = arith.constant 0 : i32
        %dma_wait3A_281 = tpu.memref_slice %arg3[%add3A_279, %dma_wait3A_280] : memref<1280x256xi32, #tpu.memory_space<hbm>> -> memref<1x256xi32, #tpu.memory_space<hbm>>
        %dma_wait3A_282 = tpu.memref_squeeze %dma_wait3A_281 : memref<1x256xi32, #tpu.memory_space<hbm>> -> memref<256xi32, #tpu.memory_space<hbm>>
        %dma_wait3A_283 = arith.constant 0 : i32
        %dma_wait3A_284 = tpu.memref_slice %arg3[%add3A_279, %dma_wait3A_283] : memref<1280x256xi32, #tpu.memory_space<hbm>> -> memref<1x256xi32, #tpu.memory_space<hbm>>
        %dma_wait3A_285 = tpu.memref_squeeze %dma_wait3A_284 : memref<1x256xi32, #tpu.memory_space<hbm>> -> memref<256xi32, #tpu.memory_space<hbm>>
        tpu.wait_dma2 semaphore(%arg17 : memref<!tpu.dma_semaphore, #tpu.memory_space<semaphore_mem>>) src(%dma_wait3A_285 : memref<256xi32, #tpu.memory_space<hbm>>) dst(%arg7 : memref<256xi32, #tpu.memory_space<vmem>>)
        %mul3A_286 = arith.constant 80 : i32
        %mul3A_287 = arith.muli %arg1, %mul3A_286 : i32
        %add3A_288 = arith.addi %mul3A_287, %add3A_276 : i32
        %dma_wait3A_289 = arith.constant 0 : i32
        %dma_wait3A_290 = tpu.memref_slice %arg4[%add3A_288, %dma_wait3A_289] : memref<1280x256xi32, #tpu.memory_space<hbm>> -> memref<1x256xi32, #tpu.memory_space<hbm>>
        %dma_wait3A_291 = tpu.memref_squeeze %dma_wait3A_290 : memref<1x256xi32, #tpu.memory_space<hbm>> -> memref<256xi32, #tpu.memory_space<hbm>>
        %dma_wait3A_292 = arith.constant 0 : i32
        %dma_wait3A_293 = tpu.memref_slice %arg4[%add3A_288, %dma_wait3A_292] : memref<1280x256xi32, #tpu.memory_space<hbm>> -> memref<1x256xi32, #tpu.memory_space<hbm>>
        %dma_wait3A_294 = tpu.memref_squeeze %dma_wait3A_293 : memref<1x256xi32, #tpu.memory_space<hbm>> -> memref<256xi32, #tpu.memory_space<hbm>>
        tpu.wait_dma2 semaphore(%arg17 : memref<!tpu.dma_semaphore, #tpu.memory_space<semaphore_mem>>) src(%dma_wait3A_294 : memref<256xi32, #tpu.memory_space<hbm>>) dst(%arg11 : memref<256xi32, #tpu.memory_space<vmem>>)
        %dma_start3A_295 = arith.constant 0 : i32
        %dma_start3A_296 = arith.constant 0 : i32
        %dma_start3A_297 = tpu.memref_slice %arg24[%dma_start3A_295, %dma_start3A_296] : memref<10240x64xf32, #tpu.memory_space<vmem_shared>> -> memref<10240x64xf32, #tpu.memory_space<vmem_shared>>
        tpu.enqueue_indirect_dma source(%dma_start3A_297 : memref<10240x64xf32, #tpu.memory_space<vmem_shared>>) target(%arg15 : memref<256x64xf32, #tpu.memory_space<vmem>>) offsets(%arg7 : memref<256xi32, #tpu.memory_space<vmem>>) semaphore(%arg21 : memref<!tpu.dma_semaphore, #tpu.memory_space<semaphore_mem>>)
      } else {
      }
    }
    %scan3A_148 = arith.constant 20 : i32
    %dma_wait3A_149 = arith.constant 0 : i32
    %dma_wait3A_150 = arith.constant 0 : i32
    %dma_wait3A_151 = tpu.memref_slice %arg25[%dma_wait3A_149, %dma_wait3A_150] : memref<10240x64xf32, #tpu.memory_space<vmem_shared>> -> memref<10240x64xf32, #tpu.memory_space<vmem_shared>>
    tpu.wait_indirect_dma semaphore(%arg22 : memref<!tpu.dma_semaphore, #tpu.memory_space<semaphore_mem>>) src(%arg14 : memref<256x64xf32, #tpu.memory_space<vmem>>) dst(%dma_wait3A_151 : memref<10240x64xf32, #tpu.memory_space<vmem_shared>>)
    %dma_wait3A_152 = arith.constant 0 : i32
    %dma_wait3A_153 = arith.constant 0 : i32
    %dma_wait3A_154 = tpu.memref_slice %arg25[%dma_wait3A_152, %dma_wait3A_153] : memref<10240x64xf32, #tpu.memory_space<vmem_shared>> -> memref<10240x64xf32, #tpu.memory_space<vmem_shared>>
    tpu.wait_indirect_dma semaphore(%arg23 : memref<!tpu.dma_semaphore, #tpu.memory_space<semaphore_mem>>) src(%arg15 : memref<256x64xf32, #tpu.memory_space<vmem>>) dst(%dma_wait3A_154 : memref<10240x64xf32, #tpu.memory_space<vmem_shared>>)
    %barrier3A_155 = arith.constant 0 : index
    tpu.barrier barrier_id(%barrier3A_155)
    %mul3A_156 = arith.constant 640 : i32
    %mul3A_157 = arith.muli %arg1, %mul3A_156 : i32
    %add3A_158 = arith.constant 0 : i32
    %add3A_159 = arith.addi %mul3A_157, %add3A_158 : i32
    "tpu.region"() ({
      %run_scoped3A = tpu.sem_alloc : memref<!tpu.dma_semaphore, #tpu.memory_space<semaphore_mem>>
      %dma_start3A_178 = arith.constant 0 : i32
      %dma_start3A_179 = arith.constant 0 : i32
      %dma_start3A_180 = tpu.memref_slice %arg14[%dma_start3A_178, %dma_start3A_179] : memref<256x64xf32, #tpu.memory_space<vmem>> -> memref<128x64xf32, #tpu.memory_space<vmem>>
      %dma_start3A_181 = arith.constant 0 : i32
      %dma_start3A_182 = tpu.memref_slice %arg25[%add3A_159, %dma_start3A_181] : memref<10240x64xf32, #tpu.memory_space<vmem_shared>> -> memref<128x64xf32, #tpu.memory_space<vmem_shared>>
      %dma_start3A_183 = arith.constant 0 : i32
      %dma_start3A_184 = arith.constant 0 : i32
      %dma_start3A_185 = tpu.memref_slice %arg14[%dma_start3A_183, %dma_start3A_184] : memref<256x64xf32, #tpu.memory_space<vmem>> -> memref<128x64xf32, #tpu.memory_space<vmem>>
      %dma_start3A_186 = arith.constant 0 : i32
      %dma_start3A_187 = tpu.memref_slice %arg25[%add3A_159, %dma_start3A_186] : memref<10240x64xf32, #tpu.memory_space<vmem_shared>> -> memref<128x64xf32, #tpu.memory_space<vmem_shared>>
      tpu.enqueue_dma source(%dma_start3A_187 : memref<128x64xf32, #tpu.memory_space<vmem_shared>>) target(%dma_start3A_185 : memref<128x64xf32, #tpu.memory_space<vmem>>) target_semaphore(%run_scoped3A : memref<!tpu.dma_semaphore, #tpu.memory_space<semaphore_mem>>)
      %dma_wait3A_188 = arith.constant 0 : i32
      %dma_wait3A_189 = arith.constant 0 : i32
      %dma_wait3A_190 = tpu.memref_slice %arg14[%dma_wait3A_188, %dma_wait3A_189] : memref<256x64xf32, #tpu.memory_space<vmem>> -> memref<128x64xf32, #tpu.memory_space<vmem>>
      %dma_wait3A_191 = arith.constant 0 : i32
      %dma_wait3A_192 = tpu.memref_slice %arg25[%add3A_159, %dma_wait3A_191] : memref<10240x64xf32, #tpu.memory_space<vmem_shared>> -> memref<128x64xf32, #tpu.memory_space<vmem_shared>>
      %dma_wait3A_193 = arith.constant 0 : i32
      %dma_wait3A_194 = arith.constant 0 : i32
      %dma_wait3A_195 = tpu.memref_slice %arg14[%dma_wait3A_193, %dma_wait3A_194] : memref<256x64xf32, #tpu.memory_space<vmem>> -> memref<128x64xf32, #tpu.memory_space<vmem>>
      %dma_wait3A_196 = arith.constant 0 : i32
      %dma_wait3A_197 = tpu.memref_slice %arg25[%add3A_159, %dma_wait3A_196] : memref<10240x64xf32, #tpu.memory_space<vmem_shared>> -> memref<128x64xf32, #tpu.memory_space<vmem_shared>>
      tpu.wait_dma2 semaphore(%run_scoped3A : memref<!tpu.dma_semaphore, #tpu.memory_space<semaphore_mem>>) src(%dma_wait3A_197 : memref<128x64xf32, #tpu.memory_space<vmem_shared>>) dst(%dma_wait3A_195 : memref<128x64xf32, #tpu.memory_space<vmem>>)
      tpu.yield
    }) : () -> ()
    %add3A_160 = arith.constant 0 : i32
    %add3A_161 = arith.addi %mul3A_157, %add3A_160 : i32
    "tpu.region"() ({
      %run_scoped3A = tpu.sem_alloc : memref<!tpu.dma_semaphore, #tpu.memory_space<semaphore_mem>>
      %dma_start3A_178 = arith.constant 0 : i32
      %dma_start3A_179 = arith.constant 0 : i32
      %dma_start3A_180 = tpu.memref_slice %arg14[%dma_start3A_178, %dma_start3A_179] : memref<256x64xf32, #tpu.memory_space<vmem>> -> memref<128x64xf32, #tpu.memory_space<vmem>>
      %dma_start3A_181 = arith.constant 0 : i32
      %dma_start3A_182 = tpu.memref_slice %arg5[%arg0, %add3A_161, %dma_start3A_181] : memref<2x10240x64xf32, #tpu.memory_space<hbm>> -> memref<1x128x64xf32, #tpu.memory_space<hbm>>
      %dma_start3A_183 = tpu.memref_squeeze %dma_start3A_182 : memref<1x128x64xf32, #tpu.memory_space<hbm>> -> memref<128x64xf32, #tpu.memory_space<hbm>>
      %dma_start3A_184 = arith.constant 0 : i32
      %dma_start3A_185 = tpu.memref_slice %arg5[%arg0, %add3A_161, %dma_start3A_184] : memref<2x10240x64xf32, #tpu.memory_space<hbm>> -> memref<1x128x64xf32, #tpu.memory_space<hbm>>
      %dma_start3A_186 = tpu.memref_squeeze %dma_start3A_185 : memref<1x128x64xf32, #tpu.memory_space<hbm>> -> memref<128x64xf32, #tpu.memory_space<hbm>>
      %dma_start3A_187 = arith.constant 0 : i32
      %dma_start3A_188 = arith.constant 0 : i32
      %dma_start3A_189 = tpu.memref_slice %arg14[%dma_start3A_187, %dma_start3A_188] : memref<256x64xf32, #tpu.memory_space<vmem>> -> memref<128x64xf32, #tpu.memory_space<vmem>>
      tpu.enqueue_dma source(%dma_start3A_189 : memref<128x64xf32, #tpu.memory_space<vmem>>) target(%dma_start3A_186 : memref<128x64xf32, #tpu.memory_space<hbm>>) target_semaphore(%run_scoped3A : memref<!tpu.dma_semaphore, #tpu.memory_space<semaphore_mem>>)
      %dma_wait3A_190 = arith.constant 0 : i32
      %dma_wait3A_191 = arith.constant 0 : i32
      %dma_wait3A_192 = tpu.memref_slice %arg14[%dma_wait3A_190, %dma_wait3A_191] : memref<256x64xf32, #tpu.memory_space<vmem>> -> memref<128x64xf32, #tpu.memory_space<vmem>>
      %dma_wait3A_193 = arith.constant 0 : i32
      %dma_wait3A_194 = tpu.memref_slice %arg5[%arg0, %add3A_161, %dma_wait3A_193] : memref<2x10240x64xf32, #tpu.memory_space<hbm>> -> memref<1x128x64xf32, #tpu.memory_space<hbm>>
      %dma_wait3A_195 = tpu.memref_squeeze %dma_wait3A_194 : memref<1x128x64xf32, #tpu.memory_space<hbm>> -> memref<128x64xf32, #tpu.memory_space<hbm>>
      %dma_wait3A_196 = arith.constant 0 : i32
      %dma_wait3A_197 = tpu.memref_slice %arg5[%arg0, %add3A_161, %dma_wait3A_196] : memref<2x10240x64xf32, #tpu.memory_space<hbm>> -> memref<1x128x64xf32, #tpu.memory_space<hbm>>
      %dma_wait3A_198 = tpu.memref_squeeze %dma_wait3A_197 : memref<1x128x64xf32, #tpu.memory_space<hbm>> -> memref<128x64xf32, #tpu.memory_space<hbm>>
      %dma_wait3A_199 = arith.constant 0 : i32
      %dma_wait3A_200 = arith.constant 0 : i32
      %dma_wait3A_201 = tpu.memref_slice %arg14[%dma_wait3A_199, %dma_wait3A_200] : memref<256x64xf32, #tpu.memory_space<vmem>> -> memref<128x64xf32, #tpu.memory_space<vmem>>
      tpu.wait_dma2 semaphore(%run_scoped3A : memref<!tpu.dma_semaphore, #tpu.memory_space<semaphore_mem>>) src(%dma_wait3A_201 : memref<128x64xf32, #tpu.memory_space<vmem>>) dst(%dma_wait3A_198 : memref<128x64xf32, #tpu.memory_space<hbm>>)
      tpu.yield
    }) : () -> ()
    %add3A_162 = arith.constant 128 : i32
    %add3A_163 = arith.addi %mul3A_157, %add3A_162 : i32
    "tpu.region"() ({
      %run_scoped3A = tpu.sem_alloc : memref<!tpu.dma_semaphore, #tpu.memory_space<semaphore_mem>>
      %dma_start3A_178 = arith.constant 0 : i32
      %dma_start3A_179 = arith.constant 0 : i32
      %dma_start3A_180 = tpu.memref_slice %arg14[%dma_start3A_178, %dma_start3A_179] : memref<256x64xf32, #tpu.memory_space<vmem>> -> memref<128x64xf32, #tpu.memory_space<vmem>>
      %dma_start3A_181 = arith.constant 0 : i32
      %dma_start3A_182 = tpu.memref_slice %arg25[%add3A_163, %dma_start3A_181] : memref<10240x64xf32, #tpu.memory_space<vmem_shared>> -> memref<128x64xf32, #tpu.memory_space<vmem_shared>>
      %dma_start3A_183 = arith.constant 0 : i32
      %dma_start3A_184 = arith.constant 0 : i32
      %dma_start3A_185 = tpu.memref_slice %arg14[%dma_start3A_183, %dma_start3A_184] : memref<256x64xf32, #tpu.memory_space<vmem>> -> memref<128x64xf32, #tpu.memory_space<vmem>>
      %dma_start3A_186 = arith.constant 0 : i32
      %dma_start3A_187 = tpu.memref_slice %arg25[%add3A_163, %dma_start3A_186] : memref<10240x64xf32, #tpu.memory_space<vmem_shared>> -> memref<128x64xf32, #tpu.memory_space<vmem_shared>>
      tpu.enqueue_dma source(%dma_start3A_187 : memref<128x64xf32, #tpu.memory_space<vmem_shared>>) target(%dma_start3A_185 : memref<128x64xf32, #tpu.memory_space<vmem>>) target_semaphore(%run_scoped3A : memref<!tpu.dma_semaphore, #tpu.memory_space<semaphore_mem>>)
      %dma_wait3A_188 = arith.constant 0 : i32
      %dma_wait3A_189 = arith.constant 0 : i32
      %dma_wait3A_190 = tpu.memref_slice %arg14[%dma_wait3A_188, %dma_wait3A_189] : memref<256x64xf32, #tpu.memory_space<vmem>> -> memref<128x64xf32, #tpu.memory_space<vmem>>
      %dma_wait3A_191 = arith.constant 0 : i32
      %dma_wait3A_192 = tpu.memref_slice %arg25[%add3A_163, %dma_wait3A_191] : memref<10240x64xf32, #tpu.memory_space<vmem_shared>> -> memref<128x64xf32, #tpu.memory_space<vmem_shared>>
      %dma_wait3A_193 = arith.constant 0 : i32
      %dma_wait3A_194 = arith.constant 0 : i32
      %dma_wait3A_195 = tpu.memref_slice %arg14[%dma_wait3A_193, %dma_wait3A_194] : memref<256x64xf32, #tpu.memory_space<vmem>> -> memref<128x64xf32, #tpu.memory_space<vmem>>
      %dma_wait3A_196 = arith.constant 0 : i32
      %dma_wait3A_197 = tpu.memref_slice %arg25[%add3A_163, %dma_wait3A_196] : memref<10240x64xf32, #tpu.memory_space<vmem_shared>> -> memref<128x64xf32, #tpu.memory_space<vmem_shared>>
      tpu.wait_dma2 semaphore(%run_scoped3A : memref<!tpu.dma_semaphore, #tpu.memory_space<semaphore_mem>>) src(%dma_wait3A_197 : memref<128x64xf32, #tpu.memory_space<vmem_shared>>) dst(%dma_wait3A_195 : memref<128x64xf32, #tpu.memory_space<vmem>>)
      tpu.yield
    }) : () -> ()
    %add3A_164 = arith.constant 128 : i32
    %add3A_165 = arith.addi %mul3A_157, %add3A_164 : i32
    "tpu.region"() ({
      %run_scoped3A = tpu.sem_alloc : memref<!tpu.dma_semaphore, #tpu.memory_space<semaphore_mem>>
      %dma_start3A_178 = arith.constant 0 : i32
      %dma_start3A_179 = arith.constant 0 : i32
      %dma_start3A_180 = tpu.memref_slice %arg14[%dma_start3A_178, %dma_start3A_179] : memref<256x64xf32, #tpu.memory_space<vmem>> -> memref<128x64xf32, #tpu.memory_space<vmem>>
      %dma_start3A_181 = arith.constant 0 : i32
      %dma_start3A_182 = tpu.memref_slice %arg5[%arg0, %add3A_165, %dma_start3A_181] : memref<2x10240x64xf32, #tpu.memory_space<hbm>> -> memref<1x128x64xf32, #tpu.memory_space<hbm>>
      %dma_start3A_183 = tpu.memref_squeeze %dma_start3A_182 : memref<1x128x64xf32, #tpu.memory_space<hbm>> -> memref<128x64xf32, #tpu.memory_space<hbm>>
      %dma_start3A_184 = arith.constant 0 : i32
      %dma_start3A_185 = tpu.memref_slice %arg5[%arg0, %add3A_165, %dma_start3A_184] : memref<2x10240x64xf32, #tpu.memory_space<hbm>> -> memref<1x128x64xf32, #tpu.memory_space<hbm>>
      %dma_start3A_186 = tpu.memref_squeeze %dma_start3A_185 : memref<1x128x64xf32, #tpu.memory_space<hbm>> -> memref<128x64xf32, #tpu.memory_space<hbm>>
      %dma_start3A_187 = arith.constant 0 : i32
      %dma_start3A_188 = arith.constant 0 : i32
      %dma_start3A_189 = tpu.memref_slice %arg14[%dma_start3A_187, %dma_start3A_188] : memref<256x64xf32, #tpu.memory_space<vmem>> -> memref<128x64xf32, #tpu.memory_space<vmem>>
      tpu.enqueue_dma source(%dma_start3A_189 : memref<128x64xf32, #tpu.memory_space<vmem>>) target(%dma_start3A_186 : memref<128x64xf32, #tpu.memory_space<hbm>>) target_semaphore(%run_scoped3A : memref<!tpu.dma_semaphore, #tpu.memory_space<semaphore_mem>>)
      %dma_wait3A_190 = arith.constant 0 : i32
      %dma_wait3A_191 = arith.constant 0 : i32
      %dma_wait3A_192 = tpu.memref_slice %arg14[%dma_wait3A_190, %dma_wait3A_191] : memref<256x64xf32, #tpu.memory_space<vmem>> -> memref<128x64xf32, #tpu.memory_space<vmem>>
      %dma_wait3A_193 = arith.constant 0 : i32
      %dma_wait3A_194 = tpu.memref_slice %arg5[%arg0, %add3A_165, %dma_wait3A_193] : memref<2x10240x64xf32, #tpu.memory_space<hbm>> -> memref<1x128x64xf32, #tpu.memory_space<hbm>>
      %dma_wait3A_195 = tpu.memref_squeeze %dma_wait3A_194 : memref<1x128x64xf32, #tpu.memory_space<hbm>> -> memref<128x64xf32, #tpu.memory_space<hbm>>
      %dma_wait3A_196 = arith.constant 0 : i32
      %dma_wait3A_197 = tpu.memref_slice %arg5[%arg0, %add3A_165, %dma_wait3A_196] : memref<2x10240x64xf32, #tpu.memory_space<hbm>> -> memref<1x128x64xf32, #tpu.memory_space<hbm>>
      %dma_wait3A_198 = tpu.memref_squeeze %dma_wait3A_197 : memref<1x128x64xf32, #tpu.memory_space<hbm>> -> memref<128x64xf32, #tpu.memory_space<hbm>>
      %dma_wait3A_199 = arith.constant 0 : i32
      %dma_wait3A_200 = arith.constant 0 : i32
      %dma_wait3A_201 = tpu.memref_slice %arg14[%dma_wait3A_199, %dma_wait3A_200] : memref<256x64xf32, #tpu.memory_space<vmem>> -> memref<128x64xf32, #tpu.memory_space<vmem>>
      tpu.wait_dma2 semaphore(%run_scoped3A : memref<!tpu.dma_semaphore, #tpu.memory_space<semaphore_mem>>) src(%dma_wait3A_201 : memref<128x64xf32, #tpu.memory_space<vmem>>) dst(%dma_wait3A_198 : memref<128x64xf32, #tpu.memory_space<hbm>>)
      tpu.yield
    }) : () -> ()
    %add3A_166 = arith.constant 256 : i32
    %add3A_167 = arith.addi %mul3A_157, %add3A_166 : i32
    "tpu.region"() ({
      %run_scoped3A = tpu.sem_alloc : memref<!tpu.dma_semaphore, #tpu.memory_space<semaphore_mem>>
      %dma_start3A_178 = arith.constant 0 : i32
      %dma_start3A_179 = arith.constant 0 : i32
      %dma_start3A_180 = tpu.memref_slice %arg14[%dma_start3A_178, %dma_start3A_179] : memref<256x64xf32, #tpu.memory_space<vmem>> -> memref<128x64xf32, #tpu.memory_space<vmem>>
      %dma_start3A_181 = arith.constant 0 : i32
      %dma_start3A_182 = tpu.memref_slice %arg25[%add3A_167, %dma_start3A_181] : memref<10240x64xf32, #tpu.memory_space<vmem_shared>> -> memref<128x64xf32, #tpu.memory_space<vmem_shared>>
      %dma_start3A_183 = arith.constant 0 : i32
      %dma_start3A_184 = arith.constant 0 : i32
      %dma_start3A_185 = tpu.memref_slice %arg14[%dma_start3A_183, %dma_start3A_184] : memref<256x64xf32, #tpu.memory_space<vmem>> -> memref<128x64xf32, #tpu.memory_space<vmem>>
      %dma_start3A_186 = arith.constant 0 : i32
      %dma_start3A_187 = tpu.memref_slice %arg25[%add3A_167, %dma_start3A_186] : memref<10240x64xf32, #tpu.memory_space<vmem_shared>> -> memref<128x64xf32, #tpu.memory_space<vmem_shared>>
      tpu.enqueue_dma source(%dma_start3A_187 : memref<128x64xf32, #tpu.memory_space<vmem_shared>>) target(%dma_start3A_185 : memref<128x64xf32, #tpu.memory_space<vmem>>) target_semaphore(%run_scoped3A : memref<!tpu.dma_semaphore, #tpu.memory_space<semaphore_mem>>)
      %dma_wait3A_188 = arith.constant 0 : i32
      %dma_wait3A_189 = arith.constant 0 : i32
      %dma_wait3A_190 = tpu.memref_slice %arg14[%dma_wait3A_188, %dma_wait3A_189] : memref<256x64xf32, #tpu.memory_space<vmem>> -> memref<128x64xf32, #tpu.memory_space<vmem>>
      %dma_wait3A_191 = arith.constant 0 : i32
      %dma_wait3A_192 = tpu.memref_slice %arg25[%add3A_167, %dma_wait3A_191] : memref<10240x64xf32, #tpu.memory_space<vmem_shared>> -> memref<128x64xf32, #tpu.memory_space<vmem_shared>>
      %dma_wait3A_193 = arith.constant 0 : i32
      %dma_wait3A_194 = arith.constant 0 : i32
      %dma_wait3A_195 = tpu.memref_slice %arg14[%dma_wait3A_193, %dma_wait3A_194] : memref<256x64xf32, #tpu.memory_space<vmem>> -> memref<128x64xf32, #tpu.memory_space<vmem>>
      %dma_wait3A_196 = arith.constant 0 : i32
      %dma_wait3A_197 = tpu.memref_slice %arg25[%add3A_167, %dma_wait3A_196] : memref<10240x64xf32, #tpu.memory_space<vmem_shared>> -> memref<128x64xf32, #tpu.memory_space<vmem_shared>>
      tpu.wait_dma2 semaphore(%run_scoped3A : memref<!tpu.dma_semaphore, #tpu.memory_space<semaphore_mem>>) src(%dma_wait3A_197 : memref<128x64xf32, #tpu.memory_space<vmem_shared>>) dst(%dma_wait3A_195 : memref<128x64xf32, #tpu.memory_space<vmem>>)
      tpu.yield
    }) : () -> ()
    %add3A_168 = arith.constant 256 : i32
    %add3A_169 = arith.addi %mul3A_157, %add3A_168 : i32
    "tpu.region"() ({
      %run_scoped3A = tpu.sem_alloc : memref<!tpu.dma_semaphore, #tpu.memory_space<semaphore_mem>>
      %dma_start3A_178 = arith.constant 0 : i32
      %dma_start3A_179 = arith.constant 0 : i32
      %dma_start3A_180 = tpu.memref_slice %arg14[%dma_start3A_178, %dma_start3A_179] : memref<256x64xf32, #tpu.memory_space<vmem>> -> memref<128x64xf32, #tpu.memory_space<vmem>>
      %dma_start3A_181 = arith.constant 0 : i32
      %dma_start3A_182 = tpu.memref_slice %arg5[%arg0, %add3A_169, %dma_start3A_181] : memref<2x10240x64xf32, #tpu.memory_space<hbm>> -> memref<1x128x64xf32, #tpu.memory_space<hbm>>
      %dma_start3A_183 = tpu.memref_squeeze %dma_start3A_182 : memref<1x128x64xf32, #tpu.memory_space<hbm>> -> memref<128x64xf32, #tpu.memory_space<hbm>>
      %dma_start3A_184 = arith.constant 0 : i32
      %dma_start3A_185 = tpu.memref_slice %arg5[%arg0, %add3A_169, %dma_start3A_184] : memref<2x10240x64xf32, #tpu.memory_space<hbm>> -> memref<1x128x64xf32, #tpu.memory_space<hbm>>
      %dma_start3A_186 = tpu.memref_squeeze %dma_start3A_185 : memref<1x128x64xf32, #tpu.memory_space<hbm>> -> memref<128x64xf32, #tpu.memory_space<hbm>>
      %dma_start3A_187 = arith.constant 0 : i32
      %dma_start3A_188 = arith.constant 0 : i32
      %dma_start3A_189 = tpu.memref_slice %arg14[%dma_start3A_187, %dma_start3A_188] : memref<256x64xf32, #tpu.memory_space<vmem>> -> memref<128x64xf32, #tpu.memory_space<vmem>>
      tpu.enqueue_dma source(%dma_start3A_189 : memref<128x64xf32, #tpu.memory_space<vmem>>) target(%dma_start3A_186 : memref<128x64xf32, #tpu.memory_space<hbm>>) target_semaphore(%run_scoped3A : memref<!tpu.dma_semaphore, #tpu.memory_space<semaphore_mem>>)
      %dma_wait3A_190 = arith.constant 0 : i32
      %dma_wait3A_191 = arith.constant 0 : i32
      %dma_wait3A_192 = tpu.memref_slice %arg14[%dma_wait3A_190, %dma_wait3A_191] : memref<256x64xf32, #tpu.memory_space<vmem>> -> memref<128x64xf32, #tpu.memory_space<vmem>>
      %dma_wait3A_193 = arith.constant 0 : i32
      %dma_wait3A_194 = tpu.memref_slice %arg5[%arg0, %add3A_169, %dma_wait3A_193] : memref<2x10240x64xf32, #tpu.memory_space<hbm>> -> memref<1x128x64xf32, #tpu.memory_space<hbm>>
      %dma_wait3A_195 = tpu.memref_squeeze %dma_wait3A_194 : memref<1x128x64xf32, #tpu.memory_space<hbm>> -> memref<128x64xf32, #tpu.memory_space<hbm>>
      %dma_wait3A_196 = arith.constant 0 : i32
      %dma_wait3A_197 = tpu.memref_slice %arg5[%arg0, %add3A_169, %dma_wait3A_196] : memref<2x10240x64xf32, #tpu.memory_space<hbm>> -> memref<1x128x64xf32, #tpu.memory_space<hbm>>
      %dma_wait3A_198 = tpu.memref_squeeze %dma_wait3A_197 : memref<1x128x64xf32, #tpu.memory_space<hbm>> -> memref<128x64xf32, #tpu.memory_space<hbm>>
      %dma_wait3A_199 = arith.constant 0 : i32
      %dma_wait3A_200 = arith.constant 0 : i32
      %dma_wait3A_201 = tpu.memref_slice %arg14[%dma_wait3A_199, %dma_wait3A_200] : memref<256x64xf32, #tpu.memory_space<vmem>> -> memref<128x64xf32, #tpu.memory_space<vmem>>
      tpu.wait_dma2 semaphore(%run_scoped3A : memref<!tpu.dma_semaphore, #tpu.memory_space<semaphore_mem>>) src(%dma_wait3A_201 : memref<128x64xf32, #tpu.memory_space<vmem>>) dst(%dma_wait3A_198 : memref<128x64xf32, #tpu.memory_space<hbm>>)
      tpu.yield
    }) : () -> ()
    %add3A_170 = arith.constant 384 : i32
    %add3A_171 = arith.addi %mul3A_157, %add3A_170 : i32
    "tpu.region"() ({
      %run_scoped3A = tpu.sem_alloc : memref<!tpu.dma_semaphore, #tpu.memory_space<semaphore_mem>>
      %dma_start3A_178 = arith.constant 0 : i32
      %dma_start3A_179 = arith.constant 0 : i32
      %dma_start3A_180 = tpu.memref_slice %arg14[%dma_start3A_178, %dma_start3A_179] : memref<256x64xf32, #tpu.memory_space<vmem>> -> memref<128x64xf32, #tpu.memory_space<vmem>>
      %dma_start3A_181 = arith.constant 0 : i32
      %dma_start3A_182 = tpu.memref_slice %arg25[%add3A_171, %dma_start3A_181] : memref<10240x64xf32, #tpu.memory_space<vmem_shared>> -> memref<128x64xf32, #tpu.memory_space<vmem_shared>>
      %dma_start3A_183 = arith.constant 0 : i32
      %dma_start3A_184 = arith.constant 0 : i32
      %dma_start3A_185 = tpu.memref_slice %arg14[%dma_start3A_183, %dma_start3A_184] : memref<256x64xf32, #tpu.memory_space<vmem>> -> memref<128x64xf32, #tpu.memory_space<vmem>>
      %dma_start3A_186 = arith.constant 0 : i32
      %dma_start3A_187 = tpu.memref_slice %arg25[%add3A_171, %dma_start3A_186] : memref<10240x64xf32, #tpu.memory_space<vmem_shared>> -> memref<128x64xf32, #tpu.memory_space<vmem_shared>>
      tpu.enqueue_dma source(%dma_start3A_187 : memref<128x64xf32, #tpu.memory_space<vmem_shared>>) target(%dma_start3A_185 : memref<128x64xf32, #tpu.memory_space<vmem>>) target_semaphore(%run_scoped3A : memref<!tpu.dma_semaphore, #tpu.memory_space<semaphore_mem>>)
      %dma_wait3A_188 = arith.constant 0 : i32
      %dma_wait3A_189 = arith.constant 0 : i32
      %dma_wait3A_190 = tpu.memref_slice %arg14[%dma_wait3A_188, %dma_wait3A_189] : memref<256x64xf32, #tpu.memory_space<vmem>> -> memref<128x64xf32, #tpu.memory_space<vmem>>
      %dma_wait3A_191 = arith.constant 0 : i32
      %dma_wait3A_192 = tpu.memref_slice %arg25[%add3A_171, %dma_wait3A_191] : memref<10240x64xf32, #tpu.memory_space<vmem_shared>> -> memref<128x64xf32, #tpu.memory_space<vmem_shared>>
      %dma_wait3A_193 = arith.constant 0 : i32
      %dma_wait3A_194 = arith.constant 0 : i32
      %dma_wait3A_195 = tpu.memref_slice %arg14[%dma_wait3A_193, %dma_wait3A_194] : memref<256x64xf32, #tpu.memory_space<vmem>> -> memref<128x64xf32, #tpu.memory_space<vmem>>
      %dma_wait3A_196 = arith.constant 0 : i32
      %dma_wait3A_197 = tpu.memref_slice %arg25[%add3A_171, %dma_wait3A_196] : memref<10240x64xf32, #tpu.memory_space<vmem_shared>> -> memref<128x64xf32, #tpu.memory_space<vmem_shared>>
      tpu.wait_dma2 semaphore(%run_scoped3A : memref<!tpu.dma_semaphore, #tpu.memory_space<semaphore_mem>>) src(%dma_wait3A_197 : memref<128x64xf32, #tpu.memory_space<vmem_shared>>) dst(%dma_wait3A_195 : memref<128x64xf32, #tpu.memory_space<vmem>>)
      tpu.yield
    }) : () -> ()
    %add3A_172 = arith.constant 384 : i32
    %add3A_173 = arith.addi %mul3A_157, %add3A_172 : i32
    "tpu.region"() ({
      %run_scoped3A = tpu.sem_alloc : memref<!tpu.dma_semaphore, #tpu.memory_space<semaphore_mem>>
      %dma_start3A_178 = arith.constant 0 : i32
      %dma_start3A_179 = arith.constant 0 : i32
      %dma_start3A_180 = tpu.memref_slice %arg14[%dma_start3A_178, %dma_start3A_179] : memref<256x64xf32, #tpu.memory_space<vmem>> -> memref<128x64xf32, #tpu.memory_space<vmem>>
      %dma_start3A_181 = arith.constant 0 : i32
      %dma_start3A_182 = tpu.memref_slice %arg5[%arg0, %add3A_173, %dma_start3A_181] : memref<2x10240x64xf32, #tpu.memory_space<hbm>> -> memref<1x128x64xf32, #tpu.memory_space<hbm>>
      %dma_start3A_183 = tpu.memref_squeeze %dma_start3A_182 : memref<1x128x64xf32, #tpu.memory_space<hbm>> -> memref<128x64xf32, #tpu.memory_space<hbm>>
      %dma_start3A_184 = arith.constant 0 : i32
      %dma_start3A_185 = tpu.memref_slice %arg5[%arg0, %add3A_173, %dma_start3A_184] : memref<2x10240x64xf32, #tpu.memory_space<hbm>> -> memref<1x128x64xf32, #tpu.memory_space<hbm>>
      %dma_start3A_186 = tpu.memref_squeeze %dma_start3A_185 : memref<1x128x64xf32, #tpu.memory_space<hbm>> -> memref<128x64xf32, #tpu.memory_space<hbm>>
      %dma_start3A_187 = arith.constant 0 : i32
      %dma_start3A_188 = arith.constant 0 : i32
      %dma_start3A_189 = tpu.memref_slice %arg14[%dma_start3A_187, %dma_start3A_188] : memref<256x64xf32, #tpu.memory_space<vmem>> -> memref<128x64xf32, #tpu.memory_space<vmem>>
      tpu.enqueue_dma source(%dma_start3A_189 : memref<128x64xf32, #tpu.memory_space<vmem>>) target(%dma_start3A_186 : memref<128x64xf32, #tpu.memory_space<hbm>>) target_semaphore(%run_scoped3A : memref<!tpu.dma_semaphore, #tpu.memory_space<semaphore_mem>>)
      %dma_wait3A_190 = arith.constant 0 : i32
      %dma_wait3A_191 = arith.constant 0 : i32
      %dma_wait3A_192 = tpu.memref_slice %arg14[%dma_wait3A_190, %dma_wait3A_191] : memref<256x64xf32, #tpu.memory_space<vmem>> -> memref<128x64xf32, #tpu.memory_space<vmem>>
      %dma_wait3A_193 = arith.constant 0 : i32
      %dma_wait3A_194 = tpu.memref_slice %arg5[%arg0, %add3A_173, %dma_wait3A_193] : memref<2x10240x64xf32, #tpu.memory_space<hbm>> -> memref<1x128x64xf32, #tpu.memory_space<hbm>>
      %dma_wait3A_195 = tpu.memref_squeeze %dma_wait3A_194 : memref<1x128x64xf32, #tpu.memory_space<hbm>> -> memref<128x64xf32, #tpu.memory_space<hbm>>
      %dma_wait3A_196 = arith.constant 0 : i32
      %dma_wait3A_197 = tpu.memref_slice %arg5[%arg0, %add3A_173, %dma_wait3A_196] : memref<2x10240x64xf32, #tpu.memory_space<hbm>> -> memref<1x128x64xf32, #tpu.memory_space<hbm>>
      %dma_wait3A_198 = tpu.memref_squeeze %dma_wait3A_197 : memref<1x128x64xf32, #tpu.memory_space<hbm>> -> memref<128x64xf32, #tpu.memory_space<hbm>>
      %dma_wait3A_199 = arith.constant 0 : i32
      %dma_wait3A_200 = arith.constant 0 : i32
      %dma_wait3A_201 = tpu.memref_slice %arg14[%dma_wait3A_199, %dma_wait3A_200] : memref<256x64xf32, #tpu.memory_space<vmem>> -> memref<128x64xf32, #tpu.memory_space<vmem>>
      tpu.wait_dma2 semaphore(%run_scoped3A : memref<!tpu.dma_semaphore, #tpu.memory_space<semaphore_mem>>) src(%dma_wait3A_201 : memref<128x64xf32, #tpu.memory_space<vmem>>) dst(%dma_wait3A_198 : memref<128x64xf32, #tpu.memory_space<hbm>>)
      tpu.yield
    }) : () -> ()
    %add3A_174 = arith.constant 512 : i32
    %add3A_175 = arith.addi %mul3A_157, %add3A_174 : i32
    "tpu.region"() ({
      %run_scoped3A = tpu.sem_alloc : memref<!tpu.dma_semaphore, #tpu.memory_space<semaphore_mem>>
      %dma_start3A_178 = arith.constant 0 : i32
      %dma_start3A_179 = arith.constant 0 : i32
      %dma_start3A_180 = tpu.memref_slice %arg14[%dma_start3A_178, %dma_start3A_179] : memref<256x64xf32, #tpu.memory_space<vmem>> -> memref<128x64xf32, #tpu.memory_space<vmem>>
      %dma_start3A_181 = arith.constant 0 : i32
      %dma_start3A_182 = tpu.memref_slice %arg25[%add3A_175, %dma_start3A_181] : memref<10240x64xf32, #tpu.memory_space<vmem_shared>> -> memref<128x64xf32, #tpu.memory_space<vmem_shared>>
      %dma_start3A_183 = arith.constant 0 : i32
      %dma_start3A_184 = arith.constant 0 : i32
      %dma_start3A_185 = tpu.memref_slice %arg14[%dma_start3A_183, %dma_start3A_184] : memref<256x64xf32, #tpu.memory_space<vmem>> -> memref<128x64xf32, #tpu.memory_space<vmem>>
      %dma_start3A_186 = arith.constant 0 : i32
      %dma_start3A_187 = tpu.memref_slice %arg25[%add3A_175, %dma_start3A_186] : memref<10240x64xf32, #tpu.memory_space<vmem_shared>> -> memref<128x64xf32, #tpu.memory_space<vmem_shared>>
      tpu.enqueue_dma source(%dma_start3A_187 : memref<128x64xf32, #tpu.memory_space<vmem_shared>>) target(%dma_start3A_185 : memref<128x64xf32, #tpu.memory_space<vmem>>) target_semaphore(%run_scoped3A : memref<!tpu.dma_semaphore, #tpu.memory_space<semaphore_mem>>)
      %dma_wait3A_188 = arith.constant 0 : i32
      %dma_wait3A_189 = arith.constant 0 : i32
      %dma_wait3A_190 = tpu.memref_slice %arg14[%dma_wait3A_188, %dma_wait3A_189] : memref<256x64xf32, #tpu.memory_space<vmem>> -> memref<128x64xf32, #tpu.memory_space<vmem>>
      %dma_wait3A_191 = arith.constant 0 : i32
      %dma_wait3A_192 = tpu.memref_slice %arg25[%add3A_175, %dma_wait3A_191] : memref<10240x64xf32, #tpu.memory_space<vmem_shared>> -> memref<128x64xf32, #tpu.memory_space<vmem_shared>>
      %dma_wait3A_193 = arith.constant 0 : i32
      %dma_wait3A_194 = arith.constant 0 : i32
      %dma_wait3A_195 = tpu.memref_slice %arg14[%dma_wait3A_193, %dma_wait3A_194] : memref<256x64xf32, #tpu.memory_space<vmem>> -> memref<128x64xf32, #tpu.memory_space<vmem>>
      %dma_wait3A_196 = arith.constant 0 : i32
      %dma_wait3A_197 = tpu.memref_slice %arg25[%add3A_175, %dma_wait3A_196] : memref<10240x64xf32, #tpu.memory_space<vmem_shared>> -> memref<128x64xf32, #tpu.memory_space<vmem_shared>>
      tpu.wait_dma2 semaphore(%run_scoped3A : memref<!tpu.dma_semaphore, #tpu.memory_space<semaphore_mem>>) src(%dma_wait3A_197 : memref<128x64xf32, #tpu.memory_space<vmem_shared>>) dst(%dma_wait3A_195 : memref<128x64xf32, #tpu.memory_space<vmem>>)
      tpu.yield
    }) : () -> ()
    %add3A_176 = arith.constant 512 : i32
    %add3A_177 = arith.addi %mul3A_157, %add3A_176 : i32
    "tpu.region"() ({
      %run_scoped3A = tpu.sem_alloc : memref<!tpu.dma_semaphore, #tpu.memory_space<semaphore_mem>>
      %dma_start3A_178 = arith.constant 0 : i32
      %dma_start3A_179 = arith.constant 0 : i32
      %dma_start3A_180 = tpu.memref_slice %arg14[%dma_start3A_178, %dma_start3A_179] : memref<256x64xf32, #tpu.memory_space<vmem>> -> memref<128x64xf32, #tpu.memory_space<vmem>>
      %dma_start3A_181 = arith.constant 0 : i32
      %dma_start3A_182 = tpu.memref_slice %arg5[%arg0, %add3A_177, %dma_start3A_181] : memref<2x10240x64xf32, #tpu.memory_space<hbm>> -> memref<1x128x64xf32, #tpu.memory_space<hbm>>
      %dma_start3A_183 = tpu.memref_squeeze %dma_start3A_182 : memref<1x128x64xf32, #tpu.memory_space<hbm>> -> memref<128x64xf32, #tpu.memory_space<hbm>>
      %dma_start3A_184 = arith.constant 0 : i32
      %dma_start3A_185 = tpu.memref_slice %arg5[%arg0, %add3A_177, %dma_start3A_184] : memref<2x10240x64xf32, #tpu.memory_space<hbm>> -> memref<1x128x64xf32, #tpu.memory_space<hbm>>
      %dma_start3A_186 = tpu.memref_squeeze %dma_start3A_185 : memref<1x128x64xf32, #tpu.memory_space<hbm>> -> memref<128x64xf32, #tpu.memory_space<hbm>>
      %dma_start3A_187 = arith.constant 0 : i32
      %dma_start3A_188 = arith.constant 0 : i32
      %dma_start3A_189 = tpu.memref_slice %arg14[%dma_start3A_187, %dma_start3A_188] : memref<256x64xf32, #tpu.memory_space<vmem>> -> memref<128x64xf32, #tpu.memory_space<vmem>>
      tpu.enqueue_dma source(%dma_start3A_189 : memref<128x64xf32, #tpu.memory_space<vmem>>) target(%dma_start3A_186 : memref<128x64xf32, #tpu.memory_space<hbm>>) target_semaphore(%run_scoped3A : memref<!tpu.dma_semaphore, #tpu.memory_space<semaphore_mem>>)
      %dma_wait3A_190 = arith.constant 0 : i32
      %dma_wait3A_191 = arith.constant 0 : i32
      %dma_wait3A_192 = tpu.memref_slice %arg14[%dma_wait3A_190, %dma_wait3A_191] : memref<256x64xf32, #tpu.memory_space<vmem>> -> memref<128x64xf32, #tpu.memory_space<vmem>>
      %dma_wait3A_193 = arith.constant 0 : i32
      %dma_wait3A_194 = tpu.memref_slice %arg5[%arg0, %add3A_177, %dma_wait3A_193] : memref<2x10240x64xf32, #tpu.memory_space<hbm>> -> memref<1x128x64xf32, #tpu.memory_space<hbm>>
      %dma_wait3A_195 = tpu.memref_squeeze %dma_wait3A_194 : memref<1x128x64xf32, #tpu.memory_space<hbm>> -> memref<128x64xf32, #tpu.memory_space<hbm>>
      %dma_wait3A_196 = arith.constant 0 : i32
      %dma_wait3A_197 = tpu.memref_slice %arg5[%arg0, %add3A_177, %dma_wait3A_196] : memref<2x10240x64xf32, #tpu.memory_space<hbm>> -> memref<1x128x64xf32, #tpu.memory_space<hbm>>
      %dma_wait3A_198 = tpu.memref_squeeze %dma_wait3A_197 : memref<1x128x64xf32, #tpu.memory_space<hbm>> -> memref<128x64xf32, #tpu.memory_space<hbm>>
      %dma_wait3A_199 = arith.constant 0 : i32
      %dma_wait3A_200 = arith.constant 0 : i32
      %dma_wait3A_201 = tpu.memref_slice %arg14[%dma_wait3A_199, %dma_wait3A_200] : memref<256x64xf32, #tpu.memory_space<vmem>> -> memref<128x64xf32, #tpu.memory_space<vmem>>
      tpu.wait_dma2 semaphore(%run_scoped3A : memref<!tpu.dma_semaphore, #tpu.memory_space<semaphore_mem>>) src(%dma_wait3A_201 : memref<128x64xf32, #tpu.memory_space<vmem>>) dst(%dma_wait3A_198 : memref<128x64xf32, #tpu.memory_space<hbm>>)
      tpu.yield
    }) : () -> ()
    return
  }
}

#map = affine_map<(d0, d1) -> (0, 0)>
#map1 = affine_map<(d0, d1) -> (0, 0, 0)>
module attributes {stable_mosaic.version = 14 : i64} {
  func.func @body(%arg0: i32, %arg1: i32, %arg2: memref<20480x64xf32, #tpu.memory_space<hbm>>, %arg3: memref<1280x256xi32, #tpu.memory_space<hbm>>, %arg4: memref<1280x256xi32, #tpu.memory_space<hbm>>, %arg5: memref<2x10240x64xf32, #tpu.memory_space<hbm>>, %arg6: memref<256xi32, #tpu.memory_space<vmem>>, %arg7: memref<256xi32, #tpu.memory_space<vmem>>, %arg8: memref<256xi32, #tpu.memory_space<vmem>>, %arg9: memref<256xi32, #tpu.memory_space<vmem>>, %arg10: memref<256xi32, #tpu.memory_space<vmem>>, %arg11: memref<256xi32, #tpu.memory_space<vmem>>, %arg12: memref<256xi32, #tpu.memory_space<vmem>>, %arg13: memref<256xi32, #tpu.memory_space<vmem>>, %arg14: memref<256x64xf32, #tpu.memory_space<vmem>>, %arg15: memref<256x64xf32, #tpu.memory_space<vmem>>, %arg16: memref<!tpu.dma_semaphore, #tpu.memory_space<semaphore_mem>>, %arg17: memref<!tpu.dma_semaphore, #tpu.memory_space<semaphore_mem>>, %arg18: memref<!tpu.dma_semaphore, #tpu.memory_space<semaphore_mem>>, %arg19: memref<!tpu.dma_semaphore, #tpu.memory_space<semaphore_mem>>, %arg20: memref<!tpu.dma_semaphore, #tpu.memory_space<semaphore_mem>>, %arg21: memref<!tpu.dma_semaphore, #tpu.memory_space<semaphore_mem>>, %arg22: memref<!tpu.dma_semaphore, #tpu.memory_space<semaphore_mem>>, %arg23: memref<!tpu.dma_semaphore, #tpu.memory_space<semaphore_mem>>, %arg24: memref<10240x64xf32, #tpu.memory_space<vmem_shared>>, %arg25: memref<10240x64xf32, #tpu.memory_space<vmem_shared>>) attributes {dimension_semantics = [#tpu.dimension_semantics<core_parallel>, #tpu.dimension_semantics<subcore_parallel>], iteration_bounds = array<i64: 2, 16>, scalar_prefetch = 0 : i64, scratch_operands = 20 : i64, tpu.core_type = #tpu.core_type<sc_vector_subcore>, window_params = [{transform_indices = #map}, {transform_indices = #map}, {transform_indices = #map}, {transform_indices = #map1}]} {
    %mul3A = arith.constant 640 : i32
    %mul3A_0 = arith.muli %arg1, %mul3A : i32
    %add3A = arith.constant 0 : i32
    %add3A_1 = arith.addi %mul3A_0, %add3A : i32
    %mul3A_2 = arith.constant 10240 : i32
    %mul3A_3 = arith.muli %arg0, %mul3A_2 : i32
    %add3A_4 = arith.addi %mul3A_3, %add3A_1 : i32
    "tpu.region"() ({
      %run_scoped3A = tpu.sem_alloc : memref<!tpu.dma_semaphore, #tpu.memory_space<semaphore_mem>>
      %dma_start3A_178 = arith.constant 0 : i32
      %dma_start3A_179 = arith.constant 0 : i32
      %dma_start3A_180 = tpu.memref_slice %arg14[%dma_start3A_178, %dma_start3A_179] : memref<256x64xf32, #tpu.memory_space<vmem>> -> memref<128x64xf32, #tpu.memory_space<vmem>>
      %dma_start3A_181 = arith.constant 0 : i32
      %dma_start3A_182 = tpu.memref_slice %arg2[%add3A_4, %dma_start3A_181] : memref<20480x64xf32, #tpu.memory_space<hbm>> -> memref<128x64xf32, #tpu.memory_space<hbm>>
      %dma_start3A_183 = arith.constant 0 : i32
      %dma_start3A_184 = arith.constant 0 : i32
      %dma_start3A_185 = tpu.memref_slice %arg14[%dma_start3A_183, %dma_start3A_184] : memref<256x64xf32, #tpu.memory_space<vmem>> -> memref<128x64xf32, #tpu.memory_space<vmem>>
      %dma_start3A_186 = arith.constant 0 : i32
      %dma_start3A_187 = tpu.memref_slice %arg2[%add3A_4, %dma_start3A_186] : memref<20480x64xf32, #tpu.memory_space<hbm>> -> memref<128x64xf32, #tpu.memory_space<hbm>>
      tpu.enqueue_dma source(%dma_start3A_187 : memref<128x64xf32, #tpu.memory_space<hbm>>) target(%dma_start3A_185 : memref<128x64xf32, #tpu.memory_space<vmem>>) target_semaphore(%run_scoped3A : memref<!tpu.dma_semaphore, #tpu.memory_space<semaphore_mem>>)
      %dma_wait3A_188 = arith.constant 0 : i32
      %dma_wait3A_189 = arith.constant 0 : i32
      %dma_wait3A_190 = tpu.memref_slice %arg14[%dma_wait3A_188, %dma_wait3A_189] : memref<256x64xf32, #tpu.memory_space<vmem>> -> memref<128x64xf32, #tpu.memory_space<vmem>>
      %dma_wait3A_191 = arith.constant 0 : i32
      %dma_wait3A_192 = tpu.memref_slice %arg2[%add3A_4, %dma_wait3A_191] : memref<20480x64xf32, #tpu.memory_space<hbm>> -> memref<128x64xf32, #tpu.memory_space<hbm>>
      %dma_wait3A_193 = arith.constant 0 : i32
      %dma_wait3A_194 = arith.constant 0 : i32
      %dma_wait3A_195 = tpu.memref_slice %arg14[%dma_wait3A_193, %dma_wait3A_194] : memref<256x64xf32, #tpu.memory_space<vmem>> -> memref<128x64xf32, #tpu.memory_space<vmem>>
      %dma_wait3A_196 = arith.constant 0 : i32
      %dma_wait3A_197 = tpu.memref_slice %arg2[%add3A_4, %dma_wait3A_196] : memref<20480x64xf32, #tpu.memory_space<hbm>> -> memref<128x64xf32, #tpu.memory_space<hbm>>
      tpu.wait_dma2 semaphore(%run_scoped3A : memref<!tpu.dma_semaphore, #tpu.memory_space<semaphore_mem>>) src(%dma_wait3A_197 : memref<128x64xf32, #tpu.memory_space<hbm>>) dst(%dma_wait3A_195 : memref<128x64xf32, #tpu.memory_space<vmem>>)
      tpu.yield
    }) : () -> ()
    "tpu.region"() ({
      %run_scoped3A = tpu.sem_alloc : memref<!tpu.dma_semaphore, #tpu.memory_space<semaphore_mem>>
      %dma_start3A_178 = arith.constant 0 : i32
      %dma_start3A_179 = arith.constant 0 : i32
      %dma_start3A_180 = tpu.memref_slice %arg14[%dma_start3A_178, %dma_start3A_179] : memref<256x64xf32, #tpu.memory_space<vmem>> -> memref<128x64xf32, #tpu.memory_space<vmem>>
      %dma_start3A_181 = arith.constant 0 : i32
      %dma_start3A_182 = tpu.memref_slice %arg24[%add3A_1, %dma_start3A_181] : memref<10240x64xf32, #tpu.memory_space<vmem_shared>> -> memref<128x64xf32, #tpu.memory_space<vmem_shared>>
      %dma_start3A_183 = arith.constant 0 : i32
      %dma_start3A_184 = tpu.memref_slice %arg24[%add3A_1, %dma_start3A_183] : memref<10240x64xf32, #tpu.memory_space<vmem_shared>> -> memref<128x64xf32, #tpu.memory_space<vmem_shared>>
      %dma_start3A_185 = arith.constant 0 : i32
      %dma_start3A_186 = arith.constant 0 : i32
      %dma_start3A_187 = tpu.memref_slice %arg14[%dma_start3A_185, %dma_start3A_186] : memref<256x64xf32, #tpu.memory_space<vmem>> -> memref<128x64xf32, #tpu.memory_space<vmem>>
      tpu.enqueue_dma source(%dma_start3A_187 : memref<128x64xf32, #tpu.memory_space<vmem>>) target(%dma_start3A_184 : memref<128x64xf32, #tpu.memory_space<vmem_shared>>) target_semaphore(%run_scoped3A : memref<!tpu.dma_semaphore, #tpu.memory_space<semaphore_mem>>)
      %dma_wait3A_188 = arith.constant 0 : i32
      %dma_wait3A_189 = arith.constant 0 : i32
      %dma_wait3A_190 = tpu.memref_slice %arg14[%dma_wait3A_188, %dma_wait3A_189] : memref<256x64xf32, #tpu.memory_space<vmem>> -> memref<128x64xf32, #tpu.memory_space<vmem>>
      %dma_wait3A_191 = arith.constant 0 : i32
      %dma_wait3A_192 = tpu.memref_slice %arg24[%add3A_1, %dma_wait3A_191] : memref<10240x64xf32, #tpu.memory_space<vmem_shared>> -> memref<128x64xf32, #tpu.memory_space<vmem_shared>>
      %dma_wait3A_193 = arith.constant 0 : i32
      %dma_wait3A_194 = tpu.memref_slice %arg24[%add3A_1, %dma_wait3A_193] : memref<10240x64xf32, #tpu.memory_space<vmem_shared>> -> memref<128x64xf32, #tpu.memory_space<vmem_shared>>
      %dma_wait3A_195 = arith.constant 0 : i32
      %dma_wait3A_196 = arith.constant 0 : i32
      %dma_wait3A_197 = tpu.memref_slice %arg14[%dma_wait3A_195, %dma_wait3A_196] : memref<256x64xf32, #tpu.memory_space<vmem>> -> memref<128x64xf32, #tpu.memory_space<vmem>>
      tpu.wait_dma2 semaphore(%run_scoped3A : memref<!tpu.dma_semaphore, #tpu.memory_space<semaphore_mem>>) src(%dma_wait3A_197 : memref<128x64xf32, #tpu.memory_space<vmem>>) dst(%dma_wait3A_194 : memref<128x64xf32, #tpu.memory_space<vmem_shared>>)
      tpu.yield
    }) : () -> ()
    %mul3A_5 = arith.constant 640 : i32
    %mul3A_6 = arith.muli %arg1, %mul3A_5 : i32
    %add3A_7 = arith.constant 128 : i32
    %add3A_8 = arith.addi %mul3A_6, %add3A_7 : i32
    %mul3A_9 = arith.constant 10240 : i32
    %mul3A_10 = arith.muli %arg0, %mul3A_9 : i32
    %add3A_11 = arith.addi %mul3A_10, %add3A_8 : i32
    "tpu.region"() ({
      %run_scoped3A = tpu.sem_alloc : memref<!tpu.dma_semaphore, #tpu.memory_space<semaphore_mem>>
      %dma_start3A_178 = arith.constant 0 : i32
      %dma_start3A_179 = arith.constant 0 : i32
      %dma_start3A_180 = tpu.memref_slice %arg14[%dma_start3A_178, %dma_start3A_179] : memref<256x64xf32, #tpu.memory_space<vmem>> -> memref<128x64xf32, #tpu.memory_space<vmem>>
      %dma_start3A_181 = arith.constant 0 : i32
      %dma_start3A_182 = tpu.memref_slice %arg2[%add3A_11, %dma_start3A_181] : memref<20480x64xf32, #tpu.memory_space<hbm>> -> memref<128x64xf32, #tpu.memory_space<hbm>>
      %dma_start3A_183 = arith.constant 0 : i32
      %dma_start3A_184 = arith.constant 0 : i32
      %dma_start3A_185 = tpu.memref_slice %arg14[%dma_start3A_183, %dma_start3A_184] : memref<256x64xf32, #tpu.memory_space<vmem>> -> memref<128x64xf32, #tpu.memory_space<vmem>>
      %dma_start3A_186 = arith.constant 0 : i32
      %dma_start3A_187 = tpu.memref_slice %arg2[%add3A_11, %dma_start3A_186] : memref<20480x64xf32, #tpu.memory_space<hbm>> -> memref<128x64xf32, #tpu.memory_space<hbm>>
      tpu.enqueue_dma source(%dma_start3A_187 : memref<128x64xf32, #tpu.memory_space<hbm>>) target(%dma_start3A_185 : memref<128x64xf32, #tpu.memory_space<vmem>>) target_semaphore(%run_scoped3A : memref<!tpu.dma_semaphore, #tpu.memory_space<semaphore_mem>>)
      %dma_wait3A_188 = arith.constant 0 : i32
      %dma_wait3A_189 = arith.constant 0 : i32
      %dma_wait3A_190 = tpu.memref_slice %arg14[%dma_wait3A_188, %dma_wait3A_189] : memref<256x64xf32, #tpu.memory_space<vmem>> -> memref<128x64xf32, #tpu.memory_space<vmem>>
      %dma_wait3A_191 = arith.constant 0 : i32
      %dma_wait3A_192 = tpu.memref_slice %arg2[%add3A_11, %dma_wait3A_191] : memref<20480x64xf32, #tpu.memory_space<hbm>> -> memref<128x64xf32, #tpu.memory_space<hbm>>
      %dma_wait3A_193 = arith.constant 0 : i32
      %dma_wait3A_194 = arith.constant 0 : i32
      %dma_wait3A_195 = tpu.memref_slice %arg14[%dma_wait3A_193, %dma_wait3A_194] : memref<256x64xf32, #tpu.memory_space<vmem>> -> memref<128x64xf32, #tpu.memory_space<vmem>>
      %dma_wait3A_196 = arith.constant 0 : i32
      %dma_wait3A_197 = tpu.memref_slice %arg2[%add3A_11, %dma_wait3A_196] : memref<20480x64xf32, #tpu.memory_space<hbm>> -> memref<128x64xf32, #tpu.memory_space<hbm>>
      tpu.wait_dma2 semaphore(%run_scoped3A : memref<!tpu.dma_semaphore, #tpu.memory_space<semaphore_mem>>) src(%dma_wait3A_197 : memref<128x64xf32, #tpu.memory_space<hbm>>) dst(%dma_wait3A_195 : memref<128x64xf32, #tpu.memory_space<vmem>>)
      tpu.yield
    }) : () -> ()
    "tpu.region"() ({
      %run_scoped3A = tpu.sem_alloc : memref<!tpu.dma_semaphore, #tpu.memory_space<semaphore_mem>>
      %dma_start3A_178 = arith.constant 0 : i32
      %dma_start3A_179 = arith.constant 0 : i32
      %dma_start3A_180 = tpu.memref_slice %arg14[%dma_start3A_178, %dma_start3A_179] : memref<256x64xf32, #tpu.memory_space<vmem>> -> memref<128x64xf32, #tpu.memory_space<vmem>>
      %dma_start3A_181 = arith.constant 0 : i32
      %dma_start3A_182 = tpu.memref_slice %arg24[%add3A_8, %dma_start3A_181] : memref<10240x64xf32, #tpu.memory_space<vmem_shared>> -> memref<128x64xf32, #tpu.memory_space<vmem_shared>>
      %dma_start3A_183 = arith.constant 0 : i32
      %dma_start3A_184 = tpu.memref_slice %arg24[%add3A_8, %dma_start3A_183] : memref<10240x64xf32, #tpu.memory_space<vmem_shared>> -> memref<128x64xf32, #tpu.memory_space<vmem_shared>>
      %dma_start3A_185 = arith.constant 0 : i32
      %dma_start3A_186 = arith.constant 0 : i32
      %dma_start3A_187 = tpu.memref_slice %arg14[%dma_start3A_185, %dma_start3A_186] : memref<256x64xf32, #tpu.memory_space<vmem>> -> memref<128x64xf32, #tpu.memory_space<vmem>>
      tpu.enqueue_dma source(%dma_start3A_187 : memref<128x64xf32, #tpu.memory_space<vmem>>) target(%dma_start3A_184 : memref<128x64xf32, #tpu.memory_space<vmem_shared>>) target_semaphore(%run_scoped3A : memref<!tpu.dma_semaphore, #tpu.memory_space<semaphore_mem>>)
      %dma_wait3A_188 = arith.constant 0 : i32
      %dma_wait3A_189 = arith.constant 0 : i32
      %dma_wait3A_190 = tpu.memref_slice %arg14[%dma_wait3A_188, %dma_wait3A_189] : memref<256x64xf32, #tpu.memory_space<vmem>> -> memref<128x64xf32, #tpu.memory_space<vmem>>
      %dma_wait3A_191 = arith.constant 0 : i32
      %dma_wait3A_192 = tpu.memref_slice %arg24[%add3A_8, %dma_wait3A_191] : memref<10240x64xf32, #tpu.memory_space<vmem_shared>> -> memref<128x64xf32, #tpu.memory_space<vmem_shared>>
      %dma_wait3A_193 = arith.constant 0 : i32
      %dma_wait3A_194 = tpu.memref_slice %arg24[%add3A_8, %dma_wait3A_193] : memref<10240x64xf32, #tpu.memory_space<vmem_shared>> -> memref<128x64xf32, #tpu.memory_space<vmem_shared>>
      %dma_wait3A_195 = arith.constant 0 : i32
      %dma_wait3A_196 = arith.constant 0 : i32
      %dma_wait3A_197 = tpu.memref_slice %arg14[%dma_wait3A_195, %dma_wait3A_196] : memref<256x64xf32, #tpu.memory_space<vmem>> -> memref<128x64xf32, #tpu.memory_space<vmem>>
      tpu.wait_dma2 semaphore(%run_scoped3A : memref<!tpu.dma_semaphore, #tpu.memory_space<semaphore_mem>>) src(%dma_wait3A_197 : memref<128x64xf32, #tpu.memory_space<vmem>>) dst(%dma_wait3A_194 : memref<128x64xf32, #tpu.memory_space<vmem_shared>>)
      tpu.yield
    }) : () -> ()
    %mul3A_12 = arith.constant 640 : i32
    %mul3A_13 = arith.muli %arg1, %mul3A_12 : i32
    %add3A_14 = arith.constant 256 : i32
    %add3A_15 = arith.addi %mul3A_13, %add3A_14 : i32
    %mul3A_16 = arith.constant 10240 : i32
    %mul3A_17 = arith.muli %arg0, %mul3A_16 : i32
    %add3A_18 = arith.addi %mul3A_17, %add3A_15 : i32
    "tpu.region"() ({
      %run_scoped3A = tpu.sem_alloc : memref<!tpu.dma_semaphore, #tpu.memory_space<semaphore_mem>>
      %dma_start3A_178 = arith.constant 0 : i32
      %dma_start3A_179 = arith.constant 0 : i32
      %dma_start3A_180 = tpu.memref_slice %arg14[%dma_start3A_178, %dma_start3A_179] : memref<256x64xf32, #tpu.memory_space<vmem>> -> memref<128x64xf32, #tpu.memory_space<vmem>>
      %dma_start3A_181 = arith.constant 0 : i32
      %dma_start3A_182 = tpu.memref_slice %arg2[%add3A_18, %dma_start3A_181] : memref<20480x64xf32, #tpu.memory_space<hbm>> -> memref<128x64xf32, #tpu.memory_space<hbm>>
      %dma_start3A_183 = arith.constant 0 : i32
      %dma_start3A_184 = arith.constant 0 : i32
      %dma_start3A_185 = tpu.memref_slice %arg14[%dma_start3A_183, %dma_start3A_184] : memref<256x64xf32, #tpu.memory_space<vmem>> -> memref<128x64xf32, #tpu.memory_space<vmem>>
      %dma_start3A_186 = arith.constant 0 : i32
      %dma_start3A_187 = tpu.memref_slice %arg2[%add3A_18, %dma_start3A_186] : memref<20480x64xf32, #tpu.memory_space<hbm>> -> memref<128x64xf32, #tpu.memory_space<hbm>>
      tpu.enqueue_dma source(%dma_start3A_187 : memref<128x64xf32, #tpu.memory_space<hbm>>) target(%dma_start3A_185 : memref<128x64xf32, #tpu.memory_space<vmem>>) target_semaphore(%run_scoped3A : memref<!tpu.dma_semaphore, #tpu.memory_space<semaphore_mem>>)
      %dma_wait3A_188 = arith.constant 0 : i32
      %dma_wait3A_189 = arith.constant 0 : i32
      %dma_wait3A_190 = tpu.memref_slice %arg14[%dma_wait3A_188, %dma_wait3A_189] : memref<256x64xf32, #tpu.memory_space<vmem>> -> memref<128x64xf32, #tpu.memory_space<vmem>>
      %dma_wait3A_191 = arith.constant 0 : i32
      %dma_wait3A_192 = tpu.memref_slice %arg2[%add3A_18, %dma_wait3A_191] : memref<20480x64xf32, #tpu.memory_space<hbm>> -> memref<128x64xf32, #tpu.memory_space<hbm>>
      %dma_wait3A_193 = arith.constant 0 : i32
      %dma_wait3A_194 = arith.constant 0 : i32
      %dma_wait3A_195 = tpu.memref_slice %arg14[%dma_wait3A_193, %dma_wait3A_194] : memref<256x64xf32, #tpu.memory_space<vmem>> -> memref<128x64xf32, #tpu.memory_space<vmem>>
      %dma_wait3A_196 = arith.constant 0 : i32
      %dma_wait3A_197 = tpu.memref_slice %arg2[%add3A_18, %dma_wait3A_196] : memref<20480x64xf32, #tpu.memory_space<hbm>> -> memref<128x64xf32, #tpu.memory_space<hbm>>
      tpu.wait_dma2 semaphore(%run_scoped3A : memref<!tpu.dma_semaphore, #tpu.memory_space<semaphore_mem>>) src(%dma_wait3A_197 : memref<128x64xf32, #tpu.memory_space<hbm>>) dst(%dma_wait3A_195 : memref<128x64xf32, #tpu.memory_space<vmem>>)
      tpu.yield
    }) : () -> ()
    "tpu.region"() ({
      %run_scoped3A = tpu.sem_alloc : memref<!tpu.dma_semaphore, #tpu.memory_space<semaphore_mem>>
      %dma_start3A_178 = arith.constant 0 : i32
      %dma_start3A_179 = arith.constant 0 : i32
      %dma_start3A_180 = tpu.memref_slice %arg14[%dma_start3A_178, %dma_start3A_179] : memref<256x64xf32, #tpu.memory_space<vmem>> -> memref<128x64xf32, #tpu.memory_space<vmem>>
      %dma_start3A_181 = arith.constant 0 : i32
      %dma_start3A_182 = tpu.memref_slice %arg24[%add3A_15, %dma_start3A_181] : memref<10240x64xf32, #tpu.memory_space<vmem_shared>> -> memref<128x64xf32, #tpu.memory_space<vmem_shared>>
      %dma_start3A_183 = arith.constant 0 : i32
      %dma_start3A_184 = tpu.memref_slice %arg24[%add3A_15, %dma_start3A_183] : memref<10240x64xf32, #tpu.memory_space<vmem_shared>> -> memref<128x64xf32, #tpu.memory_space<vmem_shared>>
      %dma_start3A_185 = arith.constant 0 : i32
      %dma_start3A_186 = arith.constant 0 : i32
      %dma_start3A_187 = tpu.memref_slice %arg14[%dma_start3A_185, %dma_start3A_186] : memref<256x64xf32, #tpu.memory_space<vmem>> -> memref<128x64xf32, #tpu.memory_space<vmem>>
      tpu.enqueue_dma source(%dma_start3A_187 : memref<128x64xf32, #tpu.memory_space<vmem>>) target(%dma_start3A_184 : memref<128x64xf32, #tpu.memory_space<vmem_shared>>) target_semaphore(%run_scoped3A : memref<!tpu.dma_semaphore, #tpu.memory_space<semaphore_mem>>)
      %dma_wait3A_188 = arith.constant 0 : i32
      %dma_wait3A_189 = arith.constant 0 : i32
      %dma_wait3A_190 = tpu.memref_slice %arg14[%dma_wait3A_188, %dma_wait3A_189] : memref<256x64xf32, #tpu.memory_space<vmem>> -> memref<128x64xf32, #tpu.memory_space<vmem>>
      %dma_wait3A_191 = arith.constant 0 : i32
      %dma_wait3A_192 = tpu.memref_slice %arg24[%add3A_15, %dma_wait3A_191] : memref<10240x64xf32, #tpu.memory_space<vmem_shared>> -> memref<128x64xf32, #tpu.memory_space<vmem_shared>>
      %dma_wait3A_193 = arith.constant 0 : i32
      %dma_wait3A_194 = tpu.memref_slice %arg24[%add3A_15, %dma_wait3A_193] : memref<10240x64xf32, #tpu.memory_space<vmem_shared>> -> memref<128x64xf32, #tpu.memory_space<vmem_shared>>
      %dma_wait3A_195 = arith.constant 0 : i32
      %dma_wait3A_196 = arith.constant 0 : i32
      %dma_wait3A_197 = tpu.memref_slice %arg14[%dma_wait3A_195, %dma_wait3A_196] : memref<256x64xf32, #tpu.memory_space<vmem>> -> memref<128x64xf32, #tpu.memory_space<vmem>>
      tpu.wait_dma2 semaphore(%run_scoped3A : memref<!tpu.dma_semaphore, #tpu.memory_space<semaphore_mem>>) src(%dma_wait3A_197 : memref<128x64xf32, #tpu.memory_space<vmem>>) dst(%dma_wait3A_194 : memref<128x64xf32, #tpu.memory_space<vmem_shared>>)
      tpu.yield
    }) : () -> ()
    %mul3A_19 = arith.constant 640 : i32
    %mul3A_20 = arith.muli %arg1, %mul3A_19 : i32
    %add3A_21 = arith.constant 384 : i32
    %add3A_22 = arith.addi %mul3A_20, %add3A_21 : i32
    %mul3A_23 = arith.constant 10240 : i32
    %mul3A_24 = arith.muli %arg0, %mul3A_23 : i32
    %add3A_25 = arith.addi %mul3A_24, %add3A_22 : i32
    "tpu.region"() ({
      %run_scoped3A = tpu.sem_alloc : memref<!tpu.dma_semaphore, #tpu.memory_space<semaphore_mem>>
      %dma_start3A_178 = arith.constant 0 : i32
      %dma_start3A_179 = arith.constant 0 : i32
      %dma_start3A_180 = tpu.memref_slice %arg14[%dma_start3A_178, %dma_start3A_179] : memref<256x64xf32, #tpu.memory_space<vmem>> -> memref<128x64xf32, #tpu.memory_space<vmem>>
      %dma_start3A_181 = arith.constant 0 : i32
      %dma_start3A_182 = tpu.memref_slice %arg2[%add3A_25, %dma_start3A_181] : memref<20480x64xf32, #tpu.memory_space<hbm>> -> memref<128x64xf32, #tpu.memory_space<hbm>>
      %dma_start3A_183 = arith.constant 0 : i32
      %dma_start3A_184 = arith.constant 0 : i32
      %dma_start3A_185 = tpu.memref_slice %arg14[%dma_start3A_183, %dma_start3A_184] : memref<256x64xf32, #tpu.memory_space<vmem>> -> memref<128x64xf32, #tpu.memory_space<vmem>>
      %dma_start3A_186 = arith.constant 0 : i32
      %dma_start3A_187 = tpu.memref_slice %arg2[%add3A_25, %dma_start3A_186] : memref<20480x64xf32, #tpu.memory_space<hbm>> -> memref<128x64xf32, #tpu.memory_space<hbm>>
      tpu.enqueue_dma source(%dma_start3A_187 : memref<128x64xf32, #tpu.memory_space<hbm>>) target(%dma_start3A_185 : memref<128x64xf32, #tpu.memory_space<vmem>>) target_semaphore(%run_scoped3A : memref<!tpu.dma_semaphore, #tpu.memory_space<semaphore_mem>>)
      %dma_wait3A_188 = arith.constant 0 : i32
      %dma_wait3A_189 = arith.constant 0 : i32
      %dma_wait3A_190 = tpu.memref_slice %arg14[%dma_wait3A_188, %dma_wait3A_189] : memref<256x64xf32, #tpu.memory_space<vmem>> -> memref<128x64xf32, #tpu.memory_space<vmem>>
      %dma_wait3A_191 = arith.constant 0 : i32
      %dma_wait3A_192 = tpu.memref_slice %arg2[%add3A_25, %dma_wait3A_191] : memref<20480x64xf32, #tpu.memory_space<hbm>> -> memref<128x64xf32, #tpu.memory_space<hbm>>
      %dma_wait3A_193 = arith.constant 0 : i32
      %dma_wait3A_194 = arith.constant 0 : i32
      %dma_wait3A_195 = tpu.memref_slice %arg14[%dma_wait3A_193, %dma_wait3A_194] : memref<256x64xf32, #tpu.memory_space<vmem>> -> memref<128x64xf32, #tpu.memory_space<vmem>>
      %dma_wait3A_196 = arith.constant 0 : i32
      %dma_wait3A_197 = tpu.memref_slice %arg2[%add3A_25, %dma_wait3A_196] : memref<20480x64xf32, #tpu.memory_space<hbm>> -> memref<128x64xf32, #tpu.memory_space<hbm>>
      tpu.wait_dma2 semaphore(%run_scoped3A : memref<!tpu.dma_semaphore, #tpu.memory_space<semaphore_mem>>) src(%dma_wait3A_197 : memref<128x64xf32, #tpu.memory_space<hbm>>) dst(%dma_wait3A_195 : memref<128x64xf32, #tpu.memory_space<vmem>>)
      tpu.yield
    }) : () -> ()
    "tpu.region"() ({
      %run_scoped3A = tpu.sem_alloc : memref<!tpu.dma_semaphore, #tpu.memory_space<semaphore_mem>>
      %dma_start3A_178 = arith.constant 0 : i32
      %dma_start3A_179 = arith.constant 0 : i32
      %dma_start3A_180 = tpu.memref_slice %arg14[%dma_start3A_178, %dma_start3A_179] : memref<256x64xf32, #tpu.memory_space<vmem>> -> memref<128x64xf32, #tpu.memory_space<vmem>>
      %dma_start3A_181 = arith.constant 0 : i32
      %dma_start3A_182 = tpu.memref_slice %arg24[%add3A_22, %dma_start3A_181] : memref<10240x64xf32, #tpu.memory_space<vmem_shared>> -> memref<128x64xf32, #tpu.memory_space<vmem_shared>>
      %dma_start3A_183 = arith.constant 0 : i32
      %dma_start3A_184 = tpu.memref_slice %arg24[%add3A_22, %dma_start3A_183] : memref<10240x64xf32, #tpu.memory_space<vmem_shared>> -> memref<128x64xf32, #tpu.memory_space<vmem_shared>>
      %dma_start3A_185 = arith.constant 0 : i32
      %dma_start3A_186 = arith.constant 0 : i32
      %dma_start3A_187 = tpu.memref_slice %arg14[%dma_start3A_185, %dma_start3A_186] : memref<256x64xf32, #tpu.memory_space<vmem>> -> memref<128x64xf32, #tpu.memory_space<vmem>>
      tpu.enqueue_dma source(%dma_start3A_187 : memref<128x64xf32, #tpu.memory_space<vmem>>) target(%dma_start3A_184 : memref<128x64xf32, #tpu.memory_space<vmem_shared>>) target_semaphore(%run_scoped3A : memref<!tpu.dma_semaphore, #tpu.memory_space<semaphore_mem>>)
      %dma_wait3A_188 = arith.constant 0 : i32
      %dma_wait3A_189 = arith.constant 0 : i32
      %dma_wait3A_190 = tpu.memref_slice %arg14[%dma_wait3A_188, %dma_wait3A_189] : memref<256x64xf32, #tpu.memory_space<vmem>> -> memref<128x64xf32, #tpu.memory_space<vmem>>
      %dma_wait3A_191 = arith.constant 0 : i32
      %dma_wait3A_192 = tpu.memref_slice %arg24[%add3A_22, %dma_wait3A_191] : memref<10240x64xf32, #tpu.memory_space<vmem_shared>> -> memref<128x64xf32, #tpu.memory_space<vmem_shared>>
      %dma_wait3A_193 = arith.constant 0 : i32
      %dma_wait3A_194 = tpu.memref_slice %arg24[%add3A_22, %dma_wait3A_193] : memref<10240x64xf32, #tpu.memory_space<vmem_shared>> -> memref<128x64xf32, #tpu.memory_space<vmem_shared>>
      %dma_wait3A_195 = arith.constant 0 : i32
      %dma_wait3A_196 = arith.constant 0 : i32
      %dma_wait3A_197 = tpu.memref_slice %arg14[%dma_wait3A_195, %dma_wait3A_196] : memref<256x64xf32, #tpu.memory_space<vmem>> -> memref<128x64xf32, #tpu.memory_space<vmem>>
      tpu.wait_dma2 semaphore(%run_scoped3A : memref<!tpu.dma_semaphore, #tpu.memory_space<semaphore_mem>>) src(%dma_wait3A_197 : memref<128x64xf32, #tpu.memory_space<vmem>>) dst(%dma_wait3A_194 : memref<128x64xf32, #tpu.memory_space<vmem_shared>>)
      tpu.yield
    }) : () -> ()
    %mul3A_26 = arith.constant 640 : i32
    %mul3A_27 = arith.muli %arg1, %mul3A_26 : i32
    %add3A_28 = arith.constant 512 : i32
    %add3A_29 = arith.addi %mul3A_27, %add3A_28 : i32
    %mul3A_30 = arith.constant 10240 : i32
    %mul3A_31 = arith.muli %arg0, %mul3A_30 : i32
    %add3A_32 = arith.addi %mul3A_31, %add3A_29 : i32
    "tpu.region"() ({
      %run_scoped3A = tpu.sem_alloc : memref<!tpu.dma_semaphore, #tpu.memory_space<semaphore_mem>>
      %dma_start3A_178 = arith.constant 0 : i32
      %dma_start3A_179 = arith.constant 0 : i32
      %dma_start3A_180 = tpu.memref_slice %arg14[%dma_start3A_178, %dma_start3A_179] : memref<256x64xf32, #tpu.memory_space<vmem>> -> memref<128x64xf32, #tpu.memory_space<vmem>>
      %dma_start3A_181 = arith.constant 0 : i32
      %dma_start3A_182 = tpu.memref_slice %arg2[%add3A_32, %dma_start3A_181] : memref<20480x64xf32, #tpu.memory_space<hbm>> -> memref<128x64xf32, #tpu.memory_space<hbm>>
      %dma_start3A_183 = arith.constant 0 : i32
      %dma_start3A_184 = arith.constant 0 : i32
      %dma_start3A_185 = tpu.memref_slice %arg14[%dma_start3A_183, %dma_start3A_184] : memref<256x64xf32, #tpu.memory_space<vmem>> -> memref<128x64xf32, #tpu.memory_space<vmem>>
      %dma_start3A_186 = arith.constant 0 : i32
      %dma_start3A_187 = tpu.memref_slice %arg2[%add3A_32, %dma_start3A_186] : memref<20480x64xf32, #tpu.memory_space<hbm>> -> memref<128x64xf32, #tpu.memory_space<hbm>>
      tpu.enqueue_dma source(%dma_start3A_187 : memref<128x64xf32, #tpu.memory_space<hbm>>) target(%dma_start3A_185 : memref<128x64xf32, #tpu.memory_space<vmem>>) target_semaphore(%run_scoped3A : memref<!tpu.dma_semaphore, #tpu.memory_space<semaphore_mem>>)
      %dma_wait3A_188 = arith.constant 0 : i32
      %dma_wait3A_189 = arith.constant 0 : i32
      %dma_wait3A_190 = tpu.memref_slice %arg14[%dma_wait3A_188, %dma_wait3A_189] : memref<256x64xf32, #tpu.memory_space<vmem>> -> memref<128x64xf32, #tpu.memory_space<vmem>>
      %dma_wait3A_191 = arith.constant 0 : i32
      %dma_wait3A_192 = tpu.memref_slice %arg2[%add3A_32, %dma_wait3A_191] : memref<20480x64xf32, #tpu.memory_space<hbm>> -> memref<128x64xf32, #tpu.memory_space<hbm>>
      %dma_wait3A_193 = arith.constant 0 : i32
      %dma_wait3A_194 = arith.constant 0 : i32
      %dma_wait3A_195 = tpu.memref_slice %arg14[%dma_wait3A_193, %dma_wait3A_194] : memref<256x64xf32, #tpu.memory_space<vmem>> -> memref<128x64xf32, #tpu.memory_space<vmem>>
      %dma_wait3A_196 = arith.constant 0 : i32
      %dma_wait3A_197 = tpu.memref_slice %arg2[%add3A_32, %dma_wait3A_196] : memref<20480x64xf32, #tpu.memory_space<hbm>> -> memref<128x64xf32, #tpu.memory_space<hbm>>
      tpu.wait_dma2 semaphore(%run_scoped3A : memref<!tpu.dma_semaphore, #tpu.memory_space<semaphore_mem>>) src(%dma_wait3A_197 : memref<128x64xf32, #tpu.memory_space<hbm>>) dst(%dma_wait3A_195 : memref<128x64xf32, #tpu.memory_space<vmem>>)
      tpu.yield
    }) : () -> ()
    "tpu.region"() ({
      %run_scoped3A = tpu.sem_alloc : memref<!tpu.dma_semaphore, #tpu.memory_space<semaphore_mem>>
      %dma_start3A_178 = arith.constant 0 : i32
      %dma_start3A_179 = arith.constant 0 : i32
      %dma_start3A_180 = tpu.memref_slice %arg14[%dma_start3A_178, %dma_start3A_179] : memref<256x64xf32, #tpu.memory_space<vmem>> -> memref<128x64xf32, #tpu.memory_space<vmem>>
      %dma_start3A_181 = arith.constant 0 : i32
      %dma_start3A_182 = tpu.memref_slice %arg24[%add3A_29, %dma_start3A_181] : memref<10240x64xf32, #tpu.memory_space<vmem_shared>> -> memref<128x64xf32, #tpu.memory_space<vmem_shared>>
      %dma_start3A_183 = arith.constant 0 : i32
      %dma_start3A_184 = tpu.memref_slice %arg24[%add3A_29, %dma_start3A_183] : memref<10240x64xf32, #tpu.memory_space<vmem_shared>> -> memref<128x64xf32, #tpu.memory_space<vmem_shared>>
      %dma_start3A_185 = arith.constant 0 : i32
      %dma_start3A_186 = arith.constant 0 : i32
      %dma_start3A_187 = tpu.memref_slice %arg14[%dma_start3A_185, %dma_start3A_186] : memref<256x64xf32, #tpu.memory_space<vmem>> -> memref<128x64xf32, #tpu.memory_space<vmem>>
      tpu.enqueue_dma source(%dma_start3A_187 : memref<128x64xf32, #tpu.memory_space<vmem>>) target(%dma_start3A_184 : memref<128x64xf32, #tpu.memory_space<vmem_shared>>) target_semaphore(%run_scoped3A : memref<!tpu.dma_semaphore, #tpu.memory_space<semaphore_mem>>)
      %dma_wait3A_188 = arith.constant 0 : i32
      %dma_wait3A_189 = arith.constant 0 : i32
      %dma_wait3A_190 = tpu.memref_slice %arg14[%dma_wait3A_188, %dma_wait3A_189] : memref<256x64xf32, #tpu.memory_space<vmem>> -> memref<128x64xf32, #tpu.memory_space<vmem>>
      %dma_wait3A_191 = arith.constant 0 : i32
      %dma_wait3A_192 = tpu.memref_slice %arg24[%add3A_29, %dma_wait3A_191] : memref<10240x64xf32, #tpu.memory_space<vmem_shared>> -> memref<128x64xf32, #tpu.memory_space<vmem_shared>>
      %dma_wait3A_193 = arith.constant 0 : i32
      %dma_wait3A_194 = tpu.memref_slice %arg24[%add3A_29, %dma_wait3A_193] : memref<10240x64xf32, #tpu.memory_space<vmem_shared>> -> memref<128x64xf32, #tpu.memory_space<vmem_shared>>
      %dma_wait3A_195 = arith.constant 0 : i32
      %dma_wait3A_196 = arith.constant 0 : i32
      %dma_wait3A_197 = tpu.memref_slice %arg14[%dma_wait3A_195, %dma_wait3A_196] : memref<256x64xf32, #tpu.memory_space<vmem>> -> memref<128x64xf32, #tpu.memory_space<vmem>>
      tpu.wait_dma2 semaphore(%run_scoped3A : memref<!tpu.dma_semaphore, #tpu.memory_space<semaphore_mem>>) src(%dma_wait3A_197 : memref<128x64xf32, #tpu.memory_space<vmem>>) dst(%dma_wait3A_194 : memref<128x64xf32, #tpu.memory_space<vmem_shared>>)
      tpu.yield
    }) : () -> ()
    %broadcast_in_dim3A = arith.constant 0.000000e+00 : f32
    %broadcast_in_dim3A_33 = vector.broadcast %broadcast_in_dim3A : f32 to vector<16xf32>
    %scan3A = arith.constant 0 : i32
    %scan3A_34 = arith.constant 0 : i32
    %scan3A_35 = arith.constant 128 : i32
    %scan3A_36 = arith.addi %scan3A_34, %scan3A_35 : i32
    %scan3A_37 = arith.constant 1 : i32
    scf.for %scan3A_178 = %scan3A_34 to %scan3A_36 step %scan3A_37  : i32 {
      %swap3A = arith.index_cast %scan3A_178 : i32 to index
      %swap3A_179 = arith.constant 0 : index
      %swap3A_180 = tpu.vector_load %arg14[%swap3A, %swap3A_179] {strides = array<i32>} : memref<256x64xf32, #tpu.memory_space<vmem>>, vector<1x16xf32>,
      %swap3A_181 = vector.shape_cast %swap3A_180 : vector<1x16xf32> to vector<16xf32>
      %swap3A_182 = vector.shape_cast %broadcast_in_dim3A_33 : vector<16xf32> to vector<1x16xf32>
      tpu.vector_store %arg14[%swap3A, %swap3A_179], %swap3A_182 {strides = array<i32>} : memref<256x64xf32, #tpu.memory_space<vmem>>, vector<1x16xf32>,
      %swap3A_183 = arith.index_cast %scan3A_178 : i32 to index
      %swap3A_184 = arith.constant 16 : index
      %swap3A_185 = tpu.vector_load %arg14[%swap3A_183, %swap3A_184] {strides = array<i32>} : memref<256x64xf32, #tpu.memory_space<vmem>>, vector<1x16xf32>,
      %swap3A_186 = vector.shape_cast %swap3A_185 : vector<1x16xf32> to vector<16xf32>
      %swap3A_187 = vector.shape_cast %broadcast_in_dim3A_33 : vector<16xf32> to vector<1x16xf32>
      tpu.vector_store %arg14[%swap3A_183, %swap3A_184], %swap3A_187 {strides = array<i32>} : memref<256x64xf32, #tpu.memory_space<vmem>>, vector<1x16xf32>,
      %swap3A_188 = arith.index_cast %scan3A_178 : i32 to index
      %swap3A_189 = arith.constant 32 : index
      %swap3A_190 = tpu.vector_load %arg14[%swap3A_188, %swap3A_189] {strides = array<i32>} : memref<256x64xf32, #tpu.memory_space<vmem>>, vector<1x16xf32>,
      %swap3A_191 = vector.shape_cast %swap3A_190 : vector<1x16xf32> to vector<16xf32>
      %swap3A_192 = vector.shape_cast %broadcast_in_dim3A_33 : vector<16xf32> to vector<1x16xf32>
      tpu.vector_store %arg14[%swap3A_188, %swap3A_189], %swap3A_192 {strides = array<i32>} : memref<256x64xf32, #tpu.memory_space<vmem>>, vector<1x16xf32>,
      %swap3A_193 = arith.index_cast %scan3A_178 : i32 to index
      %swap3A_194 = arith.constant 48 : index
      %swap3A_195 = tpu.vector_load %arg14[%swap3A_193, %swap3A_194] {strides = array<i32>} : memref<256x64xf32, #tpu.memory_space<vmem>>, vector<1x16xf32>,
      %swap3A_196 = vector.shape_cast %swap3A_195 : vector<1x16xf32> to vector<16xf32>
      %swap3A_197 = vector.shape_cast %broadcast_in_dim3A_33 : vector<16xf32> to vector<1x16xf32>
      tpu.vector_store %arg14[%swap3A_193, %swap3A_194], %swap3A_197 {strides = array<i32>} : memref<256x64xf32, #tpu.memory_space<vmem>>, vector<1x16xf32>,
    }
    %scan3A_38 = arith.constant 128 : i32
    %mul3A_39 = arith.constant 640 : i32
    %mul3A_40 = arith.muli %arg1, %mul3A_39 : i32
    %add3A_41 = arith.constant 0 : i32
    %add3A_42 = arith.addi %mul3A_40, %add3A_41 : i32
    "tpu.region"() ({
      %run_scoped3A = tpu.sem_alloc : memref<!tpu.dma_semaphore, #tpu.memory_space<semaphore_mem>>
      %dma_start3A_178 = arith.constant 0 : i32
      %dma_start3A_179 = arith.constant 0 : i32
      %dma_start3A_180 = tpu.memref_slice %arg14[%dma_start3A_178, %dma_start3A_179] : memref<256x64xf32, #tpu.memory_space<vmem>> -> memref<128x64xf32, #tpu.memory_space<vmem>>
      %dma_start3A_181 = arith.constant 0 : i32
      %dma_start3A_182 = tpu.memref_slice %arg25[%add3A_42, %dma_start3A_181] : memref<10240x64xf32, #tpu.memory_space<vmem_shared>> -> memref<128x64xf32, #tpu.memory_space<vmem_shared>>
      %dma_start3A_183 = arith.constant 0 : i32
      %dma_start3A_184 = tpu.memref_slice %arg25[%add3A_42, %dma_start3A_183] : memref<10240x64xf32, #tpu.memory_space<vmem_shared>> -> memref<128x64xf32, #tpu.memory_space<vmem_shared>>
      %dma_start3A_185 = arith.constant 0 : i32
      %dma_start3A_186 = arith.constant 0 : i32
      %dma_start3A_187 = tpu.memref_slice %arg14[%dma_start3A_185, %dma_start3A_186] : memref<256x64xf32, #tpu.memory_space<vmem>> -> memref<128x64xf32, #tpu.memory_space<vmem>>
      tpu.enqueue_dma source(%dma_start3A_187 : memref<128x64xf32, #tpu.memory_space<vmem>>) target(%dma_start3A_184 : memref<128x64xf32, #tpu.memory_space<vmem_shared>>) target_semaphore(%run_scoped3A : memref<!tpu.dma_semaphore, #tpu.memory_space<semaphore_mem>>)
      %dma_wait3A_188 = arith.constant 0 : i32
      %dma_wait3A_189 = arith.constant 0 : i32
      %dma_wait3A_190 = tpu.memref_slice %arg14[%dma_wait3A_188, %dma_wait3A_189] : memref<256x64xf32, #tpu.memory_space<vmem>> -> memref<128x64xf32, #tpu.memory_space<vmem>>
      %dma_wait3A_191 = arith.constant 0 : i32
      %dma_wait3A_192 = tpu.memref_slice %arg25[%add3A_42, %dma_wait3A_191] : memref<10240x64xf32, #tpu.memory_space<vmem_shared>> -> memref<128x64xf32, #tpu.memory_space<vmem_shared>>
      %dma_wait3A_193 = arith.constant 0 : i32
      %dma_wait3A_194 = tpu.memref_slice %arg25[%add3A_42, %dma_wait3A_193] : memref<10240x64xf32, #tpu.memory_space<vmem_shared>> -> memref<128x64xf32, #tpu.memory_space<vmem_shared>>
      %dma_wait3A_195 = arith.constant 0 : i32
      %dma_wait3A_196 = arith.constant 0 : i32
      %dma_wait3A_197 = tpu.memref_slice %arg14[%dma_wait3A_195, %dma_wait3A_196] : memref<256x64xf32, #tpu.memory_space<vmem>> -> memref<128x64xf32, #tpu.memory_space<vmem>>
      tpu.wait_dma2 semaphore(%run_scoped3A : memref<!tpu.dma_semaphore, #tpu.memory_space<semaphore_mem>>) src(%dma_wait3A_197 : memref<128x64xf32, #tpu.memory_space<vmem>>) dst(%dma_wait3A_194 : memref<128x64xf32, #tpu.memory_space<vmem_shared>>)
      tpu.yield
    }) : () -> ()
    %mul3A_43 = arith.constant 640 : i32
    %mul3A_44 = arith.muli %arg1, %mul3A_43 : i32
    %add3A_45 = arith.constant 128 : i32
    %add3A_46 = arith.addi %mul3A_44, %add3A_45 : i32
    "tpu.region"() ({
      %run_scoped3A = tpu.sem_alloc : memref<!tpu.dma_semaphore, #tpu.memory_space<semaphore_mem>>
      %dma_start3A_178 = arith.constant 0 : i32
      %dma_start3A_179 = arith.constant 0 : i32
      %dma_start3A_180 = tpu.memref_slice %arg14[%dma_start3A_178, %dma_start3A_179] : memref<256x64xf32, #tpu.memory_space<vmem>> -> memref<128x64xf32, #tpu.memory_space<vmem>>
      %dma_start3A_181 = arith.constant 0 : i32
      %dma_start3A_182 = tpu.memref_slice %arg25[%add3A_46, %dma_start3A_181] : memref<10240x64xf32, #tpu.memory_space<vmem_shared>> -> memref<128x64xf32, #tpu.memory_space<vmem_shared>>
      %dma_start3A_183 = arith.constant 0 : i32
      %dma_start3A_184 = tpu.memref_slice %arg25[%add3A_46, %dma_start3A_183] : memref<10240x64xf32, #tpu.memory_space<vmem_shared>> -> memref<128x64xf32, #tpu.memory_space<vmem_shared>>
      %dma_start3A_185 = arith.constant 0 : i32
      %dma_start3A_186 = arith.constant 0 : i32
      %dma_start3A_187 = tpu.memref_slice %arg14[%dma_start3A_185, %dma_start3A_186] : memref<256x64xf32, #tpu.memory_space<vmem>> -> memref<128x64xf32, #tpu.memory_space<vmem>>
      tpu.enqueue_dma source(%dma_start3A_187 : memref<128x64xf32, #tpu.memory_space<vmem>>) target(%dma_start3A_184 : memref<128x64xf32, #tpu.memory_space<vmem_shared>>) target_semaphore(%run_scoped3A : memref<!tpu.dma_semaphore, #tpu.memory_space<semaphore_mem>>)
      %dma_wait3A_188 = arith.constant 0 : i32
      %dma_wait3A_189 = arith.constant 0 : i32
      %dma_wait3A_190 = tpu.memref_slice %arg14[%dma_wait3A_188, %dma_wait3A_189] : memref<256x64xf32, #tpu.memory_space<vmem>> -> memref<128x64xf32, #tpu.memory_space<vmem>>
      %dma_wait3A_191 = arith.constant 0 : i32
      %dma_wait3A_192 = tpu.memref_slice %arg25[%add3A_46, %dma_wait3A_191] : memref<10240x64xf32, #tpu.memory_space<vmem_shared>> -> memref<128x64xf32, #tpu.memory_space<vmem_shared>>
      %dma_wait3A_193 = arith.constant 0 : i32
      %dma_wait3A_194 = tpu.memref_slice %arg25[%add3A_46, %dma_wait3A_193] : memref<10240x64xf32, #tpu.memory_space<vmem_shared>> -> memref<128x64xf32, #tpu.memory_space<vmem_shared>>
      %dma_wait3A_195 = arith.constant 0 : i32
      %dma_wait3A_196 = arith.constant 0 : i32
      %dma_wait3A_197 = tpu.memref_slice %arg14[%dma_wait3A_195, %dma_wait3A_196] : memref<256x64xf32, #tpu.memory_space<vmem>> -> memref<128x64xf32, #tpu.memory_space<vmem>>
      tpu.wait_dma2 semaphore(%run_scoped3A : memref<!tpu.dma_semaphore, #tpu.memory_space<semaphore_mem>>) src(%dma_wait3A_197 : memref<128x64xf32, #tpu.memory_space<vmem>>) dst(%dma_wait3A_194 : memref<128x64xf32, #tpu.memory_space<vmem_shared>>)
      tpu.yield
    }) : () -> ()
    %mul3A_47 = arith.constant 640 : i32
    %mul3A_48 = arith.muli %arg1, %mul3A_47 : i32
    %add3A_49 = arith.constant 256 : i32
    %add3A_50 = arith.addi %mul3A_48, %add3A_49 : i32
    "tpu.region"() ({
      %run_scoped3A = tpu.sem_alloc : memref<!tpu.dma_semaphore, #tpu.memory_space<semaphore_mem>>
      %dma_start3A_178 = arith.constant 0 : i32
      %dma_start3A_179 = arith.constant 0 : i32
      %dma_start3A_180 = tpu.memref_slice %arg14[%dma_start3A_178, %dma_start3A_179] : memref<256x64xf32, #tpu.memory_space<vmem>> -> memref<128x64xf32, #tpu.memory_space<vmem>>
      %dma_start3A_181 = arith.constant 0 : i32
      %dma_start3A_182 = tpu.memref_slice %arg25[%add3A_50, %dma_start3A_181] : memref<10240x64xf32, #tpu.memory_space<vmem_shared>> -> memref<128x64xf32, #tpu.memory_space<vmem_shared>>
      %dma_start3A_183 = arith.constant 0 : i32
      %dma_start3A_184 = tpu.memref_slice %arg25[%add3A_50, %dma_start3A_183] : memref<10240x64xf32, #tpu.memory_space<vmem_shared>> -> memref<128x64xf32, #tpu.memory_space<vmem_shared>>
      %dma_start3A_185 = arith.constant 0 : i32
      %dma_start3A_186 = arith.constant 0 : i32
      %dma_start3A_187 = tpu.memref_slice %arg14[%dma_start3A_185, %dma_start3A_186] : memref<256x64xf32, #tpu.memory_space<vmem>> -> memref<128x64xf32, #tpu.memory_space<vmem>>
      tpu.enqueue_dma source(%dma_start3A_187 : memref<128x64xf32, #tpu.memory_space<vmem>>) target(%dma_start3A_184 : memref<128x64xf32, #tpu.memory_space<vmem_shared>>) target_semaphore(%run_scoped3A : memref<!tpu.dma_semaphore, #tpu.memory_space<semaphore_mem>>)
      %dma_wait3A_188 = arith.constant 0 : i32
      %dma_wait3A_189 = arith.constant 0 : i32
      %dma_wait3A_190 = tpu.memref_slice %arg14[%dma_wait3A_188, %dma_wait3A_189] : memref<256x64xf32, #tpu.memory_space<vmem>> -> memref<128x64xf32, #tpu.memory_space<vmem>>
      %dma_wait3A_191 = arith.constant 0 : i32
      %dma_wait3A_192 = tpu.memref_slice %arg25[%add3A_50, %dma_wait3A_191] : memref<10240x64xf32, #tpu.memory_space<vmem_shared>> -> memref<128x64xf32, #tpu.memory_space<vmem_shared>>
      %dma_wait3A_193 = arith.constant 0 : i32
      %dma_wait3A_194 = tpu.memref_slice %arg25[%add3A_50, %dma_wait3A_193] : memref<10240x64xf32, #tpu.memory_space<vmem_shared>> -> memref<128x64xf32, #tpu.memory_space<vmem_shared>>
      %dma_wait3A_195 = arith.constant 0 : i32
      %dma_wait3A_196 = arith.constant 0 : i32
      %dma_wait3A_197 = tpu.memref_slice %arg14[%dma_wait3A_195, %dma_wait3A_196] : memref<256x64xf32, #tpu.memory_space<vmem>> -> memref<128x64xf32, #tpu.memory_space<vmem>>
      tpu.wait_dma2 semaphore(%run_scoped3A : memref<!tpu.dma_semaphore, #tpu.memory_space<semaphore_mem>>) src(%dma_wait3A_197 : memref<128x64xf32, #tpu.memory_space<vmem>>) dst(%dma_wait3A_194 : memref<128x64xf32, #tpu.memory_space<vmem_shared>>)
      tpu.yield
    }) : () -> ()
    %mul3A_51 = arith.constant 640 : i32
    %mul3A_52 = arith.muli %arg1, %mul3A_51 : i32
    %add3A_53 = arith.constant 384 : i32
    %add3A_54 = arith.addi %mul3A_52, %add3A_53 : i32
    "tpu.region"() ({
      %run_scoped3A = tpu.sem_alloc : memref<!tpu.dma_semaphore, #tpu.memory_space<semaphore_mem>>
      %dma_start3A_178 = arith.constant 0 : i32
      %dma_start3A_179 = arith.constant 0 : i32
      %dma_start3A_180 = tpu.memref_slice %arg14[%dma_start3A_178, %dma_start3A_179] : memref<256x64xf32, #tpu.memory_space<vmem>> -> memref<128x64xf32, #tpu.memory_space<vmem>>
      %dma_start3A_181 = arith.constant 0 : i32
      %dma_start3A_182 = tpu.memref_slice %arg25[%add3A_54, %dma_start3A_181] : memref<10240x64xf32, #tpu.memory_space<vmem_shared>> -> memref<128x64xf32, #tpu.memory_space<vmem_shared>>
      %dma_start3A_183 = arith.constant 0 : i32
      %dma_start3A_184 = tpu.memref_slice %arg25[%add3A_54, %dma_start3A_183] : memref<10240x64xf32, #tpu.memory_space<vmem_shared>> -> memref<128x64xf32, #tpu.memory_space<vmem_shared>>
      %dma_start3A_185 = arith.constant 0 : i32
      %dma_start3A_186 = arith.constant 0 : i32
      %dma_start3A_187 = tpu.memref_slice %arg14[%dma_start3A_185, %dma_start3A_186] : memref<256x64xf32, #tpu.memory_space<vmem>> -> memref<128x64xf32, #tpu.memory_space<vmem>>
      tpu.enqueue_dma source(%dma_start3A_187 : memref<128x64xf32, #tpu.memory_space<vmem>>) target(%dma_start3A_184 : memref<128x64xf32, #tpu.memory_space<vmem_shared>>) target_semaphore(%run_scoped3A : memref<!tpu.dma_semaphore, #tpu.memory_space<semaphore_mem>>)
      %dma_wait3A_188 = arith.constant 0 : i32
      %dma_wait3A_189 = arith.constant 0 : i32
      %dma_wait3A_190 = tpu.memref_slice %arg14[%dma_wait3A_188, %dma_wait3A_189] : memref<256x64xf32, #tpu.memory_space<vmem>> -> memref<128x64xf32, #tpu.memory_space<vmem>>
      %dma_wait3A_191 = arith.constant 0 : i32
      %dma_wait3A_192 = tpu.memref_slice %arg25[%add3A_54, %dma_wait3A_191] : memref<10240x64xf32, #tpu.memory_space<vmem_shared>> -> memref<128x64xf32, #tpu.memory_space<vmem_shared>>
      %dma_wait3A_193 = arith.constant 0 : i32
      %dma_wait3A_194 = tpu.memref_slice %arg25[%add3A_54, %dma_wait3A_193] : memref<10240x64xf32, #tpu.memory_space<vmem_shared>> -> memref<128x64xf32, #tpu.memory_space<vmem_shared>>
      %dma_wait3A_195 = arith.constant 0 : i32
      %dma_wait3A_196 = arith.constant 0 : i32
      %dma_wait3A_197 = tpu.memref_slice %arg14[%dma_wait3A_195, %dma_wait3A_196] : memref<256x64xf32, #tpu.memory_space<vmem>> -> memref<128x64xf32, #tpu.memory_space<vmem>>
      tpu.wait_dma2 semaphore(%run_scoped3A : memref<!tpu.dma_semaphore, #tpu.memory_space<semaphore_mem>>) src(%dma_wait3A_197 : memref<128x64xf32, #tpu.memory_space<vmem>>) dst(%dma_wait3A_194 : memref<128x64xf32, #tpu.memory_space<vmem_shared>>)
      tpu.yield
    }) : () -> ()
    %mul3A_55 = arith.constant 640 : i32
    %mul3A_56 = arith.muli %arg1, %mul3A_55 : i32
    %add3A_57 = arith.constant 512 : i32
    %add3A_58 = arith.addi %mul3A_56, %add3A_57 : i32
    "tpu.region"() ({
      %run_scoped3A = tpu.sem_alloc : memref<!tpu.dma_semaphore, #tpu.memory_space<semaphore_mem>>
      %dma_start3A_178 = arith.constant 0 : i32
      %dma_start3A_179 = arith.constant 0 : i32
      %dma_start3A_180 = tpu.memref_slice %arg14[%dma_start3A_178, %dma_start3A_179] : memref<256x64xf32, #tpu.memory_space<vmem>> -> memref<128x64xf32, #tpu.memory_space<vmem>>
      %dma_start3A_181 = arith.constant 0 : i32
      %dma_start3A_182 = tpu.memref_slice %arg25[%add3A_58, %dma_start3A_181] : memref<10240x64xf32, #tpu.memory_space<vmem_shared>> -> memref<128x64xf32, #tpu.memory_space<vmem_shared>>
      %dma_start3A_183 = arith.constant 0 : i32
      %dma_start3A_184 = tpu.memref_slice %arg25[%add3A_58, %dma_start3A_183] : memref<10240x64xf32, #tpu.memory_space<vmem_shared>> -> memref<128x64xf32, #tpu.memory_space<vmem_shared>>
      %dma_start3A_185 = arith.constant 0 : i32
      %dma_start3A_186 = arith.constant 0 : i32
      %dma_start3A_187 = tpu.memref_slice %arg14[%dma_start3A_185, %dma_start3A_186] : memref<256x64xf32, #tpu.memory_space<vmem>> -> memref<128x64xf32, #tpu.memory_space<vmem>>
      tpu.enqueue_dma source(%dma_start3A_187 : memref<128x64xf32, #tpu.memory_space<vmem>>) target(%dma_start3A_184 : memref<128x64xf32, #tpu.memory_space<vmem_shared>>) target_semaphore(%run_scoped3A : memref<!tpu.dma_semaphore, #tpu.memory_space<semaphore_mem>>)
      %dma_wait3A_188 = arith.constant 0 : i32
      %dma_wait3A_189 = arith.constant 0 : i32
      %dma_wait3A_190 = tpu.memref_slice %arg14[%dma_wait3A_188, %dma_wait3A_189] : memref<256x64xf32, #tpu.memory_space<vmem>> -> memref<128x64xf32, #tpu.memory_space<vmem>>
      %dma_wait3A_191 = arith.constant 0 : i32
      %dma_wait3A_192 = tpu.memref_slice %arg25[%add3A_58, %dma_wait3A_191] : memref<10240x64xf32, #tpu.memory_space<vmem_shared>> -> memref<128x64xf32, #tpu.memory_space<vmem_shared>>
      %dma_wait3A_193 = arith.constant 0 : i32
      %dma_wait3A_194 = tpu.memref_slice %arg25[%add3A_58, %dma_wait3A_193] : memref<10240x64xf32, #tpu.memory_space<vmem_shared>> -> memref<128x64xf32, #tpu.memory_space<vmem_shared>>
      %dma_wait3A_195 = arith.constant 0 : i32
      %dma_wait3A_196 = arith.constant 0 : i32
      %dma_wait3A_197 = tpu.memref_slice %arg14[%dma_wait3A_195, %dma_wait3A_196] : memref<256x64xf32, #tpu.memory_space<vmem>> -> memref<128x64xf32, #tpu.memory_space<vmem>>
      tpu.wait_dma2 semaphore(%run_scoped3A : memref<!tpu.dma_semaphore, #tpu.memory_space<semaphore_mem>>) src(%dma_wait3A_197 : memref<128x64xf32, #tpu.memory_space<vmem>>) dst(%dma_wait3A_194 : memref<128x64xf32, #tpu.memory_space<vmem_shared>>)
      tpu.yield
    }) : () -> ()
    %barrier3A = arith.constant 0 : index
    tpu.barrier barrier_id(%barrier3A)
    %mul3A_59 = arith.constant 80 : i32
    %mul3A_60 = arith.muli %arg1, %mul3A_59 : i32
    %add3A_61 = arith.constant 0 : i32
    %add3A_62 = arith.addi %mul3A_60, %add3A_61 : i32
    %dma_start3A = arith.constant 0 : i32
    %dma_start3A_63 = tpu.memref_slice %arg3[%add3A_62, %dma_start3A] : memref<1280x256xi32, #tpu.memory_space<hbm>> -> memref<1x256xi32, #tpu.memory_space<hbm>>
    %dma_start3A_64 = tpu.memref_squeeze %dma_start3A_63 : memref<1x256xi32, #tpu.memory_space<hbm>> -> memref<256xi32, #tpu.memory_space<hbm>>
    %dma_start3A_65 = arith.constant 0 : i32
    %dma_start3A_66 = tpu.memref_slice %arg3[%add3A_62, %dma_start3A_65] : memref<1280x256xi32, #tpu.memory_space<hbm>> -> memref<1x256xi32, #tpu.memory_space<hbm>>
    %dma_start3A_67 = tpu.memref_squeeze %dma_start3A_66 : memref<1x256xi32, #tpu.memory_space<hbm>> -> memref<256xi32, #tpu.memory_space<hbm>>
    tpu.enqueue_dma source(%dma_start3A_67 : memref<256xi32, #tpu.memory_space<hbm>>) target(%arg6 : memref<256xi32, #tpu.memory_space<vmem>>) target_semaphore(%arg16 : memref<!tpu.dma_semaphore, #tpu.memory_space<semaphore_mem>>)
    %mul3A_68 = arith.constant 80 : i32
    %mul3A_69 = arith.muli %arg1, %mul3A_68 : i32
    %add3A_70 = arith.constant 0 : i32
    %add3A_71 = arith.addi %mul3A_69, %add3A_70 : i32
    %dma_start3A_72 = arith.constant 0 : i32
    %dma_start3A_73 = tpu.memref_slice %arg4[%add3A_71, %dma_start3A_72] : memref<1280x256xi32, #tpu.memory_space<hbm>> -> memref<1x256xi32, #tpu.memory_space<hbm>>
    %dma_start3A_74 = tpu.memref_squeeze %dma_start3A_73 : memref<1x256xi32, #tpu.memory_space<hbm>> -> memref<256xi32, #tpu.memory_space<hbm>>
    %dma_start3A_75 = arith.constant 0 : i32
    %dma_start3A_76 = tpu.memref_slice %arg4[%add3A_71, %dma_start3A_75] : memref<1280x256xi32, #tpu.memory_space<hbm>> -> memref<1x256xi32, #tpu.memory_space<hbm>>
    %dma_start3A_77 = tpu.memref_squeeze %dma_start3A_76 : memref<1x256xi32, #tpu.memory_space<hbm>> -> memref<256xi32, #tpu.memory_space<hbm>>
    tpu.enqueue_dma source(%dma_start3A_77 : memref<256xi32, #tpu.memory_space<hbm>>) target(%arg10 : memref<256xi32, #tpu.memory_space<vmem>>) target_semaphore(%arg16 : memref<!tpu.dma_semaphore, #tpu.memory_space<semaphore_mem>>)
    %mul3A_78 = arith.constant 80 : i32
    %mul3A_79 = arith.muli %arg1, %mul3A_78 : i32
    %add3A_80 = arith.constant 1 : i32
    %add3A_81 = arith.addi %mul3A_79, %add3A_80 : i32
    %dma_start3A_82 = arith.constant 0 : i32
    %dma_start3A_83 = tpu.memref_slice %arg3[%add3A_81, %dma_start3A_82] : memref<1280x256xi32, #tpu.memory_space<hbm>> -> memref<1x256xi32, #tpu.memory_space<hbm>>
    %dma_start3A_84 = tpu.memref_squeeze %dma_start3A_83 : memref<1x256xi32, #tpu.memory_space<hbm>> -> memref<256xi32, #tpu.memory_space<hbm>>
    %dma_start3A_85 = arith.constant 0 : i32
    %dma_start3A_86 = tpu.memref_slice %arg3[%add3A_81, %dma_start3A_85] : memref<1280x256xi32, #tpu.memory_space<hbm>> -> memref<1x256xi32, #tpu.memory_space<hbm>>
    %dma_start3A_87 = tpu.memref_squeeze %dma_start3A_86 : memref<1x256xi32, #tpu.memory_space<hbm>> -> memref<256xi32, #tpu.memory_space<hbm>>
    tpu.enqueue_dma source(%dma_start3A_87 : memref<256xi32, #tpu.memory_space<hbm>>) target(%arg7 : memref<256xi32, #tpu.memory_space<vmem>>) target_semaphore(%arg17 : memref<!tpu.dma_semaphore, #tpu.memory_space<semaphore_mem>>)
    %mul3A_88 = arith.constant 80 : i32
    %mul3A_89 = arith.muli %arg1, %mul3A_88 : i32
    %add3A_90 = arith.constant 1 : i32
    %add3A_91 = arith.addi %mul3A_89, %add3A_90 : i32
    %dma_start3A_92 = arith.constant 0 : i32
    %dma_start3A_93 = tpu.memref_slice %arg4[%add3A_91, %dma_start3A_92] : memref<1280x256xi32, #tpu.memory_space<hbm>> -> memref<1x256xi32, #tpu.memory_space<hbm>>
    %dma_start3A_94 = tpu.memref_squeeze %dma_start3A_93 : memref<1x256xi32, #tpu.memory_space<hbm>> -> memref<256xi32, #tpu.memory_space<hbm>>
    %dma_start3A_95 = arith.constant 0 : i32
    %dma_start3A_96 = tpu.memref_slice %arg4[%add3A_91, %dma_start3A_95] : memref<1280x256xi32, #tpu.memory_space<hbm>> -> memref<1x256xi32, #tpu.memory_space<hbm>>
    %dma_start3A_97 = tpu.memref_squeeze %dma_start3A_96 : memref<1x256xi32, #tpu.memory_space<hbm>> -> memref<256xi32, #tpu.memory_space<hbm>>
    tpu.enqueue_dma source(%dma_start3A_97 : memref<256xi32, #tpu.memory_space<hbm>>) target(%arg11 : memref<256xi32, #tpu.memory_space<vmem>>) target_semaphore(%arg17 : memref<!tpu.dma_semaphore, #tpu.memory_space<semaphore_mem>>)
    %mul3A_98 = arith.constant 80 : i32
    %mul3A_99 = arith.muli %arg1, %mul3A_98 : i32
    %add3A_100 = arith.constant 0 : i32
    %add3A_101 = arith.addi %mul3A_99, %add3A_100 : i32
    %dma_wait3A = arith.constant 0 : i32
    %dma_wait3A_102 = tpu.memref_slice %arg3[%add3A_101, %dma_wait3A] : memref<1280x256xi32, #tpu.memory_space<hbm>> -> memref<1x256xi32, #tpu.memory_space<hbm>>
    %dma_wait3A_103 = tpu.memref_squeeze %dma_wait3A_102 : memref<1x256xi32, #tpu.memory_space<hbm>> -> memref<256xi32, #tpu.memory_space<hbm>>
    %dma_wait3A_104 = arith.constant 0 : i32
    %dma_wait3A_105 = tpu.memref_slice %arg3[%add3A_101, %dma_wait3A_104] : memref<1280x256xi32, #tpu.memory_space<hbm>> -> memref<1x256xi32, #tpu.memory_space<hbm>>
    %dma_wait3A_106 = tpu.memref_squeeze %dma_wait3A_105 : memref<1x256xi32, #tpu.memory_space<hbm>> -> memref<256xi32, #tpu.memory_space<hbm>>
    tpu.wait_dma2 semaphore(%arg16 : memref<!tpu.dma_semaphore, #tpu.memory_space<semaphore_mem>>) src(%dma_wait3A_106 : memref<256xi32, #tpu.memory_space<hbm>>) dst(%arg6 : memref<256xi32, #tpu.memory_space<vmem>>)
    %mul3A_107 = arith.constant 80 : i32
    %mul3A_108 = arith.muli %arg1, %mul3A_107 : i32
    %add3A_109 = arith.constant 0 : i32
    %add3A_110 = arith.addi %mul3A_108, %add3A_109 : i32
    %dma_wait3A_111 = arith.constant 0 : i32
    %dma_wait3A_112 = tpu.memref_slice %arg4[%add3A_110, %dma_wait3A_111] : memref<1280x256xi32, #tpu.memory_space<hbm>> -> memref<1x256xi32, #tpu.memory_space<hbm>>
    %dma_wait3A_113 = tpu.memref_squeeze %dma_wait3A_112 : memref<1x256xi32, #tpu.memory_space<hbm>> -> memref<256xi32, #tpu.memory_space<hbm>>
    %dma_wait3A_114 = arith.constant 0 : i32
    %dma_wait3A_115 = tpu.memref_slice %arg4[%add3A_110, %dma_wait3A_114] : memref<1280x256xi32, #tpu.memory_space<hbm>> -> memref<1x256xi32, #tpu.memory_space<hbm>>
    %dma_wait3A_116 = tpu.memref_squeeze %dma_wait3A_115 : memref<1x256xi32, #tpu.memory_space<hbm>> -> memref<256xi32, #tpu.memory_space<hbm>>
    tpu.wait_dma2 semaphore(%arg16 : memref<!tpu.dma_semaphore, #tpu.memory_space<semaphore_mem>>) src(%dma_wait3A_116 : memref<256xi32, #tpu.memory_space<hbm>>) dst(%arg10 : memref<256xi32, #tpu.memory_space<vmem>>)
    %dma_start3A_117 = arith.constant 0 : i32
    %dma_start3A_118 = arith.constant 0 : i32
    %dma_start3A_119 = tpu.memref_slice %arg24[%dma_start3A_117, %dma_start3A_118] : memref<10240x64xf32, #tpu.memory_space<vmem_shared>> -> memref<10240x64xf32, #tpu.memory_space<vmem_shared>>
    tpu.enqueue_indirect_dma source(%dma_start3A_119 : memref<10240x64xf32, #tpu.memory_space<vmem_shared>>) target(%arg14 : memref<256x64xf32, #tpu.memory_space<vmem>>) offsets(%arg6 : memref<256xi32, #tpu.memory_space<vmem>>) semaphore(%arg20 : memref<!tpu.dma_semaphore, #tpu.memory_space<semaphore_mem>>)
    %mul3A_120 = arith.constant 80 : i32
    %mul3A_121 = arith.muli %arg1, %mul3A_120 : i32
    %add3A_122 = arith.constant 1 : i32
    %add3A_123 = arith.addi %mul3A_121, %add3A_122 : i32
    %dma_wait3A_124 = arith.constant 0 : i32
    %dma_wait3A_125 = tpu.memref_slice %arg3[%add3A_123, %dma_wait3A_124] : memref<1280x256xi32, #tpu.memory_space<hbm>> -> memref<1x256xi32, #tpu.memory_space<hbm>>
    %dma_wait3A_126 = tpu.memref_squeeze %dma_wait3A_125 : memref<1x256xi32, #tpu.memory_space<hbm>> -> memref<256xi32, #tpu.memory_space<hbm>>
    %dma_wait3A_127 = arith.constant 0 : i32
    %dma_wait3A_128 = tpu.memref_slice %arg3[%add3A_123, %dma_wait3A_127] : memref<1280x256xi32, #tpu.memory_space<hbm>> -> memref<1x256xi32, #tpu.memory_space<hbm>>
    %dma_wait3A_129 = tpu.memref_squeeze %dma_wait3A_128 : memref<1x256xi32, #tpu.memory_space<hbm>> -> memref<256xi32, #tpu.memory_space<hbm>>
    tpu.wait_dma2 semaphore(%arg17 : memref<!tpu.dma_semaphore, #tpu.memory_space<semaphore_mem>>) src(%dma_wait3A_129 : memref<256xi32, #tpu.memory_space<hbm>>) dst(%arg7 : memref<256xi32, #tpu.memory_space<vmem>>)
    %mul3A_130 = arith.constant 80 : i32
    %mul3A_131 = arith.muli %arg1, %mul3A_130 : i32
    %add3A_132 = arith.constant 1 : i32
    %add3A_133 = arith.addi %mul3A_131, %add3A_132 : i32
    %dma_wait3A_134 = arith.constant 0 : i32
    %dma_wait3A_135 = tpu.memref_slice %arg4[%add3A_133, %dma_wait3A_134] : memref<1280x256xi32, #tpu.memory_space<hbm>> -> memref<1x256xi32, #tpu.memory_space<hbm>>
    %dma_wait3A_136 = tpu.memref_squeeze %dma_wait3A_135 : memref<1x256xi32, #tpu.memory_space<hbm>> -> memref<256xi32, #tpu.memory_space<hbm>>
    %dma_wait3A_137 = arith.constant 0 : i32
    %dma_wait3A_138 = tpu.memref_slice %arg4[%add3A_133, %dma_wait3A_137] : memref<1280x256xi32, #tpu.memory_space<hbm>> -> memref<1x256xi32, #tpu.memory_space<hbm>>
    %dma_wait3A_139 = tpu.memref_squeeze %dma_wait3A_138 : memref<1x256xi32, #tpu.memory_space<hbm>> -> memref<256xi32, #tpu.memory_space<hbm>>
    tpu.wait_dma2 semaphore(%arg17 : memref<!tpu.dma_semaphore, #tpu.memory_space<semaphore_mem>>) src(%dma_wait3A_139 : memref<256xi32, #tpu.memory_space<hbm>>) dst(%arg11 : memref<256xi32, #tpu.memory_space<vmem>>)
    %dma_start3A_140 = arith.constant 0 : i32
    %dma_start3A_141 = arith.constant 0 : i32
    %dma_start3A_142 = tpu.memref_slice %arg24[%dma_start3A_140, %dma_start3A_141] : memref<10240x64xf32, #tpu.memory_space<vmem_shared>> -> memref<10240x64xf32, #tpu.memory_space<vmem_shared>>
    tpu.enqueue_indirect_dma source(%dma_start3A_142 : memref<10240x64xf32, #tpu.memory_space<vmem_shared>>) target(%arg15 : memref<256x64xf32, #tpu.memory_space<vmem>>) offsets(%arg7 : memref<256xi32, #tpu.memory_space<vmem>>) semaphore(%arg21 : memref<!tpu.dma_semaphore, #tpu.memory_space<semaphore_mem>>)
    %scan3A_143 = arith.constant 0 : i32
    %scan3A_144 = arith.constant 0 : i32
    %scan3A_145 = arith.constant 20 : i32
    %scan3A_146 = arith.addi %scan3A_144, %scan3A_145 : i32
    %scan3A_147 = arith.constant 1 : i32
    scf.for %scan3A_178 = %scan3A_144 to %scan3A_146 step %scan3A_147  : i32 {
      %mul3A_179 = arith.constant 4 : i32
      %mul3A_180 = arith.muli %scan3A_178, %mul3A_179 : i32
      %add3A_181 = arith.constant 0 : i32
      %add3A_182 = arith.addi %mul3A_180, %add3A_181 : i32
      %dma_wait3A_183 = arith.constant 0 : i32
      %dma_wait3A_184 = arith.constant 0 : i32
      %dma_wait3A_185 = tpu.memref_slice %arg24[%dma_wait3A_183, %dma_wait3A_184] : memref<10240x64xf32, #tpu.memory_space<vmem_shared>> -> memref<10240x64xf32, #tpu.memory_space<vmem_shared>>
      tpu.wait_indirect_dma semaphore(%arg20 : memref<!tpu.dma_semaphore, #tpu.memory_space<semaphore_mem>>) src(%dma_wait3A_185 : memref<10240x64xf32, #tpu.memory_space<vmem_shared>>) dst(%arg14 : memref<256x64xf32, #tpu.memory_space<vmem>>)
      %add3A_186 = arith.constant 2 : i32
      %add3A_187 = arith.addi %add3A_182, %add3A_186 : i32
      %lt3A = arith.constant 80 : i32
      %lt3A_188 = arith.cmpi slt, %add3A_187, %lt3A : i32
      %convert_element_type3A = arith.extui %lt3A_188 : i1 to i32
      %cond3A = arith.constant 0 : i32
      %cond3A_189 = arith.cmpi ne, %convert_element_type3A, %cond3A : i32
      scf.if %cond3A_189 {
        %add3A_272 = arith.constant 2 : i32
        %add3A_273 = arith.addi %add3A_182, %add3A_272 : i32
        %mul3A_274 = arith.constant 80 : i32
        %mul3A_275 = arith.muli %arg1, %mul3A_274 : i32
        %add3A_276 = arith.addi %mul3A_275, %add3A_273 : i32
        %dma_start3A_277 = arith.constant 0 : i32
        %dma_start3A_278 = tpu.memref_slice %arg3[%add3A_276, %dma_start3A_277] : memref<1280x256xi32, #tpu.memory_space<hbm>> -> memref<1x256xi32, #tpu.memory_space<hbm>>
        %dma_start3A_279 = tpu.memref_squeeze %dma_start3A_278 : memref<1x256xi32, #tpu.memory_space<hbm>> -> memref<256xi32, #tpu.memory_space<hbm>>
        %dma_start3A_280 = arith.constant 0 : i32
        %dma_start3A_281 = tpu.memref_slice %arg3[%add3A_276, %dma_start3A_280] : memref<1280x256xi32, #tpu.memory_space<hbm>> -> memref<1x256xi32, #tpu.memory_space<hbm>>
        %dma_start3A_282 = tpu.memref_squeeze %dma_start3A_281 : memref<1x256xi32, #tpu.memory_space<hbm>> -> memref<256xi32, #tpu.memory_space<hbm>>
        tpu.enqueue_dma source(%dma_start3A_282 : memref<256xi32, #tpu.memory_space<hbm>>) target(%arg8 : memref<256xi32, #tpu.memory_space<vmem>>) target_semaphore(%arg18 : memref<!tpu.dma_semaphore, #tpu.memory_space<semaphore_mem>>)
        %mul3A_283 = arith.constant 80 : i32
        %mul3A_284 = arith.muli %arg1, %mul3A_283 : i32
        %add3A_285 = arith.addi %mul3A_284, %add3A_273 : i32
        %dma_start3A_286 = arith.constant 0 : i32
        %dma_start3A_287 = tpu.memref_slice %arg4[%add3A_285, %dma_start3A_286] : memref<1280x256xi32, #tpu.memory_space<hbm>> -> memref<1x256xi32, #tpu.memory_space<hbm>>
        %dma_start3A_288 = tpu.memref_squeeze %dma_start3A_287 : memref<1x256xi32, #tpu.memory_space<hbm>> -> memref<256xi32, #tpu.memory_space<hbm>>
        %dma_start3A_289 = arith.constant 0 : i32
        %dma_start3A_290 = tpu.memref_slice %arg4[%add3A_285, %dma_start3A_289] : memref<1280x256xi32, #tpu.memory_space<hbm>> -> memref<1x256xi32, #tpu.memory_space<hbm>>
        %dma_start3A_291 = tpu.memref_squeeze %dma_start3A_290 : memref<1x256xi32, #tpu.memory_space<hbm>> -> memref<256xi32, #tpu.memory_space<hbm>>
        tpu.enqueue_dma source(%dma_start3A_291 : memref<256xi32, #tpu.memory_space<hbm>>) target(%arg12 : memref<256xi32, #tpu.memory_space<vmem>>) target_semaphore(%arg18 : memref<!tpu.dma_semaphore, #tpu.memory_space<semaphore_mem>>)
      } else {
      }
      %dma_start3A_190 = arith.constant 0 : i32
      %dma_start3A_191 = arith.constant 0 : i32
      %dma_start3A_192 = tpu.memref_slice %arg25[%dma_start3A_190, %dma_start3A_191] : memref<10240x64xf32, #tpu.memory_space<vmem_shared>> -> memref<10240x64xf32, #tpu.memory_space<vmem_shared>>
      tpu.enqueue_indirect_dma source(%arg14 : memref<256x64xf32, #tpu.memory_space<vmem>>) target(%dma_start3A_192 : memref<10240x64xf32, #tpu.memory_space<vmem_shared>>) offsets(%arg10 : memref<256xi32, #tpu.memory_space<vmem>>) semaphore(%arg22 : memref<!tpu.dma_semaphore, #tpu.memory_space<semaphore_mem>>) {add = true}
      %add3A_193 = arith.constant 2 : i32
      %add3A_194 = arith.addi %add3A_182, %add3A_193 : i32
      %lt3A_195 = arith.constant 80 : i32
      %lt3A_196 = arith.cmpi slt, %add3A_194, %lt3A_195 : i32
      %convert_element_type3A_197 = arith.extui %lt3A_196 : i1 to i32
      %cond3A_198 = arith.constant 0 : i32
      %cond3A_199 = arith.cmpi ne, %convert_element_type3A_197, %cond3A_198 : i32
      scf.if %cond3A_199 {
        %dma_wait3A_272 = arith.constant 0 : i32
        %dma_wait3A_273 = arith.constant 0 : i32
        %dma_wait3A_274 = tpu.memref_slice %arg25[%dma_wait3A_272, %dma_wait3A_273] : memref<10240x64xf32, #tpu.memory_space<vmem_shared>> -> memref<10240x64xf32, #tpu.memory_space<vmem_shared>>
        tpu.wait_indirect_dma semaphore(%arg22 : memref<!tpu.dma_semaphore, #tpu.memory_space<semaphore_mem>>) src(%arg14 : memref<256x64xf32, #tpu.memory_space<vmem>>) dst(%dma_wait3A_274 : memref<10240x64xf32, #tpu.memory_space<vmem_shared>>)
        %add3A_275 = arith.constant 2 : i32
        %add3A_276 = arith.addi %add3A_182, %add3A_275 : i32
        %mul3A_277 = arith.constant 80 : i32
        %mul3A_278 = arith.muli %arg1, %mul3A_277 : i32
        %add3A_279 = arith.addi %mul3A_278, %add3A_276 : i32
        %dma_wait3A_280 = arith.constant 0 : i32
        %dma_wait3A_281 = tpu.memref_slice %arg3[%add3A_279, %dma_wait3A_280] : memref<1280x256xi32, #tpu.memory_space<hbm>> -> memref<1x256xi32, #tpu.memory_space<hbm>>
        %dma_wait3A_282 = tpu.memref_squeeze %dma_wait3A_281 : memref<1x256xi32, #tpu.memory_space<hbm>> -> memref<256xi32, #tpu.memory_space<hbm>>
        %dma_wait3A_283 = arith.constant 0 : i32
        %dma_wait3A_284 = tpu.memref_slice %arg3[%add3A_279, %dma_wait3A_283] : memref<1280x256xi32, #tpu.memory_space<hbm>> -> memref<1x256xi32, #tpu.memory_space<hbm>>
        %dma_wait3A_285 = tpu.memref_squeeze %dma_wait3A_284 : memref<1x256xi32, #tpu.memory_space<hbm>> -> memref<256xi32, #tpu.memory_space<hbm>>
        tpu.wait_dma2 semaphore(%arg18 : memref<!tpu.dma_semaphore, #tpu.memory_space<semaphore_mem>>) src(%dma_wait3A_285 : memref<256xi32, #tpu.memory_space<hbm>>) dst(%arg8 : memref<256xi32, #tpu.memory_space<vmem>>)
        %mul3A_286 = arith.constant 80 : i32
        %mul3A_287 = arith.muli %arg1, %mul3A_286 : i32
        %add3A_288 = arith.addi %mul3A_287, %add3A_276 : i32
        %dma_wait3A_289 = arith.constant 0 : i32
        %dma_wait3A_290 = tpu.memref_slice %arg4[%add3A_288, %dma_wait3A_289] : memref<1280x256xi32, #tpu.memory_space<hbm>> -> memref<1x256xi32, #tpu.memory_space<hbm>>
        %dma_wait3A_291 = tpu.memref_squeeze %dma_wait3A_290 : memref<1x256xi32, #tpu.memory_space<hbm>> -> memref<256xi32, #tpu.memory_space<hbm>>
        %dma_wait3A_292 = arith.constant 0 : i32
        %dma_wait3A_293 = tpu.memref_slice %arg4[%add3A_288, %dma_wait3A_292] : memref<1280x256xi32, #tpu.memory_space<hbm>> -> memref<1x256xi32, #tpu.memory_space<hbm>>
        %dma_wait3A_294 = tpu.memref_squeeze %dma_wait3A_293 : memref<1x256xi32, #tpu.memory_space<hbm>> -> memref<256xi32, #tpu.memory_space<hbm>>
        tpu.wait_dma2 semaphore(%arg18 : memref<!tpu.dma_semaphore, #tpu.memory_space<semaphore_mem>>) src(%dma_wait3A_294 : memref<256xi32, #tpu.memory_space<hbm>>) dst(%arg12 : memref<256xi32, #tpu.memory_space<vmem>>)
        %dma_start3A_295 = arith.constant 0 : i32
        %dma_start3A_296 = arith.constant 0 : i32
        %dma_start3A_297 = tpu.memref_slice %arg24[%dma_start3A_295, %dma_start3A_296] : memref<10240x64xf32, #tpu.memory_space<vmem_shared>> -> memref<10240x64xf32, #tpu.memory_space<vmem_shared>>
        tpu.enqueue_indirect_dma source(%dma_start3A_297 : memref<10240x64xf32, #tpu.memory_space<vmem_shared>>) target(%arg14 : memref<256x64xf32, #tpu.memory_space<vmem>>) offsets(%arg8 : memref<256xi32, #tpu.memory_space<vmem>>) semaphore(%arg20 : memref<!tpu.dma_semaphore, #tpu.memory_space<semaphore_mem>>)
      } else {
      }
      %mul3A_200 = arith.constant 4 : i32
      %mul3A_201 = arith.muli %scan3A_178, %mul3A_200 : i32
      %add3A_202 = arith.constant 1 : i32
      %add3A_203 = arith.addi %mul3A_201, %add3A_202 : i32
      %dma_wait3A_204 = arith.constant 0 : i32
      %dma_wait3A_205 = arith.constant 0 : i32
      %dma_wait3A_206 = tpu.memref_slice %arg24[%dma_wait3A_204, %dma_wait3A_205] : memref<10240x64xf32, #tpu.memory_space<vmem_shared>> -> memref<10240x64xf32, #tpu.memory_space<vmem_shared>>
      tpu.wait_indirect_dma semaphore(%arg21 : memref<!tpu.dma_semaphore, #tpu.memory_space<semaphore_mem>>) src(%dma_wait3A_206 : memref<10240x64xf32, #tpu.memory_space<vmem_shared>>) dst(%arg15 : memref<256x64xf32, #tpu.memory_space<vmem>>)
      %add3A_207 = arith.constant 2 : i32
      %add3A_208 = arith.addi %add3A_203, %add3A_207 : i32
      %lt3A_209 = arith.constant 80 : i32
      %lt3A_210 = arith.cmpi slt, %add3A_208, %lt3A_209 : i32
      %convert_element_type3A_211 = arith.extui %lt3A_210 : i1 to i32
      %cond3A_212 = arith.constant 0 : i32
      %cond3A_213 = arith.cmpi ne, %convert_element_type3A_211, %cond3A_212 : i32
      scf.if %cond3A_213 {
        %add3A_272 = arith.constant 2 : i32
        %add3A_273 = arith.addi %add3A_203, %add3A_272 : i32
        %mul3A_274 = arith.constant 80 : i32
        %mul3A_275 = arith.muli %arg1, %mul3A_274 : i32
        %add3A_276 = arith.addi %mul3A_275, %add3A_273 : i32
        %dma_start3A_277 = arith.constant 0 : i32
        %dma_start3A_278 = tpu.memref_slice %arg3[%add3A_276, %dma_start3A_277] : memref<1280x256xi32, #tpu.memory_space<hbm>> -> memref<1x256xi32, #tpu.memory_space<hbm>>
        %dma_start3A_279 = tpu.memref_squeeze %dma_start3A_278 : memref<1x256xi32, #tpu.memory_space<hbm>> -> memref<256xi32, #tpu.memory_space<hbm>>
        %dma_start3A_280 = arith.constant 0 : i32
        %dma_start3A_281 = tpu.memref_slice %arg3[%add3A_276, %dma_start3A_280] : memref<1280x256xi32, #tpu.memory_space<hbm>> -> memref<1x256xi32, #tpu.memory_space<hbm>>
        %dma_start3A_282 = tpu.memref_squeeze %dma_start3A_281 : memref<1x256xi32, #tpu.memory_space<hbm>> -> memref<256xi32, #tpu.memory_space<hbm>>
        tpu.enqueue_dma source(%dma_start3A_282 : memref<256xi32, #tpu.memory_space<hbm>>) target(%arg9 : memref<256xi32, #tpu.memory_space<vmem>>) target_semaphore(%arg19 : memref<!tpu.dma_semaphore, #tpu.memory_space<semaphore_mem>>)
        %mul3A_283 = arith.constant 80 : i32
        %mul3A_284 = arith.muli %arg1, %mul3A_283 : i32
        %add3A_285 = arith.addi %mul3A_284, %add3A_273 : i32
        %dma_start3A_286 = arith.constant 0 : i32
        %dma_start3A_287 = tpu.memref_slice %arg4[%add3A_285, %dma_start3A_286] : memref<1280x256xi32, #tpu.memory_space<hbm>> -> memref<1x256xi32, #tpu.memory_space<hbm>>
        %dma_start3A_288 = tpu.memref_squeeze %dma_start3A_287 : memref<1x256xi32, #tpu.memory_space<hbm>> -> memref<256xi32, #tpu.memory_space<hbm>>
        %dma_start3A_289 = arith.constant 0 : i32
        %dma_start3A_290 = tpu.memref_slice %arg4[%add3A_285, %dma_start3A_289] : memref<1280x256xi32, #tpu.memory_space<hbm>> -> memref<1x256xi32, #tpu.memory_space<hbm>>
        %dma_start3A_291 = tpu.memref_squeeze %dma_start3A_290 : memref<1x256xi32, #tpu.memory_space<hbm>> -> memref<256xi32, #tpu.memory_space<hbm>>
        tpu.enqueue_dma source(%dma_start3A_291 : memref<256xi32, #tpu.memory_space<hbm>>) target(%arg13 : memref<256xi32, #tpu.memory_space<vmem>>) target_semaphore(%arg19 : memref<!tpu.dma_semaphore, #tpu.memory_space<semaphore_mem>>)
      } else {
      }
      %dma_start3A_214 = arith.constant 0 : i32
      %dma_start3A_215 = arith.constant 0 : i32
      %dma_start3A_216 = tpu.memref_slice %arg25[%dma_start3A_214, %dma_start3A_215] : memref<10240x64xf32, #tpu.memory_space<vmem_shared>> -> memref<10240x64xf32, #tpu.memory_space<vmem_shared>>
      tpu.enqueue_indirect_dma source(%arg15 : memref<256x64xf32, #tpu.memory_space<vmem>>) target(%dma_start3A_216 : memref<10240x64xf32, #tpu.memory_space<vmem_shared>>) offsets(%arg11 : memref<256xi32, #tpu.memory_space<vmem>>) semaphore(%arg23 : memref<!tpu.dma_semaphore, #tpu.memory_space<semaphore_mem>>) {add = true}
      %add3A_217 = arith.constant 2 : i32
      %add3A_218 = arith.addi %add3A_203, %add3A_217 : i32
      %lt3A_219 = arith.constant 80 : i32
      %lt3A_220 = arith.cmpi slt, %add3A_218, %lt3A_219 : i32
      %convert_element_type3A_221 = arith.extui %lt3A_220 : i1 to i32
      %cond3A_222 = arith.constant 0 : i32
      %cond3A_223 = arith.cmpi ne, %convert_element_type3A_221, %cond3A_222 : i32
      scf.if %cond3A_223 {
        %dma_wait3A_272 = arith.constant 0 : i32
        %dma_wait3A_273 = arith.constant 0 : i32
        %dma_wait3A_274 = tpu.memref_slice %arg25[%dma_wait3A_272, %dma_wait3A_273] : memref<10240x64xf32, #tpu.memory_space<vmem_shared>> -> memref<10240x64xf32, #tpu.memory_space<vmem_shared>>
        tpu.wait_indirect_dma semaphore(%arg23 : memref<!tpu.dma_semaphore, #tpu.memory_space<semaphore_mem>>) src(%arg15 : memref<256x64xf32, #tpu.memory_space<vmem>>) dst(%dma_wait3A_274 : memref<10240x64xf32, #tpu.memory_space<vmem_shared>>)
        %add3A_275 = arith.constant 2 : i32
        %add3A_276 = arith.addi %add3A_203, %add3A_275 : i32
        %mul3A_277 = arith.constant 80 : i32
        %mul3A_278 = arith.muli %arg1, %mul3A_277 : i32
        %add3A_279 = arith.addi %mul3A_278, %add3A_276 : i32
        %dma_wait3A_280 = arith.constant 0 : i32
        %dma_wait3A_281 = tpu.memref_slice %arg3[%add3A_279, %dma_wait3A_280] : memref<1280x256xi32, #tpu.memory_space<hbm>> -> memref<1x256xi32, #tpu.memory_space<hbm>>
        %dma_wait3A_282 = tpu.memref_squeeze %dma_wait3A_281 : memref<1x256xi32, #tpu.memory_space<hbm>> -> memref<256xi32, #tpu.memory_space<hbm>>
        %dma_wait3A_283 = arith.constant 0 : i32
        %dma_wait3A_284 = tpu.memref_slice %arg3[%add3A_279, %dma_wait3A_283] : memref<1280x256xi32, #tpu.memory_space<hbm>> -> memref<1x256xi32, #tpu.memory_space<hbm>>
        %dma_wait3A_285 = tpu.memref_squeeze %dma_wait3A_284 : memref<1x256xi32, #tpu.memory_space<hbm>> -> memref<256xi32, #tpu.memory_space<hbm>>
        tpu.wait_dma2 semaphore(%arg19 : memref<!tpu.dma_semaphore, #tpu.memory_space<semaphore_mem>>) src(%dma_wait3A_285 : memref<256xi32, #tpu.memory_space<hbm>>) dst(%arg9 : memref<256xi32, #tpu.memory_space<vmem>>)
        %mul3A_286 = arith.constant 80 : i32
        %mul3A_287 = arith.muli %arg1, %mul3A_286 : i32
        %add3A_288 = arith.addi %mul3A_287, %add3A_276 : i32
        %dma_wait3A_289 = arith.constant 0 : i32
        %dma_wait3A_290 = tpu.memref_slice %arg4[%add3A_288, %dma_wait3A_289] : memref<1280x256xi32, #tpu.memory_space<hbm>> -> memref<1x256xi32, #tpu.memory_space<hbm>>
        %dma_wait3A_291 = tpu.memref_squeeze %dma_wait3A_290 : memref<1x256xi32, #tpu.memory_space<hbm>> -> memref<256xi32, #tpu.memory_space<hbm>>
        %dma_wait3A_292 = arith.constant 0 : i32
        %dma_wait3A_293 = tpu.memref_slice %arg4[%add3A_288, %dma_wait3A_292] : memref<1280x256xi32, #tpu.memory_space<hbm>> -> memref<1x256xi32, #tpu.memory_space<hbm>>
        %dma_wait3A_294 = tpu.memref_squeeze %dma_wait3A_293 : memref<1x256xi32, #tpu.memory_space<hbm>> -> memref<256xi32, #tpu.memory_space<hbm>>
        tpu.wait_dma2 semaphore(%arg19 : memref<!tpu.dma_semaphore, #tpu.memory_space<semaphore_mem>>) src(%dma_wait3A_294 : memref<256xi32, #tpu.memory_space<hbm>>) dst(%arg13 : memref<256xi32, #tpu.memory_space<vmem>>)
        %dma_start3A_295 = arith.constant 0 : i32
        %dma_start3A_296 = arith.constant 0 : i32
        %dma_start3A_297 = tpu.memref_slice %arg24[%dma_start3A_295, %dma_start3A_296] : memref<10240x64xf32, #tpu.memory_space<vmem_shared>> -> memref<10240x64xf32, #tpu.memory_space<vmem_shared>>
        tpu.enqueue_indirect_dma source(%dma_start3A_297 : memref<10240x64xf32, #tpu.memory_space<vmem_shared>>) target(%arg15 : memref<256x64xf32, #tpu.memory_space<vmem>>) offsets(%arg9 : memref<256xi32, #tpu.memory_space<vmem>>) semaphore(%arg21 : memref<!tpu.dma_semaphore, #tpu.memory_space<semaphore_mem>>)
      } else {
      }
      %mul3A_224 = arith.constant 4 : i32
      %mul3A_225 = arith.muli %scan3A_178, %mul3A_224 : i32
      %add3A_226 = arith.constant 2 : i32
      %add3A_227 = arith.addi %mul3A_225, %add3A_226 : i32
      %dma_wait3A_228 = arith.constant 0 : i32
      %dma_wait3A_229 = arith.constant 0 : i32
      %dma_wait3A_230 = tpu.memref_slice %arg24[%dma_wait3A_228, %dma_wait3A_229] : memref<10240x64xf32, #tpu.memory_space<vmem_shared>> -> memref<10240x64xf32, #tpu.memory_space<vmem_shared>>
      tpu.wait_indirect_dma semaphore(%arg20 : memref<!tpu.dma_semaphore, #tpu.memory_space<semaphore_mem>>) src(%dma_wait3A_230 : memref<10240x64xf32, #tpu.memory_space<vmem_shared>>) dst(%arg14 : memref<256x64xf32, #tpu.memory_space<vmem>>)
      %add3A_231 = arith.constant 2 : i32
      %add3A_232 = arith.addi %add3A_227, %add3A_231 : i32
      %lt3A_233 = arith.constant 80 : i32
      %lt3A_234 = arith.cmpi slt, %add3A_232, %lt3A_233 : i32
      %convert_element_type3A_235 = arith.extui %lt3A_234 : i1 to i32
      %cond3A_236 = arith.constant 0 : i32
      %cond3A_237 = arith.cmpi ne, %convert_element_type3A_235, %cond3A_236 : i32
      scf.if %cond3A_237 {
        %add3A_272 = arith.constant 2 : i32
        %add3A_273 = arith.addi %add3A_227, %add3A_272 : i32
        %mul3A_274 = arith.constant 80 : i32
        %mul3A_275 = arith.muli %arg1, %mul3A_274 : i32
        %add3A_276 = arith.addi %mul3A_275, %add3A_273 : i32
        %dma_start3A_277 = arith.constant 0 : i32
        %dma_start3A_278 = tpu.memref_slice %arg3[%add3A_276, %dma_start3A_277] : memref<1280x256xi32, #tpu.memory_space<hbm>> -> memref<1x256xi32, #tpu.memory_space<hbm>>
        %dma_start3A_279 = tpu.memref_squeeze %dma_start3A_278 : memref<1x256xi32, #tpu.memory_space<hbm>> -> memref<256xi32, #tpu.memory_space<hbm>>
        %dma_start3A_280 = arith.constant 0 : i32
        %dma_start3A_281 = tpu.memref_slice %arg3[%add3A_276, %dma_start3A_280] : memref<1280x256xi32, #tpu.memory_space<hbm>> -> memref<1x256xi32, #tpu.memory_space<hbm>>
        %dma_start3A_282 = tpu.memref_squeeze %dma_start3A_281 : memref<1x256xi32, #tpu.memory_space<hbm>> -> memref<256xi32, #tpu.memory_space<hbm>>
        tpu.enqueue_dma source(%dma_start3A_282 : memref<256xi32, #tpu.memory_space<hbm>>) target(%arg6 : memref<256xi32, #tpu.memory_space<vmem>>) target_semaphore(%arg16 : memref<!tpu.dma_semaphore, #tpu.memory_space<semaphore_mem>>)
        %mul3A_283 = arith.constant 80 : i32
        %mul3A_284 = arith.muli %arg1, %mul3A_283 : i32
        %add3A_285 = arith.addi %mul3A_284, %add3A_273 : i32
        %dma_start3A_286 = arith.constant 0 : i32
        %dma_start3A_287 = tpu.memref_slice %arg4[%add3A_285, %dma_start3A_286] : memref<1280x256xi32, #tpu.memory_space<hbm>> -> memref<1x256xi32, #tpu.memory_space<hbm>>
        %dma_start3A_288 = tpu.memref_squeeze %dma_start3A_287 : memref<1x256xi32, #tpu.memory_space<hbm>> -> memref<256xi32, #tpu.memory_space<hbm>>
        %dma_start3A_289 = arith.constant 0 : i32
        %dma_start3A_290 = tpu.memref_slice %arg4[%add3A_285, %dma_start3A_289] : memref<1280x256xi32, #tpu.memory_space<hbm>> -> memref<1x256xi32, #tpu.memory_space<hbm>>
        %dma_start3A_291 = tpu.memref_squeeze %dma_start3A_290 : memref<1x256xi32, #tpu.memory_space<hbm>> -> memref<256xi32, #tpu.memory_space<hbm>>
        tpu.enqueue_dma source(%dma_start3A_291 : memref<256xi32, #tpu.memory_space<hbm>>) target(%arg10 : memref<256xi32, #tpu.memory_space<vmem>>) target_semaphore(%arg16 : memref<!tpu.dma_semaphore, #tpu.memory_space<semaphore_mem>>)
      } else {
      }
      %dma_start3A_238 = arith.constant 0 : i32
      %dma_start3A_239 = arith.constant 0 : i32
      %dma_start3A_240 = tpu.memref_slice %arg25[%dma_start3A_238, %dma_start3A_239] : memref<10240x64xf32, #tpu.memory_space<vmem_shared>> -> memref<10240x64xf32, #tpu.memory_space<vmem_shared>>
      tpu.enqueue_indirect_dma source(%arg14 : memref<256x64xf32, #tpu.memory_space<vmem>>) target(%dma_start3A_240 : memref<10240x64xf32, #tpu.memory_space<vmem_shared>>) offsets(%arg12 : memref<256xi32, #tpu.memory_space<vmem>>) semaphore(%arg22 : memref<!tpu.dma_semaphore, #tpu.memory_space<semaphore_mem>>) {add = true}
      %add3A_241 = arith.constant 2 : i32
      %add3A_242 = arith.addi %add3A_227, %add3A_241 : i32
      %lt3A_243 = arith.constant 80 : i32
      %lt3A_244 = arith.cmpi slt, %add3A_242, %lt3A_243 : i32
      %convert_element_type3A_245 = arith.extui %lt3A_244 : i1 to i32
      %cond3A_246 = arith.constant 0 : i32
      %cond3A_247 = arith.cmpi ne, %convert_element_type3A_245, %cond3A_246 : i32
      scf.if %cond3A_247 {
        %dma_wait3A_272 = arith.constant 0 : i32
        %dma_wait3A_273 = arith.constant 0 : i32
        %dma_wait3A_274 = tpu.memref_slice %arg25[%dma_wait3A_272, %dma_wait3A_273] : memref<10240x64xf32, #tpu.memory_space<vmem_shared>> -> memref<10240x64xf32, #tpu.memory_space<vmem_shared>>
        tpu.wait_indirect_dma semaphore(%arg22 : memref<!tpu.dma_semaphore, #tpu.memory_space<semaphore_mem>>) src(%arg14 : memref<256x64xf32, #tpu.memory_space<vmem>>) dst(%dma_wait3A_274 : memref<10240x64xf32, #tpu.memory_space<vmem_shared>>)
        %add3A_275 = arith.constant 2 : i32
        %add3A_276 = arith.addi %add3A_227, %add3A_275 : i32
        %mul3A_277 = arith.constant 80 : i32
        %mul3A_278 = arith.muli %arg1, %mul3A_277 : i32
        %add3A_279 = arith.addi %mul3A_278, %add3A_276 : i32
        %dma_wait3A_280 = arith.constant 0 : i32
        %dma_wait3A_281 = tpu.memref_slice %arg3[%add3A_279, %dma_wait3A_280] : memref<1280x256xi32, #tpu.memory_space<hbm>> -> memref<1x256xi32, #tpu.memory_space<hbm>>
        %dma_wait3A_282 = tpu.memref_squeeze %dma_wait3A_281 : memref<1x256xi32, #tpu.memory_space<hbm>> -> memref<256xi32, #tpu.memory_space<hbm>>
        %dma_wait3A_283 = arith.constant 0 : i32
        %dma_wait3A_284 = tpu.memref_slice %arg3[%add3A_279, %dma_wait3A_283] : memref<1280x256xi32, #tpu.memory_space<hbm>> -> memref<1x256xi32, #tpu.memory_space<hbm>>
        %dma_wait3A_285 = tpu.memref_squeeze %dma_wait3A_284 : memref<1x256xi32, #tpu.memory_space<hbm>> -> memref<256xi32, #tpu.memory_space<hbm>>
        tpu.wait_dma2 semaphore(%arg16 : memref<!tpu.dma_semaphore, #tpu.memory_space<semaphore_mem>>) src(%dma_wait3A_285 : memref<256xi32, #tpu.memory_space<hbm>>) dst(%arg6 : memref<256xi32, #tpu.memory_space<vmem>>)
        %mul3A_286 = arith.constant 80 : i32
        %mul3A_287 = arith.muli %arg1, %mul3A_286 : i32
        %add3A_288 = arith.addi %mul3A_287, %add3A_276 : i32
        %dma_wait3A_289 = arith.constant 0 : i32
        %dma_wait3A_290 = tpu.memref_slice %arg4[%add3A_288, %dma_wait3A_289] : memref<1280x256xi32, #tpu.memory_space<hbm>> -> memref<1x256xi32, #tpu.memory_space<hbm>>
        %dma_wait3A_291 = tpu.memref_squeeze %dma_wait3A_290 : memref<1x256xi32, #tpu.memory_space<hbm>> -> memref<256xi32, #tpu.memory_space<hbm>>
        %dma_wait3A_292 = arith.constant 0 : i32
        %dma_wait3A_293 = tpu.memref_slice %arg4[%add3A_288, %dma_wait3A_292] : memref<1280x256xi32, #tpu.memory_space<hbm>> -> memref<1x256xi32, #tpu.memory_space<hbm>>
        %dma_wait3A_294 = tpu.memref_squeeze %dma_wait3A_293 : memref<1x256xi32, #tpu.memory_space<hbm>> -> memref<256xi32, #tpu.memory_space<hbm>>
        tpu.wait_dma2 semaphore(%arg16 : memref<!tpu.dma_semaphore, #tpu.memory_space<semaphore_mem>>) src(%dma_wait3A_294 : memref<256xi32, #tpu.memory_space<hbm>>) dst(%arg10 : memref<256xi32, #tpu.memory_space<vmem>>)
        %dma_start3A_295 = arith.constant 0 : i32
        %dma_start3A_296 = arith.constant 0 : i32
        %dma_start3A_297 = tpu.memref_slice %arg24[%dma_start3A_295, %dma_start3A_296] : memref<10240x64xf32, #tpu.memory_space<vmem_shared>> -> memref<10240x64xf32, #tpu.memory_space<vmem_shared>>
        tpu.enqueue_indirect_dma source(%dma_start3A_297 : memref<10240x64xf32, #tpu.memory_space<vmem_shared>>) target(%arg14 : memref<256x64xf32, #tpu.memory_space<vmem>>) offsets(%arg6 : memref<256xi32, #tpu.memory_space<vmem>>) semaphore(%arg20 : memref<!tpu.dma_semaphore, #tpu.memory_space<semaphore_mem>>)
      } else {
      }
      %mul3A_248 = arith.constant 4 : i32
      %mul3A_249 = arith.muli %scan3A_178, %mul3A_248 : i32
      %add3A_250 = arith.constant 3 : i32
      %add3A_251 = arith.addi %mul3A_249, %add3A_250 : i32
      %dma_wait3A_252 = arith.constant 0 : i32
      %dma_wait3A_253 = arith.constant 0 : i32
      %dma_wait3A_254 = tpu.memref_slice %arg24[%dma_wait3A_252, %dma_wait3A_253] : memref<10240x64xf32, #tpu.memory_space<vmem_shared>> -> memref<10240x64xf32, #tpu.memory_space<vmem_shared>>
      tpu.wait_indirect_dma semaphore(%arg21 : memref<!tpu.dma_semaphore, #tpu.memory_space<semaphore_mem>>) src(%dma_wait3A_254 : memref<10240x64xf32, #tpu.memory_space<vmem_shared>>) dst(%arg15 : memref<256x64xf32, #tpu.memory_space<vmem>>)
      %add3A_255 = arith.constant 2 : i32
      %add3A_256 = arith.addi %add3A_251, %add3A_255 : i32
      %lt3A_257 = arith.constant 80 : i32
      %lt3A_258 = arith.cmpi slt, %add3A_256, %lt3A_257 : i32
      %convert_element_type3A_259 = arith.extui %lt3A_258 : i1 to i32
      %cond3A_260 = arith.constant 0 : i32
      %cond3A_261 = arith.cmpi ne, %convert_element_type3A_259, %cond3A_260 : i32
      scf.if %cond3A_261 {
        %add3A_272 = arith.constant 2 : i32
        %add3A_273 = arith.addi %add3A_251, %add3A_272 : i32
        %mul3A_274 = arith.constant 80 : i32
        %mul3A_275 = arith.muli %arg1, %mul3A_274 : i32
        %add3A_276 = arith.addi %mul3A_275, %add3A_273 : i32
        %dma_start3A_277 = arith.constant 0 : i32
        %dma_start3A_278 = tpu.memref_slice %arg3[%add3A_276, %dma_start3A_277] : memref<1280x256xi32, #tpu.memory_space<hbm>> -> memref<1x256xi32, #tpu.memory_space<hbm>>
        %dma_start3A_279 = tpu.memref_squeeze %dma_start3A_278 : memref<1x256xi32, #tpu.memory_space<hbm>> -> memref<256xi32, #tpu.memory_space<hbm>>
        %dma_start3A_280 = arith.constant 0 : i32
        %dma_start3A_281 = tpu.memref_slice %arg3[%add3A_276, %dma_start3A_280] : memref<1280x256xi32, #tpu.memory_space<hbm>> -> memref<1x256xi32, #tpu.memory_space<hbm>>
        %dma_start3A_282 = tpu.memref_squeeze %dma_start3A_281 : memref<1x256xi32, #tpu.memory_space<hbm>> -> memref<256xi32, #tpu.memory_space<hbm>>
        tpu.enqueue_dma source(%dma_start3A_282 : memref<256xi32, #tpu.memory_space<hbm>>) target(%arg7 : memref<256xi32, #tpu.memory_space<vmem>>) target_semaphore(%arg17 : memref<!tpu.dma_semaphore, #tpu.memory_space<semaphore_mem>>)
        %mul3A_283 = arith.constant 80 : i32
        %mul3A_284 = arith.muli %arg1, %mul3A_283 : i32
        %add3A_285 = arith.addi %mul3A_284, %add3A_273 : i32
        %dma_start3A_286 = arith.constant 0 : i32
        %dma_start3A_287 = tpu.memref_slice %arg4[%add3A_285, %dma_start3A_286] : memref<1280x256xi32, #tpu.memory_space<hbm>> -> memref<1x256xi32, #tpu.memory_space<hbm>>
        %dma_start3A_288 = tpu.memref_squeeze %dma_start3A_287 : memref<1x256xi32, #tpu.memory_space<hbm>> -> memref<256xi32, #tpu.memory_space<hbm>>
        %dma_start3A_289 = arith.constant 0 : i32
        %dma_start3A_290 = tpu.memref_slice %arg4[%add3A_285, %dma_start3A_289] : memref<1280x256xi32, #tpu.memory_space<hbm>> -> memref<1x256xi32, #tpu.memory_space<hbm>>
        %dma_start3A_291 = tpu.memref_squeeze %dma_start3A_290 : memref<1x256xi32, #tpu.memory_space<hbm>> -> memref<256xi32, #tpu.memory_space<hbm>>
        tpu.enqueue_dma source(%dma_start3A_291 : memref<256xi32, #tpu.memory_space<hbm>>) target(%arg11 : memref<256xi32, #tpu.memory_space<vmem>>) target_semaphore(%arg17 : memref<!tpu.dma_semaphore, #tpu.memory_space<semaphore_mem>>)
      } else {
      }
      %dma_start3A_262 = arith.constant 0 : i32
      %dma_start3A_263 = arith.constant 0 : i32
      %dma_start3A_264 = tpu.memref_slice %arg25[%dma_start3A_262, %dma_start3A_263] : memref<10240x64xf32, #tpu.memory_space<vmem_shared>> -> memref<10240x64xf32, #tpu.memory_space<vmem_shared>>
      tpu.enqueue_indirect_dma source(%arg15 : memref<256x64xf32, #tpu.memory_space<vmem>>) target(%dma_start3A_264 : memref<10240x64xf32, #tpu.memory_space<vmem_shared>>) offsets(%arg13 : memref<256xi32, #tpu.memory_space<vmem>>) semaphore(%arg23 : memref<!tpu.dma_semaphore, #tpu.memory_space<semaphore_mem>>) {add = true}
      %add3A_265 = arith.constant 2 : i32
      %add3A_266 = arith.addi %add3A_251, %add3A_265 : i32
      %lt3A_267 = arith.constant 80 : i32
      %lt3A_268 = arith.cmpi slt, %add3A_266, %lt3A_267 : i32
      %convert_element_type3A_269 = arith.extui %lt3A_268 : i1 to i32
      %cond3A_270 = arith.constant 0 : i32
      %cond3A_271 = arith.cmpi ne, %convert_element_type3A_269, %cond3A_270 : i32
      scf.if %cond3A_271 {
        %dma_wait3A_272 = arith.constant 0 : i32
        %dma_wait3A_273 = arith.constant 0 : i32
        %dma_wait3A_274 = tpu.memref_slice %arg25[%dma_wait3A_272, %dma_wait3A_273] : memref<10240x64xf32, #tpu.memory_space<vmem_shared>> -> memref<10240x64xf32, #tpu.memory_space<vmem_shared>>
        tpu.wait_indirect_dma semaphore(%arg23 : memref<!tpu.dma_semaphore, #tpu.memory_space<semaphore_mem>>) src(%arg15 : memref<256x64xf32, #tpu.memory_space<vmem>>) dst(%dma_wait3A_274 : memref<10240x64xf32, #tpu.memory_space<vmem_shared>>)
        %add3A_275 = arith.constant 2 : i32
        %add3A_276 = arith.addi %add3A_251, %add3A_275 : i32
        %mul3A_277 = arith.constant 80 : i32
        %mul3A_278 = arith.muli %arg1, %mul3A_277 : i32
        %add3A_279 = arith.addi %mul3A_278, %add3A_276 : i32
        %dma_wait3A_280 = arith.constant 0 : i32
        %dma_wait3A_281 = tpu.memref_slice %arg3[%add3A_279, %dma_wait3A_280] : memref<1280x256xi32, #tpu.memory_space<hbm>> -> memref<1x256xi32, #tpu.memory_space<hbm>>
        %dma_wait3A_282 = tpu.memref_squeeze %dma_wait3A_281 : memref<1x256xi32, #tpu.memory_space<hbm>> -> memref<256xi32, #tpu.memory_space<hbm>>
        %dma_wait3A_283 = arith.constant 0 : i32
        %dma_wait3A_284 = tpu.memref_slice %arg3[%add3A_279, %dma_wait3A_283] : memref<1280x256xi32, #tpu.memory_space<hbm>> -> memref<1x256xi32, #tpu.memory_space<hbm>>
        %dma_wait3A_285 = tpu.memref_squeeze %dma_wait3A_284 : memref<1x256xi32, #tpu.memory_space<hbm>> -> memref<256xi32, #tpu.memory_space<hbm>>
        tpu.wait_dma2 semaphore(%arg17 : memref<!tpu.dma_semaphore, #tpu.memory_space<semaphore_mem>>) src(%dma_wait3A_285 : memref<256xi32, #tpu.memory_space<hbm>>) dst(%arg7 : memref<256xi32, #tpu.memory_space<vmem>>)
        %mul3A_286 = arith.constant 80 : i32
        %mul3A_287 = arith.muli %arg1, %mul3A_286 : i32
        %add3A_288 = arith.addi %mul3A_287, %add3A_276 : i32
        %dma_wait3A_289 = arith.constant 0 : i32
        %dma_wait3A_290 = tpu.memref_slice %arg4[%add3A_288, %dma_wait3A_289] : memref<1280x256xi32, #tpu.memory_space<hbm>> -> memref<1x256xi32, #tpu.memory_space<hbm>>
        %dma_wait3A_291 = tpu.memref_squeeze %dma_wait3A_290 : memref<1x256xi32, #tpu.memory_space<hbm>> -> memref<256xi32, #tpu.memory_space<hbm>>
        %dma_wait3A_292 = arith.constant 0 : i32
        %dma_wait3A_293 = tpu.memref_slice %arg4[%add3A_288, %dma_wait3A_292] : memref<1280x256xi32, #tpu.memory_space<hbm>> -> memref<1x256xi32, #tpu.memory_space<hbm>>
        %dma_wait3A_294 = tpu.memref_squeeze %dma_wait3A_293 : memref<1x256xi32, #tpu.memory_space<hbm>> -> memref<256xi32, #tpu.memory_space<hbm>>
        tpu.wait_dma2 semaphore(%arg17 : memref<!tpu.dma_semaphore, #tpu.memory_space<semaphore_mem>>) src(%dma_wait3A_294 : memref<256xi32, #tpu.memory_space<hbm>>) dst(%arg11 : memref<256xi32, #tpu.memory_space<vmem>>)
        %dma_start3A_295 = arith.constant 0 : i32
        %dma_start3A_296 = arith.constant 0 : i32
        %dma_start3A_297 = tpu.memref_slice %arg24[%dma_start3A_295, %dma_start3A_296] : memref<10240x64xf32, #tpu.memory_space<vmem_shared>> -> memref<10240x64xf32, #tpu.memory_space<vmem_shared>>
        tpu.enqueue_indirect_dma source(%dma_start3A_297 : memref<10240x64xf32, #tpu.memory_space<vmem_shared>>) target(%arg15 : memref<256x64xf32, #tpu.memory_space<vmem>>) offsets(%arg7 : memref<256xi32, #tpu.memory_space<vmem>>) semaphore(%arg21 : memref<!tpu.dma_semaphore, #tpu.memory_space<semaphore_mem>>)
      } else {
      }
    }
    %scan3A_148 = arith.constant 20 : i32
    %dma_wait3A_149 = arith.constant 0 : i32
    %dma_wait3A_150 = arith.constant 0 : i32
    %dma_wait3A_151 = tpu.memref_slice %arg25[%dma_wait3A_149, %dma_wait3A_150] : memref<10240x64xf32, #tpu.memory_space<vmem_shared>> -> memref<10240x64xf32, #tpu.memory_space<vmem_shared>>
    tpu.wait_indirect_dma semaphore(%arg22 : memref<!tpu.dma_semaphore, #tpu.memory_space<semaphore_mem>>) src(%arg14 : memref<256x64xf32, #tpu.memory_space<vmem>>) dst(%dma_wait3A_151 : memref<10240x64xf32, #tpu.memory_space<vmem_shared>>)
    %dma_wait3A_152 = arith.constant 0 : i32
    %dma_wait3A_153 = arith.constant 0 : i32
    %dma_wait3A_154 = tpu.memref_slice %arg25[%dma_wait3A_152, %dma_wait3A_153] : memref<10240x64xf32, #tpu.memory_space<vmem_shared>> -> memref<10240x64xf32, #tpu.memory_space<vmem_shared>>
    tpu.wait_indirect_dma semaphore(%arg23 : memref<!tpu.dma_semaphore, #tpu.memory_space<semaphore_mem>>) src(%arg15 : memref<256x64xf32, #tpu.memory_space<vmem>>) dst(%dma_wait3A_154 : memref<10240x64xf32, #tpu.memory_space<vmem_shared>>)
    %barrier3A_155 = arith.constant 0 : index
    tpu.barrier barrier_id(%barrier3A_155)
    %mul3A_156 = arith.constant 640 : i32
    %mul3A_157 = arith.muli %arg1, %mul3A_156 : i32
    %add3A_158 = arith.constant 0 : i32
    %add3A_159 = arith.addi %mul3A_157, %add3A_158 : i32
    "tpu.region"() ({
      %run_scoped3A = tpu.sem_alloc : memref<!tpu.dma_semaphore, #tpu.memory_space<semaphore_mem>>
      %dma_start3A_178 = arith.constant 0 : i32
      %dma_start3A_179 = arith.constant 0 : i32
      %dma_start3A_180 = tpu.memref_slice %arg14[%dma_start3A_178, %dma_start3A_179] : memref<256x64xf32, #tpu.memory_space<vmem>> -> memref<128x64xf32, #tpu.memory_space<vmem>>
      %dma_start3A_181 = arith.constant 0 : i32
      %dma_start3A_182 = tpu.memref_slice %arg25[%add3A_159, %dma_start3A_181] : memref<10240x64xf32, #tpu.memory_space<vmem_shared>> -> memref<128x64xf32, #tpu.memory_space<vmem_shared>>
      %dma_start3A_183 = arith.constant 0 : i32
      %dma_start3A_184 = arith.constant 0 : i32
      %dma_start3A_185 = tpu.memref_slice %arg14[%dma_start3A_183, %dma_start3A_184] : memref<256x64xf32, #tpu.memory_space<vmem>> -> memref<128x64xf32, #tpu.memory_space<vmem>>
      %dma_start3A_186 = arith.constant 0 : i32
      %dma_start3A_187 = tpu.memref_slice %arg25[%add3A_159, %dma_start3A_186] : memref<10240x64xf32, #tpu.memory_space<vmem_shared>> -> memref<128x64xf32, #tpu.memory_space<vmem_shared>>
      tpu.enqueue_dma source(%dma_start3A_187 : memref<128x64xf32, #tpu.memory_space<vmem_shared>>) target(%dma_start3A_185 : memref<128x64xf32, #tpu.memory_space<vmem>>) target_semaphore(%run_scoped3A : memref<!tpu.dma_semaphore, #tpu.memory_space<semaphore_mem>>)
      %dma_wait3A_188 = arith.constant 0 : i32
      %dma_wait3A_189 = arith.constant 0 : i32
      %dma_wait3A_190 = tpu.memref_slice %arg14[%dma_wait3A_188, %dma_wait3A_189] : memref<256x64xf32, #tpu.memory_space<vmem>> -> memref<128x64xf32, #tpu.memory_space<vmem>>
      %dma_wait3A_191 = arith.constant 0 : i32
      %dma_wait3A_192 = tpu.memref_slice %arg25[%add3A_159, %dma_wait3A_191] : memref<10240x64xf32, #tpu.memory_space<vmem_shared>> -> memref<128x64xf32, #tpu.memory_space<vmem_shared>>
      %dma_wait3A_193 = arith.constant 0 : i32
      %dma_wait3A_194 = arith.constant 0 : i32
      %dma_wait3A_195 = tpu.memref_slice %arg14[%dma_wait3A_193, %dma_wait3A_194] : memref<256x64xf32, #tpu.memory_space<vmem>> -> memref<128x64xf32, #tpu.memory_space<vmem>>
      %dma_wait3A_196 = arith.constant 0 : i32
      %dma_wait3A_197 = tpu.memref_slice %arg25[%add3A_159, %dma_wait3A_196] : memref<10240x64xf32, #tpu.memory_space<vmem_shared>> -> memref<128x64xf32, #tpu.memory_space<vmem_shared>>
      tpu.wait_dma2 semaphore(%run_scoped3A : memref<!tpu.dma_semaphore, #tpu.memory_space<semaphore_mem>>) src(%dma_wait3A_197 : memref<128x64xf32, #tpu.memory_space<vmem_shared>>) dst(%dma_wait3A_195 : memref<128x64xf32, #tpu.memory_space<vmem>>)
      tpu.yield
    }) : () -> ()
    %add3A_160 = arith.constant 0 : i32
    %add3A_161 = arith.addi %mul3A_157, %add3A_160 : i32
    "tpu.region"() ({
      %run_scoped3A = tpu.sem_alloc : memref<!tpu.dma_semaphore, #tpu.memory_space<semaphore_mem>>
      %dma_start3A_178 = arith.constant 0 : i32
      %dma_start3A_179 = arith.constant 0 : i32
      %dma_start3A_180 = tpu.memref_slice %arg14[%dma_start3A_178, %dma_start3A_179] : memref<256x64xf32, #tpu.memory_space<vmem>> -> memref<128x64xf32, #tpu.memory_space<vmem>>
      %dma_start3A_181 = arith.constant 0 : i32
      %dma_start3A_182 = tpu.memref_slice %arg5[%arg0, %add3A_161, %dma_start3A_181] : memref<2x10240x64xf32, #tpu.memory_space<hbm>> -> memref<1x128x64xf32, #tpu.memory_space<hbm>>
      %dma_start3A_183 = tpu.memref_squeeze %dma_start3A_182 : memref<1x128x64xf32, #tpu.memory_space<hbm>> -> memref<128x64xf32, #tpu.memory_space<hbm>>
      %dma_start3A_184 = arith.constant 0 : i32
      %dma_start3A_185 = tpu.memref_slice %arg5[%arg0, %add3A_161, %dma_start3A_184] : memref<2x10240x64xf32, #tpu.memory_space<hbm>> -> memref<1x128x64xf32, #tpu.memory_space<hbm>>
      %dma_start3A_186 = tpu.memref_squeeze %dma_start3A_185 : memref<1x128x64xf32, #tpu.memory_space<hbm>> -> memref<128x64xf32, #tpu.memory_space<hbm>>
      %dma_start3A_187 = arith.constant 0 : i32
      %dma_start3A_188 = arith.constant 0 : i32
      %dma_start3A_189 = tpu.memref_slice %arg14[%dma_start3A_187, %dma_start3A_188] : memref<256x64xf32, #tpu.memory_space<vmem>> -> memref<128x64xf32, #tpu.memory_space<vmem>>
      tpu.enqueue_dma source(%dma_start3A_189 : memref<128x64xf32, #tpu.memory_space<vmem>>) target(%dma_start3A_186 : memref<128x64xf32, #tpu.memory_space<hbm>>) target_semaphore(%run_scoped3A : memref<!tpu.dma_semaphore, #tpu.memory_space<semaphore_mem>>)
      %dma_wait3A_190 = arith.constant 0 : i32
      %dma_wait3A_191 = arith.constant 0 : i32
      %dma_wait3A_192 = tpu.memref_slice %arg14[%dma_wait3A_190, %dma_wait3A_191] : memref<256x64xf32, #tpu.memory_space<vmem>> -> memref<128x64xf32, #tpu.memory_space<vmem>>
      %dma_wait3A_193 = arith.constant 0 : i32
      %dma_wait3A_194 = tpu.memref_slice %arg5[%arg0, %add3A_161, %dma_wait3A_193] : memref<2x10240x64xf32, #tpu.memory_space<hbm>> -> memref<1x128x64xf32, #tpu.memory_space<hbm>>
      %dma_wait3A_195 = tpu.memref_squeeze %dma_wait3A_194 : memref<1x128x64xf32, #tpu.memory_space<hbm>> -> memref<128x64xf32, #tpu.memory_space<hbm>>
      %dma_wait3A_196 = arith.constant 0 : i32
      %dma_wait3A_197 = tpu.memref_slice %arg5[%arg0, %add3A_161, %dma_wait3A_196] : memref<2x10240x64xf32, #tpu.memory_space<hbm>> -> memref<1x128x64xf32, #tpu.memory_space<hbm>>
      %dma_wait3A_198 = tpu.memref_squeeze %dma_wait3A_197 : memref<1x128x64xf32, #tpu.memory_space<hbm>> -> memref<128x64xf32, #tpu.memory_space<hbm>>
      %dma_wait3A_199 = arith.constant 0 : i32
      %dma_wait3A_200 = arith.constant 0 : i32
      %dma_wait3A_201 = tpu.memref_slice %arg14[%dma_wait3A_199, %dma_wait3A_200] : memref<256x64xf32, #tpu.memory_space<vmem>> -> memref<128x64xf32, #tpu.memory_space<vmem>>
      tpu.wait_dma2 semaphore(%run_scoped3A : memref<!tpu.dma_semaphore, #tpu.memory_space<semaphore_mem>>) src(%dma_wait3A_201 : memref<128x64xf32, #tpu.memory_space<vmem>>) dst(%dma_wait3A_198 : memref<128x64xf32, #tpu.memory_space<hbm>>)
      tpu.yield
    }) : () -> ()
    %add3A_162 = arith.constant 128 : i32
    %add3A_163 = arith.addi %mul3A_157, %add3A_162 : i32
    "tpu.region"() ({
      %run_scoped3A = tpu.sem_alloc : memref<!tpu.dma_semaphore, #tpu.memory_space<semaphore_mem>>
      %dma_start3A_178 = arith.constant 0 : i32
      %dma_start3A_179 = arith.constant 0 : i32
      %dma_start3A_180 = tpu.memref_slice %arg14[%dma_start3A_178, %dma_start3A_179] : memref<256x64xf32, #tpu.memory_space<vmem>> -> memref<128x64xf32, #tpu.memory_space<vmem>>
      %dma_start3A_181 = arith.constant 0 : i32
      %dma_start3A_182 = tpu.memref_slice %arg25[%add3A_163, %dma_start3A_181] : memref<10240x64xf32, #tpu.memory_space<vmem_shared>> -> memref<128x64xf32, #tpu.memory_space<vmem_shared>>
      %dma_start3A_183 = arith.constant 0 : i32
      %dma_start3A_184 = arith.constant 0 : i32
      %dma_start3A_185 = tpu.memref_slice %arg14[%dma_start3A_183, %dma_start3A_184] : memref<256x64xf32, #tpu.memory_space<vmem>> -> memref<128x64xf32, #tpu.memory_space<vmem>>
      %dma_start3A_186 = arith.constant 0 : i32
      %dma_start3A_187 = tpu.memref_slice %arg25[%add3A_163, %dma_start3A_186] : memref<10240x64xf32, #tpu.memory_space<vmem_shared>> -> memref<128x64xf32, #tpu.memory_space<vmem_shared>>
      tpu.enqueue_dma source(%dma_start3A_187 : memref<128x64xf32, #tpu.memory_space<vmem_shared>>) target(%dma_start3A_185 : memref<128x64xf32, #tpu.memory_space<vmem>>) target_semaphore(%run_scoped3A : memref<!tpu.dma_semaphore, #tpu.memory_space<semaphore_mem>>)
      %dma_wait3A_188 = arith.constant 0 : i32
      %dma_wait3A_189 = arith.constant 0 : i32
      %dma_wait3A_190 = tpu.memref_slice %arg14[%dma_wait3A_188, %dma_wait3A_189] : memref<256x64xf32, #tpu.memory_space<vmem>> -> memref<128x64xf32, #tpu.memory_space<vmem>>
      %dma_wait3A_191 = arith.constant 0 : i32
      %dma_wait3A_192 = tpu.memref_slice %arg25[%add3A_163, %dma_wait3A_191] : memref<10240x64xf32, #tpu.memory_space<vmem_shared>> -> memref<128x64xf32, #tpu.memory_space<vmem_shared>>
      %dma_wait3A_193 = arith.constant 0 : i32
      %dma_wait3A_194 = arith.constant 0 : i32
      %dma_wait3A_195 = tpu.memref_slice %arg14[%dma_wait3A_193, %dma_wait3A_194] : memref<256x64xf32, #tpu.memory_space<vmem>> -> memref<128x64xf32, #tpu.memory_space<vmem>>
      %dma_wait3A_196 = arith.constant 0 : i32
      %dma_wait3A_197 = tpu.memref_slice %arg25[%add3A_163, %dma_wait3A_196] : memref<10240x64xf32, #tpu.memory_space<vmem_shared>> -> memref<128x64xf32, #tpu.memory_space<vmem_shared>>
      tpu.wait_dma2 semaphore(%run_scoped3A : memref<!tpu.dma_semaphore, #tpu.memory_space<semaphore_mem>>) src(%dma_wait3A_197 : memref<128x64xf32, #tpu.memory_space<vmem_shared>>) dst(%dma_wait3A_195 : memref<128x64xf32, #tpu.memory_space<vmem>>)
      tpu.yield
    }) : () -> ()
    %add3A_164 = arith.constant 128 : i32
    %add3A_165 = arith.addi %mul3A_157, %add3A_164 : i32
    "tpu.region"() ({
      %run_scoped3A = tpu.sem_alloc : memref<!tpu.dma_semaphore, #tpu.memory_space<semaphore_mem>>
      %dma_start3A_178 = arith.constant 0 : i32
      %dma_start3A_179 = arith.constant 0 : i32
      %dma_start3A_180 = tpu.memref_slice %arg14[%dma_start3A_178, %dma_start3A_179] : memref<256x64xf32, #tpu.memory_space<vmem>> -> memref<128x64xf32, #tpu.memory_space<vmem>>
      %dma_start3A_181 = arith.constant 0 : i32
      %dma_start3A_182 = tpu.memref_slice %arg5[%arg0, %add3A_165, %dma_start3A_181] : memref<2x10240x64xf32, #tpu.memory_space<hbm>> -> memref<1x128x64xf32, #tpu.memory_space<hbm>>
      %dma_start3A_183 = tpu.memref_squeeze %dma_start3A_182 : memref<1x128x64xf32, #tpu.memory_space<hbm>> -> memref<128x64xf32, #tpu.memory_space<hbm>>
      %dma_start3A_184 = arith.constant 0 : i32
      %dma_start3A_185 = tpu.memref_slice %arg5[%arg0, %add3A_165, %dma_start3A_184] : memref<2x10240x64xf32, #tpu.memory_space<hbm>> -> memref<1x128x64xf32, #tpu.memory_space<hbm>>
      %dma_start3A_186 = tpu.memref_squeeze %dma_start3A_185 : memref<1x128x64xf32, #tpu.memory_space<hbm>> -> memref<128x64xf32, #tpu.memory_space<hbm>>
      %dma_start3A_187 = arith.constant 0 : i32
      %dma_start3A_188 = arith.constant 0 : i32
      %dma_start3A_189 = tpu.memref_slice %arg14[%dma_start3A_187, %dma_start3A_188] : memref<256x64xf32, #tpu.memory_space<vmem>> -> memref<128x64xf32, #tpu.memory_space<vmem>>
      tpu.enqueue_dma source(%dma_start3A_189 : memref<128x64xf32, #tpu.memory_space<vmem>>) target(%dma_start3A_186 : memref<128x64xf32, #tpu.memory_space<hbm>>) target_semaphore(%run_scoped3A : memref<!tpu.dma_semaphore, #tpu.memory_space<semaphore_mem>>)
      %dma_wait3A_190 = arith.constant 0 : i32
      %dma_wait3A_191 = arith.constant 0 : i32
      %dma_wait3A_192 = tpu.memref_slice %arg14[%dma_wait3A_190, %dma_wait3A_191] : memref<256x64xf32, #tpu.memory_space<vmem>> -> memref<128x64xf32, #tpu.memory_space<vmem>>
      %dma_wait3A_193 = arith.constant 0 : i32
      %dma_wait3A_194 = tpu.memref_slice %arg5[%arg0, %add3A_165, %dma_wait3A_193] : memref<2x10240x64xf32, #tpu.memory_space<hbm>> -> memref<1x128x64xf32, #tpu.memory_space<hbm>>
      %dma_wait3A_195 = tpu.memref_squeeze %dma_wait3A_194 : memref<1x128x64xf32, #tpu.memory_space<hbm>> -> memref<128x64xf32, #tpu.memory_space<hbm>>
      %dma_wait3A_196 = arith.constant 0 : i32
      %dma_wait3A_197 = tpu.memref_slice %arg5[%arg0, %add3A_165, %dma_wait3A_196] : memref<2x10240x64xf32, #tpu.memory_space<hbm>> -> memref<1x128x64xf32, #tpu.memory_space<hbm>>
      %dma_wait3A_198 = tpu.memref_squeeze %dma_wait3A_197 : memref<1x128x64xf32, #tpu.memory_space<hbm>> -> memref<128x64xf32, #tpu.memory_space<hbm>>
      %dma_wait3A_199 = arith.constant 0 : i32
      %dma_wait3A_200 = arith.constant 0 : i32
      %dma_wait3A_201 = tpu.memref_slice %arg14[%dma_wait3A_199, %dma_wait3A_200] : memref<256x64xf32, #tpu.memory_space<vmem>> -> memref<128x64xf32, #tpu.memory_space<vmem>>
      tpu.wait_dma2 semaphore(%run_scoped3A : memref<!tpu.dma_semaphore, #tpu.memory_space<semaphore_mem>>) src(%dma_wait3A_201 : memref<128x64xf32, #tpu.memory_space<vmem>>) dst(%dma_wait3A_198 : memref<128x64xf32, #tpu.memory_space<hbm>>)
      tpu.yield
    }) : () -> ()
    %add3A_166 = arith.constant 256 : i32
    %add3A_167 = arith.addi %mul3A_157, %add3A_166 : i32
    "tpu.region"() ({
      %run_scoped3A = tpu.sem_alloc : memref<!tpu.dma_semaphore, #tpu.memory_space<semaphore_mem>>
      %dma_start3A_178 = arith.constant 0 : i32
      %dma_start3A_179 = arith.constant 0 : i32
      %dma_start3A_180 = tpu.memref_slice %arg14[%dma_start3A_178, %dma_start3A_179] : memref<256x64xf32, #tpu.memory_space<vmem>> -> memref<128x64xf32, #tpu.memory_space<vmem>>
      %dma_start3A_181 = arith.constant 0 : i32
      %dma_start3A_182 = tpu.memref_slice %arg25[%add3A_167, %dma_start3A_181] : memref<10240x64xf32, #tpu.memory_space<vmem_shared>> -> memref<128x64xf32, #tpu.memory_space<vmem_shared>>
      %dma_start3A_183 = arith.constant 0 : i32
      %dma_start3A_184 = arith.constant 0 : i32
      %dma_start3A_185 = tpu.memref_slice %arg14[%dma_start3A_183, %dma_start3A_184] : memref<256x64xf32, #tpu.memory_space<vmem>> -> memref<128x64xf32, #tpu.memory_space<vmem>>
      %dma_start3A_186 = arith.constant 0 : i32
      %dma_start3A_187 = tpu.memref_slice %arg25[%add3A_167, %dma_start3A_186] : memref<10240x64xf32, #tpu.memory_space<vmem_shared>> -> memref<128x64xf32, #tpu.memory_space<vmem_shared>>
      tpu.enqueue_dma source(%dma_start3A_187 : memref<128x64xf32, #tpu.memory_space<vmem_shared>>) target(%dma_start3A_185 : memref<128x64xf32, #tpu.memory_space<vmem>>) target_semaphore(%run_scoped3A : memref<!tpu.dma_semaphore, #tpu.memory_space<semaphore_mem>>)
      %dma_wait3A_188 = arith.constant 0 : i32
      %dma_wait3A_189 = arith.constant 0 : i32
      %dma_wait3A_190 = tpu.memref_slice %arg14[%dma_wait3A_188, %dma_wait3A_189] : memref<256x64xf32, #tpu.memory_space<vmem>> -> memref<128x64xf32, #tpu.memory_space<vmem>>
      %dma_wait3A_191 = arith.constant 0 : i32
      %dma_wait3A_192 = tpu.memref_slice %arg25[%add3A_167, %dma_wait3A_191] : memref<10240x64xf32, #tpu.memory_space<vmem_shared>> -> memref<128x64xf32, #tpu.memory_space<vmem_shared>>
      %dma_wait3A_193 = arith.constant 0 : i32
      %dma_wait3A_194 = arith.constant 0 : i32
      %dma_wait3A_195 = tpu.memref_slice %arg14[%dma_wait3A_193, %dma_wait3A_194] : memref<256x64xf32, #tpu.memory_space<vmem>> -> memref<128x64xf32, #tpu.memory_space<vmem>>
      %dma_wait3A_196 = arith.constant 0 : i32
      %dma_wait3A_197 = tpu.memref_slice %arg25[%add3A_167, %dma_wait3A_196] : memref<10240x64xf32, #tpu.memory_space<vmem_shared>> -> memref<128x64xf32, #tpu.memory_space<vmem_shared>>
      tpu.wait_dma2 semaphore(%run_scoped3A : memref<!tpu.dma_semaphore, #tpu.memory_space<semaphore_mem>>) src(%dma_wait3A_197 : memref<128x64xf32, #tpu.memory_space<vmem_shared>>) dst(%dma_wait3A_195 : memref<128x64xf32, #tpu.memory_space<vmem>>)
      tpu.yield
    }) : () -> ()
    %add3A_168 = arith.constant 256 : i32
    %add3A_169 = arith.addi %mul3A_157, %add3A_168 : i32
    "tpu.region"() ({
      %run_scoped3A = tpu.sem_alloc : memref<!tpu.dma_semaphore, #tpu.memory_space<semaphore_mem>>
      %dma_start3A_178 = arith.constant 0 : i32
      %dma_start3A_179 = arith.constant 0 : i32
      %dma_start3A_180 = tpu.memref_slice %arg14[%dma_start3A_178, %dma_start3A_179] : memref<256x64xf32, #tpu.memory_space<vmem>> -> memref<128x64xf32, #tpu.memory_space<vmem>>
      %dma_start3A_181 = arith.constant 0 : i32
      %dma_start3A_182 = tpu.memref_slice %arg5[%arg0, %add3A_169, %dma_start3A_181] : memref<2x10240x64xf32, #tpu.memory_space<hbm>> -> memref<1x128x64xf32, #tpu.memory_space<hbm>>
      %dma_start3A_183 = tpu.memref_squeeze %dma_start3A_182 : memref<1x128x64xf32, #tpu.memory_space<hbm>> -> memref<128x64xf32, #tpu.memory_space<hbm>>
      %dma_start3A_184 = arith.constant 0 : i32
      %dma_start3A_185 = tpu.memref_slice %arg5[%arg0, %add3A_169, %dma_start3A_184] : memref<2x10240x64xf32, #tpu.memory_space<hbm>> -> memref<1x128x64xf32, #tpu.memory_space<hbm>>
      %dma_start3A_186 = tpu.memref_squeeze %dma_start3A_185 : memref<1x128x64xf32, #tpu.memory_space<hbm>> -> memref<128x64xf32, #tpu.memory_space<hbm>>
      %dma_start3A_187 = arith.constant 0 : i32
      %dma_start3A_188 = arith.constant 0 : i32
      %dma_start3A_189 = tpu.memref_slice %arg14[%dma_start3A_187, %dma_start3A_188] : memref<256x64xf32, #tpu.memory_space<vmem>> -> memref<128x64xf32, #tpu.memory_space<vmem>>
      tpu.enqueue_dma source(%dma_start3A_189 : memref<128x64xf32, #tpu.memory_space<vmem>>) target(%dma_start3A_186 : memref<128x64xf32, #tpu.memory_space<hbm>>) target_semaphore(%run_scoped3A : memref<!tpu.dma_semaphore, #tpu.memory_space<semaphore_mem>>)
      %dma_wait3A_190 = arith.constant 0 : i32
      %dma_wait3A_191 = arith.constant 0 : i32
      %dma_wait3A_192 = tpu.memref_slice %arg14[%dma_wait3A_190, %dma_wait3A_191] : memref<256x64xf32, #tpu.memory_space<vmem>> -> memref<128x64xf32, #tpu.memory_space<vmem>>
      %dma_wait3A_193 = arith.constant 0 : i32
      %dma_wait3A_194 = tpu.memref_slice %arg5[%arg0, %add3A_169, %dma_wait3A_193] : memref<2x10240x64xf32, #tpu.memory_space<hbm>> -> memref<1x128x64xf32, #tpu.memory_space<hbm>>
      %dma_wait3A_195 = tpu.memref_squeeze %dma_wait3A_194 : memref<1x128x64xf32, #tpu.memory_space<hbm>> -> memref<128x64xf32, #tpu.memory_space<hbm>>
      %dma_wait3A_196 = arith.constant 0 : i32
      %dma_wait3A_197 = tpu.memref_slice %arg5[%arg0, %add3A_169, %dma_wait3A_196] : memref<2x10240x64xf32, #tpu.memory_space<hbm>> -> memref<1x128x64xf32, #tpu.memory_space<hbm>>
      %dma_wait3A_198 = tpu.memref_squeeze %dma_wait3A_197 : memref<1x128x64xf32, #tpu.memory_space<hbm>> -> memref<128x64xf32, #tpu.memory_space<hbm>>
      %dma_wait3A_199 = arith.constant 0 : i32
      %dma_wait3A_200 = arith.constant 0 : i32
      %dma_wait3A_201 = tpu.memref_slice %arg14[%dma_wait3A_199, %dma_wait3A_200] : memref<256x64xf32, #tpu.memory_space<vmem>> -> memref<128x64xf32, #tpu.memory_space<vmem>>
      tpu.wait_dma2 semaphore(%run_scoped3A : memref<!tpu.dma_semaphore, #tpu.memory_space<semaphore_mem>>) src(%dma_wait3A_201 : memref<128x64xf32, #tpu.memory_space<vmem>>) dst(%dma_wait3A_198 : memref<128x64xf32, #tpu.memory_space<hbm>>)
      tpu.yield
    }) : () -> ()
    %add3A_170 = arith.constant 384 : i32
    %add3A_171 = arith.addi %mul3A_157, %add3A_170 : i32
    "tpu.region"() ({
      %run_scoped3A = tpu.sem_alloc : memref<!tpu.dma_semaphore, #tpu.memory_space<semaphore_mem>>
      %dma_start3A_178 = arith.constant 0 : i32
      %dma_start3A_179 = arith.constant 0 : i32
      %dma_start3A_180 = tpu.memref_slice %arg14[%dma_start3A_178, %dma_start3A_179] : memref<256x64xf32, #tpu.memory_space<vmem>> -> memref<128x64xf32, #tpu.memory_space<vmem>>
      %dma_start3A_181 = arith.constant 0 : i32
      %dma_start3A_182 = tpu.memref_slice %arg25[%add3A_171, %dma_start3A_181] : memref<10240x64xf32, #tpu.memory_space<vmem_shared>> -> memref<128x64xf32, #tpu.memory_space<vmem_shared>>
      %dma_start3A_183 = arith.constant 0 : i32
      %dma_start3A_184 = arith.constant 0 : i32
      %dma_start3A_185 = tpu.memref_slice %arg14[%dma_start3A_183, %dma_start3A_184] : memref<256x64xf32, #tpu.memory_space<vmem>> -> memref<128x64xf32, #tpu.memory_space<vmem>>
      %dma_start3A_186 = arith.constant 0 : i32
      %dma_start3A_187 = tpu.memref_slice %arg25[%add3A_171, %dma_start3A_186] : memref<10240x64xf32, #tpu.memory_space<vmem_shared>> -> memref<128x64xf32, #tpu.memory_space<vmem_shared>>
      tpu.enqueue_dma source(%dma_start3A_187 : memref<128x64xf32, #tpu.memory_space<vmem_shared>>) target(%dma_start3A_185 : memref<128x64xf32, #tpu.memory_space<vmem>>) target_semaphore(%run_scoped3A : memref<!tpu.dma_semaphore, #tpu.memory_space<semaphore_mem>>)
      %dma_wait3A_188 = arith.constant 0 : i32
      %dma_wait3A_189 = arith.constant 0 : i32
      %dma_wait3A_190 = tpu.memref_slice %arg14[%dma_wait3A_188, %dma_wait3A_189] : memref<256x64xf32, #tpu.memory_space<vmem>> -> memref<128x64xf32, #tpu.memory_space<vmem>>
      %dma_wait3A_191 = arith.constant 0 : i32
      %dma_wait3A_192 = tpu.memref_slice %arg25[%add3A_171, %dma_wait3A_191] : memref<10240x64xf32, #tpu.memory_space<vmem_shared>> -> memref<128x64xf32, #tpu.memory_space<vmem_shared>>
      %dma_wait3A_193 = arith.constant 0 : i32
      %dma_wait3A_194 = arith.constant 0 : i32
      %dma_wait3A_195 = tpu.memref_slice %arg14[%dma_wait3A_193, %dma_wait3A_194] : memref<256x64xf32, #tpu.memory_space<vmem>> -> memref<128x64xf32, #tpu.memory_space<vmem>>
      %dma_wait3A_196 = arith.constant 0 : i32
      %dma_wait3A_197 = tpu.memref_slice %arg25[%add3A_171, %dma_wait3A_196] : memref<10240x64xf32, #tpu.memory_space<vmem_shared>> -> memref<128x64xf32, #tpu.memory_space<vmem_shared>>
      tpu.wait_dma2 semaphore(%run_scoped3A : memref<!tpu.dma_semaphore, #tpu.memory_space<semaphore_mem>>) src(%dma_wait3A_197 : memref<128x64xf32, #tpu.memory_space<vmem_shared>>) dst(%dma_wait3A_195 : memref<128x64xf32, #tpu.memory_space<vmem>>)
      tpu.yield
    }) : () -> ()
    %add3A_172 = arith.constant 384 : i32
    %add3A_173 = arith.addi %mul3A_157, %add3A_172 : i32
    "tpu.region"() ({
      %run_scoped3A = tpu.sem_alloc : memref<!tpu.dma_semaphore, #tpu.memory_space<semaphore_mem>>
      %dma_start3A_178 = arith.constant 0 : i32
      %dma_start3A_179 = arith.constant 0 : i32
      %dma_start3A_180 = tpu.memref_slice %arg14[%dma_start3A_178, %dma_start3A_179] : memref<256x64xf32, #tpu.memory_space<vmem>> -> memref<128x64xf32, #tpu.memory_space<vmem>>
      %dma_start3A_181 = arith.constant 0 : i32
      %dma_start3A_182 = tpu.memref_slice %arg5[%arg0, %add3A_173, %dma_start3A_181] : memref<2x10240x64xf32, #tpu.memory_space<hbm>> -> memref<1x128x64xf32, #tpu.memory_space<hbm>>
      %dma_start3A_183 = tpu.memref_squeeze %dma_start3A_182 : memref<1x128x64xf32, #tpu.memory_space<hbm>> -> memref<128x64xf32, #tpu.memory_space<hbm>>
      %dma_start3A_184 = arith.constant 0 : i32
      %dma_start3A_185 = tpu.memref_slice %arg5[%arg0, %add3A_173, %dma_start3A_184] : memref<2x10240x64xf32, #tpu.memory_space<hbm>> -> memref<1x128x64xf32, #tpu.memory_space<hbm>>
      %dma_start3A_186 = tpu.memref_squeeze %dma_start3A_185 : memref<1x128x64xf32, #tpu.memory_space<hbm>> -> memref<128x64xf32, #tpu.memory_space<hbm>>
      %dma_start3A_187 = arith.constant 0 : i32
      %dma_start3A_188 = arith.constant 0 : i32
      %dma_start3A_189 = tpu.memref_slice %arg14[%dma_start3A_187, %dma_start3A_188] : memref<256x64xf32, #tpu.memory_space<vmem>> -> memref<128x64xf32, #tpu.memory_space<vmem>>
      tpu.enqueue_dma source(%dma_start3A_189 : memref<128x64xf32, #tpu.memory_space<vmem>>) target(%dma_start3A_186 : memref<128x64xf32, #tpu.memory_space<hbm>>) target_semaphore(%run_scoped3A : memref<!tpu.dma_semaphore, #tpu.memory_space<semaphore_mem>>)
      %dma_wait3A_190 = arith.constant 0 : i32
      %dma_wait3A_191 = arith.constant 0 : i32
      %dma_wait3A_192 = tpu.memref_slice %arg14[%dma_wait3A_190, %dma_wait3A_191] : memref<256x64xf32, #tpu.memory_space<vmem>> -> memref<128x64xf32, #tpu.memory_space<vmem>>
      %dma_wait3A_193 = arith.constant 0 : i32
      %dma_wait3A_194 = tpu.memref_slice %arg5[%arg0, %add3A_173, %dma_wait3A_193] : memref<2x10240x64xf32, #tpu.memory_space<hbm>> -> memref<1x128x64xf32, #tpu.memory_space<hbm>>
      %dma_wait3A_195 = tpu.memref_squeeze %dma_wait3A_194 : memref<1x128x64xf32, #tpu.memory_space<hbm>> -> memref<128x64xf32, #tpu.memory_space<hbm>>
      %dma_wait3A_196 = arith.constant 0 : i32
      %dma_wait3A_197 = tpu.memref_slice %arg5[%arg0, %add3A_173, %dma_wait3A_196] : memref<2x10240x64xf32, #tpu.memory_space<hbm>> -> memref<1x128x64xf32, #tpu.memory_space<hbm>>
      %dma_wait3A_198 = tpu.memref_squeeze %dma_wait3A_197 : memref<1x128x64xf32, #tpu.memory_space<hbm>> -> memref<128x64xf32, #tpu.memory_space<hbm>>
      %dma_wait3A_199 = arith.constant 0 : i32
      %dma_wait3A_200 = arith.constant 0 : i32
      %dma_wait3A_201 = tpu.memref_slice %arg14[%dma_wait3A_199, %dma_wait3A_200] : memref<256x64xf32, #tpu.memory_space<vmem>> -> memref<128x64xf32, #tpu.memory_space<vmem>>
      tpu.wait_dma2 semaphore(%run_scoped3A : memref<!tpu.dma_semaphore, #tpu.memory_space<semaphore_mem>>) src(%dma_wait3A_201 : memref<128x64xf32, #tpu.memory_space<vmem>>) dst(%dma_wait3A_198 : memref<128x64xf32, #tpu.memory_space<hbm>>)
      tpu.yield
    }) : () -> ()
    %add3A_174 = arith.constant 512 : i32
    %add3A_175 = arith.addi %mul3A_157, %add3A_174 : i32
    "tpu.region"() ({
      %run_scoped3A = tpu.sem_alloc : memref<!tpu.dma_semaphore, #tpu.memory_space<semaphore_mem>>
      %dma_start3A_178 = arith.constant 0 : i32
      %dma_start3A_179 = arith.constant 0 : i32
      %dma_start3A_180 = tpu.memref_slice %arg14[%dma_start3A_178, %dma_start3A_179] : memref<256x64xf32, #tpu.memory_space<vmem>> -> memref<128x64xf32, #tpu.memory_space<vmem>>
      %dma_start3A_181 = arith.constant 0 : i32
      %dma_start3A_182 = tpu.memref_slice %arg25[%add3A_175, %dma_start3A_181] : memref<10240x64xf32, #tpu.memory_space<vmem_shared>> -> memref<128x64xf32, #tpu.memory_space<vmem_shared>>
      %dma_start3A_183 = arith.constant 0 : i32
      %dma_start3A_184 = arith.constant 0 : i32
      %dma_start3A_185 = tpu.memref_slice %arg14[%dma_start3A_183, %dma_start3A_184] : memref<256x64xf32, #tpu.memory_space<vmem>> -> memref<128x64xf32, #tpu.memory_space<vmem>>
      %dma_start3A_186 = arith.constant 0 : i32
      %dma_start3A_187 = tpu.memref_slice %arg25[%add3A_175, %dma_start3A_186] : memref<10240x64xf32, #tpu.memory_space<vmem_shared>> -> memref<128x64xf32, #tpu.memory_space<vmem_shared>>
      tpu.enqueue_dma source(%dma_start3A_187 : memref<128x64xf32, #tpu.memory_space<vmem_shared>>) target(%dma_start3A_185 : memref<128x64xf32, #tpu.memory_space<vmem>>) target_semaphore(%run_scoped3A : memref<!tpu.dma_semaphore, #tpu.memory_space<semaphore_mem>>)
      %dma_wait3A_188 = arith.constant 0 : i32
      %dma_wait3A_189 = arith.constant 0 : i32
      %dma_wait3A_190 = tpu.memref_slice %arg14[%dma_wait3A_188, %dma_wait3A_189] : memref<256x64xf32, #tpu.memory_space<vmem>> -> memref<128x64xf32, #tpu.memory_space<vmem>>
      %dma_wait3A_191 = arith.constant 0 : i32
      %dma_wait3A_192 = tpu.memref_slice %arg25[%add3A_175, %dma_wait3A_191] : memref<10240x64xf32, #tpu.memory_space<vmem_shared>> -> memref<128x64xf32, #tpu.memory_space<vmem_shared>>
      %dma_wait3A_193 = arith.constant 0 : i32
      %dma_wait3A_194 = arith.constant 0 : i32
      %dma_wait3A_195 = tpu.memref_slice %arg14[%dma_wait3A_193, %dma_wait3A_194] : memref<256x64xf32, #tpu.memory_space<vmem>> -> memref<128x64xf32, #tpu.memory_space<vmem>>
      %dma_wait3A_196 = arith.constant 0 : i32
      %dma_wait3A_197 = tpu.memref_slice %arg25[%add3A_175, %dma_wait3A_196] : memref<10240x64xf32, #tpu.memory_space<vmem_shared>> -> memref<128x64xf32, #tpu.memory_space<vmem_shared>>
      tpu.wait_dma2 semaphore(%run_scoped3A : memref<!tpu.dma_semaphore, #tpu.memory_space<semaphore_mem>>) src(%dma_wait3A_197 : memref<128x64xf32, #tpu.memory_space<vmem_shared>>) dst(%dma_wait3A_195 : memref<128x64xf32, #tpu.memory_space<vmem>>)
      tpu.yield
    }) : () -> ()
    %add3A_176 = arith.constant 512 : i32
    %add3A_177 = arith.addi %mul3A_157, %add3A_176 : i32
    "tpu.region"() ({
      %run_scoped3A = tpu.sem_alloc : memref<!tpu.dma_semaphore, #tpu.memory_space<semaphore_mem>>
      %dma_start3A_178 = arith.constant 0 : i32
      %dma_start3A_179 = arith.constant 0 : i32
      %dma_start3A_180 = tpu.memref_slice %arg14[%dma_start3A_178, %dma_start3A_179] : memref<256x64xf32, #tpu.memory_space<vmem>> -> memref<128x64xf32, #tpu.memory_space<vmem>>
      %dma_start3A_181 = arith.constant 0 : i32
      %dma_start3A_182 = tpu.memref_slice %arg5[%arg0, %add3A_177, %dma_start3A_181] : memref<2x10240x64xf32, #tpu.memory_space<hbm>> -> memref<1x128x64xf32, #tpu.memory_space<hbm>>
      %dma_start3A_183 = tpu.memref_squeeze %dma_start3A_182 : memref<1x128x64xf32, #tpu.memory_space<hbm>> -> memref<128x64xf32, #tpu.memory_space<hbm>>
      %dma_start3A_184 = arith.constant 0 : i32
      %dma_start3A_185 = tpu.memref_slice %arg5[%arg0, %add3A_177, %dma_start3A_184] : memref<2x10240x64xf32, #tpu.memory_space<hbm>> -> memref<1x128x64xf32, #tpu.memory_space<hbm>>
      %dma_start3A_186 = tpu.memref_squeeze %dma_start3A_185 : memref<1x128x64xf32, #tpu.memory_space<hbm>> -> memref<128x64xf32, #tpu.memory_space<hbm>>
      %dma_start3A_187 = arith.constant 0 : i32
      %dma_start3A_188 = arith.constant 0 : i32
      %dma_start3A_189 = tpu.memref_slice %arg14[%dma_start3A_187, %dma_start3A_188] : memref<256x64xf32, #tpu.memory_space<vmem>> -> memref<128x64xf32, #tpu.memory_space<vmem>>
      tpu.enqueue_dma source(%dma_start3A_189 : memref<128x64xf32, #tpu.memory_space<vmem>>) target(%dma_start3A_186 : memref<128x64xf32, #tpu.memory_space<hbm>>) target_semaphore(%run_scoped3A : memref<!tpu.dma_semaphore, #tpu.memory_space<semaphore_mem>>)
      %dma_wait3A_190 = arith.constant 0 : i32
      %dma_wait3A_191 = arith.constant 0 : i32
      %dma_wait3A_192 = tpu.memref_slice %arg14[%dma_wait3A_190, %dma_wait3A_191] : memref<256x64xf32, #tpu.memory_space<vmem>> -> memref<128x64xf32, #tpu.memory_space<vmem>>
      %dma_wait3A_193 = arith.constant 0 : i32
      %dma_wait3A_194 = tpu.memref_slice %arg5[%arg0, %add3A_177, %dma_wait3A_193] : memref<2x10240x64xf32, #tpu.memory_space<hbm>> -> memref<1x128x64xf32, #tpu.memory_space<hbm>>
      %dma_wait3A_195 = tpu.memref_squeeze %dma_wait3A_194 : memref<1x128x64xf32, #tpu.memory_space<hbm>> -> memref<128x64xf32, #tpu.memory_space<hbm>>
      %dma_wait3A_196 = arith.constant 0 : i32
      %dma_wait3A_197 = tpu.memref_slice %arg5[%arg0, %add3A_177, %dma_wait3A_196] : memref<2x10240x64xf32, #tpu.memory_space<hbm>> -> memref<1x128x64xf32, #tpu.memory_space<hbm>>
      %dma_wait3A_198 = tpu.memref_squeeze %dma_wait3A_197 : memref<1x128x64xf32, #tpu.memory_space<hbm>> -> memref<128x64xf32, #tpu.memory_space<hbm>>
      %dma_wait3A_199 = arith.constant 0 : i32
      %dma_wait3A_200 = arith.constant 0 : i32
      %dma_wait3A_201 = tpu.memref_slice %arg14[%dma_wait3A_199, %dma_wait3A_200] : memref<256x64xf32, #tpu.memory_space<vmem>> -> memref<128x64xf32, #tpu.memory_space<vmem>>
      tpu.wait_dma2 semaphore(%run_scoped3A : memref<!tpu.dma_semaphore, #tpu.memory_space<semaphore_mem>>) src(%dma_wait3A_201 : memref<128x64xf32, #tpu.memory_space<vmem>>) dst(%dma_wait3A_198 : memref<128x64xf32, #tpu.memory_space<hbm>>)
      tpu.yield
    }) : () -> ()
    return
  }
}

module attributes {stable_mosaic.version = 14 : i64} {
  func.func @_tc_head(%arg0: memref<10000x2xf32, #tpu.memory_space<vmem>>, %arg1: memref<10000x128xf32, #tpu.memory_space<vmem>>, %arg2: memref<128x128xf32, #tpu.memory_space<vmem>>, %arg3: memref<10000x1xf32, #tpu.memory_space<vmem>>, %arg4: memref<10000x1xf32, #tpu.memory_space<vmem>>, %arg5: memref<10000x128xf32, #tpu.memory_space<vmem>>, %arg6: memref<20480x64xf32, #tpu.memory_space<vmem>>) attributes {dimension_semantics = [], scalar_prefetch = 0 : i64, scratch_operands = 0 : i64, tpu.core_type = #tpu.core_type<tc>} {
    %get3A = arith.constant 0 : index
    %get3A_0 = arith.constant 0 : index
    %get3A_1 = vector.load %arg0[%get3A, %get3A_0] : memref<10000x2xf32, #tpu.memory_space<vmem>>, vector<10000x1xf32>
    %get3A_2 = arith.constant 0 : index
    %get3A_3 = arith.constant 1 : index
    %get3A_4 = vector.load %arg0[%get3A_2, %get3A_3] : memref<10000x2xf32, #tpu.memory_space<vmem>>, vector<10000x1xf32>
    %add3A = arith.addf %get3A_1, %get3A_4 : vector<10000x1xf32>
    %add3A_5 = arith.constant 1.000000e+00 : f32
    %add3A_6 = vector.broadcast %add3A_5 : f32 to vector<10000x1xf32>
    %add3A_7 = arith.addf %add3A, %add3A_6 : vector<10000x1xf32>
    %rsqrt3A = math.rsqrt %add3A_7 : vector<10000x1xf32>
    %div3A = arith.constant 1.000000e+00 : f32
    %div3A_8 = vector.broadcast %div3A : f32 to vector<10000x1xf32>
    %div3A_9 = arith.divf %div3A_8, %add3A_7 : vector<10000x1xf32>
    %swap3A = arith.constant 0 : index
    %swap3A_10 = arith.constant 0 : index
    %swap3A_11 = vector.load %arg3[%swap3A, %swap3A_10] : memref<10000x1xf32, #tpu.memory_space<vmem>>, vector<10000x1xf32>
    tpu.vector_store %arg3[%swap3A, %swap3A_10], %rsqrt3A {strides = array<i32>} : memref<10000x1xf32, #tpu.memory_space<vmem>>, vector<10000x1xf32>,
    %swap3A_12 = arith.constant 0 : index
    %swap3A_13 = arith.constant 0 : index
    %swap3A_14 = vector.load %arg4[%swap3A_12, %swap3A_13] : memref<10000x1xf32, #tpu.memory_space<vmem>>, vector<10000x1xf32>
    tpu.vector_store %arg4[%swap3A_12, %swap3A_13], %div3A_9 {strides = array<i32>} : memref<10000x1xf32, #tpu.memory_space<vmem>>, vector<10000x1xf32>,
    %get3A_15 = arith.constant 0 : index
    %get3A_16 = arith.constant 0 : index
    %get3A_17 = vector.load %arg1[%get3A_15, %get3A_16] : memref<10000x128xf32, #tpu.memory_space<vmem>>, vector<10000x128xf32>
    %get3A_18 = arith.constant 0 : index
    %get3A_19 = arith.constant 0 : index
    %get3A_20 = vector.load %arg2[%get3A_18, %get3A_19] : memref<128x128xf32, #tpu.memory_space<vmem>>, vector<128x128xf32>
    %dot_general3A = arith.constant dense<0.000000e+00> : vector<10000x128xf32>
    %dot_general3A_21 = tpu.matmul %get3A_17, %get3A_20, %dot_general3A {dimension_numbers = #tpu.dot_dimension_numbers<[1], [0], [0], [1], [0, 0, 1, 1], [], []>, transpose_lhs_hint = false} : vector<10000x128xf32>, vector<128x128xf32>, vector<10000x128xf32> -> vector<10000x128xf32>
    %swap3A_22 = arith.constant 0 : index
    %swap3A_23 = arith.constant 0 : index
    %swap3A_24 = vector.load %arg5[%swap3A_22, %swap3A_23] : memref<10000x128xf32, #tpu.memory_space<vmem>>, vector<10000x128xf32>
    tpu.vector_store %arg5[%swap3A_22, %swap3A_23], %dot_general3A_21 {strides = array<i32>} : memref<10000x128xf32, #tpu.memory_space<vmem>>, vector<10000x128xf32>,
    %mul3A = vector.broadcast %rsqrt3A : vector<10000x1xf32> to vector<10000x128xf32>
    %mul3A_25 = arith.mulf %dot_general3A_21, %mul3A : vector<10000x128xf32>
    %slice3A = vector.extract_strided_slice %mul3A_25 {offsets = [0, 0], sizes = [10000, 64], strides = [1, 1]} : vector<10000x128xf32> to vector<10000x64xf32>
    %swap3A_26 = arith.constant 0 : index
    %swap3A_27 = arith.constant 0 : index
    %swap3A_28 = vector.load %arg6[%swap3A_26, %swap3A_27] : memref<20480x64xf32, #tpu.memory_space<vmem>>, vector<10000x64xf32>
    tpu.vector_store %arg6[%swap3A_26, %swap3A_27], %slice3A {strides = array<i32>} : memref<20480x64xf32, #tpu.memory_space<vmem>>, vector<10000x64xf32>,
    %slice3A_29 = vector.extract_strided_slice %mul3A_25 {offsets = [0, 64], sizes = [10000, 64], strides = [1, 1]} : vector<10000x128xf32> to vector<10000x64xf32>
    %swap3A_30 = arith.constant 10240 : index
    %swap3A_31 = arith.constant 0 : index
    %swap3A_32 = vector.load %arg6[%swap3A_30, %swap3A_31] : memref<20480x64xf32, #tpu.memory_space<vmem>>, vector<10000x64xf32>
    tpu.vector_store %arg6[%swap3A_30, %swap3A_31], %slice3A_29 {strides = array<i32>} : memref<20480x64xf32, #tpu.memory_space<vmem>>, vector<10000x64xf32>,
    return
  }
}

module attributes {stable_mosaic.version = 14 : i64} {
  func.func @_tc_mid(%arg0: memref<2x10240x64xf32, #tpu.memory_space<vmem>>, %arg1: memref<10000x128xf32, #tpu.memory_space<vmem>>, %arg2: memref<10000x1xf32, #tpu.memory_space<vmem>>, %arg3: memref<10000x1xf32, #tpu.memory_space<vmem>>, %arg4: memref<1x128xf32, #tpu.memory_space<vmem>>, %arg5: memref<1x128xf32, #tpu.memory_space<vmem>>, %arg6: memref<1x128xf32, #tpu.memory_space<vmem>>, %arg7: memref<128x128xf32, #tpu.memory_space<vmem>>, %arg8: memref<10000x128xf32, #tpu.memory_space<vmem>>, %arg9: memref<20480x64xf32, #tpu.memory_space<vmem>>) attributes {dimension_semantics = [], scalar_prefetch = 0 : i64, scratch_operands = 0 : i64, tpu.core_type = #tpu.core_type<tc>} {
    %get3A = arith.constant 0 : index
    %get3A_0 = arith.constant 0 : index
    %get3A_1 = arith.constant 0 : index
    %get3A_2 = vector.load %arg0[%get3A, %get3A_0, %get3A_1] : memref<2x10240x64xf32, #tpu.memory_space<vmem>>, vector<1x10000x64xf32>
    %get3A_3 = vector.shape_cast %get3A_2 : vector<1x10000x64xf32> to vector<10000x64xf32>
    %get3A_4 = arith.constant 1 : index
    %get3A_5 = arith.constant 0 : index
    %get3A_6 = arith.constant 0 : index
    %get3A_7 = vector.load %arg0[%get3A_4, %get3A_5, %get3A_6] : memref<2x10240x64xf32, #tpu.memory_space<vmem>>, vector<1x10000x64xf32>
    %get3A_8 = vector.shape_cast %get3A_7 : vector<1x10000x64xf32> to vector<10000x64xf32>
    %concatenate3A = tpu.concatenate %get3A_3, %get3A_8 in 1 : vector<10000x64xf32>, vector<10000x64xf32> -> vector<10000x128xf32>
    %get3A_9 = arith.constant 0 : index
    %get3A_10 = arith.constant 0 : index
    %get3A_11 = vector.load %arg2[%get3A_9, %get3A_10] : memref<10000x1xf32, #tpu.memory_space<vmem>>, vector<10000x1xf32>
    %mul3A = vector.broadcast %get3A_11 : vector<10000x1xf32> to vector<10000x128xf32>
    %mul3A_12 = arith.mulf %concatenate3A, %mul3A : vector<10000x128xf32>
    %get3A_13 = arith.constant 0 : index
    %get3A_14 = arith.constant 0 : index
    %get3A_15 = vector.load %arg1[%get3A_13, %get3A_14] : memref<10000x128xf32, #tpu.memory_space<vmem>>, vector<10000x128xf32>
    %get3A_16 = arith.constant 0 : index
    %get3A_17 = arith.constant 0 : index
    %get3A_18 = vector.load %arg3[%get3A_16, %get3A_17] : memref<10000x1xf32, #tpu.memory_space<vmem>>, vector<10000x1xf32>
    %mul3A_19 = vector.broadcast %get3A_18 : vector<10000x1xf32> to vector<10000x128xf32>
    %mul3A_20 = arith.mulf %get3A_15, %mul3A_19 : vector<10000x128xf32>
    %add3A = arith.addf %mul3A_12, %mul3A_20 : vector<10000x128xf32>
    %get3A_21 = arith.constant 0 : index
    %get3A_22 = arith.constant 0 : index
    %get3A_23 = vector.load %arg4[%get3A_21, %get3A_22] : memref<1x128xf32, #tpu.memory_space<vmem>>, vector<1x128xf32>
    %add3A_24 = vector.broadcast %get3A_23 : vector<1x128xf32> to vector<10000x128xf32>
    %add3A_25 = arith.addf %add3A, %add3A_24 : vector<10000x128xf32>
    %reduce_sum3A = arith.constant dense<0.000000e+00> : vector<128xf32>
    %reduce_sum3A_26 = vector.multi_reduction <add>, %add3A_25, %reduce_sum3A [0] : vector<10000x128xf32> to vector<128xf32>
    %broadcast_in_dim3A = vector.shape_cast %reduce_sum3A_26 : vector<128xf32> to vector<1x128xf32>
    %div3A = arith.constant 1.000000e+04 : f32
    %div3A_27 = vector.broadcast %div3A : f32 to vector<1x128xf32>
    %div3A_28 = arith.divf %broadcast_in_dim3A, %div3A_27 : vector<1x128xf32>
    %sub3A = vector.broadcast %div3A_28 : vector<1x128xf32> to vector<10000x128xf32>
    %sub3A_29 = arith.subf %add3A_25, %sub3A : vector<10000x128xf32>
    %mul3A_30 = arith.mulf %sub3A_29, %sub3A_29 : vector<10000x128xf32>
    %reduce_sum3A_31 = arith.constant dense<0.000000e+00> : vector<128xf32>
    %reduce_sum3A_32 = vector.multi_reduction <add>, %mul3A_30, %reduce_sum3A_31 [0] : vector<10000x128xf32> to vector<128xf32>
    %broadcast_in_dim3A_33 = vector.shape_cast %reduce_sum3A_32 : vector<128xf32> to vector<1x128xf32>
    %div3A_34 = arith.constant 1.000000e+04 : f32
    %div3A_35 = vector.broadcast %div3A_34 : f32 to vector<1x128xf32>
    %div3A_36 = arith.divf %broadcast_in_dim3A_33, %div3A_35 : vector<1x128xf32>
    %add3A_37 = arith.constant 9.99999974E-6 : f32
    %add3A_38 = vector.broadcast %add3A_37 : f32 to vector<1x128xf32>
    %add3A_39 = arith.addf %div3A_36, %add3A_38 : vector<1x128xf32>
    %rsqrt3A = math.rsqrt %add3A_39 : vector<1x128xf32>
    %mul3A_40 = vector.broadcast %rsqrt3A : vector<1x128xf32> to vector<10000x128xf32>
    %mul3A_41 = arith.mulf %sub3A_29, %mul3A_40 : vector<10000x128xf32>
    %get3A_42 = arith.constant 0 : index
    %get3A_43 = arith.constant 0 : index
    %get3A_44 = vector.load %arg5[%get3A_42, %get3A_43] : memref<1x128xf32, #tpu.memory_space<vmem>>, vector<1x128xf32>
    %mul3A_45 = vector.broadcast %get3A_44 : vector<1x128xf32> to vector<10000x128xf32>
    %mul3A_46 = arith.mulf %mul3A_41, %mul3A_45 : vector<10000x128xf32>
    %get3A_47 = arith.constant 0 : index
    %get3A_48 = arith.constant 0 : index
    %get3A_49 = vector.load %arg6[%get3A_47, %get3A_48] : memref<1x128xf32, #tpu.memory_space<vmem>>, vector<1x128xf32>
    %add3A_50 = vector.broadcast %get3A_49 : vector<1x128xf32> to vector<10000x128xf32>
    %add3A_51 = arith.addf %mul3A_46, %add3A_50 : vector<10000x128xf32>
    %max3A = arith.constant 0.000000e+00 : f32
    %max3A_52 = vector.broadcast %max3A : f32 to vector<10000x128xf32>
    %max3A_53 = arith.maximumf %add3A_51, %max3A_52 : vector<10000x128xf32>
    %get3A_54 = arith.constant 0 : index
    %get3A_55 = arith.constant 0 : index
    %get3A_56 = vector.load %arg7[%get3A_54, %get3A_55] : memref<128x128xf32, #tpu.memory_space<vmem>>, vector<128x128xf32>
    %dot_general3A = arith.constant dense<0.000000e+00> : vector<10000x128xf32>
    %dot_general3A_57 = tpu.matmul %max3A_53, %get3A_56, %dot_general3A {dimension_numbers = #tpu.dot_dimension_numbers<[1], [0], [0], [1], [0, 0, 1, 1], [], []>, transpose_lhs_hint = false} : vector<10000x128xf32>, vector<128x128xf32>, vector<10000x128xf32> -> vector<10000x128xf32>
    %swap3A = arith.constant 0 : index
    %swap3A_58 = arith.constant 0 : index
    %swap3A_59 = vector.load %arg8[%swap3A, %swap3A_58] : memref<10000x128xf32, #tpu.memory_space<vmem>>, vector<10000x128xf32>
    tpu.vector_store %arg8[%swap3A, %swap3A_58], %dot_general3A_57 {strides = array<i32>} : memref<10000x128xf32, #tpu.memory_space<vmem>>, vector<10000x128xf32>,
    %get3A_60 = arith.constant 0 : index
    %get3A_61 = arith.constant 0 : index
    %get3A_62 = vector.load %arg2[%get3A_60, %get3A_61] : memref<10000x1xf32, #tpu.memory_space<vmem>>, vector<10000x1xf32>
    %mul3A_63 = vector.broadcast %get3A_62 : vector<10000x1xf32> to vector<10000x128xf32>
    %mul3A_64 = arith.mulf %dot_general3A_57, %mul3A_63 : vector<10000x128xf32>
    %slice3A = vector.extract_strided_slice %mul3A_64 {offsets = [0, 0], sizes = [10000, 64], strides = [1, 1]} : vector<10000x128xf32> to vector<10000x64xf32>
    %swap3A_65 = arith.constant 0 : index
    %swap3A_66 = arith.constant 0 : index
    %swap3A_67 = vector.load %arg9[%swap3A_65, %swap3A_66] : memref<20480x64xf32, #tpu.memory_space<vmem>>, vector<10000x64xf32>
    tpu.vector_store %arg9[%swap3A_65, %swap3A_66], %slice3A {strides = array<i32>} : memref<20480x64xf32, #tpu.memory_space<vmem>>, vector<10000x64xf32>,
    %slice3A_68 = vector.extract_strided_slice %mul3A_64 {offsets = [0, 64], sizes = [10000, 64], strides = [1, 1]} : vector<10000x128xf32> to vector<10000x64xf32>
    %swap3A_69 = arith.constant 10240 : index
    %swap3A_70 = arith.constant 0 : index
    %swap3A_71 = vector.load %arg9[%swap3A_69, %swap3A_70] : memref<20480x64xf32, #tpu.memory_space<vmem>>, vector<10000x64xf32>
    tpu.vector_store %arg9[%swap3A_69, %swap3A_70], %slice3A_68 {strides = array<i32>} : memref<20480x64xf32, #tpu.memory_space<vmem>>, vector<10000x64xf32>,
    return
  }
}

module attributes {stable_mosaic.version = 14 : i64} {
  func.func @_tc_tail(%arg0: memref<2x10240x64xf32, #tpu.memory_space<vmem>>, %arg1: memref<10000x128xf32, #tpu.memory_space<vmem>>, %arg2: memref<10000x1xf32, #tpu.memory_space<vmem>>, %arg3: memref<10000x1xf32, #tpu.memory_space<vmem>>, %arg4: memref<1x128xf32, #tpu.memory_space<vmem>>, %arg5: memref<10000x128xf32, #tpu.memory_space<vmem>>) attributes {dimension_semantics = [], scalar_prefetch = 0 : i64, scratch_operands = 0 : i64, tpu.core_type = #tpu.core_type<tc>} {
    %get3A = arith.constant 0 : index
    %get3A_0 = arith.constant 0 : index
    %get3A_1 = arith.constant 0 : index
    %get3A_2 = vector.load %arg0[%get3A, %get3A_0, %get3A_1] : memref<2x10240x64xf32, #tpu.memory_space<vmem>>, vector<1x10000x64xf32>
    %get3A_3 = vector.shape_cast %get3A_2 : vector<1x10000x64xf32> to vector<10000x64xf32>
    %get3A_4 = arith.constant 1 : index
    %get3A_5 = arith.constant 0 : index
    %get3A_6 = arith.constant 0 : index
    %get3A_7 = vector.load %arg0[%get3A_4, %get3A_5, %get3A_6] : memref<2x10240x64xf32, #tpu.memory_space<vmem>>, vector<1x10000x64xf32>
    %get3A_8 = vector.shape_cast %get3A_7 : vector<1x10000x64xf32> to vector<10000x64xf32>
    %concatenate3A = tpu.concatenate %get3A_3, %get3A_8 in 1 : vector<10000x64xf32>, vector<10000x64xf32> -> vector<10000x128xf32>
    %get3A_9 = arith.constant 0 : index
    %get3A_10 = arith.constant 0 : index
    %get3A_11 = vector.load %arg2[%get3A_9, %get3A_10] : memref<10000x1xf32, #tpu.memory_space<vmem>>, vector<10000x1xf32>
    %mul3A = vector.broadcast %get3A_11 : vector<10000x1xf32> to vector<10000x128xf32>
    %mul3A_12 = arith.mulf %concatenate3A, %mul3A : vector<10000x128xf32>
    %get3A_13 = arith.constant 0 : index
    %get3A_14 = arith.constant 0 : index
    %get3A_15 = vector.load %arg1[%get3A_13, %get3A_14] : memref<10000x128xf32, #tpu.memory_space<vmem>>, vector<10000x128xf32>
    %get3A_16 = arith.constant 0 : index
    %get3A_17 = arith.constant 0 : index
    %get3A_18 = vector.load %arg3[%get3A_16, %get3A_17] : memref<10000x1xf32, #tpu.memory_space<vmem>>, vector<10000x1xf32>
    %mul3A_19 = vector.broadcast %get3A_18 : vector<10000x1xf32> to vector<10000x128xf32>
    %mul3A_20 = arith.mulf %get3A_15, %mul3A_19 : vector<10000x128xf32>
    %add3A = arith.addf %mul3A_12, %mul3A_20 : vector<10000x128xf32>
    %get3A_21 = arith.constant 0 : index
    %get3A_22 = arith.constant 0 : index
    %get3A_23 = vector.load %arg4[%get3A_21, %get3A_22] : memref<1x128xf32, #tpu.memory_space<vmem>>, vector<1x128xf32>
    %add3A_24 = vector.broadcast %get3A_23 : vector<1x128xf32> to vector<10000x128xf32>
    %add3A_25 = arith.addf %add3A, %add3A_24 : vector<10000x128xf32>
    %swap3A = arith.constant 0 : index
    %swap3A_26 = arith.constant 0 : index
    %swap3A_27 = vector.load %arg5[%swap3A, %swap3A_26] : memref<10000x128xf32, #tpu.memory_space<vmem>>, vector<10000x128xf32>
    tpu.vector_store %arg5[%swap3A, %swap3A_26], %add3A_25 {strides = array<i32>} : memref<10000x128xf32, #tpu.memory_space<vmem>>, vector<10000x128xf32>,
    return
  }
}

</mosaic_0001>

<sc_bundles>
// kernel: kernel.10.cloned.1.call-start
scs
__scs_entry_jumppad:
0x0: {  	(pc) =	sbr.rel $0x88, $3  }
0x1: {  	(tag) =	ssettag $0x0;
	lr =	simm.s32 $0x1  }
0x2: {  	[smem:$0x3F95] =	sst lr;
	_ =	strace $0xD0000000  }
0x3: {  	_ = 	snop  }
0x4: {  	_ = 	snop  }
0x5: {  	_ = 	snop  }
0x6: {  	_ = 	snop  }
0x7: {  	_ = 	snop  }
__scs_overlays_trampoline_lowered:
0x8: {  	[smem:$0x3FA4] =	sst s0  }
0x9: {  	[smem:$0x3FA5] =	sst s1  }
0xa: {  	[smem:$0x3FA6] =	sst s2  }
0xb: {  	[smem:$0x3FA7] =	sst s3  }
0xc: {  	[smem:$0x3FA8] =	sst s4  }
0xd: {  	[smem:$0x3FA9] =	sst s5  }
0xe: {  	[smem:$0x3FAA] =	sst s6  }
0xf: {  	[smem:$0x3FAB] =	sst s7  }
0x10: {  	[smem:$0x3FAC] =	sst s8  }
0x11: {  	[smem:$0x3FAD] =	sst s9;
	s0 =	simm.s32 @!p0 $0x0  }
0x12: {  	s1 =	sld [smem:$0x3F93];
	s0 =	simm.s32 @p0 $0x1  }
0x13: {  	[smem:$0x3FAE] =	sst s0;
	s0 =	simm.s32 @!p1 $0x0  }
0x14: {  	s2 =	sld [smem:$0x3F92];
	s0 =	simm.s32 @p1 $0x1  }
0x15: {  	[smem:$0x3FAF] =	sst s0;
	s0 =	simm.s32 @!p2 $0x0  }
0x16: {  	s3 =	sld [smem:$0x3FDB];
	s0 =	simm.s32 @p2 $0x1  }
0x17: {  	s4 =	simm.s32 $0x1BF5;
	[smem:$0x3FB1] =	sst s0  }
0x18: {  	s0 =	sld [smem:$0x3F94];
	_ =	swait.ge [sflag:s4], $0x0  }
0x19: {  	s7 =	sld [smem:$0x3F95]  }
0x1a: {  	s8 =	sadd.s32 $0xFFFFE003, lr  }
0x1b: {  	s9 =	sadd.s32 $0xFFFFFEF7, lr;
	s5 =	simm.s32 $0xFFFFFFFF;
	p2 =	slt.u32 s8, $0xFFFFF086  }
0x1c: {  	p1 =	slt.u32 s9, $0xF7A;
	s5 =	simm.s32 @!p2 $0x0  }
0x1d: {  	s5 =	simm.s32 @p1 $0x1;
	p0 =	seq.s32 s7, s2  }
0x1e: {  	s7 =	smul.u32 @!p0 $0xF7A, s2;
	p2 =	seq.s32 @!p0 s5, $0x0  }
0x1f: {  	s9 =	smul.u32 $0xF7A, s1;
	s8 =	simm.s32 @!p0 $0x1BF5;
	p2 =	por !p2, p0  }
0x20: {  	[sflag:s8] =	ssyncset.s32 @!p0 $0xFFFFF086;
	s6 =	sadd.s32 @!p0 s3, s7;
	s7 =	simm.s32 @!p0 $0x108  }
0x21: {  	s3 =	sadd.s32 s3, s9;
	s6 =	sadd.s32 @!p0 $0x88, s6;
	s7 =	simm.s32 @p2 $0x1082  }
0x22: {  	[simem:s7], [sflag:s8] =	dma.local @!p0 [hbm:s6], $0xF7A  }
0x23: {  	s9 =	sor.u32 $0xD0000000, s2;
	s6 =	simm.s32 $0x108;
	_ =	swait.ge @!p0 [sflag:s8], $0x0  }
0x24: {  	s3 =	sadd.s32 $0x88, s3;
	s6 =	simm.s32 @!p1 $0x1082;
	[sflag:s4] =	ssyncset.s32 $0xFFFFF086  }
0x25: {  	[simem:s6], [sflag:s4] =	dma.local [hbm:s3], $0xF7A  }
0x26: {  	[smem:$0x3F95] =	sst s1;
	(tag) =	ssettag s2;
	_ =	strace s9  }
0x27: {  	s1 =	sld [smem:$0x3FA5]  }
0x28: {  	s2 =	sld [smem:$0x3FA6]  }
0x29: {  	s4 =	sld [smem:$0x3FA8]  }
0x2a: {  	p0 =	seq.s32 s5, $0x0;
	s5 =	sld [smem:$0x3FA9]  }
0x2b: {  	s6 =	sld [smem:$0x3FAA]  }
0x2c: {  	s7 =	sld [smem:$0x3FAB]  }
0x2d: {  	s3 =	simm.s32 $0x108;
	s8 =	sld [smem:$0x3FAC]  }
0x2e: {  	s3 =	simm.s32 @!p0 $0x1082;
	s9 =	sld [smem:$0x3FAD]  }
0x2f: {  	lr =	sadd.s32 s0, s3;
	s0 =	sld [smem:$0x3FA4]  }
0x30: {  	s3 =	sld [smem:$0x3FA7]  }
0x31: {  	[smem:$0x3FB0] =	sst s10  }
0x32: {  	s10 =	sld [smem:$0x3FAE];
	_ =	sdelay $0x3  }
0x33: {  	p0 =	seq.s32 s10, $0x1;
	s10 =	sld [smem:$0x3FB0];
	_ =	sdelay $0x3  }
0x34: {  	[smem:$0x3FB0] =	sst s10  }
0x35: {  	s10 =	sld [smem:$0x3FAF];
	_ =	sdelay $0x3  }
0x36: {  	p1 =	seq.s32 s10, $0x1;
	s10 =	sld [smem:$0x3FB0];
	_ =	sdelay $0x3  }
0x37: {  	[smem:$0x3FB0] =	sst s10  }
0x38: {  	s10 =	sld [smem:$0x3FB1]  }
0x39: {  	_ = 	snop;
	(pc) =	sbr.ind lr, $3  }
0x3a: {  	_ = 	snop  }
0x3b: {  	_ = 	snop  }
0x3c: {  	p2 =	seq.s32 s10, $0x1;
	s10 =	sld [smem:$0x3FB0]  }
0x3d: {  	_ =	shalt  }
0x3e: {  	_ =	shalt  }
0x3f: {  	_ =	shalt  }
0x40: {  	_ =	shalt  }
0x41: {  	_ =	shalt  }
0x42: {  	_ =	shalt  }
0x43: {  	_ =	shalt  }
0x44: {  	_ =	shalt  }
0x45: {  	_ =	shalt  }
0x46: {  	_ =	shalt  }
0x47: {  	_ =	shalt  }
0x48: {  	_ =	shalt  }
0x49: {  	_ =	shalt  }
0x4a: {  	_ =	shalt  }
0x4b: {  	_ =	shalt  }
0x4c: {  	_ =	shalt  }
0x4d: {  	_ =	shalt  }
0x4e: {  	_ =	shalt  }
0x4f: {  	_ =	shalt  }
0x50: {  	_ =	shalt  }
0x51: {  	_ =	shalt  }
0x52: {  	_ =	shalt  }
0x53: {  	_ =	shalt  }
0x54: {  	_ =	shalt  }
0x55: {  	_ =	shalt  }
0x56: {  	_ =	shalt  }
0x57: {  	_ =	shalt  }
0x58: {  	_ =	shalt  }
0x59: {  	_ =	shalt  }
0x5a: {  	_ =	shalt  }
0x5b: {  	_ =	shalt  }
0x5c: {  	_ =	shalt  }
0x5d: {  	_ =	shalt  }
0x5e: {  	_ =	shalt  }
0x5f: {  	_ =	shalt  }
0x60: {  	_ =	shalt  }
0x61: {  	_ =	shalt  }
0x62: {  	_ =	shalt  }
0x63: {  	_ =	shalt  }
0x64: {  	_ =	shalt  }
0x65: {  	_ =	shalt  }
0x66: {  	_ =	shalt  }
0x67: {  	_ =	shalt  }
0x68: {  	_ =	shalt  }
0x69: {  	_ =	shalt  }
0x6a: {  	_ =	shalt  }
0x6b: {  	_ =	shalt  }
0x6c: {  	_ =	shalt  }
0x6d: {  	_ =	shalt  }
0x6e: {  	_ =	shalt  }
0x6f: {  	_ =	shalt  }
0x70: {  	_ =	shalt  }
0x71: {  	_ =	shalt  }
0x72: {  	_ =	shalt  }
0x73: {  	_ =	shalt  }
0x74: {  	_ =	shalt  }
0x75: {  	_ =	shalt  }
0x76: {  	_ =	shalt  }
0x77: {  	_ =	shalt  }
0x78: {  	_ =	shalt  }
0x79: {  	_ =	shalt  }
0x7a: {  	_ =	shalt  }
0x7b: {  	_ =	shalt  }
0x7c: {  	_ =	shalt  }
0x7d: {  	_ =	shalt  }
0x7e: {  	_ =	shalt  }
0x7f: {  	_ =	shalt  }
0x80: {  	_ =	shalt  }
0x81: {  	_ =	shalt  }
0x82: {  	_ =	shalt  }
0x83: {  	_ =	shalt  }
0x84: {  	_ =	shalt  }
0x85: {  	_ =	shalt  }
0x86: {  	_ =	shalt  }
0x87: {  	_ =	shalt  }
.Lfunc_end0:
.L_simem_size_0:
called_computation_lowered:
.L_overlay_start_0:
0x88: {  	s2 =	sld [smem:$0x3FD9]  }
0x89: {  	s3 =	sld [smem:$0x3FFE];
	_ =	sdelay $0x1  }
0x8a: {  	s1 =	srdreg.scid  }
0x8b: {  	s0 =	sand.u32 $0x1, s1  }
0x8c: {  	s16 =	sshll.u32 s0, $0xA;
	s2 =	sadd.s32 s3, s2  }
0x8d: {  	s2 =	sadd.s32 s2, s16  }
0x8e: {  	[smem:$0x3FBC] =	sst s2  }
0x8f: {  	_ = 	snop  }
0x90: {  	(tm) =	ssettm $0x1  }
0x91: {  	s17 =	sld [smem:$0x3FFB];
	_ =	sdelay $0x3  }
0x92: {  	_ =	strace s17  }
0x93: {  	s2 =	sld [smem:$0x3FFC];
	_ =	sdelay $0x3  }
0x94: {  	_ =	strace s2  }
0x95: {  	s2 =	sld [smem:$0x3FFD];
	_ =	sdelay $0x3  }
0x96: {  	_ =	strace s2  }
0x97: {  	_ =	strace $0x8FFFFFFF  }
0x98: {  	s18 =	sld [smem:$0x3FDB];
	_ =	sdelay $0x1  }
0x99: {  	s19 =	simm.s32 $_scs_section_size  }
0x9a: {  	s4 =	simm.s32 $_size__tile_overlayer_lowered;
	s5 =	simm.s32 $_tile_overlayer_lowered  }
0x9b: {  	s22 =	simm.s32 $0x1BFF;
	s21 =	sshll.u32 s5, $0x1;
	s2 =	sadd.s32 s19, s18  }
0x9c: {  	s6 =	simm.s32 $0x0;
	s20 =	sshll.u32 s4, $0x1;
	s4 =	sadd.s32 s21, s2  }
0x9d: {  	[timem:s6], [sflag:s22] =	dma.local [hbm:s4], s20  }
0x9e: {  	_ =	swait.ge [sflag:s22], s20  }
0x9f: {  	s3 =	ssub.s32 $0x0, s20;
	[sflag:s22] =	ssyncset.done $0x0  }
0xa0: {  	[sflag:s22] =	ssyncadd.s32 s3;
	_ =	sdelay $0x1  }
0xa1: {  	s23 =	simm.s32 $0x1B8B  }
0xa2: {  	_ =	swait.ge [sflag:s23], $0x1  }
0xa3: {  	[sflag:s23] =	ssyncset.done $0x0  }
0xa4: {  	s25 =	simm.s32 $0x1B8E;
	s24 =	sld [smem:$0x3FFE];
	[sflag:s23] =	ssyncadd.s32 $0xFFFFFFFF  }
0xa5: {  	s26 =	simm.s32 $execute0_lowered;
	[smem:$0x3FD2] =	sst s25  }
0xa6: {  	s4 =	sshll.u32 s26, $0x1;
	_ =	strace $0x80000046;
	[dreg:$0x1] =	wrdreg $0xFFFFFFFF  }
0xa7: {  	s28 =	simm.s32 $_size_execute0_lowered;
	s2 =	sadd.s32 s2, s4;
	[dreg:$0x0] =	wrdreg $0x0  }
0xa8: {  	s4 =	sshll.u32 s28, $0x1;
	[dreg:$0x2] =	wrdreg s2  }
0xa9: {  	[dreg:$0x3] =	wrdreg s4  }
0xaa: {  	[dreg:$0x4] =	wrdreg $0xC0  }
0xab: {  	_ =	task [dreg:s6], $0x5FFFF  }
0xac: {  	[dreg:$0x1] =	wrdreg $0xFFFFFFFF  }
0xad: {  	[dreg:$0x0] =	wrdreg $0x60  }
0xae: {  	[dreg:$0x2] =	wrdreg s24  }
0xaf: {  	[dreg:$0x3] =	wrdreg $0x2B000  }
0xb0: {  	[dreg:$0x4] =	wrdreg $0x9  }
0xb1: {  	_ =	task.clear_ibuf [dreg:s6], $0x5FFFF;
	_ =	strace $0x90000046  }
0xb2: {  	s29 =	simm.s32 $0x9;
	_ =	strace $0x80000048  }
0xb3: {  	_ =	swait.ge [sflag:s29], $0x1  }
0xb4: {  	[sflag:s29] =	ssyncadd.s32 $0xFFFFFFFF  }
0xb5: {  	_ =	strace $0x90000048  }
0xb6: {  	_ =	sfence  }
0xb7: {  	s30 =	sld [smem:$0x0];
	_ =	sdelay $0x2  }
0xb8: {  	s31 =	sshll.u32 s1, $0xD;
	s1 =	sshrl.u32 s1, $0x2  }
0xb9: {  	s3 =	sand.u32 $0x4000, s31;
	s1 =	sadd.s32 s1, s30  }
0xba: {  	s0 =	sor.u32 s3, s0;
	s1 =	sshll.u32 s1, $0x11  }
0xbb: {  	s0 =	sor.u32 s1, s0  }
0xbc: {  	s0 =	sadd.s32 $0x8F2B, s0  }
0xbd: {  	[sflag:s0] =	ssyncadd.remote.s32 $0x1  }
0xbe: {  	_ =	sfence.sel $0xFFFF  }
0xbf: {  	[dreg:$0x0] =	wrdreg $0xFFFFFFFF;
	(pc) =	sbr.abs _section_cstart, $3  }
0xc0: {  	[dreg:$0x1] =	wrdreg $0xFFFFFFFF  }
0xc1: {  	_ =	task.clear_ibuf [dreg:s6], $0x2FFFF;
	_ =	strace $0x9FFFFFFF  }
0xc2: {  	(tm) =	ssettm $0x7FFFFFFF  }
0xc3: {  	_ =	shalt  }
tec
execute0_lowered:
.L_overlay_start_1:
0x0: {  	(tag) =	ssettag $0x1  }
0x1: {  	s4 =	rddreg [dreg:$0x0]  }
0x2: {  	s2 =	rddreg [dreg:$0x1];
	s3 =	srdreg.scid  }
0x3: {  	s0 =	rddreg [dreg:$0x2];
	s1 =	stileid.u32;
	s10 =	simm.s32 $0x80  }
0x4: {  	s11 =	simm.s32 $0x2800;
	s12 =	simm.s32 $0x100;
	s13 =	simm.s32 $0x0  }
0x5: {  	s5 =	sand.u32 $0x1, s3;
	s3 =	simm.s32 $0x0;
	s7 =	smul.u32 $0x500, s1  }
0x6: {  	s29 =	smul.u32 $0xA00, s1;
	s6 =	sshll.u32 s5, $0x4;
	[smem:$0x7FF] =	sst s3  }
0x7: {  	s8 =	sshll.u32 s5, $0x7;
	s5 =	ssub.s32 $0x2, s5;
	s6 =	sor.u32 s1, s6  }
0x8: {  	_ =	strace $0x80000047;
	s7 =	sor.u32 s8, s7;
	s6 =	smul.u32 $0x500, s6  }
0x9: {  	s30 =	sshrl.u32 s5, $0x1;
	s31 =	sshrl.u32 s29, $0x2;
	s8 =	simm.s32 $0x1  }
0xa: {  	s7 =	sshrl.u32 s7, $0x3;
	s9 =	ssub.s32 s5, s30;
	s6 =	sadd.s32 s6, s4  }
0xb: {  	s5 =	sadd.s32 s31, s2;
	s7 =	sadd.s32 s7, s4;
	s4 =	sadd.s32 $0x2400, s6  }
0xc: {  	v0 =	vimm.f32 $1.000000000e+00;
	v1 =	vimm.f32 $0.0e+00;
	s6 =	sadd.s32 $0xC400, s7;
	s7 =	smax.u32 s9, $0x1;
	s9 =	simm.s32 $0x2880  }
.LBB2_1:
0xd: {  	[tilespmem:s3], [sflag:$0x1] =	stream.linear.gather [hbm4b:s4+s3], $0x2800, $0x38;
	[tilespmem:$0x2D80] =	vst v63  }
0xe: {  	_ =	swait.ge [sflag:s8], $0x2800  }
0xf: {  	[sflag:s8] =	ssyncset.done $0x0  }
0x10: {  	[sflag:s8] =	ssyncadd.s32 $0xFFFFD800  }
0x11: {  	[tilespmem:$0x2800] =	vst v0  }
0x12: {  	[tilespmem:$0x2810] =	vst v0  }
0x13: {  	[tilespmem:$0x2820] =	vst v0  }
0x14: {  	[tilespmem:$0x2830] =	vst v0  }
0x15: {  	[tilespmem:$0x2840] =	vst v0  }
0x16: {  	[tilespmem:$0x2850] =	vst v0  }
0x17: {  	[tilespmem:$0x2860] =	vst v0  }
0x18: {  	[tilespmem:$0x2870] =	vst v0  }
0x19: {  	[tilespmem:$0x2880] =	vst v1  }
0x1a: {  	[tilespmem:$0x2890] =	vst v1  }
0x1b: {  	[tilespmem:$0x28A0] =	vst v1  }
0x1c: {  	[tilespmem:$0x28B0] =	vst v1  }
0x1d: {  	[tilespmem:$0x28C0] =	vst v1  }
0x1e: {  	[tilespmem:$0x28D0] =	vst v1  }
0x1f: {  	[tilespmem:$0x28E0] =	vst v1  }
0x20: {  	[tilespmem:$0x28F0] =	vst v1  }
0x21: {  	[tilespmem:$0x2900] =	vst v1  }
0x22: {  	[tilespmem:$0x2910] =	vst v1  }
0x23: {  	[tilespmem:$0x2920] =	vst v1  }
0x24: {  	[tilespmem:$0x2930] =	vst v1  }
0x25: {  	[tilespmem:$0x2940] =	vst v1  }
0x26: {  	[tilespmem:$0x2950] =	vst v1  }
0x27: {  	[tilespmem:$0x2960] =	vst v1  }
0x28: {  	[tilespmem:$0x2970] =	vst v1  }
0x29: {  	[tilespmem:$0x2980] =	vst v1  }
0x2a: {  	[tilespmem:$0x2990] =	vst v1  }
0x2b: {  	[tilespmem:$0x29A0] =	vst v1  }
0x2c: {  	[tilespmem:$0x29B0] =	vst v1  }
0x2d: {  	[tilespmem:$0x29C0] =	vst v1  }
0x2e: {  	[tilespmem:$0x29D0] =	vst v1  }
0x2f: {  	[tilespmem:$0x29E0] =	vst v1  }
0x30: {  	[tilespmem:$0x29F0] =	vst v1  }
0x31: {  	[tilespmem:$0x2A00] =	vst v1  }
0x32: {  	[tilespmem:$0x2A10] =	vst v1  }
0x33: {  	[tilespmem:$0x2A20] =	vst v1  }
0x34: {  	[tilespmem:$0x2A30] =	vst v1  }
0x35: {  	[tilespmem:$0x2A40] =	vst v1  }
0x36: {  	[tilespmem:$0x2A50] =	vst v1  }
0x37: {  	[tilespmem:$0x2A60] =	vst v1  }
0x38: {  	[tilespmem:$0x2A70] =	vst v1  }
0x39: {  	[tilespmem:$0x2A80] =	vst v1  }
0x3a: {  	[tilespmem:$0x2A90] =	vst v1  }
0x3b: {  	[tilespmem:$0x2AA0] =	vst v1  }
0x3c: {  	[tilespmem:$0x2AB0] =	vst v1  }
0x3d: {  	[tilespmem:$0x2AC0] =	vst v1  }
0x3e: {  	[tilespmem:$0x2AD0] =	vst v1  }
0x3f: {  	[tilespmem:$0x2AE0] =	vst v1  }
0x40: {  	[tilespmem:$0x2AF0] =	vst v1  }
0x41: {  	[spmem:s5] =	stream.linear.scatter [tilespmem:s9], [sflag:$0x1], $0x280, $0x38;
	[tilespmem:$0x2D80] =	vst v63  }
0x42: {  	_ =	swait.ge [sflag:s8], $0x280  }
0x43: {  	[sflag:s8] =	ssyncset.done $0x0  }
0x44: {  	[sflag:s8] =	ssyncadd.s32 $0xFFFFFD80  }
0x45: {  	s14 =	simm.s32 $0x0;
	[bflag:$0x0] =	sbarrier.arrive $0xFFFF  }
0x46: {  	[spmem:s2] =	stream.indirect.scatter.add.f32 [tilespmem:s11], [sflag:$0x1], $0x1, s14, s10, $0xb8;
	[tilespmem:$0x2D80] =	vst v63  }
0x47: {  	_ =	swait.ge [sflag:s8], $0x80  }
0x48: {  	s14 =	simm.s32 $0x200;
	[sflag:s8] =	ssyncset.done $0x0  }
.LBB2_2:
0x49: {  	s15 =	sshra.s32 s14, $0x2;
	[sflag:s8] =	ssyncadd.s32 $0xFFFFFF80;
	p0 =	sne.s32 s14, $0x9E00  }
0x4a: {  	[spmem:s2] =	stream.indirect.scatter.add.f32 [tilespmem:s11], [sflag:$0x1], $0x1, s15, s10, $0xb8;
	[tilespmem:$0x2D80] =	vst v63  }
.Ltmp0:
0x4b: {  	_ = 	snop;
	(pc) =	sbr.rel @p0 .LBB2_2-.Ltmp0, $4  }
0x4c: {  	_ = 	snop  }
0x4d: {  	s14 =	sadd.s32 $0x200, s14  }
0x4e: {  	_ =	swait.ge [sflag:s8], $0x80  }
0x4f: {  	[sflag:s8] =	ssyncset.done $0x0  }
0x50: {  	[sflag:s8] =	ssyncadd.s32 $0xFFFFFF80  }
0x51: {  	[bflag:$0x0] =	sbarrier.arrive $0xFFFF  }
0x52: {  	[tilespmem:s9], [sflag:$0x1] =	stream.linear.gather [spmem:s5], $0x280, $0x38;
	[tilespmem:$0x2D80] =	vst v63  }
0x53: {  	s13 =	sadd.s32 $0x1, s13;
	_ =	swait.ge [sflag:s8], $0x280  }
0x54: {  	p0 =	sne.s32 s13, s7;
	[sflag:s8] =	ssyncset.done $0x0  }
.Ltmp1:
0x55: {  	[sflag:s8] =	ssyncadd.s32 $0xFFFFFD80;
	(pc) =	sbr.rel @p0 .LBB2_1-.Ltmp1, $4  }
0x56: {  	[hbm4b:s6+s10] =	stream.strided.scatter [tilespmem:s9], [sflag:$0x1], $0x280, s12, s10, $0x38;
	[tilespmem:$0x2D80] =	vst v63  }
0x57: {  	_ =	swait.ge [sflag:s8], $0x280  }
0x58: {  	[sflag:s8] =	ssyncset.done $0x0  }
0x59: {  	[sflag:s8] =	ssyncadd.s32 $0xFFFFFD80  }
0x5a: {  	_ =	sfence.sel $0x180000  }
0x5b: {  	[bflag:$0x0] =	sbarrier.arrive $0xFFFF  }
0x5c: {  	p0 =	sne.s32 s1, $0x0;
	_ =	strace $0x90000047  }
0x5d: {  	s0 =	sadd.s32 @!p0 $0x100000, s0;
	[bflag:$0x2] =	sbarrier.arrive $0xFFFF  }
0x5e: {  	[sflag:s0] =	ssyncadd.tile.s32 @!p0 $0x1;
	_ =	shalt  }
.Lfunc_end2:
_tile_overlayer_lowered:
.L_overlay_start_2:
0x5f: {  	(tag) =	ssettag $0x2  }
0x60: {  	s0 =	rddreg [dreg:$0x0];
	s2 =	stileid.u32  }
0x61: {  	s1 =	rddreg [dreg:$0x1];
	p0 =	sne.s32 s2, $0x0  }
0x62: {  	s3 =	rddreg [dreg:$0x2];
	[bflag:$0x3] =	sbarrier.arrive $0xFFFF;
	s2 =	simm.s32 @!p0 $0x1C01  }
0x63: {  	[timem:s3], [sflag:s2] =	dma.local @!p0 [hbm:s0], s1  }
0x64: {  	s0 =	simm.s32 @!p0 $0x1  }
0x65: {  	_ =	swait.ge @!p0 [sflag:s0], s1  }
0x66: {  	s1 =	ssub.s32 @!p0 $0x0, s1;
	[sflag:s0] =	ssyncset.done @!p0 $0x0  }
0x67: {  	[sflag:s0] =	ssyncadd.s32 @!p0 s1  }
0x68: {  	[bflag:$0x3] =	sbarrier.arrive $0xFFFF  }
0x69: {  	_ =	shalt  }

// kernel: kernel.13.cloned.1.call-start
scs
__scs_entry_jumppad:
0x0: {  	(pc) =	sbr.rel $0x88, $3  }
0x1: {  	(tag) =	ssettag $0x0;
	lr =	simm.s32 $0x1  }
0x2: {  	[smem:$0x3F95] =	sst lr;
	_ =	strace $0xD0000000  }
0x3: {  	_ = 	snop  }
0x4: {  	_ = 	snop  }
0x5: {  	_ = 	snop  }
0x6: {  	_ = 	snop  }
0x7: {  	_ = 	snop  }
__scs_overlays_trampoline_lowered:
0x8: {  	[smem:$0x3FA4] =	sst s0  }
0x9: {  	[smem:$0x3FA5] =	sst s1  }
0xa: {  	[smem:$0x3FA6] =	sst s2  }
0xb: {  	[smem:$0x3FA7] =	sst s3  }
0xc: {  	[smem:$0x3FA8] =	sst s4  }
0xd: {  	[smem:$0x3FA9] =	sst s5  }
0xe: {  	[smem:$0x3FAA] =	sst s6  }
0xf: {  	[smem:$0x3FAB] =	sst s7  }
0x10: {  	[smem:$0x3FAC] =	sst s8  }
0x11: {  	[smem:$0x3FAD] =	sst s9;
	s0 =	simm.s32 @!p0 $0x0  }
0x12: {  	s1 =	sld [smem:$0x3F93];
	s0 =	simm.s32 @p0 $0x1  }
0x13: {  	[smem:$0x3FAE] =	sst s0;
	s0 =	simm.s32 @!p1 $0x0  }
0x14: {  	s2 =	sld [smem:$0x3F92];
	s0 =	simm.s32 @p1 $0x1  }
0x15: {  	[smem:$0x3FAF] =	sst s0;
	s0 =	simm.s32 @!p2 $0x0  }
0x16: {  	s3 =	sld [smem:$0x3FDB];
	s0 =	simm.s32 @p2 $0x1  }
0x17: {  	s4 =	simm.s32 $0x1BF5;
	[smem:$0x3FB1] =	sst s0  }
0x18: {  	s0 =	sld [smem:$0x3F94];
	_ =	swait.ge [sflag:s4], $0x0  }
0x19: {  	s7 =	sld [smem:$0x3F95]  }
0x1a: {  	s8 =	sadd.s32 $0xFFFFE003, lr  }
0x1b: {  	s9 =	sadd.s32 $0xFFFFFEF7, lr;
	s5 =	simm.s32 $0xFFFFFFFF;
	p2 =	slt.u32 s8, $0xFFFFF086  }
0x1c: {  	p1 =	slt.u32 s9, $0xF7A;
	s5 =	simm.s32 @!p2 $0x0  }
0x1d: {  	s5 =	simm.s32 @p1 $0x1;
	p0 =	seq.s32 s7, s2  }
0x1e: {  	s7 =	smul.u32 @!p0 $0xF7A, s2;
	p2 =	seq.s32 @!p0 s5, $0x0  }
0x1f: {  	s9 =	smul.u32 $0xF7A, s1;
	s8 =	simm.s32 @!p0 $0x1BF5;
	p2 =	por !p2, p0  }
0x20: {  	[sflag:s8] =	ssyncset.s32 @!p0 $0xFFFFF086;
	s6 =	sadd.s32 @!p0 s3, s7;
	s7 =	simm.s32 @!p0 $0x108  }
0x21: {  	s3 =	sadd.s32 s3, s9;
	s6 =	sadd.s32 @!p0 $0x88, s6;
	s7 =	simm.s32 @p2 $0x1082  }
0x22: {  	[simem:s7], [sflag:s8] =	dma.local @!p0 [hbm:s6], $0xF7A  }
0x23: {  	s9 =	sor.u32 $0xD0000000, s2;
	s6 =	simm.s32 $0x108;
	_ =	swait.ge @!p0 [sflag:s8], $0x0  }
0x24: {  	s3 =	sadd.s32 $0x88, s3;
	s6 =	simm.s32 @!p1 $0x1082;
	[sflag:s4] =	ssyncset.s32 $0xFFFFF086  }
0x25: {  	[simem:s6], [sflag:s4] =	dma.local [hbm:s3], $0xF7A  }
0x26: {  	[smem:$0x3F95] =	sst s1;
	(tag) =	ssettag s2;
	_ =	strace s9  }
0x27: {  	s1 =	sld [smem:$0x3FA5]  }
0x28: {  	s2 =	sld [smem:$0x3FA6]  }
0x29: {  	s4 =	sld [smem:$0x3FA8]  }
0x2a: {  	p0 =	seq.s32 s5, $0x0;
	s5 =	sld [smem:$0x3FA9]  }
0x2b: {  	s6 =	sld [smem:$0x3FAA]  }
0x2c: {  	s7 =	sld [smem:$0x3FAB]  }
0x2d: {  	s3 =	simm.s32 $0x108;
	s8 =	sld [smem:$0x3FAC]  }
0x2e: {  	s3 =	simm.s32 @!p0 $0x1082;
	s9 =	sld [smem:$0x3FAD]  }
0x2f: {  	lr =	sadd.s32 s0, s3;
	s0 =	sld [smem:$0x3FA4]  }
0x30: {  	s3 =	sld [smem:$0x3FA7]  }
0x31: {  	[smem:$0x3FB0] =	sst s10  }
0x32: {  	s10 =	sld [smem:$0x3FAE];
	_ =	sdelay $0x3  }
0x33: {  	p0 =	seq.s32 s10, $0x1;
	s10 =	sld [smem:$0x3FB0];
	_ =	sdelay $0x3  }
0x34: {  	[smem:$0x3FB0] =	sst s10  }
0x35: {  	s10 =	sld [smem:$0x3FAF];
	_ =	sdelay $0x3  }
0x36: {  	p1 =	seq.s32 s10, $0x1;
	s10 =	sld [smem:$0x3FB0];
	_ =	sdelay $0x3  }
0x37: {  	[smem:$0x3FB0] =	sst s10  }
0x38: {  	s10 =	sld [smem:$0x3FB1]  }
0x39: {  	_ = 	snop;
	(pc) =	sbr.ind lr, $3  }
0x3a: {  	_ = 	snop  }
0x3b: {  	_ = 	snop  }
0x3c: {  	p2 =	seq.s32 s10, $0x1;
	s10 =	sld [smem:$0x3FB0]  }
0x3d: {  	_ =	shalt  }
0x3e: {  	_ =	shalt  }
0x3f: {  	_ =	shalt  }
0x40: {  	_ =	shalt  }
0x41: {  	_ =	shalt  }
0x42: {  	_ =	shalt  }
0x43: {  	_ =	shalt  }
0x44: {  	_ =	shalt  }
0x45: {  	_ =	shalt  }
0x46: {  	_ =	shalt  }
0x47: {  	_ =	shalt  }
0x48: {  	_ =	shalt  }
0x49: {  	_ =	shalt  }
0x4a: {  	_ =	shalt  }
0x4b: {  	_ =	shalt  }
0x4c: {  	_ =	shalt  }
0x4d: {  	_ =	shalt  }
0x4e: {  	_ =	shalt  }
0x4f: {  	_ =	shalt  }
0x50: {  	_ =	shalt  }
0x51: {  	_ =	shalt  }
0x52: {  	_ =	shalt  }
0x53: {  	_ =	shalt  }
0x54: {  	_ =	shalt  }
0x55: {  	_ =	shalt  }
0x56: {  	_ =	shalt  }
0x57: {  	_ =	shalt  }
0x58: {  	_ =	shalt  }
0x59: {  	_ =	shalt  }
0x5a: {  	_ =	shalt  }
0x5b: {  	_ =	shalt  }
0x5c: {  	_ =	shalt  }
0x5d: {  	_ =	shalt  }
0x5e: {  	_ =	shalt  }
0x5f: {  	_ =	shalt  }
0x60: {  	_ =	shalt  }
0x61: {  	_ =	shalt  }
0x62: {  	_ =	shalt  }
0x63: {  	_ =	shalt  }
0x64: {  	_ =	shalt  }
0x65: {  	_ =	shalt  }
0x66: {  	_ =	shalt  }
0x67: {  	_ =	shalt  }
0x68: {  	_ =	shalt  }
0x69: {  	_ =	shalt  }
0x6a: {  	_ =	shalt  }
0x6b: {  	_ =	shalt  }
0x6c: {  	_ =	shalt  }
0x6d: {  	_ =	shalt  }
0x6e: {  	_ =	shalt  }
0x6f: {  	_ =	shalt  }
0x70: {  	_ =	shalt  }
0x71: {  	_ =	shalt  }
0x72: {  	_ =	shalt  }
0x73: {  	_ =	shalt  }
0x74: {  	_ =	shalt  }
0x75: {  	_ =	shalt  }
0x76: {  	_ =	shalt  }
0x77: {  	_ =	shalt  }
0x78: {  	_ =	shalt  }
0x79: {  	_ =	shalt  }
0x7a: {  	_ =	shalt  }
0x7b: {  	_ =	shalt  }
0x7c: {  	_ =	shalt  }
0x7d: {  	_ =	shalt  }
0x7e: {  	_ =	shalt  }
0x7f: {  	_ =	shalt  }
0x80: {  	_ =	shalt  }
0x81: {  	_ =	shalt  }
0x82: {  	_ =	shalt  }
0x83: {  	_ =	shalt  }
0x84: {  	_ =	shalt  }
0x85: {  	_ =	shalt  }
0x86: {  	_ =	shalt  }
0x87: {  	_ =	shalt  }
.Lfunc_end0:
.L_simem_size_0:
called_computation.1_lowered:
.L_overlay_start_0:
0x88: {  	s2 =	sld [smem:$0x3FD9]  }
0x89: {  	s3 =	sld [smem:$0x3FFE];
	_ =	sdelay $0x1  }
0x8a: {  	s1 =	srdreg.scid  }
0x8b: {  	s0 =	sand.u32 $0x1, s1  }
0x8c: {  	s17 =	sshll.u32 s0, $0xA;
	s2 =	sadd.s32 s3, s2  }
0x8d: {  	s2 =	sadd.s32 s2, s17  }
0x8e: {  	[smem:$0x3FBC] =	sst s2  }
0x8f: {  	_ = 	snop  }
0x90: {  	s2 =	sld [smem:$0x3FD0];
	(tm) =	ssettm $0x1  }
0x91: {  	s18 =	sld [smem:$0x3FFB];
	_ =	sdelay $0x3  }
0x92: {  	_ =	strace s18  }
0x93: {  	s3 =	sld [smem:$0x3FFC];
	_ =	sdelay $0x3  }
0x94: {  	_ =	strace s3  }
0x95: {  	s3 =	sld [smem:$0x3FFD];
	_ =	sdelay $0x3  }
0x96: {  	_ =	strace s3  }
0x97: {  	_ =	strace $0x8FFFFFFF  }
0x98: {  	s19 =	sld [smem:$0x3FDB];
	_ =	sdelay $0x1  }
0x99: {  	s4 =	simm.s32 $_scs_section_size  }
0x9a: {  	s5 =	simm.s32 $_size__tile_overlayer_lowered;
	s6 =	simm.s32 $_tile_overlayer_lowered  }
0x9b: {  	s22 =	simm.s32 $0x1BFF;
	s21 =	sshll.u32 s6, $0x1;
	s3 =	sadd.s32 s4, s19  }
0x9c: {  	s7 =	simm.s32 $0x0;
	s20 =	sshll.u32 s5, $0x1;
	s5 =	sadd.s32 s21, s3  }
0x9d: {  	[timem:s7], [sflag:s22] =	dma.local [hbm:s5], s20  }
0x9e: {  	_ =	swait.ge [sflag:s22], s20  }
0x9f: {  	s4 =	ssub.s32 $0x0, s20;
	[sflag:s22] =	ssyncset.done $0x0  }
0xa0: {  	[sflag:s22] =	ssyncadd.s32 s4;
	_ =	sdelay $0x1  }
0xa1: {  	s23 =	simm.s32 $0x1B8B  }
0xa2: {  	_ =	swait.ge [sflag:s23], $0x1  }
0xa3: {  	[sflag:s23] =	ssyncset.done $0x0  }
0xa4: {  	s25 =	simm.s32 $0x1B8E;
	s24 =	sld [smem:$0x3FFE];
	[sflag:s23] =	ssyncadd.s32 $0xFFFFFFFF  }
0xa5: {  	s26 =	simm.s32 $execute0_lowered;
	[smem:$0x3FD2] =	sst s25  }
0xa6: {  	s5 =	sshll.u32 s26, $0x1;
	_ =	strace $0x80000049;
	[dreg:$0x1] =	wrdreg $0xFFFFFFFF  }
0xa7: {  	s28 =	simm.s32 $_size_execute0_lowered;
	s3 =	sadd.s32 s3, s5;
	[dreg:$0x0] =	wrdreg $0x0  }
0xa8: {  	s5 =	sshll.u32 s28, $0x1;
	[dreg:$0x2] =	wrdreg s3  }
0xa9: {  	[dreg:$0x3] =	wrdreg s5  }
0xaa: {  	[dreg:$0x4] =	wrdreg $0xC0  }
0xab: {  	_ =	task [dreg:s7], $0x5FFFF  }
0xac: {  	[dreg:$0x1] =	wrdreg $0xFFFFFFFF  }
0xad: {  	[dreg:$0x0] =	wrdreg $0x60  }
0xae: {  	[dreg:$0x2] =	wrdreg s24  }
0xaf: {  	[dreg:$0x3] =	wrdreg s2  }
0xb0: {  	[dreg:$0x4] =	wrdreg $0x88000  }
0xb1: {  	[dreg:$0x5] =	wrdreg $0x128000  }
0xb2: {  	[dreg:$0x6] =	wrdreg $0x9  }
0xb3: {  	_ =	task.clear_ibuf [dreg:s7], $0x7FFFF;
	_ =	strace $0x90000049  }
0xb4: {  	s29 =	simm.s32 $0x9;
	_ =	strace $0x8000004B  }
0xb5: {  	_ =	swait.ge [sflag:s29], $0x1  }
0xb6: {  	[sflag:s29] =	ssyncadd.s32 $0xFFFFFFFF  }
0xb7: {  	_ =	strace $0x9000004B  }
0xb8: {  	_ =	sfence  }
0xb9: {  	s30 =	sld [smem:$0x0];
	_ =	sdelay $0x2  }
0xba: {  	s31 =	sshll.u32 s1, $0xD;
	s1 =	sshrl.u32 s1, $0x2  }
0xbb: {  	s3 =	sand.u32 $0x4000, s31;
	s1 =	sadd.s32 s1, s30  }
0xbc: {  	s0 =	sor.u32 s3, s0;
	s1 =	sshll.u32 s1, $0x11  }
0xbd: {  	s0 =	sor.u32 s1, s0  }
0xbe: {  	s0 =	sadd.s32 $0x8F2B, s0  }
0xbf: {  	[sflag:s0] =	ssyncadd.remote.s32 $0x1  }
0xc0: {  	_ =	sfence.sel $0xFFFF  }
0xc1: {  	[dreg:$0x0] =	wrdreg $0xFFFFFFFF;
	(pc) =	sbr.abs _section_cstart, $3  }
0xc2: {  	[dreg:$0x1] =	wrdreg $0xFFFFFFFF  }
0xc3: {  	_ =	task.clear_ibuf [dreg:s7], $0x2FFFF;
	_ =	strace $0x9FFFFFFF  }
0xc4: {  	(tm) =	ssettm $0x7FFFFFFF  }
0xc5: {  	_ =	shalt  }
tec
execute0_lowered:
.L_overlay_start_1:
0x0: {  	(tag) =	ssettag $0x1  }
0x1: {  	s0 =	rddreg [dreg:$0x0]  }
0x2: {  	s2 =	rddreg [dreg:$0x1]  }
0x3: {  	s1 =	rddreg [dreg:$0x2]  }
0x4: {  	s3 =	rddreg [dreg:$0x3]  }
0x5: {  	s4 =	simm.s32 $0x0;
	s5 =	srdreg.scid;
	s17 =	stileid.u32  }
0x6: {  	s31 =	simm.s32 $0x800;
	[smem:$0x7FF] =	sst s4;
	s6 =	smul.u32 $0x280, s17  }
0x7: {  	s5 =	sand.u32 $0x1, s5;
	s7 =	sadd.s32 $0x66E00, s0;
	s22 =	smul.u32 $0xA000, s17  }
0x8: {  	s9 =	sadd.s32 $0xCE00, s0;
	s0 =	sadd.s32 $0x16E00, s0;
	s17 =	smul.u32 $0xA00, s17  }
0x9: {  	_ =	strace $0x8000004A;
	s8 =	smul.u32 $0x2800, s5;
	s10 =	ssub.s32 $0x2, s5  }
0xa: {  	s5 =	smul.u32 $0xA0000, s5;
	s11 =	sshrl.u32 s10, $0x1;
	s13 =	sadd.s32 $0x80, s6  }
0xb: {  	s21 =	sadd.s32 $0x100, s6;
	s15 =	sadd.s32 $0x180, s6;
	s25 =	sor.u32 $0x20, s17  }
0xc: {  	s12 =	sadd.s32 s6, s8;
	s14 =	ssub.s32 s10, s11;
	s19 =	sadd.s32 s8, s13  }
0xd: {  	s23 =	sadd.s32 s8, s21;
	s13 =	sshll.u32 s13, $0x6;
	s24 =	sadd.s32 s8, s15  }
0xe: {  	s6 =	sadd.s32 $0x200, s6;
	s16 =	sshll.u32 s21, $0x6;
	s15 =	sshll.u32 s15, $0x6  }
0xf: {  	s11 =	sadd.s32 s2, s17;
	s26 =	sadd.s32 s22, s5;
	s2 =	sadd.s32 s2, s25  }
0x10: {  	s18 =	sshll.u32 s12, $0x3;
	s20 =	sshll.u32 s19, $0x3;
	s8 =	sadd.s32 s8, s6  }
0x11: {  	s6 =	sshll.u32 s6, $0x6;
	s28 =	sadd.s32 s5, s13;
	[dreg:$0xb] =	wrdreg s2  }
0x12: {  	s21 =	sadd.s32 s13, s1;
	s12 =	simm.s32 $0x5;
	s10 =	sadd.s32 s7, s18  }
0x13: {  	s8 =	sshll.u32 s8, $0x3;
	s30 =	sshrl.u32 s28, $0x3;
	[dreg:$0x12] =	wrdreg s21  }
0x14: {  	s18 =	sadd.s32 s5, s15;
	s28 =	sadd.s32 s6, s1;
	[dreg:$0x5] =	wrdreg s10  }
0x15: {  	s29 =	sadd.s32 s6, s3;
	s10 =	sadd.s32 s7, s20;
	[dreg:$0x17] =	wrdreg s28  }
0x16: {  	s21 =	simm.s32 $0x8;
	s20 =	sadd.s32 s22, s1;
	[dreg:$0x6] =	wrdreg s10  }
0x17: {  	s10 =	sshll.u32 s23, $0x3;
	[dreg:$0x11] =	wrdreg s20;
	s23 =	sadd.s32 s13, s3  }
0x18: {  	s22 =	sadd.s32 s22, s3;
	s10 =	sadd.s32 s7, s10;
	[dreg:$0x13] =	wrdreg s23  }
0x19: {  	[dreg:$0x7] =	wrdreg s10;
	s10 =	sshll.u32 s24, $0x3;
	s24 =	sadd.s32 s16, s1  }
0x1a: {  	s13 =	simm.s32 $0x200;
	s10 =	sadd.s32 s7, s10;
	[dreg:$0x14] =	wrdreg s24  }
0x1b: {  	s23 =	simm.s32 $0x4;
	s7 =	sadd.s32 s7, s8;
	[dreg:$0x8] =	wrdreg s10  }
0x1c: {  	s8 =	sshrl.u32 s26, $0x3;
	s26 =	sadd.s32 s15, s1;
	[dreg:$0x9] =	wrdreg s7  }
0x1d: {  	s10 =	sadd.s32 s9, s17;
	s9 =	sadd.s32 s9, s25;
	s8 =	sadd.s32 s0, s8  }
0x1e: {  	s17 =	sadd.s32 s5, s16;
	s5 =	sadd.s32 s5, s6;
	s7 =	sshrl.u32 s18, $0x3  }
0x1f: {  	s25 =	sadd.s32 s16, s3;
	[dreg:$0x16] =	wrdreg s26;
	s26 =	sadd.s32 s15, s3  }
0x20: {  	s6 =	simm.s32 $0x500;
	s15 =	simm.s32 $0x7;
	[dreg:$0xa] =	wrdreg s9  }
0x21: {  	s16 =	simm.s32 $0x3;
	s18 =	simm.s32 $0x300;
	[dreg:$0xc] =	wrdreg s8  }
0x22: {  	s9 =	sadd.s32 s0, s30;
	s2 =	sshrl.u32 s17, $0x3;
	s5 =	sshrl.u32 s5, $0x3  }
0x23: {  	s19 =	sadd.s32 s0, s7;
	[dreg:$0x15] =	wrdreg s25;
	s30 =	smax.u32 s14, $0x1  }
0x24: {  	s7 =	simm.s32 $0x1;
	s8 =	simm.s32 $0x2;
	s14 =	simm.s32 $0x600  }
.Ltmp0:
0x25: {  	s17 =	simm.s32 $0x6;
	[dreg:$0xd] =	wrdreg s9;
	(pc) =	sbr.rel .LBB2_1-.Ltmp0, $4  }
0x26: {  	s25 =	simm.s32 $0x0;
	s2 =	sadd.s32 s0, s2;
	[dreg:$0xf] =	wrdreg s19  }
0x27: {  	s0 =	sadd.s32 s0, s5;
	[dreg:$0x18] =	wrdreg s30;
	s5 =	simm.s32 $0x100  }
0x28: {  	s9 =	simm.s32 $0x4800;
	s19 =	simm.s32 $0x700;
	[dreg:$0xe] =	wrdreg s2  }
0x29: {  	v0 =	vimm.f32 $0.0e+00;
	[dreg:$0x10] =	wrdreg s0;
	s0 =	simm.s32 $0x9;
	s2 =	simm.s32 $0x400  }
.LBB2_6:
0x2a: {  	[spmem:s3] =	stream.indirect.scatter.add.f32 [tilespmem:s31], [sflag:$0x7], $0x40, s14, s5, $0xb8;
	[tilespmem:$0x1C800] =	vst v63  }
0x2b: {  	_ =	swait.ge [sflag:s17], $0x4000  }
0x2c: {  	[sflag:s17] =	ssyncset.done $0x0  }
0x2d: {  	[sflag:s17] =	ssyncadd.s32 $0xFFFFC000  }
0x2e: {  	[spmem:s3] =	stream.indirect.scatter.add.f32 [tilespmem:s9], [sflag:$0x8], $0x40, s19, s5, $0xb8;
	[tilespmem:$0x1C800] =	vst v63  }
0x2f: {  	_ =	swait.ge [sflag:s15], $0x4000  }
0x30: {  	[sflag:s15] =	ssyncset.done $0x0  }
0x31: {  	[sflag:s15] =	ssyncadd.s32 $0xFFFFC000  }
0x32: {  	_ =	swait.ge [sflag:s21], $0x4000  }
0x33: {  	[sflag:s21] =	ssyncset.done $0x0  }
0x34: {  	[sflag:s21] =	ssyncadd.s32 $0xFFFFC000  }
0x35: {  	[bflag:$0x0] =	sbarrier.arrive $0xFFFF  }
0x36: {  	[tilespmem:s31], [sflag:$0x9] =	stream.linear.gather [spmem:s24], $0x2000, $0x38;
	[tilespmem:$0x1C800] =	vst v63  }
0x37: {  	_ =	swait.ge [sflag:s0], $0x2000  }
0x38: {  	[sflag:s0] =	ssyncset.done $0x0  }
0x39: {  	s20 =	rddreg [dreg:$0xc];
	[sflag:s0] =	ssyncadd.s32 $0xFFFFE000  }
0x3a: {  	[hbm4b:s20+s4] =	stream.linear.scatter [tilespmem:s31], [sflag:$0x9], $0x2000, $0x38;
	[tilespmem:$0x1C800] =	vst v63  }
0x3b: {  	_ =	swait.ge [sflag:s0], $0x2000  }
0x3c: {  	[sflag:s0] =	ssyncset.done $0x0  }
0x3d: {  	s30 =	rddreg [dreg:$0x13];
	[sflag:s0] =	ssyncadd.s32 $0xFFFFE000  }
0x3e: {  	[tilespmem:s31], [sflag:$0x9] =	stream.linear.gather [spmem:s30], $0x2000, $0x38;
	[tilespmem:$0x1C800] =	vst v63  }
0x3f: {  	_ =	swait.ge [sflag:s0], $0x2000  }
0x40: {  	[sflag:s0] =	ssyncset.done $0x0  }
0x41: {  	s22 =	smov.u32 s24;
	s24 =	rddreg [dreg:$0xd];
	[sflag:s0] =	ssyncadd.s32 $0xFFFFE000  }
0x42: {  	[hbm4b:s24+s4] =	stream.linear.scatter [tilespmem:s31], [sflag:$0x9], $0x2000, $0x38;
	[tilespmem:$0x1C800] =	vst v63  }
0x43: {  	_ =	swait.ge [sflag:s0], $0x2000  }
0x44: {  	[sflag:s0] =	ssyncset.done $0x0  }
0x45: {  	s28 =	rddreg [dreg:$0x15];
	[sflag:s0] =	ssyncadd.s32 $0xFFFFE000  }
0x46: {  	[tilespmem:s31], [sflag:$0x9] =	stream.linear.gather [spmem:s28], $0x2000, $0x38;
	[tilespmem:$0x1C800] =	vst v63  }
0x47: {  	_ =	swait.ge [sflag:s0], $0x2000  }
0x48: {  	[sflag:s0] =	ssyncset.done $0x0  }
0x49: {  	s30 =	rddreg [dreg:$0xe];
	[sflag:s0] =	ssyncadd.s32 $0xFFFFE000  }
0x4a: {  	[hbm4b:s30+s4] =	stream.linear.scatter [tilespmem:s31], [sflag:$0x9], $0x2000, $0x38;
	[tilespmem:$0x1C800] =	vst v63  }
0x4b: {  	_ =	swait.ge [sflag:s0], $0x2000  }
0x4c: {  	[sflag:s0] =	ssyncset.done $0x0  }
0x4d: {  	[sflag:s0] =	ssyncadd.s32 $0xFFFFE000  }
0x4e: {  	[tilespmem:s31], [sflag:$0x9] =	stream.linear.gather [spmem:s26], $0x2000, $0x38;
	[tilespmem:$0x1C800] =	vst v63  }
0x4f: {  	_ =	swait.ge [sflag:s0], $0x2000  }
0x50: {  	[sflag:s0] =	ssyncset.done $0x0  }
0x51: {  	s24 =	rddreg [dreg:$0xf];
	[sflag:s0] =	ssyncadd.s32 $0xFFFFE000  }
0x52: {  	[hbm4b:s24+s4] =	stream.linear.scatter [tilespmem:s31], [sflag:$0x9], $0x2000, $0x38;
	[tilespmem:$0x1C800] =	vst v63  }
0x53: {  	_ =	swait.ge [sflag:s0], $0x2000  }
0x54: {  	[sflag:s0] =	ssyncset.done $0x0  }
0x55: {  	[sflag:s0] =	ssyncadd.s32 $0xFFFFE000  }
0x56: {  	[tilespmem:s31], [sflag:$0x9] =	stream.linear.gather [spmem:s29], $0x2000, $0x38;
	[tilespmem:$0x1C800] =	vst v63  }
0x57: {  	_ =	swait.ge [sflag:s0], $0x2000  }
0x58: {  	[sflag:s0] =	ssyncset.done $0x0  }
0x59: {  	s28 =	rddreg [dreg:$0x10];
	[sflag:s0] =	ssyncadd.s32 $0xFFFFE000  }
0x5a: {  	[hbm4b:s28+s4] =	stream.linear.scatter [tilespmem:s31], [sflag:$0x9], $0x2000, $0x38;
	[tilespmem:$0x1C800] =	vst v63  }
0x5b: {  	_ =	swait.ge [sflag:s0], $0x2000  }
0x5c: {  	s25 =	sadd.s32 $0x1, s25;
	s30 =	rddreg [dreg:$0x18]  }
0x5d: {  	p0 =	sne.s32 s25, s30  }
.Ltmp1:
0x5e: {  	_ = 	snop;
	(pc) =	sbr.rel @!p0 .LBB2_7-.Ltmp1, $3  }
0x5f: {  	_ =	sdelay $0x1  }
0x60: {  	[sflag:s0] =	ssyncset.done $0x0  }
0x61: {  	[sflag:s0] =	ssyncadd.s32 $0xFFFFE000  }
.LBB2_1:
0x62: {  	s20 =	rddreg [dreg:$0x5]  }
0x63: {  	[tilespmem:s31], [sflag:$0x9] =	stream.linear.gather [hbm4b:s20+s4], $0x2000, $0x38;
	[tilespmem:$0x1C800] =	vst v63  }
0x64: {  	_ =	swait.ge [sflag:s0], $0x2000  }
0x65: {  	[sflag:s0] =	ssyncset.done $0x0  }
0x66: {  	s30 =	rddreg [dreg:$0x11];
	[sflag:s0] =	ssyncadd.s32 $0xFFFFE000  }
0x67: {  	[spmem:s30] =	stream.linear.scatter [tilespmem:s31], [sflag:$0x9], $0x2000, $0x38;
	[tilespmem:$0x1C800] =	vst v63  }
0x68: {  	_ =	swait.ge [sflag:s0], $0x2000  }
0x69: {  	[sflag:s0] =	ssyncset.done $0x0  }
0x6a: {  	s24 =	rddreg [dreg:$0x6];
	[sflag:s0] =	ssyncadd.s32 $0xFFFFE000  }
0x6b: {  	[tilespmem:s31], [sflag:$0x9] =	stream.linear.gather [hbm4b:s24+s4], $0x2000, $0x38;
	[tilespmem:$0x1C800] =	vst v63  }
0x6c: {  	_ =	swait.ge [sflag:s0], $0x2000  }
0x6d: {  	[sflag:s0] =	ssyncset.done $0x0  }
0x6e: {  	s30 =	rddreg [dreg:$0x12];
	[sflag:s0] =	ssyncadd.s32 $0xFFFFE000  }
0x6f: {  	[spmem:s30] =	stream.linear.scatter [tilespmem:s31], [sflag:$0x9], $0x2000, $0x38;
	[tilespmem:$0x1C800] =	vst v63  }
0x70: {  	_ =	swait.ge [sflag:s0], $0x2000  }
0x71: {  	[sflag:s0] =	ssyncset.done $0x0  }
0x72: {  	s24 =	rddreg [dreg:$0x7];
	[sflag:s0] =	ssyncadd.s32 $0xFFFFE000  }
0x73: {  	[tilespmem:s31], [sflag:$0x9] =	stream.linear.gather [hbm4b:s24+s4], $0x2000, $0x38;
	[tilespmem:$0x1C800] =	vst v63  }
0x74: {  	_ =	swait.ge [sflag:s0], $0x2000  }
0x75: {  	[sflag:s0] =	ssyncset.done $0x0  }
0x76: {  	s30 =	rddreg [dreg:$0x14];
	[sflag:s0] =	ssyncadd.s32 $0xFFFFE000  }
0x77: {  	[spmem:s30] =	stream.linear.scatter [tilespmem:s31], [sflag:$0x9], $0x2000, $0x38;
	[tilespmem:$0x1C800] =	vst v63  }
0x78: {  	_ =	swait.ge [sflag:s0], $0x2000  }
0x79: {  	[sflag:s0] =	ssyncset.done $0x0  }
0x7a: {  	s24 =	rddreg [dreg:$0x8];
	[sflag:s0] =	ssyncadd.s32 $0xFFFFE000  }
0x7b: {  	[tilespmem:s31], [sflag:$0x9] =	stream.linear.gather [hbm4b:s24+s4], $0x2000, $0x38;
	[tilespmem:$0x1C800] =	vst v63  }
0x7c: {  	_ =	swait.ge [sflag:s0], $0x2000  }
0x7d: {  	[sflag:s0] =	ssyncset.done $0x0  }
0x7e: {  	s30 =	rddreg [dreg:$0x16];
	[sflag:s0] =	ssyncadd.s32 $0xFFFFE000  }
0x7f: {  	[spmem:s30] =	stream.linear.scatter [tilespmem:s31], [sflag:$0x9], $0x2000, $0x38;
	[tilespmem:$0x1C800] =	vst v63  }
0x80: {  	_ =	swait.ge [sflag:s0], $0x2000  }
0x81: {  	[sflag:s0] =	ssyncset.done $0x0  }
0x82: {  	s24 =	rddreg [dreg:$0x9];
	[sflag:s0] =	ssyncadd.s32 $0xFFFFE000  }
0x83: {  	[tilespmem:s31], [sflag:$0x9] =	stream.linear.gather [hbm4b:s24+s4], $0x2000, $0x38;
	[tilespmem:$0x1C800] =	vst v63  }
0x84: {  	_ =	swait.ge [sflag:s0], $0x2000  }
0x85: {  	[sflag:s0] =	ssyncset.done $0x0  }
0x86: {  	s30 =	rddreg [dreg:$0x17];
	[sflag:s0] =	ssyncadd.s32 $0xFFFFE000  }
0x87: {  	[spmem:s30] =	stream.linear.scatter [tilespmem:s31], [sflag:$0x9], $0x2000, $0x38;
	[tilespmem:$0x1C800] =	vst v63  }
0x88: {  	_ =	swait.ge [sflag:s0], $0x2000  }
0x89: {  	[sflag:s0] =	ssyncset.done $0x0  }
0x8a: {  	s28 =	simm.s32 $0x100;
	s20 =	simm.s32 $0x0;
	[sflag:s0] =	ssyncadd.s32 $0xFFFFE000  }
.LBB2_2:
0x8b: {  	p0 =	sne.s32 s28, $0x7F00;
	[tilespmem:s20+$0x830] =	vst v0;
	s30 =	smov.u32 s28;
	s28 =	sadd.s32 $0x100, s28  }
.Ltmp2:
0x8c: {  	[tilespmem:s20+$0x820] =	vst v0;
	(pc) =	sbr.rel @p0 .LBB2_2-.Ltmp2, $3  }
0x8d: {  	[tilespmem:s20+$0x800] =	vst v0  }
0x8e: {  	[tilespmem:s20+$0x810] =	vst v0;
	_ =	sdelay $0x1  }
0x8f: {  	s20 =	sshra.s32 s30, $0x2  }
0x90: {  	[tilespmem:s20+$0x830] =	vst v0  }
0x91: {  	[tilespmem:s20+$0x820] =	vst v0  }
0x92: {  	[tilespmem:s20+$0x800] =	vst v0  }
0x93: {  	[tilespmem:s20+$0x810] =	vst v0  }
0x94: {  	[spmem:s22] =	stream.linear.scatter [tilespmem:s31], [sflag:$0x9], $0x2000, $0x38;
	[tilespmem:$0x1C800] =	vst v63  }
0x95: {  	_ =	swait.ge [sflag:s0], $0x2000  }
0x96: {  	[sflag:s0] =	ssyncset.done $0x0  }
0x97: {  	s24 =	smov.u32 s22;
	s22 =	rddreg [dreg:$0x13];
	[sflag:s0] =	ssyncadd.s32 $0xFFFFE000  }
0x98: {  	[spmem:s22] =	stream.linear.scatter [tilespmem:s31], [sflag:$0x9], $0x2000, $0x38;
	[tilespmem:$0x1C800] =	vst v63  }
0x99: {  	_ =	swait.ge [sflag:s0], $0x2000  }
0x9a: {  	[sflag:s0] =	ssyncset.done $0x0  }
0x9b: {  	s30 =	rddreg [dreg:$0x15];
	[sflag:s0] =	ssyncadd.s32 $0xFFFFE000  }
0x9c: {  	[spmem:s30] =	stream.linear.scatter [tilespmem:s31], [sflag:$0x9], $0x2000, $0x38;
	[tilespmem:$0x1C800] =	vst v63  }
0x9d: {  	_ =	swait.ge [sflag:s0], $0x2000  }
0x9e: {  	[sflag:s0] =	ssyncset.done $0x0  }
0x9f: {  	[sflag:s0] =	ssyncadd.s32 $0xFFFFE000  }
0xa0: {  	[spmem:s26] =	stream.linear.scatter [tilespmem:s31], [sflag:$0x9], $0x2000, $0x38;
	[tilespmem:$0x1C800] =	vst v63  }
0xa1: {  	_ =	swait.ge [sflag:s0], $0x2000  }
0xa2: {  	[sflag:s0] =	ssyncset.done $0x0  }
0xa3: {  	[sflag:s0] =	ssyncadd.s32 $0xFFFFE000  }
0xa4: {  	[spmem:s29] =	stream.linear.scatter [tilespmem:s31], [sflag:$0x9], $0x2000, $0x38;
	[tilespmem:$0x1C800] =	vst v63  }
0xa5: {  	_ =	swait.ge [sflag:s0], $0x2000  }
0xa6: {  	[sflag:s0] =	ssyncset.done $0x0  }
0xa7: {  	[sflag:s0] =	ssyncadd.s32 $0xFFFFE000  }
0xa8: {  	s28 =	simm.s32 $0x0;
	[bflag:$0x0] =	sbarrier.arrive $0xFFFF  }
0xa9: {  	[tilespmem:s28], [sflag:$0x1] =	stream.linear.gather [hbm4b:s10+s28], $0x100, $0x38;
	[tilespmem:$0x1C800] =	vst v63  }
0xaa: {  	_ = 	snop  }
0xab: {  	[tilespmem:s2], [sflag:$0x1] =	stream.linear.gather [hbm4b:s11+s28], $0x100, $0x38;
	[tilespmem:$0x1C800] =	vst v63  }
0xac: {  	s22 =	rddreg [dreg:$0xa]  }
0xad: {  	[tilespmem:s5], [sflag:$0x2] =	stream.linear.gather [hbm4b:s22+s28], $0x100, $0x38;
	[tilespmem:$0x1C800] =	vst v63  }
0xae: {  	s30 =	rddreg [dreg:$0xb]  }
0xaf: {  	[tilespmem:s6], [sflag:$0x2] =	stream.linear.gather [hbm4b:s30+s28], $0x100, $0x38;
	[tilespmem:$0x1C800] =	vst v63  }
0xb0: {  	_ =	swait.ge [sflag:s7], $0x100  }
0xb1: {  	[sflag:s7] =	ssyncset.done $0x0  }
0xb2: {  	[sflag:s7] =	ssyncadd.s32 $0xFFFFFF00  }
0xb3: {  	_ =	swait.ge [sflag:s7], $0x100  }
0xb4: {  	[sflag:s7] =	ssyncset.done $0x0  }
0xb5: {  	[sflag:s7] =	ssyncadd.s32 $0xFFFFFF00  }
0xb6: {  	[tilespmem:s31], [sflag:$0x5] =	stream.indirect.gather [spmem:s1], $0x40, s28, s5, $0xb8;
	[tilespmem:$0x1C800] =	vst v63  }
0xb7: {  	_ =	swait.ge [sflag:s8], $0x100  }
0xb8: {  	[sflag:s8] =	ssyncset.done $0x0  }
0xb9: {  	[sflag:s8] =	ssyncadd.s32 $0xFFFFFF00  }
0xba: {  	_ =	swait.ge [sflag:s8], $0x100  }
0xbb: {  	[sflag:s8] =	ssyncset.done $0x0  }
0xbc: {  	[sflag:s8] =	ssyncadd.s32 $0xFFFFFF00  }
0xbd: {  	[tilespmem:s9], [sflag:$0x6] =	stream.indirect.gather [spmem:s1], $0x40, s5, s5, $0xb8;
	[tilespmem:$0x1C800] =	vst v63  }
.LBB2_4:
0xbe: {  	_ =	swait.ge [sflag:s12], $0x4000  }
0xbf: {  	s30 =	sadd.s32 s28, s10;
	[sflag:s12] =	ssyncset.done $0x0  }
0xc0: {  	s20 =	sadd.s32 $0x40, s30;
	[sflag:s12] =	ssyncadd.s32 $0xFFFFC000  }
0xc1: {  	[tilespmem:s13], [sflag:$0x3] =	stream.linear.gather [hbm4b:s20+s4], $0x100, $0x38;
	[tilespmem:$0x1C800] =	vst v63  }
0xc2: {  	s20 =	sadd.s32 s28, s11  }
0xc3: {  	s22 =	sadd.s32 $0x40, s20  }
0xc4: {  	[tilespmem:s14], [sflag:$0x3] =	stream.linear.gather [hbm4b:s22+s4], $0x100, $0x38;
	[tilespmem:$0x1C800] =	vst v63  }
0xc5: {  	_ = 	snop  }
0xc6: {  	[spmem:s3] =	stream.indirect.scatter.add.f32 [tilespmem:s31], [sflag:$0x7], $0x40, s2, s5, $0xb8;
	[tilespmem:$0x1C800] =	vst v63  }
0xc7: {  	_ =	swait.ge [sflag:s15], $0x4000  }
0xc8: {  	[sflag:s15] =	ssyncset.done $0x0  }
0xc9: {  	[sflag:s15] =	ssyncadd.s32 $0xFFFFC000  }
0xca: {  	_ =	swait.ge [sflag:s16], $0x100  }
0xcb: {  	[sflag:s16] =	ssyncset.done $0x0  }
0xcc: {  	[sflag:s16] =	ssyncadd.s32 $0xFFFFFF00  }
0xcd: {  	_ =	swait.ge [sflag:s16], $0x100  }
0xce: {  	[sflag:s16] =	ssyncset.done $0x0  }
0xcf: {  	[sflag:s16] =	ssyncadd.s32 $0xFFFFFF00  }
0xd0: {  	[tilespmem:s31], [sflag:$0x5] =	stream.indirect.gather [spmem:s1], $0x40, s13, s5, $0xb8;
	[tilespmem:$0x1C800] =	vst v63  }
0xd1: {  	_ =	swait.ge [sflag:s17], $0x4000  }
0xd2: {  	[sflag:s17] =	ssyncset.done $0x0  }
0xd3: {  	s22 =	sadd.s32 $0x60, s30;
	[sflag:s17] =	ssyncadd.s32 $0xFFFFC000  }
0xd4: {  	[tilespmem:s18], [sflag:$0x4] =	stream.linear.gather [hbm4b:s22+s4], $0x100, $0x38;
	[tilespmem:$0x1C800] =	vst v63  }
0xd5: {  	s22 =	sadd.s32 $0x60, s20  }
0xd6: {  	[tilespmem:s19], [sflag:$0x4] =	stream.linear.gather [hbm4b:s22+s4], $0x100, $0x38;
	[tilespmem:$0x1C800] =	vst v63  }
0xd7: {  	_ = 	snop  }
0xd8: {  	[spmem:s3] =	stream.indirect.scatter.add.f32 [tilespmem:s9], [sflag:$0x8], $0x40, s6, s5, $0xb8;
	[tilespmem:$0x1C800] =	vst v63  }
0xd9: {  	_ =	swait.ge [sflag:s21], $0x4000  }
0xda: {  	[sflag:s21] =	ssyncset.done $0x0  }
0xdb: {  	[sflag:s21] =	ssyncadd.s32 $0xFFFFC000  }
0xdc: {  	_ =	swait.ge [sflag:s23], $0x100  }
0xdd: {  	[sflag:s23] =	ssyncset.done $0x0  }
0xde: {  	[sflag:s23] =	ssyncadd.s32 $0xFFFFFF00  }
0xdf: {  	_ =	swait.ge [sflag:s23], $0x100  }
0xe0: {  	p0 =	seq.s32 s28, $0x980;
	[sflag:s23] =	ssyncset.done $0x0  }
.Ltmp3:
0xe1: {  	[sflag:s23] =	ssyncadd.s32 $0xFFFFFF00;
	(pc) =	sbr.rel @p0 .LBB2_6-.Ltmp3, $4  }
0xe2: {  	[tilespmem:s9], [sflag:$0x6] =	stream.indirect.gather [spmem:s1], $0x40, s18, s5, $0xb8;
	[tilespmem:$0x1C800] =	vst v63  }
0xe3: {  	_ =	swait.ge [sflag:s12], $0x4000  }
0xe4: {  	[sflag:s12] =	ssyncset.done $0x0  }
0xe5: {  	[sflag:s12] =	ssyncadd.s32 $0xFFFFC000  }
0xe6: {  	s22 =	sadd.s32 $0x80, s30  }
0xe7: {  	[tilespmem:s4], [sflag:$0x1] =	stream.linear.gather [hbm4b:s22+s4], $0x100, $0x38;
	[tilespmem:$0x1C800] =	vst v63  }
0xe8: {  	s22 =	sadd.s32 $0x80, s20  }
0xe9: {  	[tilespmem:s2], [sflag:$0x1] =	stream.linear.gather [hbm4b:s22+s4], $0x100, $0x38;
	[tilespmem:$0x1C800] =	vst v63  }
0xea: {  	_ = 	snop  }
0xeb: {  	[spmem:s3] =	stream.indirect.scatter.add.f32 [tilespmem:s31], [sflag:$0x7], $0x40, s14, s5, $0xb8;
	[tilespmem:$0x1C800] =	vst v63  }
0xec: {  	_ =	swait.ge [sflag:s15], $0x4000  }
0xed: {  	[sflag:s15] =	ssyncset.done $0x0  }
0xee: {  	[sflag:s15] =	ssyncadd.s32 $0xFFFFC000  }
0xef: {  	_ =	swait.ge [sflag:s7], $0x100  }
0xf0: {  	[sflag:s7] =	ssyncset.done $0x0  }
0xf1: {  	[sflag:s7] =	ssyncadd.s32 $0xFFFFFF00  }
0xf2: {  	_ =	swait.ge [sflag:s7], $0x100  }
0xf3: {  	[sflag:s7] =	ssyncset.done $0x0  }
0xf4: {  	[sflag:s7] =	ssyncadd.s32 $0xFFFFFF00  }
0xf5: {  	[tilespmem:s31], [sflag:$0x5] =	stream.indirect.gather [spmem:s1], $0x40, s4, s5, $0xb8;
	[tilespmem:$0x1C800] =	vst v63  }
0xf6: {  	_ =	swait.ge [sflag:s17], $0x4000  }
0xf7: {  	[sflag:s17] =	ssyncset.done $0x0  }
0xf8: {  	s30 =	sadd.s32 $0xA0, s30;
	[sflag:s17] =	ssyncadd.s32 $0xFFFFC000  }
0xf9: {  	[tilespmem:s5], [sflag:$0x2] =	stream.linear.gather [hbm4b:s30+s4], $0x100, $0x38;
	[tilespmem:$0x1C800] =	vst v63  }
0xfa: {  	s30 =	sadd.s32 $0xA0, s20  }
0xfb: {  	[tilespmem:s6], [sflag:$0x2] =	stream.linear.gather [hbm4b:s30+s4], $0x100, $0x38;
	[tilespmem:$0x1C800] =	vst v63  }
0xfc: {  	_ = 	snop  }
0xfd: {  	[spmem:s3] =	stream.indirect.scatter.add.f32 [tilespmem:s9], [sflag:$0x8], $0x40, s19, s5, $0xb8;
	[tilespmem:$0x1C800] =	vst v63  }
0xfe: {  	_ =	swait.ge [sflag:s21], $0x4000  }
0xff: {  	[sflag:s21] =	ssyncset.done $0x0  }
0x100: {  	[sflag:s21] =	ssyncadd.s32 $0xFFFFC000  }
0x101: {  	_ =	swait.ge [sflag:s8], $0x100  }
0x102: {  	[sflag:s8] =	ssyncset.done $0x0  }
.Ltmp4:
0x103: {  	[sflag:s8] =	ssyncadd.s32 $0xFFFFFF00;
	(pc) =	sbr.rel .LBB2_4-.Ltmp4, $4  }
0x104: {  	_ =	swait.ge [sflag:s8], $0x100  }
0x105: {  	[sflag:s8] =	ssyncset.done $0x0  }
0x106: {  	s28 =	sadd.s32 $0x80, s28;
	[sflag:s8] =	ssyncadd.s32 $0xFFFFFF00  }
0x107: {  	[tilespmem:s9], [sflag:$0x6] =	stream.indirect.gather [spmem:s1], $0x40, s5, s5, $0xb8;
	[tilespmem:$0x1C800] =	vst v63  }
.LBB2_7:
0x108: {  	_ =	sfence.sel $0x180000  }
0x109: {  	[bflag:$0x0] =	sbarrier.arrive $0xFFFF  }
0x10a: {  	_ =	strace $0x9000004A  }
0x10b: {  	s0 =	stileid.u32;
	[bflag:$0x2] =	sbarrier.arrive $0xFFFF  }
0x10c: {  	p0 =	sne.s32 s0, $0x0;
	s0 =	rddreg [dreg:$0x4]  }
0x10d: {  	s0 =	sadd.s32 @!p0 $0x100000, s0  }
0x10e: {  	[sflag:s0] =	ssyncadd.tile.s32 @!p0 $0x1;
	_ =	shalt  }
.Lfunc_end2:
_tile_overlayer_lowered:
.L_overlay_start_2:
0x10f: {  	(tag) =	ssettag $0x2  }
0x110: {  	s0 =	rddreg [dreg:$0x0];
	s2 =	stileid.u32  }
0x111: {  	s1 =	rddreg [dreg:$0x1];
	p0 =	sne.s32 s2, $0x0  }
0x112: {  	s3 =	rddreg [dreg:$0x2];
	[bflag:$0x3] =	sbarrier.arrive $0xFFFF;
	s2 =	simm.s32 @!p0 $0x1C09  }
0x113: {  	[timem:s3], [sflag:s2] =	dma.local @!p0 [hbm:s0], s1  }
0x114: {  	s0 =	simm.s32 @!p0 $0x9  }
0x115: {  	_ =	swait.ge @!p0 [sflag:s0], s1  }
0x116: {  	s1 =	ssub.s32 @!p0 $0x0, s1;
	[sflag:s0] =	ssyncset.done @!p0 $0x0  }
0x117: {  	[sflag:s0] =	ssyncadd.s32 @!p0 s1  }
0x118: {  	[bflag:$0x3] =	sbarrier.arrive $0xFFFF  }
0x119: {  	_ =	shalt  }

// kernel: kernel.16.cloned.1.call-start
scs
__scs_entry_jumppad:
0x0: {  	(pc) =	sbr.rel $0x88, $3  }
0x1: {  	(tag) =	ssettag $0x0;
	lr =	simm.s32 $0x1  }
0x2: {  	[smem:$0x3F95] =	sst lr;
	_ =	strace $0xD0000000  }
0x3: {  	_ = 	snop  }
0x4: {  	_ = 	snop  }
0x5: {  	_ = 	snop  }
0x6: {  	_ = 	snop  }
0x7: {  	_ = 	snop  }
__scs_overlays_trampoline_lowered:
0x8: {  	[smem:$0x3FA4] =	sst s0  }
0x9: {  	[smem:$0x3FA5] =	sst s1  }
0xa: {  	[smem:$0x3FA6] =	sst s2  }
0xb: {  	[smem:$0x3FA7] =	sst s3  }
0xc: {  	[smem:$0x3FA8] =	sst s4  }
0xd: {  	[smem:$0x3FA9] =	sst s5  }
0xe: {  	[smem:$0x3FAA] =	sst s6  }
0xf: {  	[smem:$0x3FAB] =	sst s7  }
0x10: {  	[smem:$0x3FAC] =	sst s8  }
0x11: {  	[smem:$0x3FAD] =	sst s9;
	s0 =	simm.s32 @!p0 $0x0  }
0x12: {  	s1 =	sld [smem:$0x3F93];
	s0 =	simm.s32 @p0 $0x1  }
0x13: {  	[smem:$0x3FAE] =	sst s0;
	s0 =	simm.s32 @!p1 $0x0  }
0x14: {  	s2 =	sld [smem:$0x3F92];
	s0 =	simm.s32 @p1 $0x1  }
0x15: {  	[smem:$0x3FAF] =	sst s0;
	s0 =	simm.s32 @!p2 $0x0  }
0x16: {  	s3 =	sld [smem:$0x3FDB];
	s0 =	simm.s32 @p2 $0x1  }
0x17: {  	s4 =	simm.s32 $0x1BF5;
	[smem:$0x3FB1] =	sst s0  }
0x18: {  	s0 =	sld [smem:$0x3F94];
	_ =	swait.ge [sflag:s4], $0x0  }
0x19: {  	s7 =	sld [smem:$0x3F95]  }
0x1a: {  	s8 =	sadd.s32 $0xFFFFE003, lr  }
0x1b: {  	s9 =	sadd.s32 $0xFFFFFEF7, lr;
	s5 =	simm.s32 $0xFFFFFFFF;
	p2 =	slt.u32 s8, $0xFFFFF086  }
0x1c: {  	p1 =	slt.u32 s9, $0xF7A;
	s5 =	simm.s32 @!p2 $0x0  }
0x1d: {  	s5 =	simm.s32 @p1 $0x1;
	p0 =	seq.s32 s7, s2  }
0x1e: {  	s7 =	smul.u32 @!p0 $0xF7A, s2;
	p2 =	seq.s32 @!p0 s5, $0x0  }
0x1f: {  	s9 =	smul.u32 $0xF7A, s1;
	s8 =	simm.s32 @!p0 $0x1BF5;
	p2 =	por !p2, p0  }
0x20: {  	[sflag:s8] =	ssyncset.s32 @!p0 $0xFFFFF086;
	s6 =	sadd.s32 @!p0 s3, s7;
	s7 =	simm.s32 @!p0 $0x108  }
0x21: {  	s3 =	sadd.s32 s3, s9;
	s6 =	sadd.s32 @!p0 $0x88, s6;
	s7 =	simm.s32 @p2 $0x1082  }
0x22: {  	[simem:s7], [sflag:s8] =	dma.local @!p0 [hbm:s6], $0xF7A  }
0x23: {  	s9 =	sor.u32 $0xD0000000, s2;
	s6 =	simm.s32 $0x108;
	_ =	swait.ge @!p0 [sflag:s8], $0x0  }
0x24: {  	s3 =	sadd.s32 $0x88, s3;
	s6 =	simm.s32 @!p1 $0x1082;
	[sflag:s4] =	ssyncset.s32 $0xFFFFF086  }
0x25: {  	[simem:s6], [sflag:s4] =	dma.local [hbm:s3], $0xF7A  }
0x26: {  	[smem:$0x3F95] =	sst s1;
	(tag) =	ssettag s2;
	_ =	strace s9  }
0x27: {  	s1 =	sld [smem:$0x3FA5]  }
0x28: {  	s2 =	sld [smem:$0x3FA6]  }
0x29: {  	s4 =	sld [smem:$0x3FA8]  }
0x2a: {  	p0 =	seq.s32 s5, $0x0;
	s5 =	sld [smem:$0x3FA9]  }
0x2b: {  	s6 =	sld [smem:$0x3FAA]  }
0x2c: {  	s7 =	sld [smem:$0x3FAB]  }
0x2d: {  	s3 =	simm.s32 $0x108;
	s8 =	sld [smem:$0x3FAC]  }
0x2e: {  	s3 =	simm.s32 @!p0 $0x1082;
	s9 =	sld [smem:$0x3FAD]  }
0x2f: {  	lr =	sadd.s32 s0, s3;
	s0 =	sld [smem:$0x3FA4]  }
0x30: {  	s3 =	sld [smem:$0x3FA7]  }
0x31: {  	[smem:$0x3FB0] =	sst s10  }
0x32: {  	s10 =	sld [smem:$0x3FAE];
	_ =	sdelay $0x3  }
0x33: {  	p0 =	seq.s32 s10, $0x1;
	s10 =	sld [smem:$0x3FB0];
	_ =	sdelay $0x3  }
0x34: {  	[smem:$0x3FB0] =	sst s10  }
0x35: {  	s10 =	sld [smem:$0x3FAF];
	_ =	sdelay $0x3  }
0x36: {  	p1 =	seq.s32 s10, $0x1;
	s10 =	sld [smem:$0x3FB0];
	_ =	sdelay $0x3  }
0x37: {  	[smem:$0x3FB0] =	sst s10  }
0x38: {  	s10 =	sld [smem:$0x3FB1]  }
0x39: {  	_ = 	snop;
	(pc) =	sbr.ind lr, $3  }
0x3a: {  	_ = 	snop  }
0x3b: {  	_ = 	snop  }
0x3c: {  	p2 =	seq.s32 s10, $0x1;
	s10 =	sld [smem:$0x3FB0]  }
0x3d: {  	_ =	shalt  }
0x3e: {  	_ =	shalt  }
0x3f: {  	_ =	shalt  }
0x40: {  	_ =	shalt  }
0x41: {  	_ =	shalt  }
0x42: {  	_ =	shalt  }
0x43: {  	_ =	shalt  }
0x44: {  	_ =	shalt  }
0x45: {  	_ =	shalt  }
0x46: {  	_ =	shalt  }
0x47: {  	_ =	shalt  }
0x48: {  	_ =	shalt  }
0x49: {  	_ =	shalt  }
0x4a: {  	_ =	shalt  }
0x4b: {  	_ =	shalt  }
0x4c: {  	_ =	shalt  }
0x4d: {  	_ =	shalt  }
0x4e: {  	_ =	shalt  }
0x4f: {  	_ =	shalt  }
0x50: {  	_ =	shalt  }
0x51: {  	_ =	shalt  }
0x52: {  	_ =	shalt  }
0x53: {  	_ =	shalt  }
0x54: {  	_ =	shalt  }
0x55: {  	_ =	shalt  }
0x56: {  	_ =	shalt  }
0x57: {  	_ =	shalt  }
0x58: {  	_ =	shalt  }
0x59: {  	_ =	shalt  }
0x5a: {  	_ =	shalt  }
0x5b: {  	_ =	shalt  }
0x5c: {  	_ =	shalt  }
0x5d: {  	_ =	shalt  }
0x5e: {  	_ =	shalt  }
0x5f: {  	_ =	shalt  }
0x60: {  	_ =	shalt  }
0x61: {  	_ =	shalt  }
0x62: {  	_ =	shalt  }
0x63: {  	_ =	shalt  }
0x64: {  	_ =	shalt  }
0x65: {  	_ =	shalt  }
0x66: {  	_ =	shalt  }
0x67: {  	_ =	shalt  }
0x68: {  	_ =	shalt  }
0x69: {  	_ =	shalt  }
0x6a: {  	_ =	shalt  }
0x6b: {  	_ =	shalt  }
0x6c: {  	_ =	shalt  }
0x6d: {  	_ =	shalt  }
0x6e: {  	_ =	shalt  }
0x6f: {  	_ =	shalt  }
0x70: {  	_ =	shalt  }
0x71: {  	_ =	shalt  }
0x72: {  	_ =	shalt  }
0x73: {  	_ =	shalt  }
0x74: {  	_ =	shalt  }
0x75: {  	_ =	shalt  }
0x76: {  	_ =	shalt  }
0x77: {  	_ =	shalt  }
0x78: {  	_ =	shalt  }
0x79: {  	_ =	shalt  }
0x7a: {  	_ =	shalt  }
0x7b: {  	_ =	shalt  }
0x7c: {  	_ =	shalt  }
0x7d: {  	_ =	shalt  }
0x7e: {  	_ =	shalt  }
0x7f: {  	_ =	shalt  }
0x80: {  	_ =	shalt  }
0x81: {  	_ =	shalt  }
0x82: {  	_ =	shalt  }
0x83: {  	_ =	shalt  }
0x84: {  	_ =	shalt  }
0x85: {  	_ =	shalt  }
0x86: {  	_ =	shalt  }
0x87: {  	_ =	shalt  }
.Lfunc_end0:
.L_simem_size_0:
called_computation.2_lowered:
.L_overlay_start_0:
0x88: {  	s2 =	sld [smem:$0x3FD9]  }
0x89: {  	s3 =	sld [smem:$0x3FFE];
	_ =	sdelay $0x1  }
0x8a: {  	s1 =	srdreg.scid  }
0x8b: {  	s0 =	sand.u32 $0x1, s1  }
0x8c: {  	s17 =	sshll.u32 s0, $0xA;
	s2 =	sadd.s32 s3, s2  }
0x8d: {  	s2 =	sadd.s32 s2, s17  }
0x8e: {  	[smem:$0x3FBC] =	sst s2  }
0x8f: {  	_ = 	snop  }
0x90: {  	s2 =	sld [smem:$0x3FD0];
	(tm) =	ssettm $0x1  }
0x91: {  	s18 =	sld [smem:$0x3FFB];
	_ =	sdelay $0x3  }
0x92: {  	_ =	strace s18  }
0x93: {  	s3 =	sld [smem:$0x3FFC];
	_ =	sdelay $0x3  }
0x94: {  	_ =	strace s3  }
0x95: {  	s3 =	sld [smem:$0x3FFD];
	_ =	sdelay $0x3  }
0x96: {  	_ =	strace s3  }
0x97: {  	_ =	strace $0x8FFFFFFF  }
0x98: {  	s19 =	sld [smem:$0x3FDB];
	_ =	sdelay $0x1  }
0x99: {  	s4 =	simm.s32 $_scs_section_size  }
0x9a: {  	s5 =	simm.s32 $_size__tile_overlayer_lowered;
	s6 =	simm.s32 $_tile_overlayer_lowered  }
0x9b: {  	s22 =	simm.s32 $0x1BFF;
	s21 =	sshll.u32 s6, $0x1;
	s3 =	sadd.s32 s4, s19  }
0x9c: {  	s7 =	simm.s32 $0x0;
	s20 =	sshll.u32 s5, $0x1;
	s5 =	sadd.s32 s21, s3  }
0x9d: {  	[timem:s7], [sflag:s22] =	dma.local [hbm:s5], s20  }
0x9e: {  	_ =	swait.ge [sflag:s22], s20  }
0x9f: {  	s4 =	ssub.s32 $0x0, s20;
	[sflag:s22] =	ssyncset.done $0x0  }
0xa0: {  	[sflag:s22] =	ssyncadd.s32 s4;
	_ =	sdelay $0x1  }
0xa1: {  	s23 =	simm.s32 $0x1B8B  }
0xa2: {  	_ =	swait.ge [sflag:s23], $0x1  }
0xa3: {  	[sflag:s23] =	ssyncset.done $0x0  }
0xa4: {  	s25 =	simm.s32 $0x1B8E;
	s24 =	sld [smem:$0x3FFE];
	[sflag:s23] =	ssyncadd.s32 $0xFFFFFFFF  }
0xa5: {  	s26 =	simm.s32 $execute0_lowered;
	[smem:$0x3FD2] =	sst s25  }
0xa6: {  	s5 =	sshll.u32 s26, $0x1;
	_ =	strace $0x8000004C;
	[dreg:$0x1] =	wrdreg $0xFFFFFFFF  }
0xa7: {  	s28 =	simm.s32 $_size_execute0_lowered;
	s3 =	sadd.s32 s3, s5;
	[dreg:$0x0] =	wrdreg $0x0  }
0xa8: {  	s5 =	sshll.u32 s28, $0x1;
	[dreg:$0x2] =	wrdreg s3  }
0xa9: {  	[dreg:$0x3] =	wrdreg s5  }
0xaa: {  	[dreg:$0x4] =	wrdreg $0xC0  }
0xab: {  	_ =	task [dreg:s7], $0x5FFFF  }
0xac: {  	[dreg:$0x1] =	wrdreg $0xFFFFFFFF  }
0xad: {  	[dreg:$0x0] =	wrdreg $0x60  }
0xae: {  	[dreg:$0x2] =	wrdreg s24  }
0xaf: {  	[dreg:$0x3] =	wrdreg s2  }
0xb0: {  	[dreg:$0x4] =	wrdreg $0x88000  }
0xb1: {  	[dreg:$0x5] =	wrdreg $0x128000  }
0xb2: {  	[dreg:$0x6] =	wrdreg $0x9  }
0xb3: {  	_ =	task.clear_ibuf [dreg:s7], $0x7FFFF;
	_ =	strace $0x9000004C  }
0xb4: {  	s29 =	simm.s32 $0x9;
	_ =	strace $0x8000004E  }
0xb5: {  	_ =	swait.ge [sflag:s29], $0x1  }
0xb6: {  	[sflag:s29] =	ssyncadd.s32 $0xFFFFFFFF  }
0xb7: {  	_ =	strace $0x9000004E  }
0xb8: {  	_ =	sfence  }
0xb9: {  	s30 =	sld [smem:$0x0];
	_ =	sdelay $0x2  }
0xba: {  	s31 =	sshll.u32 s1, $0xD;
	s1 =	sshrl.u32 s1, $0x2  }
0xbb: {  	s3 =	sand.u32 $0x4000, s31;
	s1 =	sadd.s32 s1, s30  }
0xbc: {  	s0 =	sor.u32 s3, s0;
	s1 =	sshll.u32 s1, $0x11  }
0xbd: {  	s0 =	sor.u32 s1, s0  }
0xbe: {  	s0 =	sadd.s32 $0x8F2B, s0  }
0xbf: {  	[sflag:s0] =	ssyncadd.remote.s32 $0x1  }
0xc0: {  	_ =	sfence.sel $0xFFFF  }
0xc1: {  	[dreg:$0x0] =	wrdreg $0xFFFFFFFF;
	(pc) =	sbr.abs _section_cstart, $3  }
0xc2: {  	[dreg:$0x1] =	wrdreg $0xFFFFFFFF  }
0xc3: {  	_ =	task.clear_ibuf [dreg:s7], $0x2FFFF;
	_ =	strace $0x9FFFFFFF  }
0xc4: {  	(tm) =	ssettm $0x7FFFFFFF  }
0xc5: {  	_ =	shalt  }
tec
execute0_lowered:
.L_overlay_start_1:
0x0: {  	(tag) =	ssettag $0x1  }
0x1: {  	s0 =	rddreg [dreg:$0x0]  }
0x2: {  	s2 =	rddreg [dreg:$0x1]  }
0x3: {  	s1 =	rddreg [dreg:$0x2]  }
0x4: {  	s3 =	rddreg [dreg:$0x3]  }
0x5: {  	s4 =	simm.s32 $0x0;
	s5 =	srdreg.scid;
	s17 =	stileid.u32  }
0x6: {  	s31 =	simm.s32 $0x800;
	[smem:$0x7FF] =	sst s4;
	s6 =	smul.u32 $0x280, s17  }
0x7: {  	s5 =	sand.u32 $0x1, s5;
	s7 =	sadd.s32 $0x16E00, s0;
	s22 =	smul.u32 $0xA000, s17  }
0x8: {  	s9 =	sadd.s32 $0xCE00, s0;
	s0 =	sadd.s32 $0x3EE00, s0;
	s17 =	smul.u32 $0xA00, s17  }
0x9: {  	_ =	strace $0x8000004D;
	s8 =	smul.u32 $0x2800, s5;
	s10 =	ssub.s32 $0x2, s5  }
0xa: {  	s5 =	smul.u32 $0xA0000, s5;
	s11 =	sshrl.u32 s10, $0x1;
	s13 =	sadd.s32 $0x80, s6  }
0xb: {  	s21 =	sadd.s32 $0x100, s6;
	s15 =	sadd.s32 $0x180, s6;
	s25 =	sor.u32 $0x20, s17  }
0xc: {  	s12 =	sadd.s32 s6, s8;
	s14 =	ssub.s32 s10, s11;
	s19 =	sadd.s32 s8, s13  }
0xd: {  	s23 =	sadd.s32 s8, s21;
	s13 =	sshll.u32 s13, $0x6;
	s24 =	sadd.s32 s8, s15  }
0xe: {  	s6 =	sadd.s32 $0x200, s6;
	s16 =	sshll.u32 s21, $0x6;
	s15 =	sshll.u32 s15, $0x6  }
0xf: {  	s11 =	sadd.s32 s2, s17;
	s26 =	sadd.s32 s22, s5;
	s2 =	sadd.s32 s2, s25  }
0x10: {  	s18 =	sshll.u32 s12, $0x3;
	s20 =	sshll.u32 s19, $0x3;
	s8 =	sadd.s32 s8, s6  }
0x11: {  	s6 =	sshll.u32 s6, $0x6;
	s28 =	sadd.s32 s5, s13;
	[dreg:$0xb] =	wrdreg s2  }
0x12: {  	s21 =	sadd.s32 s13, s1;
	s12 =	simm.s32 $0x5;
	s10 =	sadd.s32 s7, s18  }
0x13: {  	s8 =	sshll.u32 s8, $0x3;
	s30 =	sshrl.u32 s28, $0x3;
	[dreg:$0x12] =	wrdreg s21  }
0x14: {  	s18 =	sadd.s32 s5, s15;
	s28 =	sadd.s32 s6, s1;
	[dreg:$0x5] =	wrdreg s10  }
0x15: {  	s29 =	sadd.s32 s6, s3;
	s10 =	sadd.s32 s7, s20;
	[dreg:$0x17] =	wrdreg s28  }
0x16: {  	s21 =	simm.s32 $0x8;
	s20 =	sadd.s32 s22, s1;
	[dreg:$0x6] =	wrdreg s10  }
0x17: {  	s10 =	sshll.u32 s23, $0x3;
	[dreg:$0x11] =	wrdreg s20;
	s23 =	sadd.s32 s13, s3  }
0x18: {  	s22 =	sadd.s32 s22, s3;
	s10 =	sadd.s32 s7, s10;
	[dreg:$0x13] =	wrdreg s23  }
0x19: {  	[dreg:$0x7] =	wrdreg s10;
	s10 =	sshll.u32 s24, $0x3;
	s24 =	sadd.s32 s16, s1  }
0x1a: {  	s13 =	simm.s32 $0x200;
	s10 =	sadd.s32 s7, s10;
	[dreg:$0x14] =	wrdreg s24  }
0x1b: {  	s23 =	simm.s32 $0x4;
	s7 =	sadd.s32 s7, s8;
	[dreg:$0x8] =	wrdreg s10  }
0x1c: {  	s8 =	sshrl.u32 s26, $0x3;
	s26 =	sadd.s32 s15, s1;
	[dreg:$0x9] =	wrdreg s7  }
0x1d: {  	s10 =	sadd.s32 s9, s17;
	s9 =	sadd.s32 s9, s25;
	s8 =	sadd.s32 s0, s8  }
0x1e: {  	s17 =	sadd.s32 s5, s16;
	s5 =	sadd.s32 s5, s6;
	s7 =	sshrl.u32 s18, $0x3  }
0x1f: {  	s25 =	sadd.s32 s16, s3;
	[dreg:$0x16] =	wrdreg s26;
	s26 =	sadd.s32 s15, s3  }
0x20: {  	s6 =	simm.s32 $0x500;
	s15 =	simm.s32 $0x7;
	[dreg:$0xa] =	wrdreg s9  }
0x21: {  	s16 =	simm.s32 $0x3;
	s18 =	simm.s32 $0x300;
	[dreg:$0xc] =	wrdreg s8  }
0x22: {  	s9 =	sadd.s32 s0, s30;
	s2 =	sshrl.u32 s17, $0x3;
	s5 =	sshrl.u32 s5, $0x3  }
0x23: {  	s19 =	sadd.s32 s0, s7;
	[dreg:$0x15] =	wrdreg s25;
	s30 =	smax.u32 s14, $0x1  }
0x24: {  	s7 =	simm.s32 $0x1;
	s8 =	simm.s32 $0x2;
	s14 =	simm.s32 $0x600  }
.Ltmp0:
0x25: {  	s17 =	simm.s32 $0x6;
	[dreg:$0xd] =	wrdreg s9;
	(pc) =	sbr.rel .LBB2_1-.Ltmp0, $4  }
0x26: {  	s25 =	simm.s32 $0x0;
	s2 =	sadd.s32 s0, s2;
	[dreg:$0xf] =	wrdreg s19  }
0x27: {  	s0 =	sadd.s32 s0, s5;
	[dreg:$0x18] =	wrdreg s30;
	s5 =	simm.s32 $0x100  }
0x28: {  	s9 =	simm.s32 $0x4800;
	s19 =	simm.s32 $0x700;
	[dreg:$0xe] =	wrdreg s2  }
0x29: {  	v0 =	vimm.f32 $0.0e+00;
	[dreg:$0x10] =	wrdreg s0;
	s0 =	simm.s32 $0x9;
	s2 =	simm.s32 $0x400  }
.LBB2_6:
0x2a: {  	[spmem:s3] =	stream.indirect.scatter.add.f32 [tilespmem:s31], [sflag:$0x7], $0x40, s14, s5, $0xb8;
	[tilespmem:$0x1C800] =	vst v63  }
0x2b: {  	_ =	swait.ge [sflag:s17], $0x4000  }
0x2c: {  	[sflag:s17] =	ssyncset.done $0x0  }
0x2d: {  	[sflag:s17] =	ssyncadd.s32 $0xFFFFC000  }
0x2e: {  	[spmem:s3] =	stream.indirect.scatter.add.f32 [tilespmem:s9], [sflag:$0x8], $0x40, s19, s5, $0xb8;
	[tilespmem:$0x1C800] =	vst v63  }
0x2f: {  	_ =	swait.ge [sflag:s15], $0x4000  }
0x30: {  	[sflag:s15] =	ssyncset.done $0x0  }
0x31: {  	[sflag:s15] =	ssyncadd.s32 $0xFFFFC000  }
0x32: {  	_ =	swait.ge [sflag:s21], $0x4000  }
0x33: {  	[sflag:s21] =	ssyncset.done $0x0  }
0x34: {  	[sflag:s21] =	ssyncadd.s32 $0xFFFFC000  }
0x35: {  	[bflag:$0x0] =	sbarrier.arrive $0xFFFF  }
0x36: {  	[tilespmem:s31], [sflag:$0x9] =	stream.linear.gather [spmem:s24], $0x2000, $0x38;
	[tilespmem:$0x1C800] =	vst v63  }
0x37: {  	_ =	swait.ge [sflag:s0], $0x2000  }
0x38: {  	[sflag:s0] =	ssyncset.done $0x0  }
0x39: {  	s20 =	rddreg [dreg:$0xc];
	[sflag:s0] =	ssyncadd.s32 $0xFFFFE000  }
0x3a: {  	[hbm4b:s20+s4] =	stream.linear.scatter [tilespmem:s31], [sflag:$0x9], $0x2000, $0x38;
	[tilespmem:$0x1C800] =	vst v63  }
0x3b: {  	_ =	swait.ge [sflag:s0], $0x2000  }
0x3c: {  	[sflag:s0] =	ssyncset.done $0x0  }
0x3d: {  	s30 =	rddreg [dreg:$0x13];
	[sflag:s0] =	ssyncadd.s32 $0xFFFFE000  }
0x3e: {  	[tilespmem:s31], [sflag:$0x9] =	stream.linear.gather [spmem:s30], $0x2000, $0x38;
	[tilespmem:$0x1C800] =	vst v63  }
0x3f: {  	_ =	swait.ge [sflag:s0], $0x2000  }
0x40: {  	[sflag:s0] =	ssyncset.done $0x0  }
0x41: {  	s22 =	smov.u32 s24;
	s24 =	rddreg [dreg:$0xd];
	[sflag:s0] =	ssyncadd.s32 $0xFFFFE000  }
0x42: {  	[hbm4b:s24+s4] =	stream.linear.scatter [tilespmem:s31], [sflag:$0x9], $0x2000, $0x38;
	[tilespmem:$0x1C800] =	vst v63  }
0x43: {  	_ =	swait.ge [sflag:s0], $0x2000  }
0x44: {  	[sflag:s0] =	ssyncset.done $0x0  }
0x45: {  	s28 =	rddreg [dreg:$0x15];
	[sflag:s0] =	ssyncadd.s32 $0xFFFFE000  }
0x46: {  	[tilespmem:s31], [sflag:$0x9] =	stream.linear.gather [spmem:s28], $0x2000, $0x38;
	[tilespmem:$0x1C800] =	vst v63  }
0x47: {  	_ =	swait.ge [sflag:s0], $0x2000  }
0x48: {  	[sflag:s0] =	ssyncset.done $0x0  }
0x49: {  	s30 =	rddreg [dreg:$0xe];
	[sflag:s0] =	ssyncadd.s32 $0xFFFFE000  }
0x4a: {  	[hbm4b:s30+s4] =	stream.linear.scatter [tilespmem:s31], [sflag:$0x9], $0x2000, $0x38;
	[tilespmem:$0x1C800] =	vst v63  }
0x4b: {  	_ =	swait.ge [sflag:s0], $0x2000  }
0x4c: {  	[sflag:s0] =	ssyncset.done $0x0  }
0x4d: {  	[sflag:s0] =	ssyncadd.s32 $0xFFFFE000  }
0x4e: {  	[tilespmem:s31], [sflag:$0x9] =	stream.linear.gather [spmem:s26], $0x2000, $0x38;
	[tilespmem:$0x1C800] =	vst v63  }
0x4f: {  	_ =	swait.ge [sflag:s0], $0x2000  }
0x50: {  	[sflag:s0] =	ssyncset.done $0x0  }
0x51: {  	s24 =	rddreg [dreg:$0xf];
	[sflag:s0] =	ssyncadd.s32 $0xFFFFE000  }
0x52: {  	[hbm4b:s24+s4] =	stream.linear.scatter [tilespmem:s31], [sflag:$0x9], $0x2000, $0x38;
	[tilespmem:$0x1C800] =	vst v63  }
0x53: {  	_ =	swait.ge [sflag:s0], $0x2000  }
0x54: {  	[sflag:s0] =	ssyncset.done $0x0  }
0x55: {  	[sflag:s0] =	ssyncadd.s32 $0xFFFFE000  }
0x56: {  	[tilespmem:s31], [sflag:$0x9] =	stream.linear.gather [spmem:s29], $0x2000, $0x38;
	[tilespmem:$0x1C800] =	vst v63  }
0x57: {  	_ =	swait.ge [sflag:s0], $0x2000  }
0x58: {  	[sflag:s0] =	ssyncset.done $0x0  }
0x59: {  	s28 =	rddreg [dreg:$0x10];
	[sflag:s0] =	ssyncadd.s32 $0xFFFFE000  }
0x5a: {  	[hbm4b:s28+s4] =	stream.linear.scatter [tilespmem:s31], [sflag:$0x9], $0x2000, $0x38;
	[tilespmem:$0x1C800] =	vst v63  }
0x5b: {  	_ =	swait.ge [sflag:s0], $0x2000  }
0x5c: {  	s25 =	sadd.s32 $0x1, s25;
	s30 =	rddreg [dreg:$0x18]  }
0x5d: {  	p0 =	sne.s32 s25, s30  }
.Ltmp1:
0x5e: {  	_ = 	snop;
	(pc) =	sbr.rel @!p0 .LBB2_7-.Ltmp1, $3  }
0x5f: {  	_ =	sdelay $0x1  }
0x60: {  	[sflag:s0] =	ssyncset.done $0x0  }
0x61: {  	[sflag:s0] =	ssyncadd.s32 $0xFFFFE000  }
.LBB2_1:
0x62: {  	s20 =	rddreg [dreg:$0x5]  }
0x63: {  	[tilespmem:s31], [sflag:$0x9] =	stream.linear.gather [hbm4b:s20+s4], $0x2000, $0x38;
	[tilespmem:$0x1C800] =	vst v63  }
0x64: {  	_ =	swait.ge [sflag:s0], $0x2000  }
0x65: {  	[sflag:s0] =	ssyncset.done $0x0  }
0x66: {  	s30 =	rddreg [dreg:$0x11];
	[sflag:s0] =	ssyncadd.s32 $0xFFFFE000  }
0x67: {  	[spmem:s30] =	stream.linear.scatter [tilespmem:s31], [sflag:$0x9], $0x2000, $0x38;
	[tilespmem:$0x1C800] =	vst v63  }
0x68: {  	_ =	swait.ge [sflag:s0], $0x2000  }
0x69: {  	[sflag:s0] =	ssyncset.done $0x0  }
0x6a: {  	s24 =	rddreg [dreg:$0x6];
	[sflag:s0] =	ssyncadd.s32 $0xFFFFE000  }
0x6b: {  	[tilespmem:s31], [sflag:$0x9] =	stream.linear.gather [hbm4b:s24+s4], $0x2000, $0x38;
	[tilespmem:$0x1C800] =	vst v63  }
0x6c: {  	_ =	swait.ge [sflag:s0], $0x2000  }
0x6d: {  	[sflag:s0] =	ssyncset.done $0x0  }
0x6e: {  	s30 =	rddreg [dreg:$0x12];
	[sflag:s0] =	ssyncadd.s32 $0xFFFFE000  }
0x6f: {  	[spmem:s30] =	stream.linear.scatter [tilespmem:s31], [sflag:$0x9], $0x2000, $0x38;
	[tilespmem:$0x1C800] =	vst v63  }
0x70: {  	_ =	swait.ge [sflag:s0], $0x2000  }
0x71: {  	[sflag:s0] =	ssyncset.done $0x0  }
0x72: {  	s24 =	rddreg [dreg:$0x7];
	[sflag:s0] =	ssyncadd.s32 $0xFFFFE000  }
0x73: {  	[tilespmem:s31], [sflag:$0x9] =	stream.linear.gather [hbm4b:s24+s4], $0x2000, $0x38;
	[tilespmem:$0x1C800] =	vst v63  }
0x74: {  	_ =	swait.ge [sflag:s0], $0x2000  }
0x75: {  	[sflag:s0] =	ssyncset.done $0x0  }
0x76: {  	s30 =	rddreg [dreg:$0x14];
	[sflag:s0] =	ssyncadd.s32 $0xFFFFE000  }
0x77: {  	[spmem:s30] =	stream.linear.scatter [tilespmem:s31], [sflag:$0x9], $0x2000, $0x38;
	[tilespmem:$0x1C800] =	vst v63  }
0x78: {  	_ =	swait.ge [sflag:s0], $0x2000  }
0x79: {  	[sflag:s0] =	ssyncset.done $0x0  }
0x7a: {  	s24 =	rddreg [dreg:$0x8];
	[sflag:s0] =	ssyncadd.s32 $0xFFFFE000  }
0x7b: {  	[tilespmem:s31], [sflag:$0x9] =	stream.linear.gather [hbm4b:s24+s4], $0x2000, $0x38;
	[tilespmem:$0x1C800] =	vst v63  }
0x7c: {  	_ =	swait.ge [sflag:s0], $0x2000  }
0x7d: {  	[sflag:s0] =	ssyncset.done $0x0  }
0x7e: {  	s30 =	rddreg [dreg:$0x16];
	[sflag:s0] =	ssyncadd.s32 $0xFFFFE000  }
0x7f: {  	[spmem:s30] =	stream.linear.scatter [tilespmem:s31], [sflag:$0x9], $0x2000, $0x38;
	[tilespmem:$0x1C800] =	vst v63  }
0x80: {  	_ =	swait.ge [sflag:s0], $0x2000  }
0x81: {  	[sflag:s0] =	ssyncset.done $0x0  }
0x82: {  	s24 =	rddreg [dreg:$0x9];
	[sflag:s0] =	ssyncadd.s32 $0xFFFFE000  }
0x83: {  	[tilespmem:s31], [sflag:$0x9] =	stream.linear.gather [hbm4b:s24+s4], $0x2000, $0x38;
	[tilespmem:$0x1C800] =	vst v63  }
0x84: {  	_ =	swait.ge [sflag:s0], $0x2000  }
0x85: {  	[sflag:s0] =	ssyncset.done $0x0  }
0x86: {  	s30 =	rddreg [dreg:$0x17];
	[sflag:s0] =	ssyncadd.s32 $0xFFFFE000  }
0x87: {  	[spmem:s30] =	stream.linear.scatter [tilespmem:s31], [sflag:$0x9], $0x2000, $0x38;
	[tilespmem:$0x1C800] =	vst v63  }
0x88: {  	_ =	swait.ge [sflag:s0], $0x2000  }
0x89: {  	[sflag:s0] =	ssyncset.done $0x0  }
0x8a: {  	s28 =	simm.s32 $0x100;
	s20 =	simm.s32 $0x0;
	[sflag:s0] =	ssyncadd.s32 $0xFFFFE000  }
.LBB2_2:
0x8b: {  	p0 =	sne.s32 s28, $0x7F00;
	[tilespmem:s20+$0x830] =	vst v0;
	s30 =	smov.u32 s28;
	s28 =	sadd.s32 $0x100, s28  }
.Ltmp2:
0x8c: {  	[tilespmem:s20+$0x820] =	vst v0;
	(pc) =	sbr.rel @p0 .LBB2_2-.Ltmp2, $3  }
0x8d: {  	[tilespmem:s20+$0x800] =	vst v0  }
0x8e: {  	[tilespmem:s20+$0x810] =	vst v0;
	_ =	sdelay $0x1  }
0x8f: {  	s20 =	sshra.s32 s30, $0x2  }
0x90: {  	[tilespmem:s20+$0x830] =	vst v0  }
0x91: {  	[tilespmem:s20+$0x820] =	vst v0  }
0x92: {  	[tilespmem:s20+$0x800] =	vst v0  }
0x93: {  	[tilespmem:s20+$0x810] =	vst v0  }
0x94: {  	[spmem:s22] =	stream.linear.scatter [tilespmem:s31], [sflag:$0x9], $0x2000, $0x38;
	[tilespmem:$0x1C800] =	vst v63  }
0x95: {  	_ =	swait.ge [sflag:s0], $0x2000  }
0x96: {  	[sflag:s0] =	ssyncset.done $0x0  }
0x97: {  	s24 =	smov.u32 s22;
	s22 =	rddreg [dreg:$0x13];
	[sflag:s0] =	ssyncadd.s32 $0xFFFFE000  }
0x98: {  	[spmem:s22] =	stream.linear.scatter [tilespmem:s31], [sflag:$0x9], $0x2000, $0x38;
	[tilespmem:$0x1C800] =	vst v63  }
0x99: {  	_ =	swait.ge [sflag:s0], $0x2000  }
0x9a: {  	[sflag:s0] =	ssyncset.done $0x0  }
0x9b: {  	s30 =	rddreg [dreg:$0x15];
	[sflag:s0] =	ssyncadd.s32 $0xFFFFE000  }
0x9c: {  	[spmem:s30] =	stream.linear.scatter [tilespmem:s31], [sflag:$0x9], $0x2000, $0x38;
	[tilespmem:$0x1C800] =	vst v63  }
0x9d: {  	_ =	swait.ge [sflag:s0], $0x2000  }
0x9e: {  	[sflag:s0] =	ssyncset.done $0x0  }
0x9f: {  	[sflag:s0] =	ssyncadd.s32 $0xFFFFE000  }
0xa0: {  	[spmem:s26] =	stream.linear.scatter [tilespmem:s31], [sflag:$0x9], $0x2000, $0x38;
	[tilespmem:$0x1C800] =	vst v63  }
0xa1: {  	_ =	swait.ge [sflag:s0], $0x2000  }
0xa2: {  	[sflag:s0] =	ssyncset.done $0x0  }
0xa3: {  	[sflag:s0] =	ssyncadd.s32 $0xFFFFE000  }
0xa4: {  	[spmem:s29] =	stream.linear.scatter [tilespmem:s31], [sflag:$0x9], $0x2000, $0x38;
	[tilespmem:$0x1C800] =	vst v63  }
0xa5: {  	_ =	swait.ge [sflag:s0], $0x2000  }
0xa6: {  	[sflag:s0] =	ssyncset.done $0x0  }
0xa7: {  	[sflag:s0] =	ssyncadd.s32 $0xFFFFE000  }
0xa8: {  	s28 =	simm.s32 $0x0;
	[bflag:$0x0] =	sbarrier.arrive $0xFFFF  }
0xa9: {  	[tilespmem:s28], [sflag:$0x1] =	stream.linear.gather [hbm4b:s10+s28], $0x100, $0x38;
	[tilespmem:$0x1C800] =	vst v63  }
0xaa: {  	_ = 	snop  }
0xab: {  	[tilespmem:s2], [sflag:$0x1] =	stream.linear.gather [hbm4b:s11+s28], $0x100, $0x38;
	[tilespmem:$0x1C800] =	vst v63  }
0xac: {  	s22 =	rddreg [dreg:$0xa]  }
0xad: {  	[tilespmem:s5], [sflag:$0x2] =	stream.linear.gather [hbm4b:s22+s28], $0x100, $0x38;
	[tilespmem:$0x1C800] =	vst v63  }
0xae: {  	s30 =	rddreg [dreg:$0xb]  }
0xaf: {  	[tilespmem:s6], [sflag:$0x2] =	stream.linear.gather [hbm4b:s30+s28], $0x100, $0x38;
	[tilespmem:$0x1C800] =	vst v63  }
0xb0: {  	_ =	swait.ge [sflag:s7], $0x100  }
0xb1: {  	[sflag:s7] =	ssyncset.done $0x0  }
0xb2: {  	[sflag:s7] =	ssyncadd.s32 $0xFFFFFF00  }
0xb3: {  	_ =	swait.ge [sflag:s7], $0x100  }
0xb4: {  	[sflag:s7] =	ssyncset.done $0x0  }
0xb5: {  	[sflag:s7] =	ssyncadd.s32 $0xFFFFFF00  }
0xb6: {  	[tilespmem:s31], [sflag:$0x5] =	stream.indirect.gather [spmem:s1], $0x40, s28, s5, $0xb8;
	[tilespmem:$0x1C800] =	vst v63  }
0xb7: {  	_ =	swait.ge [sflag:s8], $0x100  }
0xb8: {  	[sflag:s8] =	ssyncset.done $0x0  }
0xb9: {  	[sflag:s8] =	ssyncadd.s32 $0xFFFFFF00  }
0xba: {  	_ =	swait.ge [sflag:s8], $0x100  }
0xbb: {  	[sflag:s8] =	ssyncset.done $0x0  }
0xbc: {  	[sflag:s8] =	ssyncadd.s32 $0xFFFFFF00  }
0xbd: {  	[tilespmem:s9], [sflag:$0x6] =	stream.indirect.gather [spmem:s1], $0x40, s5, s5, $0xb8;
	[tilespmem:$0x1C800] =	vst v63  }
.LBB2_4:
0xbe: {  	_ =	swait.ge [sflag:s12], $0x4000  }
0xbf: {  	s30 =	sadd.s32 s28, s10;
	[sflag:s12] =	ssyncset.done $0x0  }
0xc0: {  	s20 =	sadd.s32 $0x40, s30;
	[sflag:s12] =	ssyncadd.s32 $0xFFFFC000  }
0xc1: {  	[tilespmem:s13], [sflag:$0x3] =	stream.linear.gather [hbm4b:s20+s4], $0x100, $0x38;
	[tilespmem:$0x1C800] =	vst v63  }
0xc2: {  	s20 =	sadd.s32 s28, s11  }
0xc3: {  	s22 =	sadd.s32 $0x40, s20  }
0xc4: {  	[tilespmem:s14], [sflag:$0x3] =	stream.linear.gather [hbm4b:s22+s4], $0x100, $0x38;
	[tilespmem:$0x1C800] =	vst v63  }
0xc5: {  	_ = 	snop  }
0xc6: {  	[spmem:s3] =	stream.indirect.scatter.add.f32 [tilespmem:s31], [sflag:$0x7], $0x40, s2, s5, $0xb8;
	[tilespmem:$0x1C800] =	vst v63  }
0xc7: {  	_ =	swait.ge [sflag:s15], $0x4000  }
0xc8: {  	[sflag:s15] =	ssyncset.done $0x0  }
0xc9: {  	[sflag:s15] =	ssyncadd.s32 $0xFFFFC000  }
0xca: {  	_ =	swait.ge [sflag:s16], $0x100  }
0xcb: {  	[sflag:s16] =	ssyncset.done $0x0  }
0xcc: {  	[sflag:s16] =	ssyncadd.s32 $0xFFFFFF00  }
0xcd: {  	_ =	swait.ge [sflag:s16], $0x100  }
0xce: {  	[sflag:s16] =	ssyncset.done $0x0  }
0xcf: {  	[sflag:s16] =	ssyncadd.s32 $0xFFFFFF00  }
0xd0: {  	[tilespmem:s31], [sflag:$0x5] =	stream.indirect.gather [spmem:s1], $0x40, s13, s5, $0xb8;
	[tilespmem:$0x1C800] =	vst v63  }
0xd1: {  	_ =	swait.ge [sflag:s17], $0x4000  }
0xd2: {  	[sflag:s17] =	ssyncset.done $0x0  }
0xd3: {  	s22 =	sadd.s32 $0x60, s30;
	[sflag:s17] =	ssyncadd.s32 $0xFFFFC000  }
0xd4: {  	[tilespmem:s18], [sflag:$0x4] =	stream.linear.gather [hbm4b:s22+s4], $0x100, $0x38;
	[tilespmem:$0x1C800] =	vst v63  }
0xd5: {  	s22 =	sadd.s32 $0x60, s20  }
0xd6: {  	[tilespmem:s19], [sflag:$0x4] =	stream.linear.gather [hbm4b:s22+s4], $0x100, $0x38;
	[tilespmem:$0x1C800] =	vst v63  }
0xd7: {  	_ = 	snop  }
0xd8: {  	[spmem:s3] =	stream.indirect.scatter.add.f32 [tilespmem:s9], [sflag:$0x8], $0x40, s6, s5, $0xb8;
	[tilespmem:$0x1C800] =	vst v63  }
0xd9: {  	_ =	swait.ge [sflag:s21], $0x4000  }
0xda: {  	[sflag:s21] =	ssyncset.done $0x0  }
0xdb: {  	[sflag:s21] =	ssyncadd.s32 $0xFFFFC000  }
0xdc: {  	_ =	swait.ge [sflag:s23], $0x100  }
0xdd: {  	[sflag:s23] =	ssyncset.done $0x0  }
0xde: {  	[sflag:s23] =	ssyncadd.s32 $0xFFFFFF00  }
0xdf: {  	_ =	swait.ge [sflag:s23], $0x100  }
0xe0: {  	p0 =	seq.s32 s28, $0x980;
	[sflag:s23] =	ssyncset.done $0x0  }
.Ltmp3:
0xe1: {  	[sflag:s23] =	ssyncadd.s32 $0xFFFFFF00;
	(pc) =	sbr.rel @p0 .LBB2_6-.Ltmp3, $4  }
0xe2: {  	[tilespmem:s9], [sflag:$0x6] =	stream.indirect.gather [spmem:s1], $0x40, s18, s5, $0xb8;
	[tilespmem:$0x1C800] =	vst v63  }
0xe3: {  	_ =	swait.ge [sflag:s12], $0x4000  }
0xe4: {  	[sflag:s12] =	ssyncset.done $0x0  }
0xe5: {  	[sflag:s12] =	ssyncadd.s32 $0xFFFFC000  }
0xe6: {  	s22 =	sadd.s32 $0x80, s30  }
0xe7: {  	[tilespmem:s4], [sflag:$0x1] =	stream.linear.gather [hbm4b:s22+s4], $0x100, $0x38;
	[tilespmem:$0x1C800] =	vst v63  }
0xe8: {  	s22 =	sadd.s32 $0x80, s20  }
0xe9: {  	[tilespmem:s2], [sflag:$0x1] =	stream.linear.gather [hbm4b:s22+s4], $0x100, $0x38;
	[tilespmem:$0x1C800] =	vst v63  }
0xea: {  	_ = 	snop  }
0xeb: {  	[spmem:s3] =	stream.indirect.scatter.add.f32 [tilespmem:s31], [sflag:$0x7], $0x40, s14, s5, $0xb8;
	[tilespmem:$0x1C800] =	vst v63  }
0xec: {  	_ =	swait.ge [sflag:s15], $0x4000  }
0xed: {  	[sflag:s15] =	ssyncset.done $0x0  }
0xee: {  	[sflag:s15] =	ssyncadd.s32 $0xFFFFC000  }
0xef: {  	_ =	swait.ge [sflag:s7], $0x100  }
0xf0: {  	[sflag:s7] =	ssyncset.done $0x0  }
0xf1: {  	[sflag:s7] =	ssyncadd.s32 $0xFFFFFF00  }
0xf2: {  	_ =	swait.ge [sflag:s7], $0x100  }
0xf3: {  	[sflag:s7] =	ssyncset.done $0x0  }
0xf4: {  	[sflag:s7] =	ssyncadd.s32 $0xFFFFFF00  }
0xf5: {  	[tilespmem:s31], [sflag:$0x5] =	stream.indirect.gather [spmem:s1], $0x40, s4, s5, $0xb8;
	[tilespmem:$0x1C800] =	vst v63  }
0xf6: {  	_ =	swait.ge [sflag:s17], $0x4000  }
0xf7: {  	[sflag:s17] =	ssyncset.done $0x0  }
0xf8: {  	s30 =	sadd.s32 $0xA0, s30;
	[sflag:s17] =	ssyncadd.s32 $0xFFFFC000  }
0xf9: {  	[tilespmem:s5], [sflag:$0x2] =	stream.linear.gather [hbm4b:s30+s4], $0x100, $0x38;
	[tilespmem:$0x1C800] =	vst v63  }
0xfa: {  	s30 =	sadd.s32 $0xA0, s20  }
0xfb: {  	[tilespmem:s6], [sflag:$0x2] =	stream.linear.gather [hbm4b:s30+s4], $0x100, $0x38;
	[tilespmem:$0x1C800] =	vst v63  }
0xfc: {  	_ = 	snop  }
0xfd: {  	[spmem:s3] =	stream.indirect.scatter.add.f32 [tilespmem:s9], [sflag:$0x8], $0x40, s19, s5, $0xb8;
	[tilespmem:$0x1C800] =	vst v63  }
0xfe: {  	_ =	swait.ge [sflag:s21], $0x4000  }
0xff: {  	[sflag:s21] =	ssyncset.done $0x0  }
0x100: {  	[sflag:s21] =	ssyncadd.s32 $0xFFFFC000  }
0x101: {  	_ =	swait.ge [sflag:s8], $0x100  }
0x102: {  	[sflag:s8] =	ssyncset.done $0x0  }
.Ltmp4:
0x103: {  	[sflag:s8] =	ssyncadd.s32 $0xFFFFFF00;
	(pc) =	sbr.rel .LBB2_4-.Ltmp4, $4  }
0x104: {  	_ =	swait.ge [sflag:s8], $0x100  }
0x105: {  	[sflag:s8] =	ssyncset.done $0x0  }
0x106: {  	s28 =	sadd.s32 $0x80, s28;
	[sflag:s8] =	ssyncadd.s32 $0xFFFFFF00  }
0x107: {  	[tilespmem:s9], [sflag:$0x6] =	stream.indirect.gather [spmem:s1], $0x40, s5, s5, $0xb8;
	[tilespmem:$0x1C800] =	vst v63  }
.LBB2_7:
0x108: {  	_ =	sfence.sel $0x180000  }
0x109: {  	[bflag:$0x0] =	sbarrier.arrive $0xFFFF  }
0x10a: {  	_ =	strace $0x9000004D  }
0x10b: {  	s0 =	stileid.u32;
	[bflag:$0x2] =	sbarrier.arrive $0xFFFF  }
0x10c: {  	p0 =	sne.s32 s0, $0x0;
	s0 =	rddreg [dreg:$0x4]  }
0x10d: {  	s0 =	sadd.s32 @!p0 $0x100000, s0  }
0x10e: {  	[sflag:s0] =	ssyncadd.tile.s32 @!p0 $0x1;
	_ =	shalt  }
.Lfunc_end2:
_tile_overlayer_lowered:
.L_overlay_start_2:
0x10f: {  	(tag) =	ssettag $0x2  }
0x110: {  	s0 =	rddreg [dreg:$0x0];
	s2 =	stileid.u32  }
0x111: {  	s1 =	rddreg [dreg:$0x1];
	p0 =	sne.s32 s2, $0x0  }
0x112: {  	s3 =	rddreg [dreg:$0x2];
	[bflag:$0x3] =	sbarrier.arrive $0xFFFF;
	s2 =	simm.s32 @!p0 $0x1C09  }
0x113: {  	[timem:s3], [sflag:s2] =	dma.local @!p0 [hbm:s0], s1  }
0x114: {  	s0 =	simm.s32 @!p0 $0x9  }
0x115: {  	_ =	swait.ge @!p0 [sflag:s0], s1  }
0x116: {  	s1 =	ssub.s32 @!p0 $0x0, s1;
	[sflag:s0] =	ssyncset.done @!p0 $0x0  }
0x117: {  	[sflag:s0] =	ssyncadd.s32 @!p0 s1  }
0x118: {  	[bflag:$0x3] =	sbarrier.arrive $0xFFFF  }
0x119: {  	_ =	shalt  }

// kernel: kernel.19.cloned.1.call-start
scs
__scs_entry_jumppad:
0x0: {  	(pc) =	sbr.rel $0x88, $3  }
0x1: {  	(tag) =	ssettag $0x0;
	lr =	simm.s32 $0x1  }
0x2: {  	[smem:$0x3F95] =	sst lr;
	_ =	strace $0xD0000000  }
0x3: {  	_ = 	snop  }
0x4: {  	_ = 	snop  }
0x5: {  	_ = 	snop  }
0x6: {  	_ = 	snop  }
0x7: {  	_ = 	snop  }
__scs_overlays_trampoline_lowered:
0x8: {  	[smem:$0x3FA4] =	sst s0  }
0x9: {  	[smem:$0x3FA5] =	sst s1  }
0xa: {  	[smem:$0x3FA6] =	sst s2  }
0xb: {  	[smem:$0x3FA7] =	sst s3  }
0xc: {  	[smem:$0x3FA8] =	sst s4  }
0xd: {  	[smem:$0x3FA9] =	sst s5  }
0xe: {  	[smem:$0x3FAA] =	sst s6  }
0xf: {  	[smem:$0x3FAB] =	sst s7  }
0x10: {  	[smem:$0x3FAC] =	sst s8  }
0x11: {  	[smem:$0x3FAD] =	sst s9;
	s0 =	simm.s32 @!p0 $0x0  }
0x12: {  	s1 =	sld [smem:$0x3F93];
	s0 =	simm.s32 @p0 $0x1  }
0x13: {  	[smem:$0x3FAE] =	sst s0;
	s0 =	simm.s32 @!p1 $0x0  }
0x14: {  	s2 =	sld [smem:$0x3F92];
	s0 =	simm.s32 @p1 $0x1  }
0x15: {  	[smem:$0x3FAF] =	sst s0;
	s0 =	simm.s32 @!p2 $0x0  }
0x16: {  	s3 =	sld [smem:$0x3FDB];
	s0 =	simm.s32 @p2 $0x1  }
0x17: {  	s4 =	simm.s32 $0x1BF5;
	[smem:$0x3FB1] =	sst s0  }
0x18: {  	s0 =	sld [smem:$0x3F94];
	_ =	swait.ge [sflag:s4], $0x0  }
0x19: {  	s7 =	sld [smem:$0x3F95]  }
0x1a: {  	s8 =	sadd.s32 $0xFFFFE003, lr  }
0x1b: {  	s9 =	sadd.s32 $0xFFFFFEF7, lr;
	s5 =	simm.s32 $0xFFFFFFFF;
	p2 =	slt.u32 s8, $0xFFFFF086  }
0x1c: {  	p1 =	slt.u32 s9, $0xF7A;
	s5 =	simm.s32 @!p2 $0x0  }
0x1d: {  	s5 =	simm.s32 @p1 $0x1;
	p0 =	seq.s32 s7, s2  }
0x1e: {  	s7 =	smul.u32 @!p0 $0xF7A, s2;
	p2 =	seq.s32 @!p0 s5, $0x0  }
0x1f: {  	s9 =	smul.u32 $0xF7A, s1;
	s8 =	simm.s32 @!p0 $0x1BF5;
	p2 =	por !p2, p0  }
0x20: {  	[sflag:s8] =	ssyncset.s32 @!p0 $0xFFFFF086;
	s6 =	sadd.s32 @!p0 s3, s7;
	s7 =	simm.s32 @!p0 $0x108  }
0x21: {  	s3 =	sadd.s32 s3, s9;
	s6 =	sadd.s32 @!p0 $0x88, s6;
	s7 =	simm.s32 @p2 $0x1082  }
0x22: {  	[simem:s7], [sflag:s8] =	dma.local @!p0 [hbm:s6], $0xF7A  }
0x23: {  	s9 =	sor.u32 $0xD0000000, s2;
	s6 =	simm.s32 $0x108;
	_ =	swait.ge @!p0 [sflag:s8], $0x0  }
0x24: {  	s3 =	sadd.s32 $0x88, s3;
	s6 =	simm.s32 @!p1 $0x1082;
	[sflag:s4] =	ssyncset.s32 $0xFFFFF086  }
0x25: {  	[simem:s6], [sflag:s4] =	dma.local [hbm:s3], $0xF7A  }
0x26: {  	[smem:$0x3F95] =	sst s1;
	(tag) =	ssettag s2;
	_ =	strace s9  }
0x27: {  	s1 =	sld [smem:$0x3FA5]  }
0x28: {  	s2 =	sld [smem:$0x3FA6]  }
0x29: {  	s4 =	sld [smem:$0x3FA8]  }
0x2a: {  	p0 =	seq.s32 s5, $0x0;
	s5 =	sld [smem:$0x3FA9]  }
0x2b: {  	s6 =	sld [smem:$0x3FAA]  }
0x2c: {  	s7 =	sld [smem:$0x3FAB]  }
0x2d: {  	s3 =	simm.s32 $0x108;
	s8 =	sld [smem:$0x3FAC]  }
0x2e: {  	s3 =	simm.s32 @!p0 $0x1082;
	s9 =	sld [smem:$0x3FAD]  }
0x2f: {  	lr =	sadd.s32 s0, s3;
	s0 =	sld [smem:$0x3FA4]  }
0x30: {  	s3 =	sld [smem:$0x3FA7]  }
0x31: {  	[smem:$0x3FB0] =	sst s10  }
0x32: {  	s10 =	sld [smem:$0x3FAE];
	_ =	sdelay $0x3  }
0x33: {  	p0 =	seq.s32 s10, $0x1;
	s10 =	sld [smem:$0x3FB0];
	_ =	sdelay $0x3  }
0x34: {  	[smem:$0x3FB0] =	sst s10  }
0x35: {  	s10 =	sld [smem:$0x3FAF];
	_ =	sdelay $0x3  }
0x36: {  	p1 =	seq.s32 s10, $0x1;
	s10 =	sld [smem:$0x3FB0];
	_ =	sdelay $0x3  }
0x37: {  	[smem:$0x3FB0] =	sst s10  }
0x38: {  	s10 =	sld [smem:$0x3FB1]  }
0x39: {  	_ = 	snop;
	(pc) =	sbr.ind lr, $3  }
0x3a: {  	_ = 	snop  }
0x3b: {  	_ = 	snop  }
0x3c: {  	p2 =	seq.s32 s10, $0x1;
	s10 =	sld [smem:$0x3FB0]  }
0x3d: {  	_ =	shalt  }
0x3e: {  	_ =	shalt  }
0x3f: {  	_ =	shalt  }
0x40: {  	_ =	shalt  }
0x41: {  	_ =	shalt  }
0x42: {  	_ =	shalt  }
0x43: {  	_ =	shalt  }
0x44: {  	_ =	shalt  }
0x45: {  	_ =	shalt  }
0x46: {  	_ =	shalt  }
0x47: {  	_ =	shalt  }
0x48: {  	_ =	shalt  }
0x49: {  	_ =	shalt  }
0x4a: {  	_ =	shalt  }
0x4b: {  	_ =	shalt  }
0x4c: {  	_ =	shalt  }
0x4d: {  	_ =	shalt  }
0x4e: {  	_ =	shalt  }
0x4f: {  	_ =	shalt  }
0x50: {  	_ =	shalt  }
0x51: {  	_ =	shalt  }
0x52: {  	_ =	shalt  }
0x53: {  	_ =	shalt  }
0x54: {  	_ =	shalt  }
0x55: {  	_ =	shalt  }
0x56: {  	_ =	shalt  }
0x57: {  	_ =	shalt  }
0x58: {  	_ =	shalt  }
0x59: {  	_ =	shalt  }
0x5a: {  	_ =	shalt  }
0x5b: {  	_ =	shalt  }
0x5c: {  	_ =	shalt  }
0x5d: {  	_ =	shalt  }
0x5e: {  	_ =	shalt  }
0x5f: {  	_ =	shalt  }
0x60: {  	_ =	shalt  }
0x61: {  	_ =	shalt  }
0x62: {  	_ =	shalt  }
0x63: {  	_ =	shalt  }
0x64: {  	_ =	shalt  }
0x65: {  	_ =	shalt  }
0x66: {  	_ =	shalt  }
0x67: {  	_ =	shalt  }
0x68: {  	_ =	shalt  }
0x69: {  	_ =	shalt  }
0x6a: {  	_ =	shalt  }
0x6b: {  	_ =	shalt  }
0x6c: {  	_ =	shalt  }
0x6d: {  	_ =	shalt  }
0x6e: {  	_ =	shalt  }
0x6f: {  	_ =	shalt  }
0x70: {  	_ =	shalt  }
0x71: {  	_ =	shalt  }
0x72: {  	_ =	shalt  }
0x73: {  	_ =	shalt  }
0x74: {  	_ =	shalt  }
0x75: {  	_ =	shalt  }
0x76: {  	_ =	shalt  }
0x77: {  	_ =	shalt  }
0x78: {  	_ =	shalt  }
0x79: {  	_ =	shalt  }
0x7a: {  	_ =	shalt  }
0x7b: {  	_ =	shalt  }
0x7c: {  	_ =	shalt  }
0x7d: {  	_ =	shalt  }
0x7e: {  	_ =	shalt  }
0x7f: {  	_ =	shalt  }
0x80: {  	_ =	shalt  }
0x81: {  	_ =	shalt  }
0x82: {  	_ =	shalt  }
0x83: {  	_ =	shalt  }
0x84: {  	_ =	shalt  }
0x85: {  	_ =	shalt  }
0x86: {  	_ =	shalt  }
0x87: {  	_ =	shalt  }
.Lfunc_end0:
.L_simem_size_0:
called_computation.3_lowered:
.L_overlay_start_0:
0x88: {  	s2 =	sld [smem:$0x3FD9]  }
0x89: {  	s3 =	sld [smem:$0x3FFE];
	_ =	sdelay $0x1  }
0x8a: {  	s1 =	srdreg.scid  }
0x8b: {  	s0 =	sand.u32 $0x1, s1  }
0x8c: {  	s17 =	sshll.u32 s0, $0xA;
	s2 =	sadd.s32 s3, s2  }
0x8d: {  	s2 =	sadd.s32 s2, s17  }
0x8e: {  	[smem:$0x3FBC] =	sst s2  }
0x8f: {  	_ = 	snop  }
0x90: {  	s2 =	sld [smem:$0x3FD0];
	(tm) =	ssettm $0x1  }
0x91: {  	s18 =	sld [smem:$0x3FFB];
	_ =	sdelay $0x3  }
0x92: {  	_ =	strace s18  }
0x93: {  	s3 =	sld [smem:$0x3FFC];
	_ =	sdelay $0x3  }
0x94: {  	_ =	strace s3  }
0x95: {  	s3 =	sld [smem:$0x3FFD];
	_ =	sdelay $0x3  }
0x96: {  	_ =	strace s3  }
0x97: {  	_ =	strace $0x8FFFFFFF  }
0x98: {  	s19 =	sld [smem:$0x3FDB];
	_ =	sdelay $0x1  }
0x99: {  	s4 =	simm.s32 $_scs_section_size  }
0x9a: {  	s5 =	simm.s32 $_size__tile_overlayer_lowered;
	s6 =	simm.s32 $_tile_overlayer_lowered  }
0x9b: {  	s22 =	simm.s32 $0x1BFF;
	s21 =	sshll.u32 s6, $0x1;
	s3 =	sadd.s32 s4, s19  }
0x9c: {  	s7 =	simm.s32 $0x0;
	s20 =	sshll.u32 s5, $0x1;
	s5 =	sadd.s32 s21, s3  }
0x9d: {  	[timem:s7], [sflag:s22] =	dma.local [hbm:s5], s20  }
0x9e: {  	_ =	swait.ge [sflag:s22], s20  }
0x9f: {  	s4 =	ssub.s32 $0x0, s20;
	[sflag:s22] =	ssyncset.done $0x0  }
0xa0: {  	[sflag:s22] =	ssyncadd.s32 s4;
	_ =	sdelay $0x1  }
0xa1: {  	s23 =	simm.s32 $0x1B8B  }
0xa2: {  	_ =	swait.ge [sflag:s23], $0x1  }
0xa3: {  	[sflag:s23] =	ssyncset.done $0x0  }
0xa4: {  	s25 =	simm.s32 $0x1B8E;
	s24 =	sld [smem:$0x3FFE];
	[sflag:s23] =	ssyncadd.s32 $0xFFFFFFFF  }
0xa5: {  	s26 =	simm.s32 $execute0_lowered;
	[smem:$0x3FD2] =	sst s25  }
0xa6: {  	s5 =	sshll.u32 s26, $0x1;
	_ =	strace $0x8000004F;
	[dreg:$0x1] =	wrdreg $0xFFFFFFFF  }
0xa7: {  	s28 =	simm.s32 $_size_execute0_lowered;
	s3 =	sadd.s32 s3, s5;
	[dreg:$0x0] =	wrdreg $0x0  }
0xa8: {  	s5 =	sshll.u32 s28, $0x1;
	[dreg:$0x2] =	wrdreg s3  }
0xa9: {  	[dreg:$0x3] =	wrdreg s5  }
0xaa: {  	[dreg:$0x4] =	wrdreg $0xC0  }
0xab: {  	_ =	task [dreg:s7], $0x5FFFF  }
0xac: {  	[dreg:$0x1] =	wrdreg $0xFFFFFFFF  }
0xad: {  	[dreg:$0x0] =	wrdreg $0x60  }
0xae: {  	[dreg:$0x2] =	wrdreg s24  }
0xaf: {  	[dreg:$0x3] =	wrdreg s2  }
0xb0: {  	[dreg:$0x4] =	wrdreg $0x88000  }
0xb1: {  	[dreg:$0x5] =	wrdreg $0x128000  }
0xb2: {  	[dreg:$0x6] =	wrdreg $0x9  }
0xb3: {  	_ =	task.clear_ibuf [dreg:s7], $0x7FFFF;
	_ =	strace $0x9000004F  }
0xb4: {  	s29 =	simm.s32 $0x9;
	_ =	strace $0x80000051  }
0xb5: {  	_ =	swait.ge [sflag:s29], $0x1  }
0xb6: {  	[sflag:s29] =	ssyncadd.s32 $0xFFFFFFFF  }
0xb7: {  	_ =	strace $0x90000051  }
0xb8: {  	_ =	sfence  }
0xb9: {  	s30 =	sld [smem:$0x0];
	_ =	sdelay $0x2  }
0xba: {  	s31 =	sshll.u32 s1, $0xD;
	s1 =	sshrl.u32 s1, $0x2  }
0xbb: {  	s3 =	sand.u32 $0x4000, s31;
	s1 =	sadd.s32 s1, s30  }
0xbc: {  	s0 =	sor.u32 s3, s0;
	s1 =	sshll.u32 s1, $0x11  }
0xbd: {  	s0 =	sor.u32 s1, s0  }
0xbe: {  	s0 =	sadd.s32 $0x8F2B, s0  }
0xbf: {  	[sflag:s0] =	ssyncadd.remote.s32 $0x1  }
0xc0: {  	_ =	sfence.sel $0xFFFF  }
0xc1: {  	[dreg:$0x0] =	wrdreg $0xFFFFFFFF;
	(pc) =	sbr.abs _section_cstart, $3  }
0xc2: {  	[dreg:$0x1] =	wrdreg $0xFFFFFFFF  }
0xc3: {  	_ =	task.clear_ibuf [dreg:s7], $0x2FFFF;
	_ =	strace $0x9FFFFFFF  }
0xc4: {  	(tm) =	ssettm $0x7FFFFFFF  }
0xc5: {  	_ =	shalt  }
tec
execute0_lowered:
.L_overlay_start_1:
0x0: {  	(tag) =	ssettag $0x1  }
0x1: {  	s0 =	rddreg [dreg:$0x0]  }
0x2: {  	s2 =	rddreg [dreg:$0x1]  }
0x3: {  	s1 =	rddreg [dreg:$0x2]  }
0x4: {  	s3 =	rddreg [dreg:$0x3]  }
0x5: {  	s4 =	simm.s32 $0x0;
	s5 =	srdreg.scid;
	s17 =	stileid.u32  }
0x6: {  	s31 =	simm.s32 $0x800;
	[smem:$0x7FF] =	sst s4;
	s6 =	smul.u32 $0x280, s17  }
0x7: {  	s5 =	sand.u32 $0x1, s5;
	s7 =	sadd.s32 $0x66E00, s0;
	s22 =	smul.u32 $0xA000, s17  }
0x8: {  	s9 =	sadd.s32 $0xCE00, s0;
	s0 =	sadd.s32 $0x16E00, s0;
	s17 =	smul.u32 $0xA00, s17  }
0x9: {  	_ =	strace $0x80000050;
	s8 =	smul.u32 $0x2800, s5;
	s10 =	ssub.s32 $0x2, s5  }
0xa: {  	s5 =	smul.u32 $0xA0000, s5;
	s11 =	sshrl.u32 s10, $0x1;
	s13 =	sadd.s32 $0x80, s6  }
0xb: {  	s21 =	sadd.s32 $0x100, s6;
	s15 =	sadd.s32 $0x180, s6;
	s25 =	sor.u32 $0x20, s17  }
0xc: {  	s12 =	sadd.s32 s6, s8;
	s14 =	ssub.s32 s10, s11;
	s19 =	sadd.s32 s8, s13  }
0xd: {  	s23 =	sadd.s32 s8, s21;
	s13 =	sshll.u32 s13, $0x6;
	s24 =	sadd.s32 s8, s15  }
0xe: {  	s6 =	sadd.s32 $0x200, s6;
	s16 =	sshll.u32 s21, $0x6;
	s15 =	sshll.u32 s15, $0x6  }
0xf: {  	s11 =	sadd.s32 s2, s17;
	s26 =	sadd.s32 s22, s5;
	s2 =	sadd.s32 s2, s25  }
0x10: {  	s18 =	sshll.u32 s12, $0x3;
	s20 =	sshll.u32 s19, $0x3;
	s8 =	sadd.s32 s8, s6  }
0x11: {  	s6 =	sshll.u32 s6, $0x6;
	s28 =	sadd.s32 s5, s13;
	[dreg:$0xb] =	wrdreg s2  }
0x12: {  	s21 =	sadd.s32 s13, s1;
	s12 =	simm.s32 $0x5;
	s10 =	sadd.s32 s7, s18  }
0x13: {  	s8 =	sshll.u32 s8, $0x3;
	s30 =	sshrl.u32 s28, $0x3;
	[dreg:$0x12] =	wrdreg s21  }
0x14: {  	s18 =	sadd.s32 s5, s15;
	s28 =	sadd.s32 s6, s1;
	[dreg:$0x5] =	wrdreg s10  }
0x15: {  	s29 =	sadd.s32 s6, s3;
	s10 =	sadd.s32 s7, s20;
	[dreg:$0x17] =	wrdreg s28  }
0x16: {  	s21 =	simm.s32 $0x8;
	s20 =	sadd.s32 s22, s1;
	[dreg:$0x6] =	wrdreg s10  }
0x17: {  	s10 =	sshll.u32 s23, $0x3;
	[dreg:$0x11] =	wrdreg s20;
	s23 =	sadd.s32 s13, s3  }
0x18: {  	s22 =	sadd.s32 s22, s3;
	s10 =	sadd.s32 s7, s10;
	[dreg:$0x13] =	wrdreg s23  }
0x19: {  	[dreg:$0x7] =	wrdreg s10;
	s10 =	sshll.u32 s24, $0x3;
	s24 =	sadd.s32 s16, s1  }
0x1a: {  	s13 =	simm.s32 $0x200;
	s10 =	sadd.s32 s7, s10;
	[dreg:$0x14] =	wrdreg s24  }
0x1b: {  	s23 =	simm.s32 $0x4;
	s7 =	sadd.s32 s7, s8;
	[dreg:$0x8] =	wrdreg s10  }
0x1c: {  	s8 =	sshrl.u32 s26, $0x3;
	s26 =	sadd.s32 s15, s1;
	[dreg:$0x9] =	wrdreg s7  }
0x1d: {  	s10 =	sadd.s32 s9, s17;
	s9 =	sadd.s32 s9, s25;
	s8 =	sadd.s32 s0, s8  }
0x1e: {  	s17 =	sadd.s32 s5, s16;
	s5 =	sadd.s32 s5, s6;
	s7 =	sshrl.u32 s18, $0x3  }
0x1f: {  	s25 =	sadd.s32 s16, s3;
	[dreg:$0x16] =	wrdreg s26;
	s26 =	sadd.s32 s15, s3  }
0x20: {  	s6 =	simm.s32 $0x500;
	s15 =	simm.s32 $0x7;
	[dreg:$0xa] =	wrdreg s9  }
0x21: {  	s16 =	simm.s32 $0x3;
	s18 =	simm.s32 $0x300;
	[dreg:$0xc] =	wrdreg s8  }
0x22: {  	s9 =	sadd.s32 s0, s30;
	s2 =	sshrl.u32 s17, $0x3;
	s5 =	sshrl.u32 s5, $0x3  }
0x23: {  	s19 =	sadd.s32 s0, s7;
	[dreg:$0x15] =	wrdreg s25;
	s30 =	smax.u32 s14, $0x1  }
0x24: {  	s7 =	simm.s32 $0x1;
	s8 =	simm.s32 $0x2;
	s14 =	simm.s32 $0x600  }
.Ltmp0:
0x25: {  	s17 =	simm.s32 $0x6;
	[dreg:$0xd] =	wrdreg s9;
	(pc) =	sbr.rel .LBB2_1-.Ltmp0, $4  }
0x26: {  	s25 =	simm.s32 $0x0;
	s2 =	sadd.s32 s0, s2;
	[dreg:$0xf] =	wrdreg s19  }
0x27: {  	s0 =	sadd.s32 s0, s5;
	[dreg:$0x18] =	wrdreg s30;
	s5 =	simm.s32 $0x100  }
0x28: {  	s9 =	simm.s32 $0x4800;
	s19 =	simm.s32 $0x700;
	[dreg:$0xe] =	wrdreg s2  }
0x29: {  	v0 =	vimm.f32 $0.0e+00;
	[dreg:$0x10] =	wrdreg s0;
	s0 =	simm.s32 $0x9;
	s2 =	simm.s32 $0x400  }
.LBB2_6:
0x2a: {  	[spmem:s3] =	stream.indirect.scatter.add.f32 [tilespmem:s31], [sflag:$0x7], $0x40, s14, s5, $0xb8;
	[tilespmem:$0x1C800] =	vst v63  }
0x2b: {  	_ =	swait.ge [sflag:s17], $0x4000  }
0x2c: {  	[sflag:s17] =	ssyncset.done $0x0  }
0x2d: {  	[sflag:s17] =	ssyncadd.s32 $0xFFFFC000  }
0x2e: {  	[spmem:s3] =	stream.indirect.scatter.add.f32 [tilespmem:s9], [sflag:$0x8], $0x40, s19, s5, $0xb8;
	[tilespmem:$0x1C800] =	vst v63  }
0x2f: {  	_ =	swait.ge [sflag:s15], $0x4000  }
0x30: {  	[sflag:s15] =	ssyncset.done $0x0  }
0x31: {  	[sflag:s15] =	ssyncadd.s32 $0xFFFFC000  }
0x32: {  	_ =	swait.ge [sflag:s21], $0x4000  }
0x33: {  	[sflag:s21] =	ssyncset.done $0x0  }
0x34: {  	[sflag:s21] =	ssyncadd.s32 $0xFFFFC000  }
0x35: {  	[bflag:$0x0] =	sbarrier.arrive $0xFFFF  }
0x36: {  	[tilespmem:s31], [sflag:$0x9] =	stream.linear.gather [spmem:s24], $0x2000, $0x38;
	[tilespmem:$0x1C800] =	vst v63  }
0x37: {  	_ =	swait.ge [sflag:s0], $0x2000  }
0x38: {  	[sflag:s0] =	ssyncset.done $0x0  }
0x39: {  	s20 =	rddreg [dreg:$0xc];
	[sflag:s0] =	ssyncadd.s32 $0xFFFFE000  }
0x3a: {  	[hbm4b:s20+s4] =	stream.linear.scatter [tilespmem:s31], [sflag:$0x9], $0x2000, $0x38;
	[tilespmem:$0x1C800] =	vst v63  }
0x3b: {  	_ =	swait.ge [sflag:s0], $0x2000  }
0x3c: {  	[sflag:s0] =	ssyncset.done $0x0  }
0x3d: {  	s30 =	rddreg [dreg:$0x13];
	[sflag:s0] =	ssyncadd.s32 $0xFFFFE000  }
0x3e: {  	[tilespmem:s31], [sflag:$0x9] =	stream.linear.gather [spmem:s30], $0x2000, $0x38;
	[tilespmem:$0x1C800] =	vst v63  }
0x3f: {  	_ =	swait.ge [sflag:s0], $0x2000  }
0x40: {  	[sflag:s0] =	ssyncset.done $0x0  }
0x41: {  	s22 =	smov.u32 s24;
	s24 =	rddreg [dreg:$0xd];
	[sflag:s0] =	ssyncadd.s32 $0xFFFFE000  }
0x42: {  	[hbm4b:s24+s4] =	stream.linear.scatter [tilespmem:s31], [sflag:$0x9], $0x2000, $0x38;
	[tilespmem:$0x1C800] =	vst v63  }
0x43: {  	_ =	swait.ge [sflag:s0], $0x2000  }
0x44: {  	[sflag:s0] =	ssyncset.done $0x0  }
0x45: {  	s28 =	rddreg [dreg:$0x15];
	[sflag:s0] =	ssyncadd.s32 $0xFFFFE000  }
0x46: {  	[tilespmem:s31], [sflag:$0x9] =	stream.linear.gather [spmem:s28], $0x2000, $0x38;
	[tilespmem:$0x1C800] =	vst v63  }
0x47: {  	_ =	swait.ge [sflag:s0], $0x2000  }
0x48: {  	[sflag:s0] =	ssyncset.done $0x0  }
0x49: {  	s30 =	rddreg [dreg:$0xe];
	[sflag:s0] =	ssyncadd.s32 $0xFFFFE000  }
0x4a: {  	[hbm4b:s30+s4] =	stream.linear.scatter [tilespmem:s31], [sflag:$0x9], $0x2000, $0x38;
	[tilespmem:$0x1C800] =	vst v63  }
0x4b: {  	_ =	swait.ge [sflag:s0], $0x2000  }
0x4c: {  	[sflag:s0] =	ssyncset.done $0x0  }
0x4d: {  	[sflag:s0] =	ssyncadd.s32 $0xFFFFE000  }
0x4e: {  	[tilespmem:s31], [sflag:$0x9] =	stream.linear.gather [spmem:s26], $0x2000, $0x38;
	[tilespmem:$0x1C800] =	vst v63  }
0x4f: {  	_ =	swait.ge [sflag:s0], $0x2000  }
0x50: {  	[sflag:s0] =	ssyncset.done $0x0  }
0x51: {  	s24 =	rddreg [dreg:$0xf];
	[sflag:s0] =	ssyncadd.s32 $0xFFFFE000  }
0x52: {  	[hbm4b:s24+s4] =	stream.linear.scatter [tilespmem:s31], [sflag:$0x9], $0x2000, $0x38;
	[tilespmem:$0x1C800] =	vst v63  }
0x53: {  	_ =	swait.ge [sflag:s0], $0x2000  }
0x54: {  	[sflag:s0] =	ssyncset.done $0x0  }
0x55: {  	[sflag:s0] =	ssyncadd.s32 $0xFFFFE000  }
0x56: {  	[tilespmem:s31], [sflag:$0x9] =	stream.linear.gather [spmem:s29], $0x2000, $0x38;
	[tilespmem:$0x1C800] =	vst v63  }
0x57: {  	_ =	swait.ge [sflag:s0], $0x2000  }
0x58: {  	[sflag:s0] =	ssyncset.done $0x0  }
0x59: {  	s28 =	rddreg [dreg:$0x10];
	[sflag:s0] =	ssyncadd.s32 $0xFFFFE000  }
0x5a: {  	[hbm4b:s28+s4] =	stream.linear.scatter [tilespmem:s31], [sflag:$0x9], $0x2000, $0x38;
	[tilespmem:$0x1C800] =	vst v63  }
0x5b: {  	_ =	swait.ge [sflag:s0], $0x2000  }
0x5c: {  	s25 =	sadd.s32 $0x1, s25;
	s30 =	rddreg [dreg:$0x18]  }
0x5d: {  	p0 =	sne.s32 s25, s30  }
.Ltmp1:
0x5e: {  	_ = 	snop;
	(pc) =	sbr.rel @!p0 .LBB2_7-.Ltmp1, $3  }
0x5f: {  	_ =	sdelay $0x1  }
0x60: {  	[sflag:s0] =	ssyncset.done $0x0  }
0x61: {  	[sflag:s0] =	ssyncadd.s32 $0xFFFFE000  }
.LBB2_1:
0x62: {  	s20 =	rddreg [dreg:$0x5]  }
0x63: {  	[tilespmem:s31], [sflag:$0x9] =	stream.linear.gather [hbm4b:s20+s4], $0x2000, $0x38;
	[tilespmem:$0x1C800] =	vst v63  }
0x64: {  	_ =	swait.ge [sflag:s0], $0x2000  }
0x65: {  	[sflag:s0] =	ssyncset.done $0x0  }
0x66: {  	s30 =	rddreg [dreg:$0x11];
	[sflag:s0] =	ssyncadd.s32 $0xFFFFE000  }
0x67: {  	[spmem:s30] =	stream.linear.scatter [tilespmem:s31], [sflag:$0x9], $0x2000, $0x38;
	[tilespmem:$0x1C800] =	vst v63  }
0x68: {  	_ =	swait.ge [sflag:s0], $0x2000  }
0x69: {  	[sflag:s0] =	ssyncset.done $0x0  }
0x6a: {  	s24 =	rddreg [dreg:$0x6];
	[sflag:s0] =	ssyncadd.s32 $0xFFFFE000  }
0x6b: {  	[tilespmem:s31], [sflag:$0x9] =	stream.linear.gather [hbm4b:s24+s4], $0x2000, $0x38;
	[tilespmem:$0x1C800] =	vst v63  }
0x6c: {  	_ =	swait.ge [sflag:s0], $0x2000  }
0x6d: {  	[sflag:s0] =	ssyncset.done $0x0  }
0x6e: {  	s30 =	rddreg [dreg:$0x12];
	[sflag:s0] =	ssyncadd.s32 $0xFFFFE000  }
0x6f: {  	[spmem:s30] =	stream.linear.scatter [tilespmem:s31], [sflag:$0x9], $0x2000, $0x38;
	[tilespmem:$0x1C800] =	vst v63  }
0x70: {  	_ =	swait.ge [sflag:s0], $0x2000  }
0x71: {  	[sflag:s0] =	ssyncset.done $0x0  }
0x72: {  	s24 =	rddreg [dreg:$0x7];
	[sflag:s0] =	ssyncadd.s32 $0xFFFFE000  }
0x73: {  	[tilespmem:s31], [sflag:$0x9] =	stream.linear.gather [hbm4b:s24+s4], $0x2000, $0x38;
	[tilespmem:$0x1C800] =	vst v63  }
0x74: {  	_ =	swait.ge [sflag:s0], $0x2000  }
0x75: {  	[sflag:s0] =	ssyncset.done $0x0  }
0x76: {  	s30 =	rddreg [dreg:$0x14];
	[sflag:s0] =	ssyncadd.s32 $0xFFFFE000  }
0x77: {  	[spmem:s30] =	stream.linear.scatter [tilespmem:s31], [sflag:$0x9], $0x2000, $0x38;
	[tilespmem:$0x1C800] =	vst v63  }
0x78: {  	_ =	swait.ge [sflag:s0], $0x2000  }
0x79: {  	[sflag:s0] =	ssyncset.done $0x0  }
0x7a: {  	s24 =	rddreg [dreg:$0x8];
	[sflag:s0] =	ssyncadd.s32 $0xFFFFE000  }
0x7b: {  	[tilespmem:s31], [sflag:$0x9] =	stream.linear.gather [hbm4b:s24+s4], $0x2000, $0x38;
	[tilespmem:$0x1C800] =	vst v63  }
0x7c: {  	_ =	swait.ge [sflag:s0], $0x2000  }
0x7d: {  	[sflag:s0] =	ssyncset.done $0x0  }
0x7e: {  	s30 =	rddreg [dreg:$0x16];
	[sflag:s0] =	ssyncadd.s32 $0xFFFFE000  }
0x7f: {  	[spmem:s30] =	stream.linear.scatter [tilespmem:s31], [sflag:$0x9], $0x2000, $0x38;
	[tilespmem:$0x1C800] =	vst v63  }
0x80: {  	_ =	swait.ge [sflag:s0], $0x2000  }
0x81: {  	[sflag:s0] =	ssyncset.done $0x0  }
0x82: {  	s24 =	rddreg [dreg:$0x9];
	[sflag:s0] =	ssyncadd.s32 $0xFFFFE000  }
0x83: {  	[tilespmem:s31], [sflag:$0x9] =	stream.linear.gather [hbm4b:s24+s4], $0x2000, $0x38;
	[tilespmem:$0x1C800] =	vst v63  }
0x84: {  	_ =	swait.ge [sflag:s0], $0x2000  }
0x85: {  	[sflag:s0] =	ssyncset.done $0x0  }
0x86: {  	s30 =	rddreg [dreg:$0x17];
	[sflag:s0] =	ssyncadd.s32 $0xFFFFE000  }
0x87: {  	[spmem:s30] =	stream.linear.scatter [tilespmem:s31], [sflag:$0x9], $0x2000, $0x38;
	[tilespmem:$0x1C800] =	vst v63  }
0x88: {  	_ =	swait.ge [sflag:s0], $0x2000  }
0x89: {  	[sflag:s0] =	ssyncset.done $0x0  }
0x8a: {  	s28 =	simm.s32 $0x100;
	s20 =	simm.s32 $0x0;
	[sflag:s0] =	ssyncadd.s32 $0xFFFFE000  }
.LBB2_2:
0x8b: {  	p0 =	sne.s32 s28, $0x7F00;
	[tilespmem:s20+$0x830] =	vst v0;
	s30 =	smov.u32 s28;
	s28 =	sadd.s32 $0x100, s28  }
.Ltmp2:
0x8c: {  	[tilespmem:s20+$0x820] =	vst v0;
	(pc) =	sbr.rel @p0 .LBB2_2-.Ltmp2, $3  }
0x8d: {  	[tilespmem:s20+$0x800] =	vst v0  }
0x8e: {  	[tilespmem:s20+$0x810] =	vst v0;
	_ =	sdelay $0x1  }
0x8f: {  	s20 =	sshra.s32 s30, $0x2  }
0x90: {  	[tilespmem:s20+$0x830] =	vst v0  }
0x91: {  	[tilespmem:s20+$0x820] =	vst v0  }
0x92: {  	[tilespmem:s20+$0x800] =	vst v0  }
0x93: {  	[tilespmem:s20+$0x810] =	vst v0  }
0x94: {  	[spmem:s22] =	stream.linear.scatter [tilespmem:s31], [sflag:$0x9], $0x2000, $0x38;
	[tilespmem:$0x1C800] =	vst v63  }
0x95: {  	_ =	swait.ge [sflag:s0], $0x2000  }
0x96: {  	[sflag:s0] =	ssyncset.done $0x0  }
0x97: {  	s24 =	smov.u32 s22;
	s22 =	rddreg [dreg:$0x13];
	[sflag:s0] =	ssyncadd.s32 $0xFFFFE000  }
0x98: {  	[spmem:s22] =	stream.linear.scatter [tilespmem:s31], [sflag:$0x9], $0x2000, $0x38;
	[tilespmem:$0x1C800] =	vst v63  }
0x99: {  	_ =	swait.ge [sflag:s0], $0x2000  }
0x9a: {  	[sflag:s0] =	ssyncset.done $0x0  }
0x9b: {  	s30 =	rddreg [dreg:$0x15];
	[sflag:s0] =	ssyncadd.s32 $0xFFFFE000  }
0x9c: {  	[spmem:s30] =	stream.linear.scatter [tilespmem:s31], [sflag:$0x9], $0x2000, $0x38;
	[tilespmem:$0x1C800] =	vst v63  }
0x9d: {  	_ =	swait.ge [sflag:s0], $0x2000  }
0x9e: {  	[sflag:s0] =	ssyncset.done $0x0  }
0x9f: {  	[sflag:s0] =	ssyncadd.s32 $0xFFFFE000  }
0xa0: {  	[spmem:s26] =	stream.linear.scatter [tilespmem:s31], [sflag:$0x9], $0x2000, $0x38;
	[tilespmem:$0x1C800] =	vst v63  }
0xa1: {  	_ =	swait.ge [sflag:s0], $0x2000  }
0xa2: {  	[sflag:s0] =	ssyncset.done $0x0  }
0xa3: {  	[sflag:s0] =	ssyncadd.s32 $0xFFFFE000  }
0xa4: {  	[spmem:s29] =	stream.linear.scatter [tilespmem:s31], [sflag:$0x9], $0x2000, $0x38;
	[tilespmem:$0x1C800] =	vst v63  }
0xa5: {  	_ =	swait.ge [sflag:s0], $0x2000  }
0xa6: {  	[sflag:s0] =	ssyncset.done $0x0  }
0xa7: {  	[sflag:s0] =	ssyncadd.s32 $0xFFFFE000  }
0xa8: {  	s28 =	simm.s32 $0x0;
	[bflag:$0x0] =	sbarrier.arrive $0xFFFF  }
0xa9: {  	[tilespmem:s28], [sflag:$0x1] =	stream.linear.gather [hbm4b:s10+s28], $0x100, $0x38;
	[tilespmem:$0x1C800] =	vst v63  }
0xaa: {  	_ = 	snop  }
0xab: {  	[tilespmem:s2], [sflag:$0x1] =	stream.linear.gather [hbm4b:s11+s28], $0x100, $0x38;
	[tilespmem:$0x1C800] =	vst v63  }
0xac: {  	s22 =	rddreg [dreg:$0xa]  }
0xad: {  	[tilespmem:s5], [sflag:$0x2] =	stream.linear.gather [hbm4b:s22+s28], $0x100, $0x38;
	[tilespmem:$0x1C800] =	vst v63  }
0xae: {  	s30 =	rddreg [dreg:$0xb]  }
0xaf: {  	[tilespmem:s6], [sflag:$0x2] =	stream.linear.gather [hbm4b:s30+s28], $0x100, $0x38;
	[tilespmem:$0x1C800] =	vst v63  }
0xb0: {  	_ =	swait.ge [sflag:s7], $0x100  }
0xb1: {  	[sflag:s7] =	ssyncset.done $0x0  }
0xb2: {  	[sflag:s7] =	ssyncadd.s32 $0xFFFFFF00  }
0xb3: {  	_ =	swait.ge [sflag:s7], $0x100  }
0xb4: {  	[sflag:s7] =	ssyncset.done $0x0  }
0xb5: {  	[sflag:s7] =	ssyncadd.s32 $0xFFFFFF00  }
0xb6: {  	[tilespmem:s31], [sflag:$0x5] =	stream.indirect.gather [spmem:s1], $0x40, s28, s5, $0xb8;
	[tilespmem:$0x1C800] =	vst v63  }
0xb7: {  	_ =	swait.ge [sflag:s8], $0x100  }
0xb8: {  	[sflag:s8] =	ssyncset.done $0x0  }
0xb9: {  	[sflag:s8] =	ssyncadd.s32 $0xFFFFFF00  }
0xba: {  	_ =	swait.ge [sflag:s8], $0x100  }
0xbb: {  	[sflag:s8] =	ssyncset.done $0x0  }
0xbc: {  	[sflag:s8] =	ssyncadd.s32 $0xFFFFFF00  }
0xbd: {  	[tilespmem:s9], [sflag:$0x6] =	stream.indirect.gather [spmem:s1], $0x40, s5, s5, $0xb8;
	[tilespmem:$0x1C800] =	vst v63  }
.LBB2_4:
0xbe: {  	_ =	swait.ge [sflag:s12], $0x4000  }
0xbf: {  	s30 =	sadd.s32 s28, s10;
	[sflag:s12] =	ssyncset.done $0x0  }
0xc0: {  	s20 =	sadd.s32 $0x40, s30;
	[sflag:s12] =	ssyncadd.s32 $0xFFFFC000  }
0xc1: {  	[tilespmem:s13], [sflag:$0x3] =	stream.linear.gather [hbm4b:s20+s4], $0x100, $0x38;
	[tilespmem:$0x1C800] =	vst v63  }
0xc2: {  	s20 =	sadd.s32 s28, s11  }
0xc3: {  	s22 =	sadd.s32 $0x40, s20  }
0xc4: {  	[tilespmem:s14], [sflag:$0x3] =	stream.linear.gather [hbm4b:s22+s4], $0x100, $0x38;
	[tilespmem:$0x1C800] =	vst v63  }
0xc5: {  	_ = 	snop  }
0xc6: {  	[spmem:s3] =	stream.indirect.scatter.add.f32 [tilespmem:s31], [sflag:$0x7], $0x40, s2, s5, $0xb8;
	[tilespmem:$0x1C800] =	vst v63  }
0xc7: {  	_ =	swait.ge [sflag:s15], $0x4000  }
0xc8: {  	[sflag:s15] =	ssyncset.done $0x0  }
0xc9: {  	[sflag:s15] =	ssyncadd.s32 $0xFFFFC000  }
0xca: {  	_ =	swait.ge [sflag:s16], $0x100  }
0xcb: {  	[sflag:s16] =	ssyncset.done $0x0  }
0xcc: {  	[sflag:s16] =	ssyncadd.s32 $0xFFFFFF00  }
0xcd: {  	_ =	swait.ge [sflag:s16], $0x100  }
0xce: {  	[sflag:s16] =	ssyncset.done $0x0  }
0xcf: {  	[sflag:s16] =	ssyncadd.s32 $0xFFFFFF00  }
0xd0: {  	[tilespmem:s31], [sflag:$0x5] =	stream.indirect.gather [spmem:s1], $0x40, s13, s5, $0xb8;
	[tilespmem:$0x1C800] =	vst v63  }
0xd1: {  	_ =	swait.ge [sflag:s17], $0x4000  }
0xd2: {  	[sflag:s17] =	ssyncset.done $0x0  }
0xd3: {  	s22 =	sadd.s32 $0x60, s30;
	[sflag:s17] =	ssyncadd.s32 $0xFFFFC000  }
0xd4: {  	[tilespmem:s18], [sflag:$0x4] =	stream.linear.gather [hbm4b:s22+s4], $0x100, $0x38;
	[tilespmem:$0x1C800] =	vst v63  }
0xd5: {  	s22 =	sadd.s32 $0x60, s20  }
0xd6: {  	[tilespmem:s19], [sflag:$0x4] =	stream.linear.gather [hbm4b:s22+s4], $0x100, $0x38;
	[tilespmem:$0x1C800] =	vst v63  }
0xd7: {  	_ = 	snop  }
0xd8: {  	[spmem:s3] =	stream.indirect.scatter.add.f32 [tilespmem:s9], [sflag:$0x8], $0x40, s6, s5, $0xb8;
	[tilespmem:$0x1C800] =	vst v63  }
0xd9: {  	_ =	swait.ge [sflag:s21], $0x4000  }
0xda: {  	[sflag:s21] =	ssyncset.done $0x0  }
0xdb: {  	[sflag:s21] =	ssyncadd.s32 $0xFFFFC000  }
0xdc: {  	_ =	swait.ge [sflag:s23], $0x100  }
0xdd: {  	[sflag:s23] =	ssyncset.done $0x0  }
0xde: {  	[sflag:s23] =	ssyncadd.s32 $0xFFFFFF00  }
0xdf: {  	_ =	swait.ge [sflag:s23], $0x100  }
0xe0: {  	p0 =	seq.s32 s28, $0x980;
	[sflag:s23] =	ssyncset.done $0x0  }
.Ltmp3:
0xe1: {  	[sflag:s23] =	ssyncadd.s32 $0xFFFFFF00;
	(pc) =	sbr.rel @p0 .LBB2_6-.Ltmp3, $4  }
0xe2: {  	[tilespmem:s9], [sflag:$0x6] =	stream.indirect.gather [spmem:s1], $0x40, s18, s5, $0xb8;
	[tilespmem:$0x1C800] =	vst v63  }
0xe3: {  	_ =	swait.ge [sflag:s12], $0x4000  }
0xe4: {  	[sflag:s12] =	ssyncset.done $0x0  }
0xe5: {  	[sflag:s12] =	ssyncadd.s32 $0xFFFFC000  }
0xe6: {  	s22 =	sadd.s32 $0x80, s30  }
0xe7: {  	[tilespmem:s4], [sflag:$0x1] =	stream.linear.gather [hbm4b:s22+s4], $0x100, $0x38;
	[tilespmem:$0x1C800] =	vst v63  }
0xe8: {  	s22 =	sadd.s32 $0x80, s20  }
0xe9: {  	[tilespmem:s2], [sflag:$0x1] =	stream.linear.gather [hbm4b:s22+s4], $0x100, $0x38;
	[tilespmem:$0x1C800] =	vst v63  }
0xea: {  	_ = 	snop  }
0xeb: {  	[spmem:s3] =	stream.indirect.scatter.add.f32 [tilespmem:s31], [sflag:$0x7], $0x40, s14, s5, $0xb8;
	[tilespmem:$0x1C800] =	vst v63  }
0xec: {  	_ =	swait.ge [sflag:s15], $0x4000  }
0xed: {  	[sflag:s15] =	ssyncset.done $0x0  }
0xee: {  	[sflag:s15] =	ssyncadd.s32 $0xFFFFC000  }
0xef: {  	_ =	swait.ge [sflag:s7], $0x100  }
0xf0: {  	[sflag:s7] =	ssyncset.done $0x0  }
0xf1: {  	[sflag:s7] =	ssyncadd.s32 $0xFFFFFF00  }
0xf2: {  	_ =	swait.ge [sflag:s7], $0x100  }
0xf3: {  	[sflag:s7] =	ssyncset.done $0x0  }
0xf4: {  	[sflag:s7] =	ssyncadd.s32 $0xFFFFFF00  }
0xf5: {  	[tilespmem:s31], [sflag:$0x5] =	stream.indirect.gather [spmem:s1], $0x40, s4, s5, $0xb8;
	[tilespmem:$0x1C800] =	vst v63  }
0xf6: {  	_ =	swait.ge [sflag:s17], $0x4000  }
0xf7: {  	[sflag:s17] =	ssyncset.done $0x0  }
0xf8: {  	s30 =	sadd.s32 $0xA0, s30;
	[sflag:s17] =	ssyncadd.s32 $0xFFFFC000  }
0xf9: {  	[tilespmem:s5], [sflag:$0x2] =	stream.linear.gather [hbm4b:s30+s4], $0x100, $0x38;
	[tilespmem:$0x1C800] =	vst v63  }
0xfa: {  	s30 =	sadd.s32 $0xA0, s20  }
0xfb: {  	[tilespmem:s6], [sflag:$0x2] =	stream.linear.gather [hbm4b:s30+s4], $0x100, $0x38;
	[tilespmem:$0x1C800] =	vst v63  }
0xfc: {  	_ = 	snop  }
0xfd: {  	[spmem:s3] =	stream.indirect.scatter.add.f32 [tilespmem:s9], [sflag:$0x8], $0x40, s19, s5, $0xb8;
	[tilespmem:$0x1C800] =	vst v63  }
0xfe: {  	_ =	swait.ge [sflag:s21], $0x4000  }
0xff: {  	[sflag:s21] =	ssyncset.done $0x0  }
0x100: {  	[sflag:s21] =	ssyncadd.s32 $0xFFFFC000  }
0x101: {  	_ =	swait.ge [sflag:s8], $0x100  }
0x102: {  	[sflag:s8] =	ssyncset.done $0x0  }
.Ltmp4:
0x103: {  	[sflag:s8] =	ssyncadd.s32 $0xFFFFFF00;
	(pc) =	sbr.rel .LBB2_4-.Ltmp4, $4  }
0x104: {  	_ =	swait.ge [sflag:s8], $0x100  }
0x105: {  	[sflag:s8] =	ssyncset.done $0x0  }
0x106: {  	s28 =	sadd.s32 $0x80, s28;
	[sflag:s8] =	ssyncadd.s32 $0xFFFFFF00  }
0x107: {  	[tilespmem:s9], [sflag:$0x6] =	stream.indirect.gather [spmem:s1], $0x40, s5, s5, $0xb8;
	[tilespmem:$0x1C800] =	vst v63  }
.LBB2_7:
0x108: {  	_ =	sfence.sel $0x180000  }
0x109: {  	[bflag:$0x0] =	sbarrier.arrive $0xFFFF  }
0x10a: {  	_ =	strace $0x90000050  }
0x10b: {  	s0 =	stileid.u32;
	[bflag:$0x2] =	sbarrier.arrive $0xFFFF  }
0x10c: {  	p0 =	sne.s32 s0, $0x0;
	s0 =	rddreg [dreg:$0x4]  }
0x10d: {  	s0 =	sadd.s32 @!p0 $0x100000, s0  }
0x10e: {  	[sflag:s0] =	ssyncadd.tile.s32 @!p0 $0x1;
	_ =	shalt  }
.Lfunc_end2:
_tile_overlayer_lowered:
.L_overlay_start_2:
0x10f: {  	(tag) =	ssettag $0x2  }
0x110: {  	s0 =	rddreg [dreg:$0x0];
	s2 =	stileid.u32  }
0x111: {  	s1 =	rddreg [dreg:$0x1];
	p0 =	sne.s32 s2, $0x0  }
0x112: {  	s3 =	rddreg [dreg:$0x2];
	[bflag:$0x3] =	sbarrier.arrive $0xFFFF;
	s2 =	simm.s32 @!p0 $0x1C09  }
0x113: {  	[timem:s3], [sflag:s2] =	dma.local @!p0 [hbm:s0], s1  }
0x114: {  	s0 =	simm.s32 @!p0 $0x9  }
0x115: {  	_ =	swait.ge @!p0 [sflag:s0], s1  }
0x116: {  	s1 =	ssub.s32 @!p0 $0x0, s1;
	[sflag:s0] =	ssyncset.done @!p0 $0x0  }
0x117: {  	[sflag:s0] =	ssyncadd.s32 @!p0 s1  }
0x118: {  	[bflag:$0x3] =	sbarrier.arrive $0xFFFF  }
0x119: {  	_ =	shalt  }

</sc_bundles>
